<compile_context>
chip_gen: v7x
topology: tpu7x:2x2x1
jax: 0.10.2.dev20260603
libtpu: 0.0.44.dev20260713+nightly
codegen_flags: <defaults>
</compile_context>

<pallas_src>
import functools

import jax
import jax.numpy as jnp
from jax import lax
from jax.experimental import pallas as pl
from jax.experimental.pallas import tpu as pltpu
from jax.experimental.pallas import tpu_sc as plsc

NC = 2
NS = 16
NW = NC * NS
CHUNK = 40
GRP = 25


def _mesh():
    return plsc.VectorSubcoreMesh(
        core_axis_name="c", subcore_axis_name="s", num_cores=NC, num_subcores=NS
    )


def _pad_rows(n):
    q = NS * 128
    return ((n + q - 1) // q) * q


CE = 32000


def _deg_hist_body(ng, hrows, e, dst_ref, dinv_ref):
    i = pl.program_id(0)

    @pl.when(i == 0)
    def _():
        dinv_ref[...] = jnp.zeros_like(dinv_ref)

    d = dst_ref[0]
    lane = lax.broadcasted_iota(jnp.int32, (128, d.shape[1]), 0)
    grp = lax.broadcasted_iota(jnp.int32, (hrows, d.shape[1]), 0)
    m1 = jnp.where(jnp.bitwise_and(d, 127) == lane,
                   1.0, 0.0).astype(jnp.bfloat16)
    s = jnp.where(lax.shift_right_logical(d, 7) == grp,
                  1.0, 0.0).astype(jnp.bfloat16)
    dinv_ref[...] += lax.dot_general(s, m1, (((1,), (1,)), ((), ())),
                                     preferred_element_type=jnp.float32)

    @pl.when(i == ng - 1)
    def _():
        dinv_ref[...] = lax.rsqrt(dinv_ref[...] + 1.0)


@functools.lru_cache(maxsize=None)
def _deg_hist(n_pad, e):
    ng = e // CE
    hrows = n_pad // 128
    return pl.pallas_call(
        functools.partial(_deg_hist_body, ng, hrows, e),
        grid=(ng,),
        in_specs=[pl.BlockSpec((1, 1, CE), lambda i: (i, 0, 0))],
        out_specs=pl.BlockSpec((hrows, 128), lambda i: (0, 0)),
        out_shape=jax.ShapeDtypeStruct((hrows, 128), jnp.float32),
    )


def _dinv_col(dinv_ref):
    rows = _ROWS // 128
    a = dinv_ref[pl.ds(pl.program_id(0) * rows, rows), :]
    rid = lax.broadcasted_iota(jnp.int32, (_ROWS, rows), 0)
    gid = lax.broadcasted_iota(jnp.int32, (_ROWS, rows), 1)
    oh = jnp.where(lax.shift_right_logical(rid, 7) == gid, 1.0, 0.0)
    b = jnp.dot(oh, a, preferred_element_type=jnp.float32)
    rid2 = lax.broadcasted_iota(jnp.int32, (_ROWS, 128), 0)
    lid = lax.broadcasted_iota(jnp.int32, (_ROWS, 128), 1)
    m = jnp.where(jnp.bitwise_and(rid2, 127) == lid, 1.0, 0.0)
    return jnp.sum(b * m, axis=1, keepdims=True)


def _mm_scale_body(dinv_ref, x_ref, w_ref, y_ref):
    xw = jnp.dot(x_ref[...], w_ref[...], preferred_element_type=jnp.float32)
    y_ref[...] = xw * _dinv_col(dinv_ref)


@functools.lru_cache(maxsize=None)
def _mm_scale(n, d, h, n_pad):
    g = n_pad // _ROWS
    hrows = n_pad // 128
    return pl.pallas_call(
        _mm_scale_body,
        grid=(g,),
        in_specs=[
            pl.BlockSpec((hrows, 128), lambda i: (0, 0)),
            pl.BlockSpec((_ROWS, d), lambda i: (i, 0)),
            pl.BlockSpec((d, h), lambda i: (0, 0)),
        ],
        out_specs=pl.BlockSpec((_ROWS, h), lambda i: (i, 0)),
        out_shape=jax.ShapeDtypeStruct((n_pad, h), jnp.float32),
    )


NBUF = 5
ZCOPY = 40
ZWB = 128


@functools.lru_cache(maxsize=None)
def _edge_scatter(n, h, e):
    cpw = e // (NW * CHUNK)
    epw = cpw * CHUNK
    ngrp = cpw // GRP
    n_pad = _pad_rows(n)
    rps = n_pad // NS
    nz = rps // ZCOPY

    def body(y_hbm, src1_hbm, dst4_hbm, acc_out, sidx, didx, b0, b1, b2, b3,
             b4, shared_acc, g0, g1, g2, g3, g4, s0, s1, s2, s3, s4, dsem):
        c = lax.axis_index("c")
        s = lax.axis_index("s")
        wid = s * NC + c
        bufs = (b0, b1, b2, b3, b4)
        gsem = (g0, g1, g2, g3, g4)
        ssem = (s0, s1, s2, s3, s4)

        idx_load = pltpu.async_copy(src1_hbm.at[pl.ds(wid * epw, epw)], sidx,
                                    g0)
        pltpu.sync_copy(dst4_hbm.at[wid, 0], didx.at[0])
        if ngrp > 1:
            pltpu.async_copy(dst4_hbm.at[wid, 1], didx.at[1], dsem)

        @pl.loop(0, CHUNK)
        def _(i):
            for j in range(h // 16):
                b0[i, pl.ds(j * 16, 16)] = jnp.zeros((16,), jnp.float32)

        for k in range(nz):
            pltpu.async_copy(b0.at[pl.ds(0, ZCOPY)],
                             shared_acc.at[pl.ds(s * rps + k * ZCOPY, ZCOPY)],
                             s0)
        for k in range(nz):
            pltpu.make_async_copy(
                b0.at[pl.ds(0, ZCOPY)],
                shared_acc.at[pl.ds(s * rps + k * ZCOPY, ZCOPY)], s0).wait()
        idx_load.wait()

        def gather(jj, p):
            pltpu.async_copy(y_hbm.at[sidx.at[pl.ds(jj * CHUNK, CHUNK)]],
                             bufs[p], gsem[p])

        for p in range(NBUF):
            gather(p, p)
        plsc.subcore_barrier()

        @pl.loop(0, cpw // NBUF)
        def _(i):
            jb = i * NBUF
            for p in range(NBUF):
                j = jb + p
                grp = j // GRP
                r = j - grp * GRP
                par = lax.rem(grp, 2)
                if p == 0:
                    @pl.when((r == 0) & (grp >= 1))
                    def _():
                        pltpu.make_async_copy(dst4_hbm.at[wid, grp],
                                              didx.at[par], dsem).wait()
                if p == 4:
                    @pl.when((r == 4) & (grp + 1 < ngrp))
                    def _():
                        pltpu.async_copy(dst4_hbm.at[wid, grp + 1],
                                        didx.at[1 - par], dsem)
                q = (p + NBUF - 1) % NBUF
                pltpu.make_async_copy(
                    y_hbm.at[sidx.at[pl.ds(j * CHUNK, CHUNK)]],
                    bufs[p], gsem[p]).wait()
                pltpu.async_copy(bufs[p], shared_acc.at[didx.at[par, r]],
                                 ssem[p], add=True)

                @pl.when((j >= 1) & (j + NBUF - 1 < cpw))
                def _():
                    jm = j - 1
                    gm = jm // GRP
                    pltpu.make_async_copy(
                        bufs[q],
                        shared_acc.at[didx.at[lax.rem(gm, 2), jm - gm * GRP]],
                        ssem[q]).wait()
                    gather(j + NBUF - 1, q)

        for p in range(NBUF):
            j = cpw - NBUF + p
            pltpu.make_async_copy(
                bufs[p],
                shared_acc.at[didx.at[(j // GRP) % 2, j % GRP]],
                ssem[p]).wait()

        plsc.subcore_barrier()
        for k in range(rps // ZWB):
            sl = pl.ds(s * rps + k * ZWB, ZWB)
            pltpu.async_copy(shared_acc.at[sl], acc_out.at[c, sl], s0)
        for k in range(rps // ZWB):
            sl = pl.ds(s * rps + k * ZWB, ZWB)
            pltpu.make_async_copy(shared_acc.at[sl], acc_out.at[c, sl],
                                  s0).wait()

    return pl.kernel(
        body,
        out_type=jax.ShapeDtypeStruct((NC, n_pad, h), jnp.float32),
        mesh=_mesh(),
        scratch_types=[
            pltpu.VMEM((epw,), jnp.int32),
            pltpu.VMEM((2, GRP, CHUNK), jnp.int32),
            pltpu.VMEM((CHUNK, h), jnp.float32),
            pltpu.VMEM((CHUNK, h), jnp.float32),
            pltpu.VMEM((CHUNK, h), jnp.float32),
            pltpu.VMEM((CHUNK, h), jnp.float32),
            pltpu.VMEM((CHUNK, h), jnp.float32),
            pltpu.VMEM_SHARED((n_pad, h), jnp.float32),
            pltpu.SemaphoreType.DMA,
            pltpu.SemaphoreType.DMA,
            pltpu.SemaphoreType.DMA,
            pltpu.SemaphoreType.DMA,
            pltpu.SemaphoreType.DMA,
            pltpu.SemaphoreType.DMA,
            pltpu.SemaphoreType.DMA,
            pltpu.SemaphoreType.DMA,
            pltpu.SemaphoreType.DMA,
            pltpu.SemaphoreType.DMA,
            pltpu.SemaphoreType.DMA,
        ],
    )


_ROWS = 2048


def _layer_mid_body(acc_ref, y_ref, dinv_ref, b_ref, w_ref, h_ref, y2_ref):
    dinv = _dinv_col(dinv_ref)
    agg = acc_ref[0] + acc_ref[1] + y_ref[...]
    hpre = agg * dinv + b_ref[...]
    hh = jnp.maximum(hpre, 0.0)
    h_ref[...] = hh
    y2_ref[...] = jnp.dot(hh, w_ref[...], preferred_element_type=jnp.float32) * dinv


@functools.lru_cache(maxsize=None)
def _layer_mid(n, h, n_pad):
    g = n_pad // _ROWS
    hrows = n_pad // 128
    return pl.pallas_call(
        _layer_mid_body,
        grid=(g,),
        in_specs=[
            pl.BlockSpec((NC, _ROWS, h), lambda i: (0, i, 0)),
            pl.BlockSpec((_ROWS, h), lambda i: (i, 0)),
            pl.BlockSpec((hrows, 128), lambda i: (0, 0)),
            pl.BlockSpec((1, h), lambda i: (0, 0)),
            pl.BlockSpec((h, h), lambda i: (0, 0)),
        ],
        out_specs=[
            pl.BlockSpec((_ROWS, h), lambda i: (i, 0)),
            pl.BlockSpec((_ROWS, h), lambda i: (i, 0)),
        ],
        out_shape=[
            jax.ShapeDtypeStruct((n_pad, h), jnp.float32),
            jax.ShapeDtypeStruct((n_pad, h), jnp.float32),
        ],
    )


def _layer_out_body(acc_ref, y2_ref, dinv_ref, b_ref, hres_ref, wl_ref, bl_ref,
                    out_ref):
    dinv = _dinv_col(dinv_ref)
    agg = acc_ref[0] + acc_ref[1] + y2_ref[...]
    h2 = jnp.maximum(agg * dinv + b_ref[...], 0.0) + hres_ref[...]
    logits = jnp.dot(h2, wl_ref[...], preferred_element_type=jnp.float32)
    logits = logits + bl_ref[...]
    m = jnp.max(logits, axis=1, keepdims=True)
    z = logits - m
    lse = jnp.log(jnp.sum(jnp.exp(z), axis=1, keepdims=True))
    out_ref[...] = z - lse


@functools.lru_cache(maxsize=None)
def _layer_out(n, h, cdim, n_pad):
    g = n_pad // _ROWS
    hrows = n_pad // 128
    return pl.pallas_call(
        _layer_out_body,
        grid=(g,),
        in_specs=[
            pl.BlockSpec((NC, _ROWS, h), lambda i: (0, i, 0)),
            pl.BlockSpec((_ROWS, h), lambda i: (i, 0)),
            pl.BlockSpec((hrows, 128), lambda i: (0, 0)),
            pl.BlockSpec((1, h), lambda i: (0, 0)),
            pl.BlockSpec((_ROWS, h), lambda i: (i, 0)),
            pl.BlockSpec((h, cdim), lambda i: (0, 0)),
            pl.BlockSpec((1, cdim), lambda i: (0, 0)),
        ],
        out_specs=pl.BlockSpec((_ROWS, cdim), lambda i: (i, 0)),
        out_shape=jax.ShapeDtypeStruct((n, cdim), jnp.float32),
    )


def kernel(x, edge_index, W1, b1, W2, b2, Wl, bl):
    n, d = x.shape
    h = W1.shape[1]
    cdim = Wl.shape[1]
    e = edge_index.shape[1]
    cpw = e // (NW * CHUNK)
    n_pad = _pad_rows(n)

    src1 = edge_index[0]
    dst1 = edge_index[1]
    dst4 = dst1.reshape(NW, cpw // GRP, GRP, CHUNK)
    dsth = dst1.reshape(e // CE, 1, CE)

    dinv2d = _deg_hist(n_pad, e)(dsth)
    y1 = _mm_scale(n, d, h, n_pad)(dinv2d, x, W1)
    acc1 = _edge_scatter(n, h, e)(y1, src1, dst4)
    h1, y2 = _layer_mid(n, h, n_pad)(acc1, y1, dinv2d, b1.reshape(1, h), W2)
    acc2 = _edge_scatter(n, h, e)(y2, src1, dst4)
    out = _layer_out(n, h, cdim, n_pad)(acc2, y2, dinv2d, b2.reshape(1, h),
                                        h1, Wl, bl.reshape(1, cdim))
    return out

# --- scband reference (transcript-rebuilt; emitter-appended) ---
"""Pipeline reference for scband-gcn-78795470012585 (READ-ONLY COPY).

The authoritative reference and input builder live on the scoring server;
editing this copy changes nothing except your own understanding.
"""

import jax, jax.numpy as jnp
import numpy as np

N = 10000
E = 320000
D = 128
H = 128
C = 64


def setup_inputs(seed: int = 0) -> dict:
    key = jax.random.key(seed)
    ks = jax.random.split(key, 9)
    x = jax.random.normal(ks[0], (N, D), dtype=jnp.float32)
    edge_index = jax.random.randint(ks[1], (2, E), 0, N, dtype=jnp.int32)
    W1 = jax.random.normal(ks[2], (D, H), dtype=jnp.float32) * (1.0 / np.sqrt(D))
    b1 = jnp.zeros((H,), dtype=jnp.float32)
    W2 = jax.random.normal(ks[3], (H, H), dtype=jnp.float32) * (1.0 / np.sqrt(H))
    b2 = jnp.zeros((H,), dtype=jnp.float32)
    Wl = jax.random.normal(ks[4], (H, C), dtype=jnp.float32) * (1.0 / np.sqrt(H))
    bl = jnp.zeros((C,), dtype=jnp.float32)
    return {"x": x, "edge_index": edge_index, "W1": W1, "b1": b1, "W2": W2, "b2": b2, "Wl": Wl, "bl": bl}


def gcn_conv(x, edge_index, W, b):
    n = x.shape[0]
    src = edge_index[0]
    dst = edge_index[1]
    loop = jnp.arange(n, dtype=src.dtype)
    src = jnp.concatenate([src, loop])
    dst = jnp.concatenate([dst, loop])
    deg = jax.ops.segment_sum(jnp.ones_like(src, dtype=x.dtype), dst, num_segments=n)
    dinv = jnp.where(deg > 0, jax.lax.rsqrt(jnp.maximum(deg, 1e-12)), 0.0)
    norm = dinv[src] * dinv[dst]
    xw = x @ W
    msg = xw[src] * norm[:, None]
    out = jax.ops.segment_sum(msg, dst, num_segments=n)
    return out + b


def reference(x, edge_index, W1, b1, W2, b2, Wl, bl):
    # layer 1 (dropout p=0.0 -> identity; no batch norm)
    h = jax.nn.relu(gcn_conv(x, edge_index, W1, b1))
    # layer 2 + residual (shapes match: H == H)
    h2 = jax.nn.relu(gcn_conv(h, edge_index, W2, b2))
    h2 = h2 + h
    logits = h2 @ Wl + bl
    return jax.nn.log_softmax(logits, axis=1)

if __name__ == "__main__":
    import jax
    _d = setup_inputs()
    print(jax.jit(kernel)(*tuple(_d.values())))

</pallas_src>

<mosaic_0001>
#map = affine_map<(d0, d1) -> (0, 0)>
#map1 = affine_map<(d0, d1) -> (0)>
#map2 = affine_map<(d0, d1) -> (0, 0, 0, 0)>
#map3 = affine_map<(d0, d1) -> (0, 0, 0)>
module attributes {stable_mosaic.version = 14 : i64} {
  func.func @body(%arg0: i32, %arg1: i32, %arg2: memref<10240x128xf32, #tpu.memory_space<hbm>>, %arg3: memref<320000xi32, #tpu.memory_space<hbm>>, %arg4: memref<32x10x25x40xi32, #tpu.memory_space<hbm>>, %arg5: memref<2x10240x128xf32, #tpu.memory_space<hbm>>, %arg6: memref<10000xi32, #tpu.memory_space<vmem>>, %arg7: memref<2x25x40xi32, #tpu.memory_space<vmem>>, %arg8: memref<40x128xf32, #tpu.memory_space<vmem>>, %arg9: memref<40x128xf32, #tpu.memory_space<vmem>>, %arg10: memref<40x128xf32, #tpu.memory_space<vmem>>, %arg11: memref<40x128xf32, #tpu.memory_space<vmem>>, %arg12: memref<40x128xf32, #tpu.memory_space<vmem>>, %arg13: memref<10240x128xf32, #tpu.memory_space<vmem_shared>>, %arg14: memref<!tpu.dma_semaphore, #tpu.memory_space<semaphore_mem>>, %arg15: memref<!tpu.dma_semaphore, #tpu.memory_space<semaphore_mem>>, %arg16: memref<!tpu.dma_semaphore, #tpu.memory_space<semaphore_mem>>, %arg17: memref<!tpu.dma_semaphore, #tpu.memory_space<semaphore_mem>>, %arg18: memref<!tpu.dma_semaphore, #tpu.memory_space<semaphore_mem>>, %arg19: memref<!tpu.dma_semaphore, #tpu.memory_space<semaphore_mem>>, %arg20: memref<!tpu.dma_semaphore, #tpu.memory_space<semaphore_mem>>, %arg21: memref<!tpu.dma_semaphore, #tpu.memory_space<semaphore_mem>>, %arg22: memref<!tpu.dma_semaphore, #tpu.memory_space<semaphore_mem>>, %arg23: memref<!tpu.dma_semaphore, #tpu.memory_space<semaphore_mem>>, %arg24: memref<!tpu.dma_semaphore, #tpu.memory_space<semaphore_mem>>) attributes {dimension_semantics = [#tpu.dimension_semantics<core_parallel>, #tpu.dimension_semantics<subcore_parallel>], iteration_bounds = array<i64: 2, 16>, scalar_prefetch = 0 : i64, scratch_operands = 19 : i64, tpu.core_type = #tpu.core_type<sc_vector_subcore>, window_params = [{transform_indices = #map}, {transform_indices = #map1}, {transform_indices = #map2}, {transform_indices = #map3}]} {
    %mul3A = arith.constant 2 : i32
    %mul3A_0 = arith.muli %arg1, %mul3A : i32
    %add3A = arith.addi %mul3A_0, %arg0 : i32
    %mul3A_1 = arith.constant 10000 : i32
    %mul3A_2 = arith.muli %add3A, %mul3A_1 : i32
    %dma_start3A = tpu.memref_slice %arg3[%mul3A_2] : memref<320000xi32, #tpu.memory_space<hbm>> -> memref<10000xi32, #tpu.memory_space<hbm>>
    %dma_start3A_3 = tpu.memref_slice %arg3[%mul3A_2] : memref<320000xi32, #tpu.memory_space<hbm>> -> memref<10000xi32, #tpu.memory_space<hbm>>
    tpu.enqueue_dma source(%dma_start3A_3 : memref<10000xi32, #tpu.memory_space<hbm>>) target(%arg6 : memref<10000xi32, #tpu.memory_space<vmem>>) target_semaphore(%arg14 : memref<!tpu.dma_semaphore, #tpu.memory_space<semaphore_mem>>)
    %run_scoped3A = arith.constant 0 : i32
    %run_scoped3A_4 = arith.constant 0 : i32
    "tpu.region"() ({
      %run_scoped3A_637 = tpu.sem_alloc : memref<!tpu.dma_semaphore, #tpu.memory_space<semaphore_mem>>
      %dma_start3A_638 = arith.constant 0 : i32
      %dma_start3A_639 = arith.constant 0 : i32
      %dma_start3A_640 = tpu.memref_slice %arg7[%run_scoped3A_4, %dma_start3A_638, %dma_start3A_639] : memref<2x25x40xi32, #tpu.memory_space<vmem>> -> memref<1x25x40xi32, #tpu.memory_space<vmem>>
      %dma_start3A_641 = tpu.memref_squeeze %dma_start3A_640 : memref<1x25x40xi32, #tpu.memory_space<vmem>> -> memref<25x40xi32, #tpu.memory_space<vmem>>
      %dma_start3A_642 = arith.constant 0 : i32
      %dma_start3A_643 = arith.constant 0 : i32
      %dma_start3A_644 = tpu.memref_slice %arg4[%add3A, %run_scoped3A, %dma_start3A_642, %dma_start3A_643] : memref<32x10x25x40xi32, #tpu.memory_space<hbm>> -> memref<1x1x25x40xi32, #tpu.memory_space<hbm>>
      %dma_start3A_645 = tpu.memref_squeeze %dma_start3A_644 : memref<1x1x25x40xi32, #tpu.memory_space<hbm>> -> memref<25x40xi32, #tpu.memory_space<hbm>>
      %dma_start3A_646 = arith.constant 0 : i32
      %dma_start3A_647 = arith.constant 0 : i32
      %dma_start3A_648 = tpu.memref_slice %arg7[%run_scoped3A_4, %dma_start3A_646, %dma_start3A_647] : memref<2x25x40xi32, #tpu.memory_space<vmem>> -> memref<1x25x40xi32, #tpu.memory_space<vmem>>
      %dma_start3A_649 = tpu.memref_squeeze %dma_start3A_648 : memref<1x25x40xi32, #tpu.memory_space<vmem>> -> memref<25x40xi32, #tpu.memory_space<vmem>>
      %dma_start3A_650 = arith.constant 0 : i32
      %dma_start3A_651 = arith.constant 0 : i32
      %dma_start3A_652 = tpu.memref_slice %arg4[%add3A, %run_scoped3A, %dma_start3A_650, %dma_start3A_651] : memref<32x10x25x40xi32, #tpu.memory_space<hbm>> -> memref<1x1x25x40xi32, #tpu.memory_space<hbm>>
      %dma_start3A_653 = tpu.memref_squeeze %dma_start3A_652 : memref<1x1x25x40xi32, #tpu.memory_space<hbm>> -> memref<25x40xi32, #tpu.memory_space<hbm>>
      tpu.enqueue_dma source(%dma_start3A_653 : memref<25x40xi32, #tpu.memory_space<hbm>>) target(%dma_start3A_649 : memref<25x40xi32, #tpu.memory_space<vmem>>) target_semaphore(%run_scoped3A_637 : memref<!tpu.dma_semaphore, #tpu.memory_space<semaphore_mem>>)
      %dma_wait3A_654 = arith.constant 0 : i32
      %dma_wait3A_655 = arith.constant 0 : i32
      %dma_wait3A_656 = tpu.memref_slice %arg7[%run_scoped3A_4, %dma_wait3A_654, %dma_wait3A_655] : memref<2x25x40xi32, #tpu.memory_space<vmem>> -> memref<1x25x40xi32, #tpu.memory_space<vmem>>
      %dma_wait3A_657 = tpu.memref_squeeze %dma_wait3A_656 : memref<1x25x40xi32, #tpu.memory_space<vmem>> -> memref<25x40xi32, #tpu.memory_space<vmem>>
      %dma_wait3A_658 = arith.constant 0 : i32
      %dma_wait3A_659 = arith.constant 0 : i32
      %dma_wait3A_660 = tpu.memref_slice %arg4[%add3A, %run_scoped3A, %dma_wait3A_658, %dma_wait3A_659] : memref<32x10x25x40xi32, #tpu.memory_space<hbm>> -> memref<1x1x25x40xi32, #tpu.memory_space<hbm>>
      %dma_wait3A_661 = tpu.memref_squeeze %dma_wait3A_660 : memref<1x1x25x40xi32, #tpu.memory_space<hbm>> -> memref<25x40xi32, #tpu.memory_space<hbm>>
      %dma_wait3A_662 = arith.constant 0 : i32
      %dma_wait3A_663 = arith.constant 0 : i32
      %dma_wait3A_664 = tpu.memref_slice %arg7[%run_scoped3A_4, %dma_wait3A_662, %dma_wait3A_663] : memref<2x25x40xi32, #tpu.memory_space<vmem>> -> memref<1x25x40xi32, #tpu.memory_space<vmem>>
      %dma_wait3A_665 = tpu.memref_squeeze %dma_wait3A_664 : memref<1x25x40xi32, #tpu.memory_space<vmem>> -> memref<25x40xi32, #tpu.memory_space<vmem>>
      %dma_wait3A_666 = arith.constant 0 : i32
      %dma_wait3A_667 = arith.constant 0 : i32
      %dma_wait3A_668 = tpu.memref_slice %arg4[%add3A, %run_scoped3A, %dma_wait3A_666, %dma_wait3A_667] : memref<32x10x25x40xi32, #tpu.memory_space<hbm>> -> memref<1x1x25x40xi32, #tpu.memory_space<hbm>>
      %dma_wait3A_669 = tpu.memref_squeeze %dma_wait3A_668 : memref<1x1x25x40xi32, #tpu.memory_space<hbm>> -> memref<25x40xi32, #tpu.memory_space<hbm>>
      tpu.wait_dma2 semaphore(%run_scoped3A_637 : memref<!tpu.dma_semaphore, #tpu.memory_space<semaphore_mem>>) src(%dma_wait3A_669 : memref<25x40xi32, #tpu.memory_space<hbm>>) dst(%dma_wait3A_665 : memref<25x40xi32, #tpu.memory_space<vmem>>)
      tpu.yield
    }) : () -> ()
    %dma_start3A_5 = arith.constant 1 : i32
    %dma_start3A_6 = arith.constant 1 : i32
    %dma_start3A_7 = arith.constant 0 : i32
    %dma_start3A_8 = arith.constant 0 : i32
    %dma_start3A_9 = tpu.memref_slice %arg7[%dma_start3A_6, %dma_start3A_7, %dma_start3A_8] : memref<2x25x40xi32, #tpu.memory_space<vmem>> -> memref<1x25x40xi32, #tpu.memory_space<vmem>>
    %dma_start3A_10 = tpu.memref_squeeze %dma_start3A_9 : memref<1x25x40xi32, #tpu.memory_space<vmem>> -> memref<25x40xi32, #tpu.memory_space<vmem>>
    %dma_start3A_11 = arith.constant 0 : i32
    %dma_start3A_12 = arith.constant 0 : i32
    %dma_start3A_13 = tpu.memref_slice %arg4[%add3A, %dma_start3A_5, %dma_start3A_11, %dma_start3A_12] : memref<32x10x25x40xi32, #tpu.memory_space<hbm>> -> memref<1x1x25x40xi32, #tpu.memory_space<hbm>>
    %dma_start3A_14 = tpu.memref_squeeze %dma_start3A_13 : memref<1x1x25x40xi32, #tpu.memory_space<hbm>> -> memref<25x40xi32, #tpu.memory_space<hbm>>
    %dma_start3A_15 = arith.constant 0 : i32
    %dma_start3A_16 = arith.constant 0 : i32
    %dma_start3A_17 = tpu.memref_slice %arg7[%dma_start3A_6, %dma_start3A_15, %dma_start3A_16] : memref<2x25x40xi32, #tpu.memory_space<vmem>> -> memref<1x25x40xi32, #tpu.memory_space<vmem>>
    %dma_start3A_18 = tpu.memref_squeeze %dma_start3A_17 : memref<1x25x40xi32, #tpu.memory_space<vmem>> -> memref<25x40xi32, #tpu.memory_space<vmem>>
    %dma_start3A_19 = arith.constant 0 : i32
    %dma_start3A_20 = arith.constant 0 : i32
    %dma_start3A_21 = tpu.memref_slice %arg4[%add3A, %dma_start3A_5, %dma_start3A_19, %dma_start3A_20] : memref<32x10x25x40xi32, #tpu.memory_space<hbm>> -> memref<1x1x25x40xi32, #tpu.memory_space<hbm>>
    %dma_start3A_22 = tpu.memref_squeeze %dma_start3A_21 : memref<1x1x25x40xi32, #tpu.memory_space<hbm>> -> memref<25x40xi32, #tpu.memory_space<hbm>>
    tpu.enqueue_dma source(%dma_start3A_22 : memref<25x40xi32, #tpu.memory_space<hbm>>) target(%dma_start3A_18 : memref<25x40xi32, #tpu.memory_space<vmem>>) target_semaphore(%arg24 : memref<!tpu.dma_semaphore, #tpu.memory_space<semaphore_mem>>)
    %scan3A = arith.constant 0 : i32
    %scan3A_23 = arith.constant 40 : i32
    %scan3A_24 = arith.addi %scan3A, %scan3A_23 : i32
    %scan3A_25 = arith.constant 1 : i32
    scf.for %scan3A_637 = %scan3A to %scan3A_24 step %scan3A_25  : i32 {
      %mul3A_638 = arith.constant 1 : i32
      %mul3A_639 = arith.muli %scan3A_637, %mul3A_638 : i32
      %add3A_640 = arith.constant 0 : i32
      %add3A_641 = arith.addi %add3A_640, %mul3A_639 : i32
      %broadcast_in_dim3A = arith.constant 0.000000e+00 : f32
      %broadcast_in_dim3A_642 = vector.broadcast %broadcast_in_dim3A : f32 to vector<16xf32>
      %swap3A = arith.index_cast %add3A_641 : i32 to index
      %swap3A_643 = arith.constant 0 : index
      %swap3A_644 = tpu.vector_load %arg8[%swap3A, %swap3A_643] {strides = array<i32>} : memref<40x128xf32, #tpu.memory_space<vmem>>, vector<1x16xf32>,
      %swap3A_645 = vector.shape_cast %swap3A_644 : vector<1x16xf32> to vector<16xf32>
      %swap3A_646 = vector.shape_cast %broadcast_in_dim3A_642 : vector<16xf32> to vector<1x16xf32>
      tpu.vector_store %arg8[%swap3A, %swap3A_643], %swap3A_646 {strides = array<i32>} : memref<40x128xf32, #tpu.memory_space<vmem>>, vector<1x16xf32>,
      %broadcast_in_dim3A_647 = arith.constant 0.000000e+00 : f32
      %broadcast_in_dim3A_648 = vector.broadcast %broadcast_in_dim3A_647 : f32 to vector<16xf32>
      %swap3A_649 = arith.index_cast %add3A_641 : i32 to index
      %swap3A_650 = arith.constant 16 : index
      %swap3A_651 = tpu.vector_load %arg8[%swap3A_649, %swap3A_650] {strides = array<i32>} : memref<40x128xf32, #tpu.memory_space<vmem>>, vector<1x16xf32>,
      %swap3A_652 = vector.shape_cast %swap3A_651 : vector<1x16xf32> to vector<16xf32>
      %swap3A_653 = vector.shape_cast %broadcast_in_dim3A_648 : vector<16xf32> to vector<1x16xf32>
      tpu.vector_store %arg8[%swap3A_649, %swap3A_650], %swap3A_653 {strides = array<i32>} : memref<40x128xf32, #tpu.memory_space<vmem>>, vector<1x16xf32>,
      %broadcast_in_dim3A_654 = arith.constant 0.000000e+00 : f32
      %broadcast_in_dim3A_655 = vector.broadcast %broadcast_in_dim3A_654 : f32 to vector<16xf32>
      %swap3A_656 = arith.index_cast %add3A_641 : i32 to index
      %swap3A_657 = arith.constant 32 : index
      %swap3A_658 = tpu.vector_load %arg8[%swap3A_656, %swap3A_657] {strides = array<i32>} : memref<40x128xf32, #tpu.memory_space<vmem>>, vector<1x16xf32>,
      %swap3A_659 = vector.shape_cast %swap3A_658 : vector<1x16xf32> to vector<16xf32>
      %swap3A_660 = vector.shape_cast %broadcast_in_dim3A_655 : vector<16xf32> to vector<1x16xf32>
      tpu.vector_store %arg8[%swap3A_656, %swap3A_657], %swap3A_660 {strides = array<i32>} : memref<40x128xf32, #tpu.memory_space<vmem>>, vector<1x16xf32>,
      %broadcast_in_dim3A_661 = arith.constant 0.000000e+00 : f32
      %broadcast_in_dim3A_662 = vector.broadcast %broadcast_in_dim3A_661 : f32 to vector<16xf32>
      %swap3A_663 = arith.index_cast %add3A_641 : i32 to index
      %swap3A_664 = arith.constant 48 : index
      %swap3A_665 = tpu.vector_load %arg8[%swap3A_663, %swap3A_664] {strides = array<i32>} : memref<40x128xf32, #tpu.memory_space<vmem>>, vector<1x16xf32>,
      %swap3A_666 = vector.shape_cast %swap3A_665 : vector<1x16xf32> to vector<16xf32>
      %swap3A_667 = vector.shape_cast %broadcast_in_dim3A_662 : vector<16xf32> to vector<1x16xf32>
      tpu.vector_store %arg8[%swap3A_663, %swap3A_664], %swap3A_667 {strides = array<i32>} : memref<40x128xf32, #tpu.memory_space<vmem>>, vector<1x16xf32>,
      %broadcast_in_dim3A_668 = arith.constant 0.000000e+00 : f32
      %broadcast_in_dim3A_669 = vector.broadcast %broadcast_in_dim3A_668 : f32 to vector<16xf32>
      %swap3A_670 = arith.index_cast %add3A_641 : i32 to index
      %swap3A_671 = arith.constant 64 : index
      %swap3A_672 = tpu.vector_load %arg8[%swap3A_670, %swap3A_671] {strides = array<i32>} : memref<40x128xf32, #tpu.memory_space<vmem>>, vector<1x16xf32>,
      %swap3A_673 = vector.shape_cast %swap3A_672 : vector<1x16xf32> to vector<16xf32>
      %swap3A_674 = vector.shape_cast %broadcast_in_dim3A_669 : vector<16xf32> to vector<1x16xf32>
      tpu.vector_store %arg8[%swap3A_670, %swap3A_671], %swap3A_674 {strides = array<i32>} : memref<40x128xf32, #tpu.memory_space<vmem>>, vector<1x16xf32>,
      %broadcast_in_dim3A_675 = arith.constant 0.000000e+00 : f32
      %broadcast_in_dim3A_676 = vector.broadcast %broadcast_in_dim3A_675 : f32 to vector<16xf32>
      %swap3A_677 = arith.index_cast %add3A_641 : i32 to index
      %swap3A_678 = arith.constant 80 : index
      %swap3A_679 = tpu.vector_load %arg8[%swap3A_677, %swap3A_678] {strides = array<i32>} : memref<40x128xf32, #tpu.memory_space<vmem>>, vector<1x16xf32>,
      %swap3A_680 = vector.shape_cast %swap3A_679 : vector<1x16xf32> to vector<16xf32>
      %swap3A_681 = vector.shape_cast %broadcast_in_dim3A_676 : vector<16xf32> to vector<1x16xf32>
      tpu.vector_store %arg8[%swap3A_677, %swap3A_678], %swap3A_681 {strides = array<i32>} : memref<40x128xf32, #tpu.memory_space<vmem>>, vector<1x16xf32>,
      %broadcast_in_dim3A_682 = arith.constant 0.000000e+00 : f32
      %broadcast_in_dim3A_683 = vector.broadcast %broadcast_in_dim3A_682 : f32 to vector<16xf32>
      %swap3A_684 = arith.index_cast %add3A_641 : i32 to index
      %swap3A_685 = arith.constant 96 : index
      %swap3A_686 = tpu.vector_load %arg8[%swap3A_684, %swap3A_685] {strides = array<i32>} : memref<40x128xf32, #tpu.memory_space<vmem>>, vector<1x16xf32>,
      %swap3A_687 = vector.shape_cast %swap3A_686 : vector<1x16xf32> to vector<16xf32>
      %swap3A_688 = vector.shape_cast %broadcast_in_dim3A_683 : vector<16xf32> to vector<1x16xf32>
      tpu.vector_store %arg8[%swap3A_684, %swap3A_685], %swap3A_688 {strides = array<i32>} : memref<40x128xf32, #tpu.memory_space<vmem>>, vector<1x16xf32>,
      %broadcast_in_dim3A_689 = arith.constant 0.000000e+00 : f32
      %broadcast_in_dim3A_690 = vector.broadcast %broadcast_in_dim3A_689 : f32 to vector<16xf32>
      %swap3A_691 = arith.index_cast %add3A_641 : i32 to index
      %swap3A_692 = arith.constant 112 : index
      %swap3A_693 = tpu.vector_load %arg8[%swap3A_691, %swap3A_692] {strides = array<i32>} : memref<40x128xf32, #tpu.memory_space<vmem>>, vector<1x16xf32>,
      %swap3A_694 = vector.shape_cast %swap3A_693 : vector<1x16xf32> to vector<16xf32>
      %swap3A_695 = vector.shape_cast %broadcast_in_dim3A_690 : vector<16xf32> to vector<1x16xf32>
      tpu.vector_store %arg8[%swap3A_691, %swap3A_692], %swap3A_695 {strides = array<i32>} : memref<40x128xf32, #tpu.memory_space<vmem>>, vector<1x16xf32>,
    }
    %scan3A_26 = arith.constant 40 : i32
    %mul3A_27 = arith.constant 640 : i32
    %mul3A_28 = arith.muli %arg1, %mul3A_27 : i32
    %add3A_29 = arith.constant 0 : i32
    %add3A_30 = arith.addi %mul3A_28, %add3A_29 : i32
    %dma_start3A_31 = arith.constant 0 : i32
    %dma_start3A_32 = arith.constant 0 : i32
    %dma_start3A_33 = tpu.memref_slice %arg8[%dma_start3A_31, %dma_start3A_32] : memref<40x128xf32, #tpu.memory_space<vmem>> -> memref<40x128xf32, #tpu.memory_space<vmem>>
    %dma_start3A_34 = arith.constant 0 : i32
    %dma_start3A_35 = tpu.memref_slice %arg13[%add3A_30, %dma_start3A_34] : memref<10240x128xf32, #tpu.memory_space<vmem_shared>> -> memref<40x128xf32, #tpu.memory_space<vmem_shared>>
    %dma_start3A_36 = arith.constant 0 : i32
    %dma_start3A_37 = tpu.memref_slice %arg13[%add3A_30, %dma_start3A_36] : memref<10240x128xf32, #tpu.memory_space<vmem_shared>> -> memref<40x128xf32, #tpu.memory_space<vmem_shared>>
    %dma_start3A_38 = arith.constant 0 : i32
    %dma_start3A_39 = arith.constant 0 : i32
    %dma_start3A_40 = tpu.memref_slice %arg8[%dma_start3A_38, %dma_start3A_39] : memref<40x128xf32, #tpu.memory_space<vmem>> -> memref<40x128xf32, #tpu.memory_space<vmem>>
    tpu.enqueue_dma source(%dma_start3A_40 : memref<40x128xf32, #tpu.memory_space<vmem>>) target(%dma_start3A_37 : memref<40x128xf32, #tpu.memory_space<vmem_shared>>) target_semaphore(%arg19 : memref<!tpu.dma_semaphore, #tpu.memory_space<semaphore_mem>>)
    %mul3A_41 = arith.constant 640 : i32
    %mul3A_42 = arith.muli %arg1, %mul3A_41 : i32
    %add3A_43 = arith.constant 40 : i32
    %add3A_44 = arith.addi %mul3A_42, %add3A_43 : i32
    %dma_start3A_45 = arith.constant 0 : i32
    %dma_start3A_46 = arith.constant 0 : i32
    %dma_start3A_47 = tpu.memref_slice %arg8[%dma_start3A_45, %dma_start3A_46] : memref<40x128xf32, #tpu.memory_space<vmem>> -> memref<40x128xf32, #tpu.memory_space<vmem>>
    %dma_start3A_48 = arith.constant 0 : i32
    %dma_start3A_49 = tpu.memref_slice %arg13[%add3A_44, %dma_start3A_48] : memref<10240x128xf32, #tpu.memory_space<vmem_shared>> -> memref<40x128xf32, #tpu.memory_space<vmem_shared>>
    %dma_start3A_50 = arith.constant 0 : i32
    %dma_start3A_51 = tpu.memref_slice %arg13[%add3A_44, %dma_start3A_50] : memref<10240x128xf32, #tpu.memory_space<vmem_shared>> -> memref<40x128xf32, #tpu.memory_space<vmem_shared>>
    %dma_start3A_52 = arith.constant 0 : i32
    %dma_start3A_53 = arith.constant 0 : i32
    %dma_start3A_54 = tpu.memref_slice %arg8[%dma_start3A_52, %dma_start3A_53] : memref<40x128xf32, #tpu.memory_space<vmem>> -> memref<40x128xf32, #tpu.memory_space<vmem>>
    tpu.enqueue_dma source(%dma_start3A_54 : memref<40x128xf32, #tpu.memory_space<vmem>>) target(%dma_start3A_51 : memref<40x128xf32, #tpu.memory_space<vmem_shared>>) target_semaphore(%arg19 : memref<!tpu.dma_semaphore, #tpu.memory_space<semaphore_mem>>)
    %mul3A_55 = arith.constant 640 : i32
    %mul3A_56 = arith.muli %arg1, %mul3A_55 : i32
    %add3A_57 = arith.constant 80 : i32
    %add3A_58 = arith.addi %mul3A_56, %add3A_57 : i32
    %dma_start3A_59 = arith.constant 0 : i32
    %dma_start3A_60 = arith.constant 0 : i32
    %dma_start3A_61 = tpu.memref_slice %arg8[%dma_start3A_59, %dma_start3A_60] : memref<40x128xf32, #tpu.memory_space<vmem>> -> memref<40x128xf32, #tpu.memory_space<vmem>>
    %dma_start3A_62 = arith.constant 0 : i32
    %dma_start3A_63 = tpu.memref_slice %arg13[%add3A_58, %dma_start3A_62] : memref<10240x128xf32, #tpu.memory_space<vmem_shared>> -> memref<40x128xf32, #tpu.memory_space<vmem_shared>>
    %dma_start3A_64 = arith.constant 0 : i32
    %dma_start3A_65 = tpu.memref_slice %arg13[%add3A_58, %dma_start3A_64] : memref<10240x128xf32, #tpu.memory_space<vmem_shared>> -> memref<40x128xf32, #tpu.memory_space<vmem_shared>>
    %dma_start3A_66 = arith.constant 0 : i32
    %dma_start3A_67 = arith.constant 0 : i32
    %dma_start3A_68 = tpu.memref_slice %arg8[%dma_start3A_66, %dma_start3A_67] : memref<40x128xf32, #tpu.memory_space<vmem>> -> memref<40x128xf32, #tpu.memory_space<vmem>>
    tpu.enqueue_dma source(%dma_start3A_68 : memref<40x128xf32, #tpu.memory_space<vmem>>) target(%dma_start3A_65 : memref<40x128xf32, #tpu.memory_space<vmem_shared>>) target_semaphore(%arg19 : memref<!tpu.dma_semaphore, #tpu.memory_space<semaphore_mem>>)
    %mul3A_69 = arith.constant 640 : i32
    %mul3A_70 = arith.muli %arg1, %mul3A_69 : i32
    %add3A_71 = arith.constant 120 : i32
    %add3A_72 = arith.addi %mul3A_70, %add3A_71 : i32
    %dma_start3A_73 = arith.constant 0 : i32
    %dma_start3A_74 = arith.constant 0 : i32
    %dma_start3A_75 = tpu.memref_slice %arg8[%dma_start3A_73, %dma_start3A_74] : memref<40x128xf32, #tpu.memory_space<vmem>> -> memref<40x128xf32, #tpu.memory_space<vmem>>
    %dma_start3A_76 = arith.constant 0 : i32
    %dma_start3A_77 = tpu.memref_slice %arg13[%add3A_72, %dma_start3A_76] : memref<10240x128xf32, #tpu.memory_space<vmem_shared>> -> memref<40x128xf32, #tpu.memory_space<vmem_shared>>
    %dma_start3A_78 = arith.constant 0 : i32
    %dma_start3A_79 = tpu.memref_slice %arg13[%add3A_72, %dma_start3A_78] : memref<10240x128xf32, #tpu.memory_space<vmem_shared>> -> memref<40x128xf32, #tpu.memory_space<vmem_shared>>
    %dma_start3A_80 = arith.constant 0 : i32
    %dma_start3A_81 = arith.constant 0 : i32
    %dma_start3A_82 = tpu.memref_slice %arg8[%dma_start3A_80, %dma_start3A_81] : memref<40x128xf32, #tpu.memory_space<vmem>> -> memref<40x128xf32, #tpu.memory_space<vmem>>
    tpu.enqueue_dma source(%dma_start3A_82 : memref<40x128xf32, #tpu.memory_space<vmem>>) target(%dma_start3A_79 : memref<40x128xf32, #tpu.memory_space<vmem_shared>>) target_semaphore(%arg19 : memref<!tpu.dma_semaphore, #tpu.memory_space<semaphore_mem>>)
    %mul3A_83 = arith.constant 640 : i32
    %mul3A_84 = arith.muli %arg1, %mul3A_83 : i32
    %add3A_85 = arith.constant 160 : i32
    %add3A_86 = arith.addi %mul3A_84, %add3A_85 : i32
    %dma_start3A_87 = arith.constant 0 : i32
    %dma_start3A_88 = arith.constant 0 : i32
    %dma_start3A_89 = tpu.memref_slice %arg8[%dma_start3A_87, %dma_start3A_88] : memref<40x128xf32, #tpu.memory_space<vmem>> -> memref<40x128xf32, #tpu.memory_space<vmem>>
    %dma_start3A_90 = arith.constant 0 : i32
    %dma_start3A_91 = tpu.memref_slice %arg13[%add3A_86, %dma_start3A_90] : memref<10240x128xf32, #tpu.memory_space<vmem_shared>> -> memref<40x128xf32, #tpu.memory_space<vmem_shared>>
    %dma_start3A_92 = arith.constant 0 : i32
    %dma_start3A_93 = tpu.memref_slice %arg13[%add3A_86, %dma_start3A_92] : memref<10240x128xf32, #tpu.memory_space<vmem_shared>> -> memref<40x128xf32, #tpu.memory_space<vmem_shared>>
    %dma_start3A_94 = arith.constant 0 : i32
    %dma_start3A_95 = arith.constant 0 : i32
    %dma_start3A_96 = tpu.memref_slice %arg8[%dma_start3A_94, %dma_start3A_95] : memref<40x128xf32, #tpu.memory_space<vmem>> -> memref<40x128xf32, #tpu.memory_space<vmem>>
    tpu.enqueue_dma source(%dma_start3A_96 : memref<40x128xf32, #tpu.memory_space<vmem>>) target(%dma_start3A_93 : memref<40x128xf32, #tpu.memory_space<vmem_shared>>) target_semaphore(%arg19 : memref<!tpu.dma_semaphore, #tpu.memory_space<semaphore_mem>>)
    %mul3A_97 = arith.constant 640 : i32
    %mul3A_98 = arith.muli %arg1, %mul3A_97 : i32
    %add3A_99 = arith.constant 200 : i32
    %add3A_100 = arith.addi %mul3A_98, %add3A_99 : i32
    %dma_start3A_101 = arith.constant 0 : i32
    %dma_start3A_102 = arith.constant 0 : i32
    %dma_start3A_103 = tpu.memref_slice %arg8[%dma_start3A_101, %dma_start3A_102] : memref<40x128xf32, #tpu.memory_space<vmem>> -> memref<40x128xf32, #tpu.memory_space<vmem>>
    %dma_start3A_104 = arith.constant 0 : i32
    %dma_start3A_105 = tpu.memref_slice %arg13[%add3A_100, %dma_start3A_104] : memref<10240x128xf32, #tpu.memory_space<vmem_shared>> -> memref<40x128xf32, #tpu.memory_space<vmem_shared>>
    %dma_start3A_106 = arith.constant 0 : i32
    %dma_start3A_107 = tpu.memref_slice %arg13[%add3A_100, %dma_start3A_106] : memref<10240x128xf32, #tpu.memory_space<vmem_shared>> -> memref<40x128xf32, #tpu.memory_space<vmem_shared>>
    %dma_start3A_108 = arith.constant 0 : i32
    %dma_start3A_109 = arith.constant 0 : i32
    %dma_start3A_110 = tpu.memref_slice %arg8[%dma_start3A_108, %dma_start3A_109] : memref<40x128xf32, #tpu.memory_space<vmem>> -> memref<40x128xf32, #tpu.memory_space<vmem>>
    tpu.enqueue_dma source(%dma_start3A_110 : memref<40x128xf32, #tpu.memory_space<vmem>>) target(%dma_start3A_107 : memref<40x128xf32, #tpu.memory_space<vmem_shared>>) target_semaphore(%arg19 : memref<!tpu.dma_semaphore, #tpu.memory_space<semaphore_mem>>)
    %mul3A_111 = arith.constant 640 : i32
    %mul3A_112 = arith.muli %arg1, %mul3A_111 : i32
    %add3A_113 = arith.constant 240 : i32
    %add3A_114 = arith.addi %mul3A_112, %add3A_113 : i32
    %dma_start3A_115 = arith.constant 0 : i32
    %dma_start3A_116 = arith.constant 0 : i32
    %dma_start3A_117 = tpu.memref_slice %arg8[%dma_start3A_115, %dma_start3A_116] : memref<40x128xf32, #tpu.memory_space<vmem>> -> memref<40x128xf32, #tpu.memory_space<vmem>>
    %dma_start3A_118 = arith.constant 0 : i32
    %dma_start3A_119 = tpu.memref_slice %arg13[%add3A_114, %dma_start3A_118] : memref<10240x128xf32, #tpu.memory_space<vmem_shared>> -> memref<40x128xf32, #tpu.memory_space<vmem_shared>>
    %dma_start3A_120 = arith.constant 0 : i32
    %dma_start3A_121 = tpu.memref_slice %arg13[%add3A_114, %dma_start3A_120] : memref<10240x128xf32, #tpu.memory_space<vmem_shared>> -> memref<40x128xf32, #tpu.memory_space<vmem_shared>>
    %dma_start3A_122 = arith.constant 0 : i32
    %dma_start3A_123 = arith.constant 0 : i32
    %dma_start3A_124 = tpu.memref_slice %arg8[%dma_start3A_122, %dma_start3A_123] : memref<40x128xf32, #tpu.memory_space<vmem>> -> memref<40x128xf32, #tpu.memory_space<vmem>>
    tpu.enqueue_dma source(%dma_start3A_124 : memref<40x128xf32, #tpu.memory_space<vmem>>) target(%dma_start3A_121 : memref<40x128xf32, #tpu.memory_space<vmem_shared>>) target_semaphore(%arg19 : memref<!tpu.dma_semaphore, #tpu.memory_space<semaphore_mem>>)
    %mul3A_125 = arith.constant 640 : i32
    %mul3A_126 = arith.muli %arg1, %mul3A_125 : i32
    %add3A_127 = arith.constant 280 : i32
    %add3A_128 = arith.addi %mul3A_126, %add3A_127 : i32
    %dma_start3A_129 = arith.constant 0 : i32
    %dma_start3A_130 = arith.constant 0 : i32
    %dma_start3A_131 = tpu.memref_slice %arg8[%dma_start3A_129, %dma_start3A_130] : memref<40x128xf32, #tpu.memory_space<vmem>> -> memref<40x128xf32, #tpu.memory_space<vmem>>
    %dma_start3A_132 = arith.constant 0 : i32
    %dma_start3A_133 = tpu.memref_slice %arg13[%add3A_128, %dma_start3A_132] : memref<10240x128xf32, #tpu.memory_space<vmem_shared>> -> memref<40x128xf32, #tpu.memory_space<vmem_shared>>
    %dma_start3A_134 = arith.constant 0 : i32
    %dma_start3A_135 = tpu.memref_slice %arg13[%add3A_128, %dma_start3A_134] : memref<10240x128xf32, #tpu.memory_space<vmem_shared>> -> memref<40x128xf32, #tpu.memory_space<vmem_shared>>
    %dma_start3A_136 = arith.constant 0 : i32
    %dma_start3A_137 = arith.constant 0 : i32
    %dma_start3A_138 = tpu.memref_slice %arg8[%dma_start3A_136, %dma_start3A_137] : memref<40x128xf32, #tpu.memory_space<vmem>> -> memref<40x128xf32, #tpu.memory_space<vmem>>
    tpu.enqueue_dma source(%dma_start3A_138 : memref<40x128xf32, #tpu.memory_space<vmem>>) target(%dma_start3A_135 : memref<40x128xf32, #tpu.memory_space<vmem_shared>>) target_semaphore(%arg19 : memref<!tpu.dma_semaphore, #tpu.memory_space<semaphore_mem>>)
    %mul3A_139 = arith.constant 640 : i32
    %mul3A_140 = arith.muli %arg1, %mul3A_139 : i32
    %add3A_141 = arith.constant 320 : i32
    %add3A_142 = arith.addi %mul3A_140, %add3A_141 : i32
    %dma_start3A_143 = arith.constant 0 : i32
    %dma_start3A_144 = arith.constant 0 : i32
    %dma_start3A_145 = tpu.memref_slice %arg8[%dma_start3A_143, %dma_start3A_144] : memref<40x128xf32, #tpu.memory_space<vmem>> -> memref<40x128xf32, #tpu.memory_space<vmem>>
    %dma_start3A_146 = arith.constant 0 : i32
    %dma_start3A_147 = tpu.memref_slice %arg13[%add3A_142, %dma_start3A_146] : memref<10240x128xf32, #tpu.memory_space<vmem_shared>> -> memref<40x128xf32, #tpu.memory_space<vmem_shared>>
    %dma_start3A_148 = arith.constant 0 : i32
    %dma_start3A_149 = tpu.memref_slice %arg13[%add3A_142, %dma_start3A_148] : memref<10240x128xf32, #tpu.memory_space<vmem_shared>> -> memref<40x128xf32, #tpu.memory_space<vmem_shared>>
    %dma_start3A_150 = arith.constant 0 : i32
    %dma_start3A_151 = arith.constant 0 : i32
    %dma_start3A_152 = tpu.memref_slice %arg8[%dma_start3A_150, %dma_start3A_151] : memref<40x128xf32, #tpu.memory_space<vmem>> -> memref<40x128xf32, #tpu.memory_space<vmem>>
    tpu.enqueue_dma source(%dma_start3A_152 : memref<40x128xf32, #tpu.memory_space<vmem>>) target(%dma_start3A_149 : memref<40x128xf32, #tpu.memory_space<vmem_shared>>) target_semaphore(%arg19 : memref<!tpu.dma_semaphore, #tpu.memory_space<semaphore_mem>>)
    %mul3A_153 = arith.constant 640 : i32
    %mul3A_154 = arith.muli %arg1, %mul3A_153 : i32
    %add3A_155 = arith.constant 360 : i32
    %add3A_156 = arith.addi %mul3A_154, %add3A_155 : i32
    %dma_start3A_157 = arith.constant 0 : i32
    %dma_start3A_158 = arith.constant 0 : i32
    %dma_start3A_159 = tpu.memref_slice %arg8[%dma_start3A_157, %dma_start3A_158] : memref<40x128xf32, #tpu.memory_space<vmem>> -> memref<40x128xf32, #tpu.memory_space<vmem>>
    %dma_start3A_160 = arith.constant 0 : i32
    %dma_start3A_161 = tpu.memref_slice %arg13[%add3A_156, %dma_start3A_160] : memref<10240x128xf32, #tpu.memory_space<vmem_shared>> -> memref<40x128xf32, #tpu.memory_space<vmem_shared>>
    %dma_start3A_162 = arith.constant 0 : i32
    %dma_start3A_163 = tpu.memref_slice %arg13[%add3A_156, %dma_start3A_162] : memref<10240x128xf32, #tpu.memory_space<vmem_shared>> -> memref<40x128xf32, #tpu.memory_space<vmem_shared>>
    %dma_start3A_164 = arith.constant 0 : i32
    %dma_start3A_165 = arith.constant 0 : i32
    %dma_start3A_166 = tpu.memref_slice %arg8[%dma_start3A_164, %dma_start3A_165] : memref<40x128xf32, #tpu.memory_space<vmem>> -> memref<40x128xf32, #tpu.memory_space<vmem>>
    tpu.enqueue_dma source(%dma_start3A_166 : memref<40x128xf32, #tpu.memory_space<vmem>>) target(%dma_start3A_163 : memref<40x128xf32, #tpu.memory_space<vmem_shared>>) target_semaphore(%arg19 : memref<!tpu.dma_semaphore, #tpu.memory_space<semaphore_mem>>)
    %mul3A_167 = arith.constant 640 : i32
    %mul3A_168 = arith.muli %arg1, %mul3A_167 : i32
    %add3A_169 = arith.constant 400 : i32
    %add3A_170 = arith.addi %mul3A_168, %add3A_169 : i32
    %dma_start3A_171 = arith.constant 0 : i32
    %dma_start3A_172 = arith.constant 0 : i32
    %dma_start3A_173 = tpu.memref_slice %arg8[%dma_start3A_171, %dma_start3A_172] : memref<40x128xf32, #tpu.memory_space<vmem>> -> memref<40x128xf32, #tpu.memory_space<vmem>>
    %dma_start3A_174 = arith.constant 0 : i32
    %dma_start3A_175 = tpu.memref_slice %arg13[%add3A_170, %dma_start3A_174] : memref<10240x128xf32, #tpu.memory_space<vmem_shared>> -> memref<40x128xf32, #tpu.memory_space<vmem_shared>>
    %dma_start3A_176 = arith.constant 0 : i32
    %dma_start3A_177 = tpu.memref_slice %arg13[%add3A_170, %dma_start3A_176] : memref<10240x128xf32, #tpu.memory_space<vmem_shared>> -> memref<40x128xf32, #tpu.memory_space<vmem_shared>>
    %dma_start3A_178 = arith.constant 0 : i32
    %dma_start3A_179 = arith.constant 0 : i32
    %dma_start3A_180 = tpu.memref_slice %arg8[%dma_start3A_178, %dma_start3A_179] : memref<40x128xf32, #tpu.memory_space<vmem>> -> memref<40x128xf32, #tpu.memory_space<vmem>>
    tpu.enqueue_dma source(%dma_start3A_180 : memref<40x128xf32, #tpu.memory_space<vmem>>) target(%dma_start3A_177 : memref<40x128xf32, #tpu.memory_space<vmem_shared>>) target_semaphore(%arg19 : memref<!tpu.dma_semaphore, #tpu.memory_space<semaphore_mem>>)
    %mul3A_181 = arith.constant 640 : i32
    %mul3A_182 = arith.muli %arg1, %mul3A_181 : i32
    %add3A_183 = arith.constant 440 : i32
    %add3A_184 = arith.addi %mul3A_182, %add3A_183 : i32
    %dma_start3A_185 = arith.constant 0 : i32
    %dma_start3A_186 = arith.constant 0 : i32
    %dma_start3A_187 = tpu.memref_slice %arg8[%dma_start3A_185, %dma_start3A_186] : memref<40x128xf32, #tpu.memory_space<vmem>> -> memref<40x128xf32, #tpu.memory_space<vmem>>
    %dma_start3A_188 = arith.constant 0 : i32
    %dma_start3A_189 = tpu.memref_slice %arg13[%add3A_184, %dma_start3A_188] : memref<10240x128xf32, #tpu.memory_space<vmem_shared>> -> memref<40x128xf32, #tpu.memory_space<vmem_shared>>
    %dma_start3A_190 = arith.constant 0 : i32
    %dma_start3A_191 = tpu.memref_slice %arg13[%add3A_184, %dma_start3A_190] : memref<10240x128xf32, #tpu.memory_space<vmem_shared>> -> memref<40x128xf32, #tpu.memory_space<vmem_shared>>
    %dma_start3A_192 = arith.constant 0 : i32
    %dma_start3A_193 = arith.constant 0 : i32
    %dma_start3A_194 = tpu.memref_slice %arg8[%dma_start3A_192, %dma_start3A_193] : memref<40x128xf32, #tpu.memory_space<vmem>> -> memref<40x128xf32, #tpu.memory_space<vmem>>
    tpu.enqueue_dma source(%dma_start3A_194 : memref<40x128xf32, #tpu.memory_space<vmem>>) target(%dma_start3A_191 : memref<40x128xf32, #tpu.memory_space<vmem_shared>>) target_semaphore(%arg19 : memref<!tpu.dma_semaphore, #tpu.memory_space<semaphore_mem>>)
    %mul3A_195 = arith.constant 640 : i32
    %mul3A_196 = arith.muli %arg1, %mul3A_195 : i32
    %add3A_197 = arith.constant 480 : i32
    %add3A_198 = arith.addi %mul3A_196, %add3A_197 : i32
    %dma_start3A_199 = arith.constant 0 : i32
    %dma_start3A_200 = arith.constant 0 : i32
    %dma_start3A_201 = tpu.memref_slice %arg8[%dma_start3A_199, %dma_start3A_200] : memref<40x128xf32, #tpu.memory_space<vmem>> -> memref<40x128xf32, #tpu.memory_space<vmem>>
    %dma_start3A_202 = arith.constant 0 : i32
    %dma_start3A_203 = tpu.memref_slice %arg13[%add3A_198, %dma_start3A_202] : memref<10240x128xf32, #tpu.memory_space<vmem_shared>> -> memref<40x128xf32, #tpu.memory_space<vmem_shared>>
    %dma_start3A_204 = arith.constant 0 : i32
    %dma_start3A_205 = tpu.memref_slice %arg13[%add3A_198, %dma_start3A_204] : memref<10240x128xf32, #tpu.memory_space<vmem_shared>> -> memref<40x128xf32, #tpu.memory_space<vmem_shared>>
    %dma_start3A_206 = arith.constant 0 : i32
    %dma_start3A_207 = arith.constant 0 : i32
    %dma_start3A_208 = tpu.memref_slice %arg8[%dma_start3A_206, %dma_start3A_207] : memref<40x128xf32, #tpu.memory_space<vmem>> -> memref<40x128xf32, #tpu.memory_space<vmem>>
    tpu.enqueue_dma source(%dma_start3A_208 : memref<40x128xf32, #tpu.memory_space<vmem>>) target(%dma_start3A_205 : memref<40x128xf32, #tpu.memory_space<vmem_shared>>) target_semaphore(%arg19 : memref<!tpu.dma_semaphore, #tpu.memory_space<semaphore_mem>>)
    %mul3A_209 = arith.constant 640 : i32
    %mul3A_210 = arith.muli %arg1, %mul3A_209 : i32
    %add3A_211 = arith.constant 520 : i32
    %add3A_212 = arith.addi %mul3A_210, %add3A_211 : i32
    %dma_start3A_213 = arith.constant 0 : i32
    %dma_start3A_214 = arith.constant 0 : i32
    %dma_start3A_215 = tpu.memref_slice %arg8[%dma_start3A_213, %dma_start3A_214] : memref<40x128xf32, #tpu.memory_space<vmem>> -> memref<40x128xf32, #tpu.memory_space<vmem>>
    %dma_start3A_216 = arith.constant 0 : i32
    %dma_start3A_217 = tpu.memref_slice %arg13[%add3A_212, %dma_start3A_216] : memref<10240x128xf32, #tpu.memory_space<vmem_shared>> -> memref<40x128xf32, #tpu.memory_space<vmem_shared>>
    %dma_start3A_218 = arith.constant 0 : i32
    %dma_start3A_219 = tpu.memref_slice %arg13[%add3A_212, %dma_start3A_218] : memref<10240x128xf32, #tpu.memory_space<vmem_shared>> -> memref<40x128xf32, #tpu.memory_space<vmem_shared>>
    %dma_start3A_220 = arith.constant 0 : i32
    %dma_start3A_221 = arith.constant 0 : i32
    %dma_start3A_222 = tpu.memref_slice %arg8[%dma_start3A_220, %dma_start3A_221] : memref<40x128xf32, #tpu.memory_space<vmem>> -> memref<40x128xf32, #tpu.memory_space<vmem>>
    tpu.enqueue_dma source(%dma_start3A_222 : memref<40x128xf32, #tpu.memory_space<vmem>>) target(%dma_start3A_219 : memref<40x128xf32, #tpu.memory_space<vmem_shared>>) target_semaphore(%arg19 : memref<!tpu.dma_semaphore, #tpu.memory_space<semaphore_mem>>)
    %mul3A_223 = arith.constant 640 : i32
    %mul3A_224 = arith.muli %arg1, %mul3A_223 : i32
    %add3A_225 = arith.constant 560 : i32
    %add3A_226 = arith.addi %mul3A_224, %add3A_225 : i32
    %dma_start3A_227 = arith.constant 0 : i32
    %dma_start3A_228 = arith.constant 0 : i32
    %dma_start3A_229 = tpu.memref_slice %arg8[%dma_start3A_227, %dma_start3A_228] : memref<40x128xf32, #tpu.memory_space<vmem>> -> memref<40x128xf32, #tpu.memory_space<vmem>>
    %dma_start3A_230 = arith.constant 0 : i32
    %dma_start3A_231 = tpu.memref_slice %arg13[%add3A_226, %dma_start3A_230] : memref<10240x128xf32, #tpu.memory_space<vmem_shared>> -> memref<40x128xf32, #tpu.memory_space<vmem_shared>>
    %dma_start3A_232 = arith.constant 0 : i32
    %dma_start3A_233 = tpu.memref_slice %arg13[%add3A_226, %dma_start3A_232] : memref<10240x128xf32, #tpu.memory_space<vmem_shared>> -> memref<40x128xf32, #tpu.memory_space<vmem_shared>>
    %dma_start3A_234 = arith.constant 0 : i32
    %dma_start3A_235 = arith.constant 0 : i32
    %dma_start3A_236 = tpu.memref_slice %arg8[%dma_start3A_234, %dma_start3A_235] : memref<40x128xf32, #tpu.memory_space<vmem>> -> memref<40x128xf32, #tpu.memory_space<vmem>>
    tpu.enqueue_dma source(%dma_start3A_236 : memref<40x128xf32, #tpu.memory_space<vmem>>) target(%dma_start3A_233 : memref<40x128xf32, #tpu.memory_space<vmem_shared>>) target_semaphore(%arg19 : memref<!tpu.dma_semaphore, #tpu.memory_space<semaphore_mem>>)
    %mul3A_237 = arith.constant 640 : i32
    %mul3A_238 = arith.muli %arg1, %mul3A_237 : i32
    %add3A_239 = arith.constant 600 : i32
    %add3A_240 = arith.addi %mul3A_238, %add3A_239 : i32
    %dma_start3A_241 = arith.constant 0 : i32
    %dma_start3A_242 = arith.constant 0 : i32
    %dma_start3A_243 = tpu.memref_slice %arg8[%dma_start3A_241, %dma_start3A_242] : memref<40x128xf32, #tpu.memory_space<vmem>> -> memref<40x128xf32, #tpu.memory_space<vmem>>
    %dma_start3A_244 = arith.constant 0 : i32
    %dma_start3A_245 = tpu.memref_slice %arg13[%add3A_240, %dma_start3A_244] : memref<10240x128xf32, #tpu.memory_space<vmem_shared>> -> memref<40x128xf32, #tpu.memory_space<vmem_shared>>
    %dma_start3A_246 = arith.constant 0 : i32
    %dma_start3A_247 = tpu.memref_slice %arg13[%add3A_240, %dma_start3A_246] : memref<10240x128xf32, #tpu.memory_space<vmem_shared>> -> memref<40x128xf32, #tpu.memory_space<vmem_shared>>
    %dma_start3A_248 = arith.constant 0 : i32
    %dma_start3A_249 = arith.constant 0 : i32
    %dma_start3A_250 = tpu.memref_slice %arg8[%dma_start3A_248, %dma_start3A_249] : memref<40x128xf32, #tpu.memory_space<vmem>> -> memref<40x128xf32, #tpu.memory_space<vmem>>
    tpu.enqueue_dma source(%dma_start3A_250 : memref<40x128xf32, #tpu.memory_space<vmem>>) target(%dma_start3A_247 : memref<40x128xf32, #tpu.memory_space<vmem_shared>>) target_semaphore(%arg19 : memref<!tpu.dma_semaphore, #tpu.memory_space<semaphore_mem>>)
    %mul3A_251 = arith.constant 640 : i32
    %mul3A_252 = arith.muli %arg1, %mul3A_251 : i32
    %add3A_253 = arith.constant 0 : i32
    %add3A_254 = arith.addi %mul3A_252, %add3A_253 : i32
    %dma_wait3A = arith.constant 0 : i32
    %dma_wait3A_255 = arith.constant 0 : i32
    %dma_wait3A_256 = tpu.memref_slice %arg8[%dma_wait3A, %dma_wait3A_255] : memref<40x128xf32, #tpu.memory_space<vmem>> -> memref<40x128xf32, #tpu.memory_space<vmem>>
    %dma_wait3A_257 = arith.constant 0 : i32
    %dma_wait3A_258 = tpu.memref_slice %arg13[%add3A_254, %dma_wait3A_257] : memref<10240x128xf32, #tpu.memory_space<vmem_shared>> -> memref<40x128xf32, #tpu.memory_space<vmem_shared>>
    %dma_wait3A_259 = arith.constant 0 : i32
    %dma_wait3A_260 = tpu.memref_slice %arg13[%add3A_254, %dma_wait3A_259] : memref<10240x128xf32, #tpu.memory_space<vmem_shared>> -> memref<40x128xf32, #tpu.memory_space<vmem_shared>>
    %dma_wait3A_261 = arith.constant 0 : i32
    %dma_wait3A_262 = arith.constant 0 : i32
    %dma_wait3A_263 = tpu.memref_slice %arg8[%dma_wait3A_261, %dma_wait3A_262] : memref<40x128xf32, #tpu.memory_space<vmem>> -> memref<40x128xf32, #tpu.memory_space<vmem>>
    tpu.wait_dma2 semaphore(%arg19 : memref<!tpu.dma_semaphore, #tpu.memory_space<semaphore_mem>>) src(%dma_wait3A_263 : memref<40x128xf32, #tpu.memory_space<vmem>>) dst(%dma_wait3A_260 : memref<40x128xf32, #tpu.memory_space<vmem_shared>>)
    %mul3A_264 = arith.constant 640 : i32
    %mul3A_265 = arith.muli %arg1, %mul3A_264 : i32
    %add3A_266 = arith.constant 40 : i32
    %add3A_267 = arith.addi %mul3A_265, %add3A_266 : i32
    %dma_wait3A_268 = arith.constant 0 : i32
    %dma_wait3A_269 = arith.constant 0 : i32
    %dma_wait3A_270 = tpu.memref_slice %arg8[%dma_wait3A_268, %dma_wait3A_269] : memref<40x128xf32, #tpu.memory_space<vmem>> -> memref<40x128xf32, #tpu.memory_space<vmem>>
    %dma_wait3A_271 = arith.constant 0 : i32
    %dma_wait3A_272 = tpu.memref_slice %arg13[%add3A_267, %dma_wait3A_271] : memref<10240x128xf32, #tpu.memory_space<vmem_shared>> -> memref<40x128xf32, #tpu.memory_space<vmem_shared>>
    %dma_wait3A_273 = arith.constant 0 : i32
    %dma_wait3A_274 = tpu.memref_slice %arg13[%add3A_267, %dma_wait3A_273] : memref<10240x128xf32, #tpu.memory_space<vmem_shared>> -> memref<40x128xf32, #tpu.memory_space<vmem_shared>>
    %dma_wait3A_275 = arith.constant 0 : i32
    %dma_wait3A_276 = arith.constant 0 : i32
    %dma_wait3A_277 = tpu.memref_slice %arg8[%dma_wait3A_275, %dma_wait3A_276] : memref<40x128xf32, #tpu.memory_space<vmem>> -> memref<40x128xf32, #tpu.memory_space<vmem>>
    tpu.wait_dma2 semaphore(%arg19 : memref<!tpu.dma_semaphore, #tpu.memory_space<semaphore_mem>>) src(%dma_wait3A_277 : memref<40x128xf32, #tpu.memory_space<vmem>>) dst(%dma_wait3A_274 : memref<40x128xf32, #tpu.memory_space<vmem_shared>>)
    %mul3A_278 = arith.constant 640 : i32
    %mul3A_279 = arith.muli %arg1, %mul3A_278 : i32
    %add3A_280 = arith.constant 80 : i32
    %add3A_281 = arith.addi %mul3A_279, %add3A_280 : i32
    %dma_wait3A_282 = arith.constant 0 : i32
    %dma_wait3A_283 = arith.constant 0 : i32
    %dma_wait3A_284 = tpu.memref_slice %arg8[%dma_wait3A_282, %dma_wait3A_283] : memref<40x128xf32, #tpu.memory_space<vmem>> -> memref<40x128xf32, #tpu.memory_space<vmem>>
    %dma_wait3A_285 = arith.constant 0 : i32
    %dma_wait3A_286 = tpu.memref_slice %arg13[%add3A_281, %dma_wait3A_285] : memref<10240x128xf32, #tpu.memory_space<vmem_shared>> -> memref<40x128xf32, #tpu.memory_space<vmem_shared>>
    %dma_wait3A_287 = arith.constant 0 : i32
    %dma_wait3A_288 = tpu.memref_slice %arg13[%add3A_281, %dma_wait3A_287] : memref<10240x128xf32, #tpu.memory_space<vmem_shared>> -> memref<40x128xf32, #tpu.memory_space<vmem_shared>>
    %dma_wait3A_289 = arith.constant 0 : i32
    %dma_wait3A_290 = arith.constant 0 : i32
    %dma_wait3A_291 = tpu.memref_slice %arg8[%dma_wait3A_289, %dma_wait3A_290] : memref<40x128xf32, #tpu.memory_space<vmem>> -> memref<40x128xf32, #tpu.memory_space<vmem>>
    tpu.wait_dma2 semaphore(%arg19 : memref<!tpu.dma_semaphore, #tpu.memory_space<semaphore_mem>>) src(%dma_wait3A_291 : memref<40x128xf32, #tpu.memory_space<vmem>>) dst(%dma_wait3A_288 : memref<40x128xf32, #tpu.memory_space<vmem_shared>>)
    %mul3A_292 = arith.constant 640 : i32
    %mul3A_293 = arith.muli %arg1, %mul3A_292 : i32
    %add3A_294 = arith.constant 120 : i32
    %add3A_295 = arith.addi %mul3A_293, %add3A_294 : i32
    %dma_wait3A_296 = arith.constant 0 : i32
    %dma_wait3A_297 = arith.constant 0 : i32
    %dma_wait3A_298 = tpu.memref_slice %arg8[%dma_wait3A_296, %dma_wait3A_297] : memref<40x128xf32, #tpu.memory_space<vmem>> -> memref<40x128xf32, #tpu.memory_space<vmem>>
    %dma_wait3A_299 = arith.constant 0 : i32
    %dma_wait3A_300 = tpu.memref_slice %arg13[%add3A_295, %dma_wait3A_299] : memref<10240x128xf32, #tpu.memory_space<vmem_shared>> -> memref<40x128xf32, #tpu.memory_space<vmem_shared>>
    %dma_wait3A_301 = arith.constant 0 : i32
    %dma_wait3A_302 = tpu.memref_slice %arg13[%add3A_295, %dma_wait3A_301] : memref<10240x128xf32, #tpu.memory_space<vmem_shared>> -> memref<40x128xf32, #tpu.memory_space<vmem_shared>>
    %dma_wait3A_303 = arith.constant 0 : i32
    %dma_wait3A_304 = arith.constant 0 : i32
    %dma_wait3A_305 = tpu.memref_slice %arg8[%dma_wait3A_303, %dma_wait3A_304] : memref<40x128xf32, #tpu.memory_space<vmem>> -> memref<40x128xf32, #tpu.memory_space<vmem>>
    tpu.wait_dma2 semaphore(%arg19 : memref<!tpu.dma_semaphore, #tpu.memory_space<semaphore_mem>>) src(%dma_wait3A_305 : memref<40x128xf32, #tpu.memory_space<vmem>>) dst(%dma_wait3A_302 : memref<40x128xf32, #tpu.memory_space<vmem_shared>>)
    %mul3A_306 = arith.constant 640 : i32
    %mul3A_307 = arith.muli %arg1, %mul3A_306 : i32
    %add3A_308 = arith.constant 160 : i32
    %add3A_309 = arith.addi %mul3A_307, %add3A_308 : i32
    %dma_wait3A_310 = arith.constant 0 : i32
    %dma_wait3A_311 = arith.constant 0 : i32
    %dma_wait3A_312 = tpu.memref_slice %arg8[%dma_wait3A_310, %dma_wait3A_311] : memref<40x128xf32, #tpu.memory_space<vmem>> -> memref<40x128xf32, #tpu.memory_space<vmem>>
    %dma_wait3A_313 = arith.constant 0 : i32
    %dma_wait3A_314 = tpu.memref_slice %arg13[%add3A_309, %dma_wait3A_313] : memref<10240x128xf32, #tpu.memory_space<vmem_shared>> -> memref<40x128xf32, #tpu.memory_space<vmem_shared>>
    %dma_wait3A_315 = arith.constant 0 : i32
    %dma_wait3A_316 = tpu.memref_slice %arg13[%add3A_309, %dma_wait3A_315] : memref<10240x128xf32, #tpu.memory_space<vmem_shared>> -> memref<40x128xf32, #tpu.memory_space<vmem_shared>>
    %dma_wait3A_317 = arith.constant 0 : i32
    %dma_wait3A_318 = arith.constant 0 : i32
    %dma_wait3A_319 = tpu.memref_slice %arg8[%dma_wait3A_317, %dma_wait3A_318] : memref<40x128xf32, #tpu.memory_space<vmem>> -> memref<40x128xf32, #tpu.memory_space<vmem>>
    tpu.wait_dma2 semaphore(%arg19 : memref<!tpu.dma_semaphore, #tpu.memory_space<semaphore_mem>>) src(%dma_wait3A_319 : memref<40x128xf32, #tpu.memory_space<vmem>>) dst(%dma_wait3A_316 : memref<40x128xf32, #tpu.memory_space<vmem_shared>>)
    %mul3A_320 = arith.constant 640 : i32
    %mul3A_321 = arith.muli %arg1, %mul3A_320 : i32
    %add3A_322 = arith.constant 200 : i32
    %add3A_323 = arith.addi %mul3A_321, %add3A_322 : i32
    %dma_wait3A_324 = arith.constant 0 : i32
    %dma_wait3A_325 = arith.constant 0 : i32
    %dma_wait3A_326 = tpu.memref_slice %arg8[%dma_wait3A_324, %dma_wait3A_325] : memref<40x128xf32, #tpu.memory_space<vmem>> -> memref<40x128xf32, #tpu.memory_space<vmem>>
    %dma_wait3A_327 = arith.constant 0 : i32
    %dma_wait3A_328 = tpu.memref_slice %arg13[%add3A_323, %dma_wait3A_327] : memref<10240x128xf32, #tpu.memory_space<vmem_shared>> -> memref<40x128xf32, #tpu.memory_space<vmem_shared>>
    %dma_wait3A_329 = arith.constant 0 : i32
    %dma_wait3A_330 = tpu.memref_slice %arg13[%add3A_323, %dma_wait3A_329] : memref<10240x128xf32, #tpu.memory_space<vmem_shared>> -> memref<40x128xf32, #tpu.memory_space<vmem_shared>>
    %dma_wait3A_331 = arith.constant 0 : i32
    %dma_wait3A_332 = arith.constant 0 : i32
    %dma_wait3A_333 = tpu.memref_slice %arg8[%dma_wait3A_331, %dma_wait3A_332] : memref<40x128xf32, #tpu.memory_space<vmem>> -> memref<40x128xf32, #tpu.memory_space<vmem>>
    tpu.wait_dma2 semaphore(%arg19 : memref<!tpu.dma_semaphore, #tpu.memory_space<semaphore_mem>>) src(%dma_wait3A_333 : memref<40x128xf32, #tpu.memory_space<vmem>>) dst(%dma_wait3A_330 : memref<40x128xf32, #tpu.memory_space<vmem_shared>>)
    %mul3A_334 = arith.constant 640 : i32
    %mul3A_335 = arith.muli %arg1, %mul3A_334 : i32
    %add3A_336 = arith.constant 240 : i32
    %add3A_337 = arith.addi %mul3A_335, %add3A_336 : i32
    %dma_wait3A_338 = arith.constant 0 : i32
    %dma_wait3A_339 = arith.constant 0 : i32
    %dma_wait3A_340 = tpu.memref_slice %arg8[%dma_wait3A_338, %dma_wait3A_339] : memref<40x128xf32, #tpu.memory_space<vmem>> -> memref<40x128xf32, #tpu.memory_space<vmem>>
    %dma_wait3A_341 = arith.constant 0 : i32
    %dma_wait3A_342 = tpu.memref_slice %arg13[%add3A_337, %dma_wait3A_341] : memref<10240x128xf32, #tpu.memory_space<vmem_shared>> -> memref<40x128xf32, #tpu.memory_space<vmem_shared>>
    %dma_wait3A_343 = arith.constant 0 : i32
    %dma_wait3A_344 = tpu.memref_slice %arg13[%add3A_337, %dma_wait3A_343] : memref<10240x128xf32, #tpu.memory_space<vmem_shared>> -> memref<40x128xf32, #tpu.memory_space<vmem_shared>>
    %dma_wait3A_345 = arith.constant 0 : i32
    %dma_wait3A_346 = arith.constant 0 : i32
    %dma_wait3A_347 = tpu.memref_slice %arg8[%dma_wait3A_345, %dma_wait3A_346] : memref<40x128xf32, #tpu.memory_space<vmem>> -> memref<40x128xf32, #tpu.memory_space<vmem>>
    tpu.wait_dma2 semaphore(%arg19 : memref<!tpu.dma_semaphore, #tpu.memory_space<semaphore_mem>>) src(%dma_wait3A_347 : memref<40x128xf32, #tpu.memory_space<vmem>>) dst(%dma_wait3A_344 : memref<40x128xf32, #tpu.memory_space<vmem_shared>>)
    %mul3A_348 = arith.constant 640 : i32
    %mul3A_349 = arith.muli %arg1, %mul3A_348 : i32
    %add3A_350 = arith.constant 280 : i32
    %add3A_351 = arith.addi %mul3A_349, %add3A_350 : i32
    %dma_wait3A_352 = arith.constant 0 : i32
    %dma_wait3A_353 = arith.constant 0 : i32
    %dma_wait3A_354 = tpu.memref_slice %arg8[%dma_wait3A_352, %dma_wait3A_353] : memref<40x128xf32, #tpu.memory_space<vmem>> -> memref<40x128xf32, #tpu.memory_space<vmem>>
    %dma_wait3A_355 = arith.constant 0 : i32
    %dma_wait3A_356 = tpu.memref_slice %arg13[%add3A_351, %dma_wait3A_355] : memref<10240x128xf32, #tpu.memory_space<vmem_shared>> -> memref<40x128xf32, #tpu.memory_space<vmem_shared>>
    %dma_wait3A_357 = arith.constant 0 : i32
    %dma_wait3A_358 = tpu.memref_slice %arg13[%add3A_351, %dma_wait3A_357] : memref<10240x128xf32, #tpu.memory_space<vmem_shared>> -> memref<40x128xf32, #tpu.memory_space<vmem_shared>>
    %dma_wait3A_359 = arith.constant 0 : i32
    %dma_wait3A_360 = arith.constant 0 : i32
    %dma_wait3A_361 = tpu.memref_slice %arg8[%dma_wait3A_359, %dma_wait3A_360] : memref<40x128xf32, #tpu.memory_space<vmem>> -> memref<40x128xf32, #tpu.memory_space<vmem>>
    tpu.wait_dma2 semaphore(%arg19 : memref<!tpu.dma_semaphore, #tpu.memory_space<semaphore_mem>>) src(%dma_wait3A_361 : memref<40x128xf32, #tpu.memory_space<vmem>>) dst(%dma_wait3A_358 : memref<40x128xf32, #tpu.memory_space<vmem_shared>>)
    %mul3A_362 = arith.constant 640 : i32
    %mul3A_363 = arith.muli %arg1, %mul3A_362 : i32
    %add3A_364 = arith.constant 320 : i32
    %add3A_365 = arith.addi %mul3A_363, %add3A_364 : i32
    %dma_wait3A_366 = arith.constant 0 : i32
    %dma_wait3A_367 = arith.constant 0 : i32
    %dma_wait3A_368 = tpu.memref_slice %arg8[%dma_wait3A_366, %dma_wait3A_367] : memref<40x128xf32, #tpu.memory_space<vmem>> -> memref<40x128xf32, #tpu.memory_space<vmem>>
    %dma_wait3A_369 = arith.constant 0 : i32
    %dma_wait3A_370 = tpu.memref_slice %arg13[%add3A_365, %dma_wait3A_369] : memref<10240x128xf32, #tpu.memory_space<vmem_shared>> -> memref<40x128xf32, #tpu.memory_space<vmem_shared>>
    %dma_wait3A_371 = arith.constant 0 : i32
    %dma_wait3A_372 = tpu.memref_slice %arg13[%add3A_365, %dma_wait3A_371] : memref<10240x128xf32, #tpu.memory_space<vmem_shared>> -> memref<40x128xf32, #tpu.memory_space<vmem_shared>>
    %dma_wait3A_373 = arith.constant 0 : i32
    %dma_wait3A_374 = arith.constant 0 : i32
    %dma_wait3A_375 = tpu.memref_slice %arg8[%dma_wait3A_373, %dma_wait3A_374] : memref<40x128xf32, #tpu.memory_space<vmem>> -> memref<40x128xf32, #tpu.memory_space<vmem>>
    tpu.wait_dma2 semaphore(%arg19 : memref<!tpu.dma_semaphore, #tpu.memory_space<semaphore_mem>>) src(%dma_wait3A_375 : memref<40x128xf32, #tpu.memory_space<vmem>>) dst(%dma_wait3A_372 : memref<40x128xf32, #tpu.memory_space<vmem_shared>>)
    %mul3A_376 = arith.constant 640 : i32
    %mul3A_377 = arith.muli %arg1, %mul3A_376 : i32
    %add3A_378 = arith.constant 360 : i32
    %add3A_379 = arith.addi %mul3A_377, %add3A_378 : i32
    %dma_wait3A_380 = arith.constant 0 : i32
    %dma_wait3A_381 = arith.constant 0 : i32
    %dma_wait3A_382 = tpu.memref_slice %arg8[%dma_wait3A_380, %dma_wait3A_381] : memref<40x128xf32, #tpu.memory_space<vmem>> -> memref<40x128xf32, #tpu.memory_space<vmem>>
    %dma_wait3A_383 = arith.constant 0 : i32
    %dma_wait3A_384 = tpu.memref_slice %arg13[%add3A_379, %dma_wait3A_383] : memref<10240x128xf32, #tpu.memory_space<vmem_shared>> -> memref<40x128xf32, #tpu.memory_space<vmem_shared>>
    %dma_wait3A_385 = arith.constant 0 : i32
    %dma_wait3A_386 = tpu.memref_slice %arg13[%add3A_379, %dma_wait3A_385] : memref<10240x128xf32, #tpu.memory_space<vmem_shared>> -> memref<40x128xf32, #tpu.memory_space<vmem_shared>>
    %dma_wait3A_387 = arith.constant 0 : i32
    %dma_wait3A_388 = arith.constant 0 : i32
    %dma_wait3A_389 = tpu.memref_slice %arg8[%dma_wait3A_387, %dma_wait3A_388] : memref<40x128xf32, #tpu.memory_space<vmem>> -> memref<40x128xf32, #tpu.memory_space<vmem>>
    tpu.wait_dma2 semaphore(%arg19 : memref<!tpu.dma_semaphore, #tpu.memory_space<semaphore_mem>>) src(%dma_wait3A_389 : memref<40x128xf32, #tpu.memory_space<vmem>>) dst(%dma_wait3A_386 : memref<40x128xf32, #tpu.memory_space<vmem_shared>>)
    %mul3A_390 = arith.constant 640 : i32
    %mul3A_391 = arith.muli %arg1, %mul3A_390 : i32
    %add3A_392 = arith.constant 400 : i32
    %add3A_393 = arith.addi %mul3A_391, %add3A_392 : i32
    %dma_wait3A_394 = arith.constant 0 : i32
    %dma_wait3A_395 = arith.constant 0 : i32
    %dma_wait3A_396 = tpu.memref_slice %arg8[%dma_wait3A_394, %dma_wait3A_395] : memref<40x128xf32, #tpu.memory_space<vmem>> -> memref<40x128xf32, #tpu.memory_space<vmem>>
    %dma_wait3A_397 = arith.constant 0 : i32
    %dma_wait3A_398 = tpu.memref_slice %arg13[%add3A_393, %dma_wait3A_397] : memref<10240x128xf32, #tpu.memory_space<vmem_shared>> -> memref<40x128xf32, #tpu.memory_space<vmem_shared>>
    %dma_wait3A_399 = arith.constant 0 : i32
    %dma_wait3A_400 = tpu.memref_slice %arg13[%add3A_393, %dma_wait3A_399] : memref<10240x128xf32, #tpu.memory_space<vmem_shared>> -> memref<40x128xf32, #tpu.memory_space<vmem_shared>>
    %dma_wait3A_401 = arith.constant 0 : i32
    %dma_wait3A_402 = arith.constant 0 : i32
    %dma_wait3A_403 = tpu.memref_slice %arg8[%dma_wait3A_401, %dma_wait3A_402] : memref<40x128xf32, #tpu.memory_space<vmem>> -> memref<40x128xf32, #tpu.memory_space<vmem>>
    tpu.wait_dma2 semaphore(%arg19 : memref<!tpu.dma_semaphore, #tpu.memory_space<semaphore_mem>>) src(%dma_wait3A_403 : memref<40x128xf32, #tpu.memory_space<vmem>>) dst(%dma_wait3A_400 : memref<40x128xf32, #tpu.memory_space<vmem_shared>>)
    %mul3A_404 = arith.constant 640 : i32
    %mul3A_405 = arith.muli %arg1, %mul3A_404 : i32
    %add3A_406 = arith.constant 440 : i32
    %add3A_407 = arith.addi %mul3A_405, %add3A_406 : i32
    %dma_wait3A_408 = arith.constant 0 : i32
    %dma_wait3A_409 = arith.constant 0 : i32
    %dma_wait3A_410 = tpu.memref_slice %arg8[%dma_wait3A_408, %dma_wait3A_409] : memref<40x128xf32, #tpu.memory_space<vmem>> -> memref<40x128xf32, #tpu.memory_space<vmem>>
    %dma_wait3A_411 = arith.constant 0 : i32
    %dma_wait3A_412 = tpu.memref_slice %arg13[%add3A_407, %dma_wait3A_411] : memref<10240x128xf32, #tpu.memory_space<vmem_shared>> -> memref<40x128xf32, #tpu.memory_space<vmem_shared>>
    %dma_wait3A_413 = arith.constant 0 : i32
    %dma_wait3A_414 = tpu.memref_slice %arg13[%add3A_407, %dma_wait3A_413] : memref<10240x128xf32, #tpu.memory_space<vmem_shared>> -> memref<40x128xf32, #tpu.memory_space<vmem_shared>>
    %dma_wait3A_415 = arith.constant 0 : i32
    %dma_wait3A_416 = arith.constant 0 : i32
    %dma_wait3A_417 = tpu.memref_slice %arg8[%dma_wait3A_415, %dma_wait3A_416] : memref<40x128xf32, #tpu.memory_space<vmem>> -> memref<40x128xf32, #tpu.memory_space<vmem>>
    tpu.wait_dma2 semaphore(%arg19 : memref<!tpu.dma_semaphore, #tpu.memory_space<semaphore_mem>>) src(%dma_wait3A_417 : memref<40x128xf32, #tpu.memory_space<vmem>>) dst(%dma_wait3A_414 : memref<40x128xf32, #tpu.memory_space<vmem_shared>>)
    %mul3A_418 = arith.constant 640 : i32
    %mul3A_419 = arith.muli %arg1, %mul3A_418 : i32
    %add3A_420 = arith.constant 480 : i32
    %add3A_421 = arith.addi %mul3A_419, %add3A_420 : i32
    %dma_wait3A_422 = arith.constant 0 : i32
    %dma_wait3A_423 = arith.constant 0 : i32
    %dma_wait3A_424 = tpu.memref_slice %arg8[%dma_wait3A_422, %dma_wait3A_423] : memref<40x128xf32, #tpu.memory_space<vmem>> -> memref<40x128xf32, #tpu.memory_space<vmem>>
    %dma_wait3A_425 = arith.constant 0 : i32
    %dma_wait3A_426 = tpu.memref_slice %arg13[%add3A_421, %dma_wait3A_425] : memref<10240x128xf32, #tpu.memory_space<vmem_shared>> -> memref<40x128xf32, #tpu.memory_space<vmem_shared>>
    %dma_wait3A_427 = arith.constant 0 : i32
    %dma_wait3A_428 = tpu.memref_slice %arg13[%add3A_421, %dma_wait3A_427] : memref<10240x128xf32, #tpu.memory_space<vmem_shared>> -> memref<40x128xf32, #tpu.memory_space<vmem_shared>>
    %dma_wait3A_429 = arith.constant 0 : i32
    %dma_wait3A_430 = arith.constant 0 : i32
    %dma_wait3A_431 = tpu.memref_slice %arg8[%dma_wait3A_429, %dma_wait3A_430] : memref<40x128xf32, #tpu.memory_space<vmem>> -> memref<40x128xf32, #tpu.memory_space<vmem>>
    tpu.wait_dma2 semaphore(%arg19 : memref<!tpu.dma_semaphore, #tpu.memory_space<semaphore_mem>>) src(%dma_wait3A_431 : memref<40x128xf32, #tpu.memory_space<vmem>>) dst(%dma_wait3A_428 : memref<40x128xf32, #tpu.memory_space<vmem_shared>>)
    %mul3A_432 = arith.constant 640 : i32
    %mul3A_433 = arith.muli %arg1, %mul3A_432 : i32
    %add3A_434 = arith.constant 520 : i32
    %add3A_435 = arith.addi %mul3A_433, %add3A_434 : i32
    %dma_wait3A_436 = arith.constant 0 : i32
    %dma_wait3A_437 = arith.constant 0 : i32
    %dma_wait3A_438 = tpu.memref_slice %arg8[%dma_wait3A_436, %dma_wait3A_437] : memref<40x128xf32, #tpu.memory_space<vmem>> -> memref<40x128xf32, #tpu.memory_space<vmem>>
    %dma_wait3A_439 = arith.constant 0 : i32
    %dma_wait3A_440 = tpu.memref_slice %arg13[%add3A_435, %dma_wait3A_439] : memref<10240x128xf32, #tpu.memory_space<vmem_shared>> -> memref<40x128xf32, #tpu.memory_space<vmem_shared>>
    %dma_wait3A_441 = arith.constant 0 : i32
    %dma_wait3A_442 = tpu.memref_slice %arg13[%add3A_435, %dma_wait3A_441] : memref<10240x128xf32, #tpu.memory_space<vmem_shared>> -> memref<40x128xf32, #tpu.memory_space<vmem_shared>>
    %dma_wait3A_443 = arith.constant 0 : i32
    %dma_wait3A_444 = arith.constant 0 : i32
    %dma_wait3A_445 = tpu.memref_slice %arg8[%dma_wait3A_443, %dma_wait3A_444] : memref<40x128xf32, #tpu.memory_space<vmem>> -> memref<40x128xf32, #tpu.memory_space<vmem>>
    tpu.wait_dma2 semaphore(%arg19 : memref<!tpu.dma_semaphore, #tpu.memory_space<semaphore_mem>>) src(%dma_wait3A_445 : memref<40x128xf32, #tpu.memory_space<vmem>>) dst(%dma_wait3A_442 : memref<40x128xf32, #tpu.memory_space<vmem_shared>>)
    %mul3A_446 = arith.constant 640 : i32
    %mul3A_447 = arith.muli %arg1, %mul3A_446 : i32
    %add3A_448 = arith.constant 560 : i32
    %add3A_449 = arith.addi %mul3A_447, %add3A_448 : i32
    %dma_wait3A_450 = arith.constant 0 : i32
    %dma_wait3A_451 = arith.constant 0 : i32
    %dma_wait3A_452 = tpu.memref_slice %arg8[%dma_wait3A_450, %dma_wait3A_451] : memref<40x128xf32, #tpu.memory_space<vmem>> -> memref<40x128xf32, #tpu.memory_space<vmem>>
    %dma_wait3A_453 = arith.constant 0 : i32
    %dma_wait3A_454 = tpu.memref_slice %arg13[%add3A_449, %dma_wait3A_453] : memref<10240x128xf32, #tpu.memory_space<vmem_shared>> -> memref<40x128xf32, #tpu.memory_space<vmem_shared>>
    %dma_wait3A_455 = arith.constant 0 : i32
    %dma_wait3A_456 = tpu.memref_slice %arg13[%add3A_449, %dma_wait3A_455] : memref<10240x128xf32, #tpu.memory_space<vmem_shared>> -> memref<40x128xf32, #tpu.memory_space<vmem_shared>>
    %dma_wait3A_457 = arith.constant 0 : i32
    %dma_wait3A_458 = arith.constant 0 : i32
    %dma_wait3A_459 = tpu.memref_slice %arg8[%dma_wait3A_457, %dma_wait3A_458] : memref<40x128xf32, #tpu.memory_space<vmem>> -> memref<40x128xf32, #tpu.memory_space<vmem>>
    tpu.wait_dma2 semaphore(%arg19 : memref<!tpu.dma_semaphore, #tpu.memory_space<semaphore_mem>>) src(%dma_wait3A_459 : memref<40x128xf32, #tpu.memory_space<vmem>>) dst(%dma_wait3A_456 : memref<40x128xf32, #tpu.memory_space<vmem_shared>>)
    %mul3A_460 = arith.constant 640 : i32
    %mul3A_461 = arith.muli %arg1, %mul3A_460 : i32
    %add3A_462 = arith.constant 600 : i32
    %add3A_463 = arith.addi %mul3A_461, %add3A_462 : i32
    %dma_wait3A_464 = arith.constant 0 : i32
    %dma_wait3A_465 = arith.constant 0 : i32
    %dma_wait3A_466 = tpu.memref_slice %arg8[%dma_wait3A_464, %dma_wait3A_465] : memref<40x128xf32, #tpu.memory_space<vmem>> -> memref<40x128xf32, #tpu.memory_space<vmem>>
    %dma_wait3A_467 = arith.constant 0 : i32
    %dma_wait3A_468 = tpu.memref_slice %arg13[%add3A_463, %dma_wait3A_467] : memref<10240x128xf32, #tpu.memory_space<vmem_shared>> -> memref<40x128xf32, #tpu.memory_space<vmem_shared>>
    %dma_wait3A_469 = arith.constant 0 : i32
    %dma_wait3A_470 = tpu.memref_slice %arg13[%add3A_463, %dma_wait3A_469] : memref<10240x128xf32, #tpu.memory_space<vmem_shared>> -> memref<40x128xf32, #tpu.memory_space<vmem_shared>>
    %dma_wait3A_471 = arith.constant 0 : i32
    %dma_wait3A_472 = arith.constant 0 : i32
    %dma_wait3A_473 = tpu.memref_slice %arg8[%dma_wait3A_471, %dma_wait3A_472] : memref<40x128xf32, #tpu.memory_space<vmem>> -> memref<40x128xf32, #tpu.memory_space<vmem>>
    tpu.wait_dma2 semaphore(%arg19 : memref<!tpu.dma_semaphore, #tpu.memory_space<semaphore_mem>>) src(%dma_wait3A_473 : memref<40x128xf32, #tpu.memory_space<vmem>>) dst(%dma_wait3A_470 : memref<40x128xf32, #tpu.memory_space<vmem_shared>>)
    %dma_wait3A_474 = tpu.memref_slice %arg3[%mul3A_2] : memref<320000xi32, #tpu.memory_space<hbm>> -> memref<10000xi32, #tpu.memory_space<hbm>>
    %dma_wait3A_475 = tpu.memref_slice %arg3[%mul3A_2] : memref<320000xi32, #tpu.memory_space<hbm>> -> memref<10000xi32, #tpu.memory_space<hbm>>
    tpu.wait_dma2 semaphore(%arg14 : memref<!tpu.dma_semaphore, #tpu.memory_space<semaphore_mem>>) src(%dma_wait3A_475 : memref<10000xi32, #tpu.memory_space<hbm>>) dst(%arg6 : memref<10000xi32, #tpu.memory_space<vmem>>)
    %dma_start3A_476 = arith.constant 0 : i32
    %dma_start3A_477 = tpu.memref_slice %arg6[%dma_start3A_476] : memref<10000xi32, #tpu.memory_space<vmem>> -> memref<40xi32, #tpu.memory_space<vmem>>
    %dma_start3A_478 = arith.constant 0 : i32
    %dma_start3A_479 = arith.constant 0 : i32
    %dma_start3A_480 = tpu.memref_slice %arg2[%dma_start3A_478, %dma_start3A_479] : memref<10240x128xf32, #tpu.memory_space<hbm>> -> memref<10240x128xf32, #tpu.memory_space<hbm>>
    tpu.enqueue_indirect_dma source(%dma_start3A_480 : memref<10240x128xf32, #tpu.memory_space<hbm>>) target(%arg8 : memref<40x128xf32, #tpu.memory_space<vmem>>) offsets(%dma_start3A_477 : memref<40xi32, #tpu.memory_space<vmem>>) semaphore(%arg14 : memref<!tpu.dma_semaphore, #tpu.memory_space<semaphore_mem>>)
    %dma_start3A_481 = arith.constant 40 : i32
    %dma_start3A_482 = tpu.memref_slice %arg6[%dma_start3A_481] : memref<10000xi32, #tpu.memory_space<vmem>> -> memref<40xi32, #tpu.memory_space<vmem>>
    %dma_start3A_483 = arith.constant 0 : i32
    %dma_start3A_484 = arith.constant 0 : i32
    %dma_start3A_485 = tpu.memref_slice %arg2[%dma_start3A_483, %dma_start3A_484] : memref<10240x128xf32, #tpu.memory_space<hbm>> -> memref<10240x128xf32, #tpu.memory_space<hbm>>
    tpu.enqueue_indirect_dma source(%dma_start3A_485 : memref<10240x128xf32, #tpu.memory_space<hbm>>) target(%arg9 : memref<40x128xf32, #tpu.memory_space<vmem>>) offsets(%dma_start3A_482 : memref<40xi32, #tpu.memory_space<vmem>>) semaphore(%arg15 : memref<!tpu.dma_semaphore, #tpu.memory_space<semaphore_mem>>)
    %dma_start3A_486 = arith.constant 80 : i32
    %dma_start3A_487 = tpu.memref_slice %arg6[%dma_start3A_486] : memref<10000xi32, #tpu.memory_space<vmem>> -> memref<40xi32, #tpu.memory_space<vmem>>
    %dma_start3A_488 = arith.constant 0 : i32
    %dma_start3A_489 = arith.constant 0 : i32
    %dma_start3A_490 = tpu.memref_slice %arg2[%dma_start3A_488, %dma_start3A_489] : memref<10240x128xf32, #tpu.memory_space<hbm>> -> memref<10240x128xf32, #tpu.memory_space<hbm>>
    tpu.enqueue_indirect_dma source(%dma_start3A_490 : memref<10240x128xf32, #tpu.memory_space<hbm>>) target(%arg10 : memref<40x128xf32, #tpu.memory_space<vmem>>) offsets(%dma_start3A_487 : memref<40xi32, #tpu.memory_space<vmem>>) semaphore(%arg16 : memref<!tpu.dma_semaphore, #tpu.memory_space<semaphore_mem>>)
    %dma_start3A_491 = arith.constant 120 : i32
    %dma_start3A_492 = tpu.memref_slice %arg6[%dma_start3A_491] : memref<10000xi32, #tpu.memory_space<vmem>> -> memref<40xi32, #tpu.memory_space<vmem>>
    %dma_start3A_493 = arith.constant 0 : i32
    %dma_start3A_494 = arith.constant 0 : i32
    %dma_start3A_495 = tpu.memref_slice %arg2[%dma_start3A_493, %dma_start3A_494] : memref<10240x128xf32, #tpu.memory_space<hbm>> -> memref<10240x128xf32, #tpu.memory_space<hbm>>
    tpu.enqueue_indirect_dma source(%dma_start3A_495 : memref<10240x128xf32, #tpu.memory_space<hbm>>) target(%arg11 : memref<40x128xf32, #tpu.memory_space<vmem>>) offsets(%dma_start3A_492 : memref<40xi32, #tpu.memory_space<vmem>>) semaphore(%arg17 : memref<!tpu.dma_semaphore, #tpu.memory_space<semaphore_mem>>)
    %dma_start3A_496 = arith.constant 160 : i32
    %dma_start3A_497 = tpu.memref_slice %arg6[%dma_start3A_496] : memref<10000xi32, #tpu.memory_space<vmem>> -> memref<40xi32, #tpu.memory_space<vmem>>
    %dma_start3A_498 = arith.constant 0 : i32
    %dma_start3A_499 = arith.constant 0 : i32
    %dma_start3A_500 = tpu.memref_slice %arg2[%dma_start3A_498, %dma_start3A_499] : memref<10240x128xf32, #tpu.memory_space<hbm>> -> memref<10240x128xf32, #tpu.memory_space<hbm>>
    tpu.enqueue_indirect_dma source(%dma_start3A_500 : memref<10240x128xf32, #tpu.memory_space<hbm>>) target(%arg12 : memref<40x128xf32, #tpu.memory_space<vmem>>) offsets(%dma_start3A_497 : memref<40xi32, #tpu.memory_space<vmem>>) semaphore(%arg18 : memref<!tpu.dma_semaphore, #tpu.memory_space<semaphore_mem>>)
    %barrier3A = arith.constant 0 : index
    tpu.barrier barrier_id(%barrier3A)
    %scan3A_501 = arith.constant 0 : i32
    %scan3A_502 = arith.constant 50 : i32
    %scan3A_503 = arith.addi %scan3A_501, %scan3A_502 : i32
    %scan3A_504 = arith.constant 1 : i32
    scf.for %scan3A_637 = %scan3A_501 to %scan3A_503 step %scan3A_504  : i32 {
      %mul3A_638 = arith.constant 1 : i32
      %mul3A_639 = arith.muli %scan3A_637, %mul3A_638 : i32
      %add3A_640 = arith.constant 0 : i32
      %add3A_641 = arith.addi %add3A_640, %mul3A_639 : i32
      %mul3A_642 = arith.constant 5 : i32
      %mul3A_643 = arith.muli %add3A_641, %mul3A_642 : i32
      %add3A_644 = arith.constant 0 : i32
      %add3A_645 = arith.addi %mul3A_643, %add3A_644 : i32
      %jit3A = arith.constant 25 : i32
      %div3A = arith.divsi %add3A_645, %jit3A : i32
      %sign3A = arith.constant 0 : i32
      %sign3A_646 = arith.cmpi sgt, %add3A_645, %sign3A : i32
      %sign3A_647 = arith.extui %sign3A_646 : i1 to i32
      %sign3A_648 = arith.constant 0 : i32
      %sign3A_649 = arith.cmpi slt, %add3A_645, %sign3A_648 : i32
      %sign3A_650 = arith.extui %sign3A_649 : i1 to i32
      %sign3A_651 = arith.subi %sign3A_647, %sign3A_650 : i32
      %sign3A_652 = arith.constant 0 : i32
      %sign3A_653 = arith.cmpi sgt, %jit3A, %sign3A_652 : i32
      %sign3A_654 = arith.extui %sign3A_653 : i1 to i32
      %sign3A_655 = arith.constant 0 : i32
      %sign3A_656 = arith.cmpi slt, %jit3A, %sign3A_655 : i32
      %sign3A_657 = arith.extui %sign3A_656 : i1 to i32
      %sign3A_658 = arith.subi %sign3A_654, %sign3A_657 : i32
      %ne3A = arith.cmpi ne, %sign3A_651, %sign3A_658 : i32
      %rem3A = arith.remsi %add3A_645, %jit3A : i32
      %ne3A_659 = arith.constant 0 : i32
      %ne3A_660 = arith.cmpi ne, %rem3A, %ne3A_659 : i32
      %and3A = arith.andi %ne3A, %ne3A_660 : i1
      %sub3A = arith.constant 1 : i32
      %sub3A_661 = arith.subi %div3A, %sub3A : i32
      %select_n3A = arith.select %and3A, %sub3A_661, %div3A : i32
      %mul3A_662 = arith.constant 25 : i32
      %mul3A_663 = arith.muli %select_n3A, %mul3A_662 : i32
      %sub3A_664 = arith.subi %add3A_645, %mul3A_663 : i32
      %rem3A_665 = arith.constant 2 : i32
      %rem3A_666 = arith.remsi %select_n3A, %rem3A_665 : i32
      %eq3A = arith.constant 0 : i32
      %eq3A_667 = arith.cmpi eq, %sub3A_664, %eq3A : i32
      %ge3A = arith.constant 1 : i32
      %ge3A_668 = arith.cmpi sge, %select_n3A, %ge3A : i32
      %and3A_669 = arith.andi %eq3A_667, %ge3A_668 : i1
      %convert_element_type3A = arith.extui %and3A_669 : i1 to i32
      %cond3A = arith.constant 0 : i32
      %cond3A_670 = arith.cmpi ne, %convert_element_type3A, %cond3A : i32
      scf.if %cond3A_670 {
        %dma_wait3A_924 = arith.constant 0 : i32
        %dma_wait3A_925 = arith.constant 0 : i32
        %dma_wait3A_926 = tpu.memref_slice %arg7[%rem3A_666, %dma_wait3A_924, %dma_wait3A_925] : memref<2x25x40xi32, #tpu.memory_space<vmem>> -> memref<1x25x40xi32, #tpu.memory_space<vmem>>
        %dma_wait3A_927 = tpu.memref_squeeze %dma_wait3A_926 : memref<1x25x40xi32, #tpu.memory_space<vmem>> -> memref<25x40xi32, #tpu.memory_space<vmem>>
        %dma_wait3A_928 = arith.constant 0 : i32
        %dma_wait3A_929 = arith.constant 0 : i32
        %dma_wait3A_930 = tpu.memref_slice %arg4[%add3A, %select_n3A, %dma_wait3A_928, %dma_wait3A_929] : memref<32x10x25x40xi32, #tpu.memory_space<hbm>> -> memref<1x1x25x40xi32, #tpu.memory_space<hbm>>
        %dma_wait3A_931 = tpu.memref_squeeze %dma_wait3A_930 : memref<1x1x25x40xi32, #tpu.memory_space<hbm>> -> memref<25x40xi32, #tpu.memory_space<hbm>>
        %dma_wait3A_932 = arith.constant 0 : i32
        %dma_wait3A_933 = arith.constant 0 : i32
        %dma_wait3A_934 = tpu.memref_slice %arg7[%rem3A_666, %dma_wait3A_932, %dma_wait3A_933] : memref<2x25x40xi32, #tpu.memory_space<vmem>> -> memref<1x25x40xi32, #tpu.memory_space<vmem>>
        %dma_wait3A_935 = tpu.memref_squeeze %dma_wait3A_934 : memref<1x25x40xi32, #tpu.memory_space<vmem>> -> memref<25x40xi32, #tpu.memory_space<vmem>>
        %dma_wait3A_936 = arith.constant 0 : i32
        %dma_wait3A_937 = arith.constant 0 : i32
        %dma_wait3A_938 = tpu.memref_slice %arg4[%add3A, %select_n3A, %dma_wait3A_936, %dma_wait3A_937] : memref<32x10x25x40xi32, #tpu.memory_space<hbm>> -> memref<1x1x25x40xi32, #tpu.memory_space<hbm>>
        %dma_wait3A_939 = tpu.memref_squeeze %dma_wait3A_938 : memref<1x1x25x40xi32, #tpu.memory_space<hbm>> -> memref<25x40xi32, #tpu.memory_space<hbm>>
        tpu.wait_dma2 semaphore(%arg24 : memref<!tpu.dma_semaphore, #tpu.memory_space<semaphore_mem>>) src(%dma_wait3A_939 : memref<25x40xi32, #tpu.memory_space<hbm>>) dst(%dma_wait3A_935 : memref<25x40xi32, #tpu.memory_space<vmem>>)
      } else {
      }
      %mul3A_671 = arith.constant 40 : i32
      %mul3A_672 = arith.muli %add3A_645, %mul3A_671 : i32
      %dma_wait3A_673 = tpu.memref_slice %arg6[%mul3A_672] : memref<10000xi32, #tpu.memory_space<vmem>> -> memref<40xi32, #tpu.memory_space<vmem>>
      %dma_wait3A_674 = arith.constant 0 : i32
      %dma_wait3A_675 = arith.constant 0 : i32
      %dma_wait3A_676 = tpu.memref_slice %arg2[%dma_wait3A_674, %dma_wait3A_675] : memref<10240x128xf32, #tpu.memory_space<hbm>> -> memref<10240x128xf32, #tpu.memory_space<hbm>>
      tpu.wait_indirect_dma semaphore(%arg14 : memref<!tpu.dma_semaphore, #tpu.memory_space<semaphore_mem>>) src(%dma_wait3A_676 : memref<10240x128xf32, #tpu.memory_space<hbm>>) dst(%arg8 : memref<40x128xf32, #tpu.memory_space<vmem>>)
      %dma_start3A_677 = arith.constant 0 : i32
      %dma_start3A_678 = tpu.memref_slice %arg7[%rem3A_666, %sub3A_664, %dma_start3A_677] : memref<2x25x40xi32, #tpu.memory_space<vmem>> -> memref<1x1x40xi32, #tpu.memory_space<vmem>>
      %dma_start3A_679 = tpu.memref_squeeze %dma_start3A_678 : memref<1x1x40xi32, #tpu.memory_space<vmem>> -> memref<40xi32, #tpu.memory_space<vmem>>
      %dma_start3A_680 = arith.constant 0 : i32
      %dma_start3A_681 = arith.constant 0 : i32
      %dma_start3A_682 = tpu.memref_slice %arg13[%dma_start3A_680, %dma_start3A_681] : memref<10240x128xf32, #tpu.memory_space<vmem_shared>> -> memref<10240x128xf32, #tpu.memory_space<vmem_shared>>
      tpu.enqueue_indirect_dma source(%arg8 : memref<40x128xf32, #tpu.memory_space<vmem>>) target(%dma_start3A_682 : memref<10240x128xf32, #tpu.memory_space<vmem_shared>>) offsets(%dma_start3A_679 : memref<40xi32, #tpu.memory_space<vmem>>) semaphore(%arg19 : memref<!tpu.dma_semaphore, #tpu.memory_space<semaphore_mem>>) {add = true}
      %ge3A_683 = arith.constant 1 : i32
      %ge3A_684 = arith.cmpi sge, %add3A_645, %ge3A_683 : i32
      %add3A_685 = arith.constant 5 : i32
      %add3A_686 = arith.addi %add3A_645, %add3A_685 : i32
      %sub3A_687 = arith.constant 1 : i32
      %sub3A_688 = arith.subi %add3A_686, %sub3A_687 : i32
      %lt3A = arith.constant 250 : i32
      %lt3A_689 = arith.cmpi slt, %sub3A_688, %lt3A : i32
      %and3A_690 = arith.andi %ge3A_684, %lt3A_689 : i1
      %convert_element_type3A_691 = arith.extui %and3A_690 : i1 to i32
      %cond3A_692 = arith.constant 0 : i32
      %cond3A_693 = arith.cmpi ne, %convert_element_type3A_691, %cond3A_692 : i32
      scf.if %cond3A_693 {
        %sub3A_924 = arith.constant 1 : i32
        %sub3A_925 = arith.subi %add3A_645, %sub3A_924 : i32
        %jit3A_926 = arith.constant 25 : i32
        %div3A_927 = arith.divsi %sub3A_925, %jit3A_926 : i32
        %sign3A_928 = arith.constant 0 : i32
        %sign3A_929 = arith.cmpi sgt, %sub3A_925, %sign3A_928 : i32
        %sign3A_930 = arith.extui %sign3A_929 : i1 to i32
        %sign3A_931 = arith.constant 0 : i32
        %sign3A_932 = arith.cmpi slt, %sub3A_925, %sign3A_931 : i32
        %sign3A_933 = arith.extui %sign3A_932 : i1 to i32
        %sign3A_934 = arith.subi %sign3A_930, %sign3A_933 : i32
        %sign3A_935 = arith.constant 0 : i32
        %sign3A_936 = arith.cmpi sgt, %jit3A_926, %sign3A_935 : i32
        %sign3A_937 = arith.extui %sign3A_936 : i1 to i32
        %sign3A_938 = arith.constant 0 : i32
        %sign3A_939 = arith.cmpi slt, %jit3A_926, %sign3A_938 : i32
        %sign3A_940 = arith.extui %sign3A_939 : i1 to i32
        %sign3A_941 = arith.subi %sign3A_937, %sign3A_940 : i32
        %ne3A_942 = arith.cmpi ne, %sign3A_934, %sign3A_941 : i32
        %rem3A_943 = arith.remsi %sub3A_925, %jit3A_926 : i32
        %ne3A_944 = arith.constant 0 : i32
        %ne3A_945 = arith.cmpi ne, %rem3A_943, %ne3A_944 : i32
        %and3A_946 = arith.andi %ne3A_942, %ne3A_945 : i1
        %sub3A_947 = arith.constant 1 : i32
        %sub3A_948 = arith.subi %div3A_927, %sub3A_947 : i32
        %select_n3A_949 = arith.select %and3A_946, %sub3A_948, %div3A_927 : i32
        %rem3A_950 = arith.constant 2 : i32
        %rem3A_951 = arith.remsi %select_n3A_949, %rem3A_950 : i32
        %mul3A_952 = arith.constant 25 : i32
        %mul3A_953 = arith.muli %select_n3A_949, %mul3A_952 : i32
        %sub3A_954 = arith.subi %sub3A_925, %mul3A_953 : i32
        %dma_wait3A_955 = arith.constant 0 : i32
        %dma_wait3A_956 = tpu.memref_slice %arg7[%rem3A_951, %sub3A_954, %dma_wait3A_955] : memref<2x25x40xi32, #tpu.memory_space<vmem>> -> memref<1x1x40xi32, #tpu.memory_space<vmem>>
        %dma_wait3A_957 = tpu.memref_squeeze %dma_wait3A_956 : memref<1x1x40xi32, #tpu.memory_space<vmem>> -> memref<40xi32, #tpu.memory_space<vmem>>
        %dma_wait3A_958 = arith.constant 0 : i32
        %dma_wait3A_959 = arith.constant 0 : i32
        %dma_wait3A_960 = tpu.memref_slice %arg13[%dma_wait3A_958, %dma_wait3A_959] : memref<10240x128xf32, #tpu.memory_space<vmem_shared>> -> memref<10240x128xf32, #tpu.memory_space<vmem_shared>>
        tpu.wait_indirect_dma semaphore(%arg23 : memref<!tpu.dma_semaphore, #tpu.memory_space<semaphore_mem>>) src(%arg12 : memref<40x128xf32, #tpu.memory_space<vmem>>) dst(%dma_wait3A_960 : memref<10240x128xf32, #tpu.memory_space<vmem_shared>>)
        %add3A_961 = arith.constant 5 : i32
        %add3A_962 = arith.addi %add3A_645, %add3A_961 : i32
        %sub3A_963 = arith.constant 1 : i32
        %sub3A_964 = arith.subi %add3A_962, %sub3A_963 : i32
        %mul3A_965 = arith.constant 40 : i32
        %mul3A_966 = arith.muli %sub3A_964, %mul3A_965 : i32
        %dma_start3A_967 = tpu.memref_slice %arg6[%mul3A_966] : memref<10000xi32, #tpu.memory_space<vmem>> -> memref<40xi32, #tpu.memory_space<vmem>>
        %dma_start3A_968 = arith.constant 0 : i32
        %dma_start3A_969 = arith.constant 0 : i32
        %dma_start3A_970 = tpu.memref_slice %arg2[%dma_start3A_968, %dma_start3A_969] : memref<10240x128xf32, #tpu.memory_space<hbm>> -> memref<10240x128xf32, #tpu.memory_space<hbm>>
        tpu.enqueue_indirect_dma source(%dma_start3A_970 : memref<10240x128xf32, #tpu.memory_space<hbm>>) target(%arg12 : memref<40x128xf32, #tpu.memory_space<vmem>>) offsets(%dma_start3A_967 : memref<40xi32, #tpu.memory_space<vmem>>) semaphore(%arg18 : memref<!tpu.dma_semaphore, #tpu.memory_space<semaphore_mem>>)
      } else {
      }
      %add3A_694 = arith.constant 1 : i32
      %add3A_695 = arith.addi %mul3A_643, %add3A_694 : i32
      %jit3A_696 = arith.constant 25 : i32
      %div3A_697 = arith.divsi %add3A_695, %jit3A_696 : i32
      %sign3A_698 = arith.constant 0 : i32
      %sign3A_699 = arith.cmpi sgt, %add3A_695, %sign3A_698 : i32
      %sign3A_700 = arith.extui %sign3A_699 : i1 to i32
      %sign3A_701 = arith.constant 0 : i32
      %sign3A_702 = arith.cmpi slt, %add3A_695, %sign3A_701 : i32
      %sign3A_703 = arith.extui %sign3A_702 : i1 to i32
      %sign3A_704 = arith.subi %sign3A_700, %sign3A_703 : i32
      %sign3A_705 = arith.constant 0 : i32
      %sign3A_706 = arith.cmpi sgt, %jit3A_696, %sign3A_705 : i32
      %sign3A_707 = arith.extui %sign3A_706 : i1 to i32
      %sign3A_708 = arith.constant 0 : i32
      %sign3A_709 = arith.cmpi slt, %jit3A_696, %sign3A_708 : i32
      %sign3A_710 = arith.extui %sign3A_709 : i1 to i32
      %sign3A_711 = arith.subi %sign3A_707, %sign3A_710 : i32
      %ne3A_712 = arith.cmpi ne, %sign3A_704, %sign3A_711 : i32
      %rem3A_713 = arith.remsi %add3A_695, %jit3A_696 : i32
      %ne3A_714 = arith.constant 0 : i32
      %ne3A_715 = arith.cmpi ne, %rem3A_713, %ne3A_714 : i32
      %and3A_716 = arith.andi %ne3A_712, %ne3A_715 : i1
      %sub3A_717 = arith.constant 1 : i32
      %sub3A_718 = arith.subi %div3A_697, %sub3A_717 : i32
      %select_n3A_719 = arith.select %and3A_716, %sub3A_718, %div3A_697 : i32
      %mul3A_720 = arith.constant 25 : i32
      %mul3A_721 = arith.muli %select_n3A_719, %mul3A_720 : i32
      %sub3A_722 = arith.subi %add3A_695, %mul3A_721 : i32
      %rem3A_723 = arith.constant 2 : i32
      %rem3A_724 = arith.remsi %select_n3A_719, %rem3A_723 : i32
      %mul3A_725 = arith.constant 40 : i32
      %mul3A_726 = arith.muli %add3A_695, %mul3A_725 : i32
      %dma_wait3A_727 = tpu.memref_slice %arg6[%mul3A_726] : memref<10000xi32, #tpu.memory_space<vmem>> -> memref<40xi32, #tpu.memory_space<vmem>>
      %dma_wait3A_728 = arith.constant 0 : i32
      %dma_wait3A_729 = arith.constant 0 : i32
      %dma_wait3A_730 = tpu.memref_slice %arg2[%dma_wait3A_728, %dma_wait3A_729] : memref<10240x128xf32, #tpu.memory_space<hbm>> -> memref<10240x128xf32, #tpu.memory_space<hbm>>
      tpu.wait_indirect_dma semaphore(%arg15 : memref<!tpu.dma_semaphore, #tpu.memory_space<semaphore_mem>>) src(%dma_wait3A_730 : memref<10240x128xf32, #tpu.memory_space<hbm>>) dst(%arg9 : memref<40x128xf32, #tpu.memory_space<vmem>>)
      %dma_start3A_731 = arith.constant 0 : i32
      %dma_start3A_732 = tpu.memref_slice %arg7[%rem3A_724, %sub3A_722, %dma_start3A_731] : memref<2x25x40xi32, #tpu.memory_space<vmem>> -> memref<1x1x40xi32, #tpu.memory_space<vmem>>
      %dma_start3A_733 = tpu.memref_squeeze %dma_start3A_732 : memref<1x1x40xi32, #tpu.memory_space<vmem>> -> memref<40xi32, #tpu.memory_space<vmem>>
      %dma_start3A_734 = arith.constant 0 : i32
      %dma_start3A_735 = arith.constant 0 : i32
      %dma_start3A_736 = tpu.memref_slice %arg13[%dma_start3A_734, %dma_start3A_735] : memref<10240x128xf32, #tpu.memory_space<vmem_shared>> -> memref<10240x128xf32, #tpu.memory_space<vmem_shared>>
      tpu.enqueue_indirect_dma source(%arg9 : memref<40x128xf32, #tpu.memory_space<vmem>>) target(%dma_start3A_736 : memref<10240x128xf32, #tpu.memory_space<vmem_shared>>) offsets(%dma_start3A_733 : memref<40xi32, #tpu.memory_space<vmem>>) semaphore(%arg20 : memref<!tpu.dma_semaphore, #tpu.memory_space<semaphore_mem>>) {add = true}
      %ge3A_737 = arith.constant 1 : i32
      %ge3A_738 = arith.cmpi sge, %add3A_695, %ge3A_737 : i32
      %add3A_739 = arith.constant 5 : i32
      %add3A_740 = arith.addi %add3A_695, %add3A_739 : i32
      %sub3A_741 = arith.constant 1 : i32
      %sub3A_742 = arith.subi %add3A_740, %sub3A_741 : i32
      %lt3A_743 = arith.constant 250 : i32
      %lt3A_744 = arith.cmpi slt, %sub3A_742, %lt3A_743 : i32
      %and3A_745 = arith.andi %ge3A_738, %lt3A_744 : i1
      %convert_element_type3A_746 = arith.extui %and3A_745 : i1 to i32
      %cond3A_747 = arith.constant 0 : i32
      %cond3A_748 = arith.cmpi ne, %convert_element_type3A_746, %cond3A_747 : i32
      scf.if %cond3A_748 {
        %sub3A_924 = arith.constant 1 : i32
        %sub3A_925 = arith.subi %add3A_695, %sub3A_924 : i32
        %jit3A_926 = arith.constant 25 : i32
        %div3A_927 = arith.divsi %sub3A_925, %jit3A_926 : i32
        %sign3A_928 = arith.constant 0 : i32
        %sign3A_929 = arith.cmpi sgt, %sub3A_925, %sign3A_928 : i32
        %sign3A_930 = arith.extui %sign3A_929 : i1 to i32
        %sign3A_931 = arith.constant 0 : i32
        %sign3A_932 = arith.cmpi slt, %sub3A_925, %sign3A_931 : i32
        %sign3A_933 = arith.extui %sign3A_932 : i1 to i32
        %sign3A_934 = arith.subi %sign3A_930, %sign3A_933 : i32
        %sign3A_935 = arith.constant 0 : i32
        %sign3A_936 = arith.cmpi sgt, %jit3A_926, %sign3A_935 : i32
        %sign3A_937 = arith.extui %sign3A_936 : i1 to i32
        %sign3A_938 = arith.constant 0 : i32
        %sign3A_939 = arith.cmpi slt, %jit3A_926, %sign3A_938 : i32
        %sign3A_940 = arith.extui %sign3A_939 : i1 to i32
        %sign3A_941 = arith.subi %sign3A_937, %sign3A_940 : i32
        %ne3A_942 = arith.cmpi ne, %sign3A_934, %sign3A_941 : i32
        %rem3A_943 = arith.remsi %sub3A_925, %jit3A_926 : i32
        %ne3A_944 = arith.constant 0 : i32
        %ne3A_945 = arith.cmpi ne, %rem3A_943, %ne3A_944 : i32
        %and3A_946 = arith.andi %ne3A_942, %ne3A_945 : i1
        %sub3A_947 = arith.constant 1 : i32
        %sub3A_948 = arith.subi %div3A_927, %sub3A_947 : i32
        %select_n3A_949 = arith.select %and3A_946, %sub3A_948, %div3A_927 : i32
        %rem3A_950 = arith.constant 2 : i32
        %rem3A_951 = arith.remsi %select_n3A_949, %rem3A_950 : i32
        %mul3A_952 = arith.constant 25 : i32
        %mul3A_953 = arith.muli %select_n3A_949, %mul3A_952 : i32
        %sub3A_954 = arith.subi %sub3A_925, %mul3A_953 : i32
        %dma_wait3A_955 = arith.constant 0 : i32
        %dma_wait3A_956 = tpu.memref_slice %arg7[%rem3A_951, %sub3A_954, %dma_wait3A_955] : memref<2x25x40xi32, #tpu.memory_space<vmem>> -> memref<1x1x40xi32, #tpu.memory_space<vmem>>
        %dma_wait3A_957 = tpu.memref_squeeze %dma_wait3A_956 : memref<1x1x40xi32, #tpu.memory_space<vmem>> -> memref<40xi32, #tpu.memory_space<vmem>>
        %dma_wait3A_958 = arith.constant 0 : i32
        %dma_wait3A_959 = arith.constant 0 : i32
        %dma_wait3A_960 = tpu.memref_slice %arg13[%dma_wait3A_958, %dma_wait3A_959] : memref<10240x128xf32, #tpu.memory_space<vmem_shared>> -> memref<10240x128xf32, #tpu.memory_space<vmem_shared>>
        tpu.wait_indirect_dma semaphore(%arg19 : memref<!tpu.dma_semaphore, #tpu.memory_space<semaphore_mem>>) src(%arg8 : memref<40x128xf32, #tpu.memory_space<vmem>>) dst(%dma_wait3A_960 : memref<10240x128xf32, #tpu.memory_space<vmem_shared>>)
        %add3A_961 = arith.constant 5 : i32
        %add3A_962 = arith.addi %add3A_695, %add3A_961 : i32
        %sub3A_963 = arith.constant 1 : i32
        %sub3A_964 = arith.subi %add3A_962, %sub3A_963 : i32
        %mul3A_965 = arith.constant 40 : i32
        %mul3A_966 = arith.muli %sub3A_964, %mul3A_965 : i32
        %dma_start3A_967 = tpu.memref_slice %arg6[%mul3A_966] : memref<10000xi32, #tpu.memory_space<vmem>> -> memref<40xi32, #tpu.memory_space<vmem>>
        %dma_start3A_968 = arith.constant 0 : i32
        %dma_start3A_969 = arith.constant 0 : i32
        %dma_start3A_970 = tpu.memref_slice %arg2[%dma_start3A_968, %dma_start3A_969] : memref<10240x128xf32, #tpu.memory_space<hbm>> -> memref<10240x128xf32, #tpu.memory_space<hbm>>
        tpu.enqueue_indirect_dma source(%dma_start3A_970 : memref<10240x128xf32, #tpu.memory_space<hbm>>) target(%arg8 : memref<40x128xf32, #tpu.memory_space<vmem>>) offsets(%dma_start3A_967 : memref<40xi32, #tpu.memory_space<vmem>>) semaphore(%arg14 : memref<!tpu.dma_semaphore, #tpu.memory_space<semaphore_mem>>)
      } else {
      }
      %add3A_749 = arith.constant 2 : i32
      %add3A_750 = arith.addi %mul3A_643, %add3A_749 : i32
      %jit3A_751 = arith.constant 25 : i32
      %div3A_752 = arith.divsi %add3A_750, %jit3A_751 : i32
      %sign3A_753 = arith.constant 0 : i32
      %sign3A_754 = arith.cmpi sgt, %add3A_750, %sign3A_753 : i32
      %sign3A_755 = arith.extui %sign3A_754 : i1 to i32
      %sign3A_756 = arith.constant 0 : i32
      %sign3A_757 = arith.cmpi slt, %add3A_750, %sign3A_756 : i32
      %sign3A_758 = arith.extui %sign3A_757 : i1 to i32
      %sign3A_759 = arith.subi %sign3A_755, %sign3A_758 : i32
      %sign3A_760 = arith.constant 0 : i32
      %sign3A_761 = arith.cmpi sgt, %jit3A_751, %sign3A_760 : i32
      %sign3A_762 = arith.extui %sign3A_761 : i1 to i32
      %sign3A_763 = arith.constant 0 : i32
      %sign3A_764 = arith.cmpi slt, %jit3A_751, %sign3A_763 : i32
      %sign3A_765 = arith.extui %sign3A_764 : i1 to i32
      %sign3A_766 = arith.subi %sign3A_762, %sign3A_765 : i32
      %ne3A_767 = arith.cmpi ne, %sign3A_759, %sign3A_766 : i32
      %rem3A_768 = arith.remsi %add3A_750, %jit3A_751 : i32
      %ne3A_769 = arith.constant 0 : i32
      %ne3A_770 = arith.cmpi ne, %rem3A_768, %ne3A_769 : i32
      %and3A_771 = arith.andi %ne3A_767, %ne3A_770 : i1
      %sub3A_772 = arith.constant 1 : i32
      %sub3A_773 = arith.subi %div3A_752, %sub3A_772 : i32
      %select_n3A_774 = arith.select %and3A_771, %sub3A_773, %div3A_752 : i32
      %mul3A_775 = arith.constant 25 : i32
      %mul3A_776 = arith.muli %select_n3A_774, %mul3A_775 : i32
      %sub3A_777 = arith.subi %add3A_750, %mul3A_776 : i32
      %rem3A_778 = arith.constant 2 : i32
      %rem3A_779 = arith.remsi %select_n3A_774, %rem3A_778 : i32
      %mul3A_780 = arith.constant 40 : i32
      %mul3A_781 = arith.muli %add3A_750, %mul3A_780 : i32
      %dma_wait3A_782 = tpu.memref_slice %arg6[%mul3A_781] : memref<10000xi32, #tpu.memory_space<vmem>> -> memref<40xi32, #tpu.memory_space<vmem>>
      %dma_wait3A_783 = arith.constant 0 : i32
      %dma_wait3A_784 = arith.constant 0 : i32
      %dma_wait3A_785 = tpu.memref_slice %arg2[%dma_wait3A_783, %dma_wait3A_784] : memref<10240x128xf32, #tpu.memory_space<hbm>> -> memref<10240x128xf32, #tpu.memory_space<hbm>>
      tpu.wait_indirect_dma semaphore(%arg16 : memref<!tpu.dma_semaphore, #tpu.memory_space<semaphore_mem>>) src(%dma_wait3A_785 : memref<10240x128xf32, #tpu.memory_space<hbm>>) dst(%arg10 : memref<40x128xf32, #tpu.memory_space<vmem>>)
      %dma_start3A_786 = arith.constant 0 : i32
      %dma_start3A_787 = tpu.memref_slice %arg7[%rem3A_779, %sub3A_777, %dma_start3A_786] : memref<2x25x40xi32, #tpu.memory_space<vmem>> -> memref<1x1x40xi32, #tpu.memory_space<vmem>>
      %dma_start3A_788 = tpu.memref_squeeze %dma_start3A_787 : memref<1x1x40xi32, #tpu.memory_space<vmem>> -> memref<40xi32, #tpu.memory_space<vmem>>
      %dma_start3A_789 = arith.constant 0 : i32
      %dma_start3A_790 = arith.constant 0 : i32
      %dma_start3A_791 = tpu.memref_slice %arg13[%dma_start3A_789, %dma_start3A_790] : memref<10240x128xf32, #tpu.memory_space<vmem_shared>> -> memref<10240x128xf32, #tpu.memory_space<vmem_shared>>
      tpu.enqueue_indirect_dma source(%arg10 : memref<40x128xf32, #tpu.memory_space<vmem>>) target(%dma_start3A_791 : memref<10240x128xf32, #tpu.memory_space<vmem_shared>>) offsets(%dma_start3A_788 : memref<40xi32, #tpu.memory_space<vmem>>) semaphore(%arg21 : memref<!tpu.dma_semaphore, #tpu.memory_space<semaphore_mem>>) {add = true}
      %ge3A_792 = arith.constant 1 : i32
      %ge3A_793 = arith.cmpi sge, %add3A_750, %ge3A_792 : i32
      %add3A_794 = arith.constant 5 : i32
      %add3A_795 = arith.addi %add3A_750, %add3A_794 : i32
      %sub3A_796 = arith.constant 1 : i32
      %sub3A_797 = arith.subi %add3A_795, %sub3A_796 : i32
      %lt3A_798 = arith.constant 250 : i32
      %lt3A_799 = arith.cmpi slt, %sub3A_797, %lt3A_798 : i32
      %and3A_800 = arith.andi %ge3A_793, %lt3A_799 : i1
      %convert_element_type3A_801 = arith.extui %and3A_800 : i1 to i32
      %cond3A_802 = arith.constant 0 : i32
      %cond3A_803 = arith.cmpi ne, %convert_element_type3A_801, %cond3A_802 : i32
      scf.if %cond3A_803 {
        %sub3A_924 = arith.constant 1 : i32
        %sub3A_925 = arith.subi %add3A_750, %sub3A_924 : i32
        %jit3A_926 = arith.constant 25 : i32
        %div3A_927 = arith.divsi %sub3A_925, %jit3A_926 : i32
        %sign3A_928 = arith.constant 0 : i32
        %sign3A_929 = arith.cmpi sgt, %sub3A_925, %sign3A_928 : i32
        %sign3A_930 = arith.extui %sign3A_929 : i1 to i32
        %sign3A_931 = arith.constant 0 : i32
        %sign3A_932 = arith.cmpi slt, %sub3A_925, %sign3A_931 : i32
        %sign3A_933 = arith.extui %sign3A_932 : i1 to i32
        %sign3A_934 = arith.subi %sign3A_930, %sign3A_933 : i32
        %sign3A_935 = arith.constant 0 : i32
        %sign3A_936 = arith.cmpi sgt, %jit3A_926, %sign3A_935 : i32
        %sign3A_937 = arith.extui %sign3A_936 : i1 to i32
        %sign3A_938 = arith.constant 0 : i32
        %sign3A_939 = arith.cmpi slt, %jit3A_926, %sign3A_938 : i32
        %sign3A_940 = arith.extui %sign3A_939 : i1 to i32
        %sign3A_941 = arith.subi %sign3A_937, %sign3A_940 : i32
        %ne3A_942 = arith.cmpi ne, %sign3A_934, %sign3A_941 : i32
        %rem3A_943 = arith.remsi %sub3A_925, %jit3A_926 : i32
        %ne3A_944 = arith.constant 0 : i32
        %ne3A_945 = arith.cmpi ne, %rem3A_943, %ne3A_944 : i32
        %and3A_946 = arith.andi %ne3A_942, %ne3A_945 : i1
        %sub3A_947 = arith.constant 1 : i32
        %sub3A_948 = arith.subi %div3A_927, %sub3A_947 : i32
        %select_n3A_949 = arith.select %and3A_946, %sub3A_948, %div3A_927 : i32
        %rem3A_950 = arith.constant 2 : i32
        %rem3A_951 = arith.remsi %select_n3A_949, %rem3A_950 : i32
        %mul3A_952 = arith.constant 25 : i32
        %mul3A_953 = arith.muli %select_n3A_949, %mul3A_952 : i32
        %sub3A_954 = arith.subi %sub3A_925, %mul3A_953 : i32
        %dma_wait3A_955 = arith.constant 0 : i32
        %dma_wait3A_956 = tpu.memref_slice %arg7[%rem3A_951, %sub3A_954, %dma_wait3A_955] : memref<2x25x40xi32, #tpu.memory_space<vmem>> -> memref<1x1x40xi32, #tpu.memory_space<vmem>>
        %dma_wait3A_957 = tpu.memref_squeeze %dma_wait3A_956 : memref<1x1x40xi32, #tpu.memory_space<vmem>> -> memref<40xi32, #tpu.memory_space<vmem>>
        %dma_wait3A_958 = arith.constant 0 : i32
        %dma_wait3A_959 = arith.constant 0 : i32
        %dma_wait3A_960 = tpu.memref_slice %arg13[%dma_wait3A_958, %dma_wait3A_959] : memref<10240x128xf32, #tpu.memory_space<vmem_shared>> -> memref<10240x128xf32, #tpu.memory_space<vmem_shared>>
        tpu.wait_indirect_dma semaphore(%arg20 : memref<!tpu.dma_semaphore, #tpu.memory_space<semaphore_mem>>) src(%arg9 : memref<40x128xf32, #tpu.memory_space<vmem>>) dst(%dma_wait3A_960 : memref<10240x128xf32, #tpu.memory_space<vmem_shared>>)
        %add3A_961 = arith.constant 5 : i32
        %add3A_962 = arith.addi %add3A_750, %add3A_961 : i32
        %sub3A_963 = arith.constant 1 : i32
        %sub3A_964 = arith.subi %add3A_962, %sub3A_963 : i32
        %mul3A_965 = arith.constant 40 : i32
        %mul3A_966 = arith.muli %sub3A_964, %mul3A_965 : i32
        %dma_start3A_967 = tpu.memref_slice %arg6[%mul3A_966] : memref<10000xi32, #tpu.memory_space<vmem>> -> memref<40xi32, #tpu.memory_space<vmem>>
        %dma_start3A_968 = arith.constant 0 : i32
        %dma_start3A_969 = arith.constant 0 : i32
        %dma_start3A_970 = tpu.memref_slice %arg2[%dma_start3A_968, %dma_start3A_969] : memref<10240x128xf32, #tpu.memory_space<hbm>> -> memref<10240x128xf32, #tpu.memory_space<hbm>>
        tpu.enqueue_indirect_dma source(%dma_start3A_970 : memref<10240x128xf32, #tpu.memory_space<hbm>>) target(%arg9 : memref<40x128xf32, #tpu.memory_space<vmem>>) offsets(%dma_start3A_967 : memref<40xi32, #tpu.memory_space<vmem>>) semaphore(%arg15 : memref<!tpu.dma_semaphore, #tpu.memory_space<semaphore_mem>>)
      } else {
      }
      %add3A_804 = arith.constant 3 : i32
      %add3A_805 = arith.addi %mul3A_643, %add3A_804 : i32
      %jit3A_806 = arith.constant 25 : i32
      %div3A_807 = arith.divsi %add3A_805, %jit3A_806 : i32
      %sign3A_808 = arith.constant 0 : i32
      %sign3A_809 = arith.cmpi sgt, %add3A_805, %sign3A_808 : i32
      %sign3A_810 = arith.extui %sign3A_809 : i1 to i32
      %sign3A_811 = arith.constant 0 : i32
      %sign3A_812 = arith.cmpi slt, %add3A_805, %sign3A_811 : i32
      %sign3A_813 = arith.extui %sign3A_812 : i1 to i32
      %sign3A_814 = arith.subi %sign3A_810, %sign3A_813 : i32
      %sign3A_815 = arith.constant 0 : i32
      %sign3A_816 = arith.cmpi sgt, %jit3A_806, %sign3A_815 : i32
      %sign3A_817 = arith.extui %sign3A_816 : i1 to i32
      %sign3A_818 = arith.constant 0 : i32
      %sign3A_819 = arith.cmpi slt, %jit3A_806, %sign3A_818 : i32
      %sign3A_820 = arith.extui %sign3A_819 : i1 to i32
      %sign3A_821 = arith.subi %sign3A_817, %sign3A_820 : i32
      %ne3A_822 = arith.cmpi ne, %sign3A_814, %sign3A_821 : i32
      %rem3A_823 = arith.remsi %add3A_805, %jit3A_806 : i32
      %ne3A_824 = arith.constant 0 : i32
      %ne3A_825 = arith.cmpi ne, %rem3A_823, %ne3A_824 : i32
      %and3A_826 = arith.andi %ne3A_822, %ne3A_825 : i1
      %sub3A_827 = arith.constant 1 : i32
      %sub3A_828 = arith.subi %div3A_807, %sub3A_827 : i32
      %select_n3A_829 = arith.select %and3A_826, %sub3A_828, %div3A_807 : i32
      %mul3A_830 = arith.constant 25 : i32
      %mul3A_831 = arith.muli %select_n3A_829, %mul3A_830 : i32
      %sub3A_832 = arith.subi %add3A_805, %mul3A_831 : i32
      %rem3A_833 = arith.constant 2 : i32
      %rem3A_834 = arith.remsi %select_n3A_829, %rem3A_833 : i32
      %mul3A_835 = arith.constant 40 : i32
      %mul3A_836 = arith.muli %add3A_805, %mul3A_835 : i32
      %dma_wait3A_837 = tpu.memref_slice %arg6[%mul3A_836] : memref<10000xi32, #tpu.memory_space<vmem>> -> memref<40xi32, #tpu.memory_space<vmem>>
      %dma_wait3A_838 = arith.constant 0 : i32
      %dma_wait3A_839 = arith.constant 0 : i32
      %dma_wait3A_840 = tpu.memref_slice %arg2[%dma_wait3A_838, %dma_wait3A_839] : memref<10240x128xf32, #tpu.memory_space<hbm>> -> memref<10240x128xf32, #tpu.memory_space<hbm>>
      tpu.wait_indirect_dma semaphore(%arg17 : memref<!tpu.dma_semaphore, #tpu.memory_space<semaphore_mem>>) src(%dma_wait3A_840 : memref<10240x128xf32, #tpu.memory_space<hbm>>) dst(%arg11 : memref<40x128xf32, #tpu.memory_space<vmem>>)
      %dma_start3A_841 = arith.constant 0 : i32
      %dma_start3A_842 = tpu.memref_slice %arg7[%rem3A_834, %sub3A_832, %dma_start3A_841] : memref<2x25x40xi32, #tpu.memory_space<vmem>> -> memref<1x1x40xi32, #tpu.memory_space<vmem>>
      %dma_start3A_843 = tpu.memref_squeeze %dma_start3A_842 : memref<1x1x40xi32, #tpu.memory_space<vmem>> -> memref<40xi32, #tpu.memory_space<vmem>>
      %dma_start3A_844 = arith.constant 0 : i32
      %dma_start3A_845 = arith.constant 0 : i32
      %dma_start3A_846 = tpu.memref_slice %arg13[%dma_start3A_844, %dma_start3A_845] : memref<10240x128xf32, #tpu.memory_space<vmem_shared>> -> memref<10240x128xf32, #tpu.memory_space<vmem_shared>>
      tpu.enqueue_indirect_dma source(%arg11 : memref<40x128xf32, #tpu.memory_space<vmem>>) target(%dma_start3A_846 : memref<10240x128xf32, #tpu.memory_space<vmem_shared>>) offsets(%dma_start3A_843 : memref<40xi32, #tpu.memory_space<vmem>>) semaphore(%arg22 : memref<!tpu.dma_semaphore, #tpu.memory_space<semaphore_mem>>) {add = true}
      %ge3A_847 = arith.constant 1 : i32
      %ge3A_848 = arith.cmpi sge, %add3A_805, %ge3A_847 : i32
      %add3A_849 = arith.constant 5 : i32
      %add3A_850 = arith.addi %add3A_805, %add3A_849 : i32
      %sub3A_851 = arith.constant 1 : i32
      %sub3A_852 = arith.subi %add3A_850, %sub3A_851 : i32
      %lt3A_853 = arith.constant 250 : i32
      %lt3A_854 = arith.cmpi slt, %sub3A_852, %lt3A_853 : i32
      %and3A_855 = arith.andi %ge3A_848, %lt3A_854 : i1
      %convert_element_type3A_856 = arith.extui %and3A_855 : i1 to i32
      %cond3A_857 = arith.constant 0 : i32
      %cond3A_858 = arith.cmpi ne, %convert_element_type3A_856, %cond3A_857 : i32
      scf.if %cond3A_858 {
        %sub3A_924 = arith.constant 1 : i32
        %sub3A_925 = arith.subi %add3A_805, %sub3A_924 : i32
        %jit3A_926 = arith.constant 25 : i32
        %div3A_927 = arith.divsi %sub3A_925, %jit3A_926 : i32
        %sign3A_928 = arith.constant 0 : i32
        %sign3A_929 = arith.cmpi sgt, %sub3A_925, %sign3A_928 : i32
        %sign3A_930 = arith.extui %sign3A_929 : i1 to i32
        %sign3A_931 = arith.constant 0 : i32
        %sign3A_932 = arith.cmpi slt, %sub3A_925, %sign3A_931 : i32
        %sign3A_933 = arith.extui %sign3A_932 : i1 to i32
        %sign3A_934 = arith.subi %sign3A_930, %sign3A_933 : i32
        %sign3A_935 = arith.constant 0 : i32
        %sign3A_936 = arith.cmpi sgt, %jit3A_926, %sign3A_935 : i32
        %sign3A_937 = arith.extui %sign3A_936 : i1 to i32
        %sign3A_938 = arith.constant 0 : i32
        %sign3A_939 = arith.cmpi slt, %jit3A_926, %sign3A_938 : i32
        %sign3A_940 = arith.extui %sign3A_939 : i1 to i32
        %sign3A_941 = arith.subi %sign3A_937, %sign3A_940 : i32
        %ne3A_942 = arith.cmpi ne, %sign3A_934, %sign3A_941 : i32
        %rem3A_943 = arith.remsi %sub3A_925, %jit3A_926 : i32
        %ne3A_944 = arith.constant 0 : i32
        %ne3A_945 = arith.cmpi ne, %rem3A_943, %ne3A_944 : i32
        %and3A_946 = arith.andi %ne3A_942, %ne3A_945 : i1
        %sub3A_947 = arith.constant 1 : i32
        %sub3A_948 = arith.subi %div3A_927, %sub3A_947 : i32
        %select_n3A_949 = arith.select %and3A_946, %sub3A_948, %div3A_927 : i32
        %rem3A_950 = arith.constant 2 : i32
        %rem3A_951 = arith.remsi %select_n3A_949, %rem3A_950 : i32
        %mul3A_952 = arith.constant 25 : i32
        %mul3A_953 = arith.muli %select_n3A_949, %mul3A_952 : i32
        %sub3A_954 = arith.subi %sub3A_925, %mul3A_953 : i32
        %dma_wait3A_955 = arith.constant 0 : i32
        %dma_wait3A_956 = tpu.memref_slice %arg7[%rem3A_951, %sub3A_954, %dma_wait3A_955] : memref<2x25x40xi32, #tpu.memory_space<vmem>> -> memref<1x1x40xi32, #tpu.memory_space<vmem>>
        %dma_wait3A_957 = tpu.memref_squeeze %dma_wait3A_956 : memref<1x1x40xi32, #tpu.memory_space<vmem>> -> memref<40xi32, #tpu.memory_space<vmem>>
        %dma_wait3A_958 = arith.constant 0 : i32
        %dma_wait3A_959 = arith.constant 0 : i32
        %dma_wait3A_960 = tpu.memref_slice %arg13[%dma_wait3A_958, %dma_wait3A_959] : memref<10240x128xf32, #tpu.memory_space<vmem_shared>> -> memref<10240x128xf32, #tpu.memory_space<vmem_shared>>
        tpu.wait_indirect_dma semaphore(%arg21 : memref<!tpu.dma_semaphore, #tpu.memory_space<semaphore_mem>>) src(%arg10 : memref<40x128xf32, #tpu.memory_space<vmem>>) dst(%dma_wait3A_960 : memref<10240x128xf32, #tpu.memory_space<vmem_shared>>)
        %add3A_961 = arith.constant 5 : i32
        %add3A_962 = arith.addi %add3A_805, %add3A_961 : i32
        %sub3A_963 = arith.constant 1 : i32
        %sub3A_964 = arith.subi %add3A_962, %sub3A_963 : i32
        %mul3A_965 = arith.constant 40 : i32
        %mul3A_966 = arith.muli %sub3A_964, %mul3A_965 : i32
        %dma_start3A_967 = tpu.memref_slice %arg6[%mul3A_966] : memref<10000xi32, #tpu.memory_space<vmem>> -> memref<40xi32, #tpu.memory_space<vmem>>
        %dma_start3A_968 = arith.constant 0 : i32
        %dma_start3A_969 = arith.constant 0 : i32
        %dma_start3A_970 = tpu.memref_slice %arg2[%dma_start3A_968, %dma_start3A_969] : memref<10240x128xf32, #tpu.memory_space<hbm>> -> memref<10240x128xf32, #tpu.memory_space<hbm>>
        tpu.enqueue_indirect_dma source(%dma_start3A_970 : memref<10240x128xf32, #tpu.memory_space<hbm>>) target(%arg10 : memref<40x128xf32, #tpu.memory_space<vmem>>) offsets(%dma_start3A_967 : memref<40xi32, #tpu.memory_space<vmem>>) semaphore(%arg16 : memref<!tpu.dma_semaphore, #tpu.memory_space<semaphore_mem>>)
      } else {
      }
      %add3A_859 = arith.constant 4 : i32
      %add3A_860 = arith.addi %mul3A_643, %add3A_859 : i32
      %jit3A_861 = arith.constant 25 : i32
      %div3A_862 = arith.divsi %add3A_860, %jit3A_861 : i32
      %sign3A_863 = arith.constant 0 : i32
      %sign3A_864 = arith.cmpi sgt, %add3A_860, %sign3A_863 : i32
      %sign3A_865 = arith.extui %sign3A_864 : i1 to i32
      %sign3A_866 = arith.constant 0 : i32
      %sign3A_867 = arith.cmpi slt, %add3A_860, %sign3A_866 : i32
      %sign3A_868 = arith.extui %sign3A_867 : i1 to i32
      %sign3A_869 = arith.subi %sign3A_865, %sign3A_868 : i32
      %sign3A_870 = arith.constant 0 : i32
      %sign3A_871 = arith.cmpi sgt, %jit3A_861, %sign3A_870 : i32
      %sign3A_872 = arith.extui %sign3A_871 : i1 to i32
      %sign3A_873 = arith.constant 0 : i32
      %sign3A_874 = arith.cmpi slt, %jit3A_861, %sign3A_873 : i32
      %sign3A_875 = arith.extui %sign3A_874 : i1 to i32
      %sign3A_876 = arith.subi %sign3A_872, %sign3A_875 : i32
      %ne3A_877 = arith.cmpi ne, %sign3A_869, %sign3A_876 : i32
      %rem3A_878 = arith.remsi %add3A_860, %jit3A_861 : i32
      %ne3A_879 = arith.constant 0 : i32
      %ne3A_880 = arith.cmpi ne, %rem3A_878, %ne3A_879 : i32
      %and3A_881 = arith.andi %ne3A_877, %ne3A_880 : i1
      %sub3A_882 = arith.constant 1 : i32
      %sub3A_883 = arith.subi %div3A_862, %sub3A_882 : i32
      %select_n3A_884 = arith.select %and3A_881, %sub3A_883, %div3A_862 : i32
      %mul3A_885 = arith.constant 25 : i32
      %mul3A_886 = arith.muli %select_n3A_884, %mul3A_885 : i32
      %sub3A_887 = arith.subi %add3A_860, %mul3A_886 : i32
      %rem3A_888 = arith.constant 2 : i32
      %rem3A_889 = arith.remsi %select_n3A_884, %rem3A_888 : i32
      %eq3A_890 = arith.constant 4 : i32
      %eq3A_891 = arith.cmpi eq, %sub3A_887, %eq3A_890 : i32
      %add3A_892 = arith.constant 1 : i32
      %add3A_893 = arith.addi %select_n3A_884, %add3A_892 : i32
      %lt3A_894 = arith.constant 10 : i32
      %lt3A_895 = arith.cmpi slt, %add3A_893, %lt3A_894 : i32
      %and3A_896 = arith.andi %eq3A_891, %lt3A_895 : i1
      %convert_element_type3A_897 = arith.extui %and3A_896 : i1 to i32
      %cond3A_898 = arith.constant 0 : i32
      %cond3A_899 = arith.cmpi ne, %convert_element_type3A_897, %cond3A_898 : i32
      scf.if %cond3A_899 {
        %add3A_924 = arith.constant 1 : i32
        %add3A_925 = arith.addi %select_n3A_884, %add3A_924 : i32
        %sub3A_926 = arith.constant 1 : i32
        %sub3A_927 = arith.subi %sub3A_926, %rem3A_889 : i32
        %dma_start3A_928 = arith.constant 0 : i32
        %dma_start3A_929 = arith.constant 0 : i32
        %dma_start3A_930 = tpu.memref_slice %arg7[%sub3A_927, %dma_start3A_928, %dma_start3A_929] : memref<2x25x40xi32, #tpu.memory_space<vmem>> -> memref<1x25x40xi32, #tpu.memory_space<vmem>>
        %dma_start3A_931 = tpu.memref_squeeze %dma_start3A_930 : memref<1x25x40xi32, #tpu.memory_space<vmem>> -> memref<25x40xi32, #tpu.memory_space<vmem>>
        %dma_start3A_932 = arith.constant 0 : i32
        %dma_start3A_933 = arith.constant 0 : i32
        %dma_start3A_934 = tpu.memref_slice %arg4[%add3A, %add3A_925, %dma_start3A_932, %dma_start3A_933] : memref<32x10x25x40xi32, #tpu.memory_space<hbm>> -> memref<1x1x25x40xi32, #tpu.memory_space<hbm>>
        %dma_start3A_935 = tpu.memref_squeeze %dma_start3A_934 : memref<1x1x25x40xi32, #tpu.memory_space<hbm>> -> memref<25x40xi32, #tpu.memory_space<hbm>>
        %dma_start3A_936 = arith.constant 0 : i32
        %dma_start3A_937 = arith.constant 0 : i32
        %dma_start3A_938 = tpu.memref_slice %arg7[%sub3A_927, %dma_start3A_936, %dma_start3A_937] : memref<2x25x40xi32, #tpu.memory_space<vmem>> -> memref<1x25x40xi32, #tpu.memory_space<vmem>>
        %dma_start3A_939 = tpu.memref_squeeze %dma_start3A_938 : memref<1x25x40xi32, #tpu.memory_space<vmem>> -> memref<25x40xi32, #tpu.memory_space<vmem>>
        %dma_start3A_940 = arith.constant 0 : i32
        %dma_start3A_941 = arith.constant 0 : i32
        %dma_start3A_942 = tpu.memref_slice %arg4[%add3A, %add3A_925, %dma_start3A_940, %dma_start3A_941] : memref<32x10x25x40xi32, #tpu.memory_space<hbm>> -> memref<1x1x25x40xi32, #tpu.memory_space<hbm>>
        %dma_start3A_943 = tpu.memref_squeeze %dma_start3A_942 : memref<1x1x25x40xi32, #tpu.memory_space<hbm>> -> memref<25x40xi32, #tpu.memory_space<hbm>>
        tpu.enqueue_dma source(%dma_start3A_943 : memref<25x40xi32, #tpu.memory_space<hbm>>) target(%dma_start3A_939 : memref<25x40xi32, #tpu.memory_space<vmem>>) target_semaphore(%arg24 : memref<!tpu.dma_semaphore, #tpu.memory_space<semaphore_mem>>)
      } else {
      }
      %mul3A_900 = arith.constant 40 : i32
      %mul3A_901 = arith.muli %add3A_860, %mul3A_900 : i32
      %dma_wait3A_902 = tpu.memref_slice %arg6[%mul3A_901] : memref<10000xi32, #tpu.memory_space<vmem>> -> memref<40xi32, #tpu.memory_space<vmem>>
      %dma_wait3A_903 = arith.constant 0 : i32
      %dma_wait3A_904 = arith.constant 0 : i32
      %dma_wait3A_905 = tpu.memref_slice %arg2[%dma_wait3A_903, %dma_wait3A_904] : memref<10240x128xf32, #tpu.memory_space<hbm>> -> memref<10240x128xf32, #tpu.memory_space<hbm>>
      tpu.wait_indirect_dma semaphore(%arg18 : memref<!tpu.dma_semaphore, #tpu.memory_space<semaphore_mem>>) src(%dma_wait3A_905 : memref<10240x128xf32, #tpu.memory_space<hbm>>) dst(%arg12 : memref<40x128xf32, #tpu.memory_space<vmem>>)
      %dma_start3A_906 = arith.constant 0 : i32
      %dma_start3A_907 = tpu.memref_slice %arg7[%rem3A_889, %sub3A_887, %dma_start3A_906] : memref<2x25x40xi32, #tpu.memory_space<vmem>> -> memref<1x1x40xi32, #tpu.memory_space<vmem>>
      %dma_start3A_908 = tpu.memref_squeeze %dma_start3A_907 : memref<1x1x40xi32, #tpu.memory_space<vmem>> -> memref<40xi32, #tpu.memory_space<vmem>>
      %dma_start3A_909 = arith.constant 0 : i32
      %dma_start3A_910 = arith.constant 0 : i32
      %dma_start3A_911 = tpu.memref_slice %arg13[%dma_start3A_909, %dma_start3A_910] : memref<10240x128xf32, #tpu.memory_space<vmem_shared>> -> memref<10240x128xf32, #tpu.memory_space<vmem_shared>>
      tpu.enqueue_indirect_dma source(%arg12 : memref<40x128xf32, #tpu.memory_space<vmem>>) target(%dma_start3A_911 : memref<10240x128xf32, #tpu.memory_space<vmem_shared>>) offsets(%dma_start3A_908 : memref<40xi32, #tpu.memory_space<vmem>>) semaphore(%arg23 : memref<!tpu.dma_semaphore, #tpu.memory_space<semaphore_mem>>) {add = true}
      %ge3A_912 = arith.constant 1 : i32
      %ge3A_913 = arith.cmpi sge, %add3A_860, %ge3A_912 : i32
      %add3A_914 = arith.constant 5 : i32
      %add3A_915 = arith.addi %add3A_860, %add3A_914 : i32
      %sub3A_916 = arith.constant 1 : i32
      %sub3A_917 = arith.subi %add3A_915, %sub3A_916 : i32
      %lt3A_918 = arith.constant 250 : i32
      %lt3A_919 = arith.cmpi slt, %sub3A_917, %lt3A_918 : i32
      %and3A_920 = arith.andi %ge3A_913, %lt3A_919 : i1
      %convert_element_type3A_921 = arith.extui %and3A_920 : i1 to i32
      %cond3A_922 = arith.constant 0 : i32
      %cond3A_923 = arith.cmpi ne, %convert_element_type3A_921, %cond3A_922 : i32
      scf.if %cond3A_923 {
        %sub3A_924 = arith.constant 1 : i32
        %sub3A_925 = arith.subi %add3A_860, %sub3A_924 : i32
        %jit3A_926 = arith.constant 25 : i32
        %div3A_927 = arith.divsi %sub3A_925, %jit3A_926 : i32
        %sign3A_928 = arith.constant 0 : i32
        %sign3A_929 = arith.cmpi sgt, %sub3A_925, %sign3A_928 : i32
        %sign3A_930 = arith.extui %sign3A_929 : i1 to i32
        %sign3A_931 = arith.constant 0 : i32
        %sign3A_932 = arith.cmpi slt, %sub3A_925, %sign3A_931 : i32
        %sign3A_933 = arith.extui %sign3A_932 : i1 to i32
        %sign3A_934 = arith.subi %sign3A_930, %sign3A_933 : i32
        %sign3A_935 = arith.constant 0 : i32
        %sign3A_936 = arith.cmpi sgt, %jit3A_926, %sign3A_935 : i32
        %sign3A_937 = arith.extui %sign3A_936 : i1 to i32
        %sign3A_938 = arith.constant 0 : i32
        %sign3A_939 = arith.cmpi slt, %jit3A_926, %sign3A_938 : i32
        %sign3A_940 = arith.extui %sign3A_939 : i1 to i32
        %sign3A_941 = arith.subi %sign3A_937, %sign3A_940 : i32
        %ne3A_942 = arith.cmpi ne, %sign3A_934, %sign3A_941 : i32
        %rem3A_943 = arith.remsi %sub3A_925, %jit3A_926 : i32
        %ne3A_944 = arith.constant 0 : i32
        %ne3A_945 = arith.cmpi ne, %rem3A_943, %ne3A_944 : i32
        %and3A_946 = arith.andi %ne3A_942, %ne3A_945 : i1
        %sub3A_947 = arith.constant 1 : i32
        %sub3A_948 = arith.subi %div3A_927, %sub3A_947 : i32
        %select_n3A_949 = arith.select %and3A_946, %sub3A_948, %div3A_927 : i32
        %rem3A_950 = arith.constant 2 : i32
        %rem3A_951 = arith.remsi %select_n3A_949, %rem3A_950 : i32
        %mul3A_952 = arith.constant 25 : i32
        %mul3A_953 = arith.muli %select_n3A_949, %mul3A_952 : i32
        %sub3A_954 = arith.subi %sub3A_925, %mul3A_953 : i32
        %dma_wait3A_955 = arith.constant 0 : i32
        %dma_wait3A_956 = tpu.memref_slice %arg7[%rem3A_951, %sub3A_954, %dma_wait3A_955] : memref<2x25x40xi32, #tpu.memory_space<vmem>> -> memref<1x1x40xi32, #tpu.memory_space<vmem>>
        %dma_wait3A_957 = tpu.memref_squeeze %dma_wait3A_956 : memref<1x1x40xi32, #tpu.memory_space<vmem>> -> memref<40xi32, #tpu.memory_space<vmem>>
        %dma_wait3A_958 = arith.constant 0 : i32
        %dma_wait3A_959 = arith.constant 0 : i32
        %dma_wait3A_960 = tpu.memref_slice %arg13[%dma_wait3A_958, %dma_wait3A_959] : memref<10240x128xf32, #tpu.memory_space<vmem_shared>> -> memref<10240x128xf32, #tpu.memory_space<vmem_shared>>
        tpu.wait_indirect_dma semaphore(%arg22 : memref<!tpu.dma_semaphore, #tpu.memory_space<semaphore_mem>>) src(%arg11 : memref<40x128xf32, #tpu.memory_space<vmem>>) dst(%dma_wait3A_960 : memref<10240x128xf32, #tpu.memory_space<vmem_shared>>)
        %add3A_961 = arith.constant 5 : i32
        %add3A_962 = arith.addi %add3A_860, %add3A_961 : i32
        %sub3A_963 = arith.constant 1 : i32
        %sub3A_964 = arith.subi %add3A_962, %sub3A_963 : i32
        %mul3A_965 = arith.constant 40 : i32
        %mul3A_966 = arith.muli %sub3A_964, %mul3A_965 : i32
        %dma_start3A_967 = tpu.memref_slice %arg6[%mul3A_966] : memref<10000xi32, #tpu.memory_space<vmem>> -> memref<40xi32, #tpu.memory_space<vmem>>
        %dma_start3A_968 = arith.constant 0 : i32
        %dma_start3A_969 = arith.constant 0 : i32
        %dma_start3A_970 = tpu.memref_slice %arg2[%dma_start3A_968, %dma_start3A_969] : memref<10240x128xf32, #tpu.memory_space<hbm>> -> memref<10240x128xf32, #tpu.memory_space<hbm>>
        tpu.enqueue_indirect_dma source(%dma_start3A_970 : memref<10240x128xf32, #tpu.memory_space<hbm>>) target(%arg11 : memref<40x128xf32, #tpu.memory_space<vmem>>) offsets(%dma_start3A_967 : memref<40xi32, #tpu.memory_space<vmem>>) semaphore(%arg17 : memref<!tpu.dma_semaphore, #tpu.memory_space<semaphore_mem>>)
      } else {
      }
    }
    %scan3A_505 = arith.constant 50 : i32
    %dma_wait3A_506 = arith.constant 1 : i32
    %dma_wait3A_507 = arith.constant 20 : i32
    %dma_wait3A_508 = arith.constant 0 : i32
    %dma_wait3A_509 = tpu.memref_slice %arg7[%dma_wait3A_506, %dma_wait3A_507, %dma_wait3A_508] : memref<2x25x40xi32, #tpu.memory_space<vmem>> -> memref<1x1x40xi32, #tpu.memory_space<vmem>>
    %dma_wait3A_510 = tpu.memref_squeeze %dma_wait3A_509 : memref<1x1x40xi32, #tpu.memory_space<vmem>> -> memref<40xi32, #tpu.memory_space<vmem>>
    %dma_wait3A_511 = arith.constant 0 : i32
    %dma_wait3A_512 = arith.constant 0 : i32
    %dma_wait3A_513 = tpu.memref_slice %arg13[%dma_wait3A_511, %dma_wait3A_512] : memref<10240x128xf32, #tpu.memory_space<vmem_shared>> -> memref<10240x128xf32, #tpu.memory_space<vmem_shared>>
    tpu.wait_indirect_dma semaphore(%arg19 : memref<!tpu.dma_semaphore, #tpu.memory_space<semaphore_mem>>) src(%arg8 : memref<40x128xf32, #tpu.memory_space<vmem>>) dst(%dma_wait3A_513 : memref<10240x128xf32, #tpu.memory_space<vmem_shared>>)
    %dma_wait3A_514 = arith.constant 1 : i32
    %dma_wait3A_515 = arith.constant 21 : i32
    %dma_wait3A_516 = arith.constant 0 : i32
    %dma_wait3A_517 = tpu.memref_slice %arg7[%dma_wait3A_514, %dma_wait3A_515, %dma_wait3A_516] : memref<2x25x40xi32, #tpu.memory_space<vmem>> -> memref<1x1x40xi32, #tpu.memory_space<vmem>>
    %dma_wait3A_518 = tpu.memref_squeeze %dma_wait3A_517 : memref<1x1x40xi32, #tpu.memory_space<vmem>> -> memref<40xi32, #tpu.memory_space<vmem>>
    %dma_wait3A_519 = arith.constant 0 : i32
    %dma_wait3A_520 = arith.constant 0 : i32
    %dma_wait3A_521 = tpu.memref_slice %arg13[%dma_wait3A_519, %dma_wait3A_520] : memref<10240x128xf32, #tpu.memory_space<vmem_shared>> -> memref<10240x128xf32, #tpu.memory_space<vmem_shared>>
    tpu.wait_indirect_dma semaphore(%arg20 : memref<!tpu.dma_semaphore, #tpu.memory_space<semaphore_mem>>) src(%arg9 : memref<40x128xf32, #tpu.memory_space<vmem>>) dst(%dma_wait3A_521 : memref<10240x128xf32, #tpu.memory_space<vmem_shared>>)
    %dma_wait3A_522 = arith.constant 1 : i32
    %dma_wait3A_523 = arith.constant 22 : i32
    %dma_wait3A_524 = arith.constant 0 : i32
    %dma_wait3A_525 = tpu.memref_slice %arg7[%dma_wait3A_522, %dma_wait3A_523, %dma_wait3A_524] : memref<2x25x40xi32, #tpu.memory_space<vmem>> -> memref<1x1x40xi32, #tpu.memory_space<vmem>>
    %dma_wait3A_526 = tpu.memref_squeeze %dma_wait3A_525 : memref<1x1x40xi32, #tpu.memory_space<vmem>> -> memref<40xi32, #tpu.memory_space<vmem>>
    %dma_wait3A_527 = arith.constant 0 : i32
    %dma_wait3A_528 = arith.constant 0 : i32
    %dma_wait3A_529 = tpu.memref_slice %arg13[%dma_wait3A_527, %dma_wait3A_528] : memref<10240x128xf32, #tpu.memory_space<vmem_shared>> -> memref<10240x128xf32, #tpu.memory_space<vmem_shared>>
    tpu.wait_indirect_dma semaphore(%arg21 : memref<!tpu.dma_semaphore, #tpu.memory_space<semaphore_mem>>) src(%arg10 : memref<40x128xf32, #tpu.memory_space<vmem>>) dst(%dma_wait3A_529 : memref<10240x128xf32, #tpu.memory_space<vmem_shared>>)
    %dma_wait3A_530 = arith.constant 1 : i32
    %dma_wait3A_531 = arith.constant 23 : i32
    %dma_wait3A_532 = arith.constant 0 : i32
    %dma_wait3A_533 = tpu.memref_slice %arg7[%dma_wait3A_530, %dma_wait3A_531, %dma_wait3A_532] : memref<2x25x40xi32, #tpu.memory_space<vmem>> -> memref<1x1x40xi32, #tpu.memory_space<vmem>>
    %dma_wait3A_534 = tpu.memref_squeeze %dma_wait3A_533 : memref<1x1x40xi32, #tpu.memory_space<vmem>> -> memref<40xi32, #tpu.memory_space<vmem>>
    %dma_wait3A_535 = arith.constant 0 : i32
    %dma_wait3A_536 = arith.constant 0 : i32
    %dma_wait3A_537 = tpu.memref_slice %arg13[%dma_wait3A_535, %dma_wait3A_536] : memref<10240x128xf32, #tpu.memory_space<vmem_shared>> -> memref<10240x128xf32, #tpu.memory_space<vmem_shared>>
    tpu.wait_indirect_dma semaphore(%arg22 : memref<!tpu.dma_semaphore, #tpu.memory_space<semaphore_mem>>) src(%arg11 : memref<40x128xf32, #tpu.memory_space<vmem>>) dst(%dma_wait3A_537 : memref<10240x128xf32, #tpu.memory_space<vmem_shared>>)
    %dma_wait3A_538 = arith.constant 1 : i32
    %dma_wait3A_539 = arith.constant 24 : i32
    %dma_wait3A_540 = arith.constant 0 : i32
    %dma_wait3A_541 = tpu.memref_slice %arg7[%dma_wait3A_538, %dma_wait3A_539, %dma_wait3A_540] : memref<2x25x40xi32, #tpu.memory_space<vmem>> -> memref<1x1x40xi32, #tpu.memory_space<vmem>>
    %dma_wait3A_542 = tpu.memref_squeeze %dma_wait3A_541 : memref<1x1x40xi32, #tpu.memory_space<vmem>> -> memref<40xi32, #tpu.memory_space<vmem>>
    %dma_wait3A_543 = arith.constant 0 : i32
    %dma_wait3A_544 = arith.constant 0 : i32
    %dma_wait3A_545 = tpu.memref_slice %arg13[%dma_wait3A_543, %dma_wait3A_544] : memref<10240x128xf32, #tpu.memory_space<vmem_shared>> -> memref<10240x128xf32, #tpu.memory_space<vmem_shared>>
    tpu.wait_indirect_dma semaphore(%arg23 : memref<!tpu.dma_semaphore, #tpu.memory_space<semaphore_mem>>) src(%arg12 : memref<40x128xf32, #tpu.memory_space<vmem>>) dst(%dma_wait3A_545 : memref<10240x128xf32, #tpu.memory_space<vmem_shared>>)
    %barrier3A_546 = arith.constant 0 : index
    tpu.barrier barrier_id(%barrier3A_546)
    %mul3A_547 = arith.constant 640 : i32
    %mul3A_548 = arith.muli %arg1, %mul3A_547 : i32
    %add3A_549 = arith.constant 0 : i32
    %add3A_550 = arith.addi %mul3A_548, %add3A_549 : i32
    %dma_start3A_551 = arith.constant 0 : i32
    %dma_start3A_552 = tpu.memref_slice %arg5[%arg0, %add3A_550, %dma_start3A_551] : memref<2x10240x128xf32, #tpu.memory_space<hbm>> -> memref<1x128x128xf32, #tpu.memory_space<hbm>>
    %dma_start3A_553 = tpu.memref_squeeze %dma_start3A_552 : memref<1x128x128xf32, #tpu.memory_space<hbm>> -> memref<128x128xf32, #tpu.memory_space<hbm>>
    %dma_start3A_554 = arith.constant 0 : i32
    %dma_start3A_555 = tpu.memref_slice %arg13[%add3A_550, %dma_start3A_554] : memref<10240x128xf32, #tpu.memory_space<vmem_shared>> -> memref<128x128xf32, #tpu.memory_space<vmem_shared>>
    tpu.enqueue_dma source(%dma_start3A_555 : memref<128x128xf32, #tpu.memory_space<vmem_shared>>) target(%dma_start3A_553 : memref<128x128xf32, #tpu.memory_space<hbm>>) target_semaphore(%arg19 : memref<!tpu.dma_semaphore, #tpu.memory_space<semaphore_mem>>)
    %mul3A_556 = arith.constant 640 : i32
    %mul3A_557 = arith.muli %arg1, %mul3A_556 : i32
    %add3A_558 = arith.constant 128 : i32
    %add3A_559 = arith.addi %mul3A_557, %add3A_558 : i32
    %dma_start3A_560 = arith.constant 0 : i32
    %dma_start3A_561 = tpu.memref_slice %arg5[%arg0, %add3A_559, %dma_start3A_560] : memref<2x10240x128xf32, #tpu.memory_space<hbm>> -> memref<1x128x128xf32, #tpu.memory_space<hbm>>
    %dma_start3A_562 = tpu.memref_squeeze %dma_start3A_561 : memref<1x128x128xf32, #tpu.memory_space<hbm>> -> memref<128x128xf32, #tpu.memory_space<hbm>>
    %dma_start3A_563 = arith.constant 0 : i32
    %dma_start3A_564 = tpu.memref_slice %arg13[%add3A_559, %dma_start3A_563] : memref<10240x128xf32, #tpu.memory_space<vmem_shared>> -> memref<128x128xf32, #tpu.memory_space<vmem_shared>>
    tpu.enqueue_dma source(%dma_start3A_564 : memref<128x128xf32, #tpu.memory_space<vmem_shared>>) target(%dma_start3A_562 : memref<128x128xf32, #tpu.memory_space<hbm>>) target_semaphore(%arg19 : memref<!tpu.dma_semaphore, #tpu.memory_space<semaphore_mem>>)
    %mul3A_565 = arith.constant 640 : i32
    %mul3A_566 = arith.muli %arg1, %mul3A_565 : i32
    %add3A_567 = arith.constant 256 : i32
    %add3A_568 = arith.addi %mul3A_566, %add3A_567 : i32
    %dma_start3A_569 = arith.constant 0 : i32
    %dma_start3A_570 = tpu.memref_slice %arg5[%arg0, %add3A_568, %dma_start3A_569] : memref<2x10240x128xf32, #tpu.memory_space<hbm>> -> memref<1x128x128xf32, #tpu.memory_space<hbm>>
    %dma_start3A_571 = tpu.memref_squeeze %dma_start3A_570 : memref<1x128x128xf32, #tpu.memory_space<hbm>> -> memref<128x128xf32, #tpu.memory_space<hbm>>
    %dma_start3A_572 = arith.constant 0 : i32
    %dma_start3A_573 = tpu.memref_slice %arg13[%add3A_568, %dma_start3A_572] : memref<10240x128xf32, #tpu.memory_space<vmem_shared>> -> memref<128x128xf32, #tpu.memory_space<vmem_shared>>
    tpu.enqueue_dma source(%dma_start3A_573 : memref<128x128xf32, #tpu.memory_space<vmem_shared>>) target(%dma_start3A_571 : memref<128x128xf32, #tpu.memory_space<hbm>>) target_semaphore(%arg19 : memref<!tpu.dma_semaphore, #tpu.memory_space<semaphore_mem>>)
    %mul3A_574 = arith.constant 640 : i32
    %mul3A_575 = arith.muli %arg1, %mul3A_574 : i32
    %add3A_576 = arith.constant 384 : i32
    %add3A_577 = arith.addi %mul3A_575, %add3A_576 : i32
    %dma_start3A_578 = arith.constant 0 : i32
    %dma_start3A_579 = tpu.memref_slice %arg5[%arg0, %add3A_577, %dma_start3A_578] : memref<2x10240x128xf32, #tpu.memory_space<hbm>> -> memref<1x128x128xf32, #tpu.memory_space<hbm>>
    %dma_start3A_580 = tpu.memref_squeeze %dma_start3A_579 : memref<1x128x128xf32, #tpu.memory_space<hbm>> -> memref<128x128xf32, #tpu.memory_space<hbm>>
    %dma_start3A_581 = arith.constant 0 : i32
    %dma_start3A_582 = tpu.memref_slice %arg13[%add3A_577, %dma_start3A_581] : memref<10240x128xf32, #tpu.memory_space<vmem_shared>> -> memref<128x128xf32, #tpu.memory_space<vmem_shared>>
    tpu.enqueue_dma source(%dma_start3A_582 : memref<128x128xf32, #tpu.memory_space<vmem_shared>>) target(%dma_start3A_580 : memref<128x128xf32, #tpu.memory_space<hbm>>) target_semaphore(%arg19 : memref<!tpu.dma_semaphore, #tpu.memory_space<semaphore_mem>>)
    %mul3A_583 = arith.constant 640 : i32
    %mul3A_584 = arith.muli %arg1, %mul3A_583 : i32
    %add3A_585 = arith.constant 512 : i32
    %add3A_586 = arith.addi %mul3A_584, %add3A_585 : i32
    %dma_start3A_587 = arith.constant 0 : i32
    %dma_start3A_588 = tpu.memref_slice %arg5[%arg0, %add3A_586, %dma_start3A_587] : memref<2x10240x128xf32, #tpu.memory_space<hbm>> -> memref<1x128x128xf32, #tpu.memory_space<hbm>>
    %dma_start3A_589 = tpu.memref_squeeze %dma_start3A_588 : memref<1x128x128xf32, #tpu.memory_space<hbm>> -> memref<128x128xf32, #tpu.memory_space<hbm>>
    %dma_start3A_590 = arith.constant 0 : i32
    %dma_start3A_591 = tpu.memref_slice %arg13[%add3A_586, %dma_start3A_590] : memref<10240x128xf32, #tpu.memory_space<vmem_shared>> -> memref<128x128xf32, #tpu.memory_space<vmem_shared>>
    tpu.enqueue_dma source(%dma_start3A_591 : memref<128x128xf32, #tpu.memory_space<vmem_shared>>) target(%dma_start3A_589 : memref<128x128xf32, #tpu.memory_space<hbm>>) target_semaphore(%arg19 : memref<!tpu.dma_semaphore, #tpu.memory_space<semaphore_mem>>)
    %mul3A_592 = arith.constant 640 : i32
    %mul3A_593 = arith.muli %arg1, %mul3A_592 : i32
    %add3A_594 = arith.constant 0 : i32
    %add3A_595 = arith.addi %mul3A_593, %add3A_594 : i32
    %dma_wait3A_596 = arith.constant 0 : i32
    %dma_wait3A_597 = tpu.memref_slice %arg5[%arg0, %add3A_595, %dma_wait3A_596] : memref<2x10240x128xf32, #tpu.memory_space<hbm>> -> memref<1x128x128xf32, #tpu.memory_space<hbm>>
    %dma_wait3A_598 = tpu.memref_squeeze %dma_wait3A_597 : memref<1x128x128xf32, #tpu.memory_space<hbm>> -> memref<128x128xf32, #tpu.memory_space<hbm>>
    %dma_wait3A_599 = arith.constant 0 : i32
    %dma_wait3A_600 = tpu.memref_slice %arg13[%add3A_595, %dma_wait3A_599] : memref<10240x128xf32, #tpu.memory_space<vmem_shared>> -> memref<128x128xf32, #tpu.memory_space<vmem_shared>>
    tpu.wait_dma2 semaphore(%arg19 : memref<!tpu.dma_semaphore, #tpu.memory_space<semaphore_mem>>) src(%dma_wait3A_600 : memref<128x128xf32, #tpu.memory_space<vmem_shared>>) dst(%dma_wait3A_598 : memref<128x128xf32, #tpu.memory_space<hbm>>)
    %mul3A_601 = arith.constant 640 : i32
    %mul3A_602 = arith.muli %arg1, %mul3A_601 : i32
    %add3A_603 = arith.constant 128 : i32
    %add3A_604 = arith.addi %mul3A_602, %add3A_603 : i32
    %dma_wait3A_605 = arith.constant 0 : i32
    %dma_wait3A_606 = tpu.memref_slice %arg5[%arg0, %add3A_604, %dma_wait3A_605] : memref<2x10240x128xf32, #tpu.memory_space<hbm>> -> memref<1x128x128xf32, #tpu.memory_space<hbm>>
    %dma_wait3A_607 = tpu.memref_squeeze %dma_wait3A_606 : memref<1x128x128xf32, #tpu.memory_space<hbm>> -> memref<128x128xf32, #tpu.memory_space<hbm>>
    %dma_wait3A_608 = arith.constant 0 : i32
    %dma_wait3A_609 = tpu.memref_slice %arg13[%add3A_604, %dma_wait3A_608] : memref<10240x128xf32, #tpu.memory_space<vmem_shared>> -> memref<128x128xf32, #tpu.memory_space<vmem_shared>>
    tpu.wait_dma2 semaphore(%arg19 : memref<!tpu.dma_semaphore, #tpu.memory_space<semaphore_mem>>) src(%dma_wait3A_609 : memref<128x128xf32, #tpu.memory_space<vmem_shared>>) dst(%dma_wait3A_607 : memref<128x128xf32, #tpu.memory_space<hbm>>)
    %mul3A_610 = arith.constant 640 : i32
    %mul3A_611 = arith.muli %arg1, %mul3A_610 : i32
    %add3A_612 = arith.constant 256 : i32
    %add3A_613 = arith.addi %mul3A_611, %add3A_612 : i32
    %dma_wait3A_614 = arith.constant 0 : i32
    %dma_wait3A_615 = tpu.memref_slice %arg5[%arg0, %add3A_613, %dma_wait3A_614] : memref<2x10240x128xf32, #tpu.memory_space<hbm>> -> memref<1x128x128xf32, #tpu.memory_space<hbm>>
    %dma_wait3A_616 = tpu.memref_squeeze %dma_wait3A_615 : memref<1x128x128xf32, #tpu.memory_space<hbm>> -> memref<128x128xf32, #tpu.memory_space<hbm>>
    %dma_wait3A_617 = arith.constant 0 : i32
    %dma_wait3A_618 = tpu.memref_slice %arg13[%add3A_613, %dma_wait3A_617] : memref<10240x128xf32, #tpu.memory_space<vmem_shared>> -> memref<128x128xf32, #tpu.memory_space<vmem_shared>>
    tpu.wait_dma2 semaphore(%arg19 : memref<!tpu.dma_semaphore, #tpu.memory_space<semaphore_mem>>) src(%dma_wait3A_618 : memref<128x128xf32, #tpu.memory_space<vmem_shared>>) dst(%dma_wait3A_616 : memref<128x128xf32, #tpu.memory_space<hbm>>)
    %mul3A_619 = arith.constant 640 : i32
    %mul3A_620 = arith.muli %arg1, %mul3A_619 : i32
    %add3A_621 = arith.constant 384 : i32
    %add3A_622 = arith.addi %mul3A_620, %add3A_621 : i32
    %dma_wait3A_623 = arith.constant 0 : i32
    %dma_wait3A_624 = tpu.memref_slice %arg5[%arg0, %add3A_622, %dma_wait3A_623] : memref<2x10240x128xf32, #tpu.memory_space<hbm>> -> memref<1x128x128xf32, #tpu.memory_space<hbm>>
    %dma_wait3A_625 = tpu.memref_squeeze %dma_wait3A_624 : memref<1x128x128xf32, #tpu.memory_space<hbm>> -> memref<128x128xf32, #tpu.memory_space<hbm>>
    %dma_wait3A_626 = arith.constant 0 : i32
    %dma_wait3A_627 = tpu.memref_slice %arg13[%add3A_622, %dma_wait3A_626] : memref<10240x128xf32, #tpu.memory_space<vmem_shared>> -> memref<128x128xf32, #tpu.memory_space<vmem_shared>>
    tpu.wait_dma2 semaphore(%arg19 : memref<!tpu.dma_semaphore, #tpu.memory_space<semaphore_mem>>) src(%dma_wait3A_627 : memref<128x128xf32, #tpu.memory_space<vmem_shared>>) dst(%dma_wait3A_625 : memref<128x128xf32, #tpu.memory_space<hbm>>)
    %mul3A_628 = arith.constant 640 : i32
    %mul3A_629 = arith.muli %arg1, %mul3A_628 : i32
    %add3A_630 = arith.constant 512 : i32
    %add3A_631 = arith.addi %mul3A_629, %add3A_630 : i32
    %dma_wait3A_632 = arith.constant 0 : i32
    %dma_wait3A_633 = tpu.memref_slice %arg5[%arg0, %add3A_631, %dma_wait3A_632] : memref<2x10240x128xf32, #tpu.memory_space<hbm>> -> memref<1x128x128xf32, #tpu.memory_space<hbm>>
    %dma_wait3A_634 = tpu.memref_squeeze %dma_wait3A_633 : memref<1x128x128xf32, #tpu.memory_space<hbm>> -> memref<128x128xf32, #tpu.memory_space<hbm>>
    %dma_wait3A_635 = arith.constant 0 : i32
    %dma_wait3A_636 = tpu.memref_slice %arg13[%add3A_631, %dma_wait3A_635] : memref<10240x128xf32, #tpu.memory_space<vmem_shared>> -> memref<128x128xf32, #tpu.memory_space<vmem_shared>>
    tpu.wait_dma2 semaphore(%arg19 : memref<!tpu.dma_semaphore, #tpu.memory_space<semaphore_mem>>) src(%dma_wait3A_636 : memref<128x128xf32, #tpu.memory_space<vmem_shared>>) dst(%dma_wait3A_634 : memref<128x128xf32, #tpu.memory_space<hbm>>)
    return
  }
}

#map = affine_map<(d0, d1) -> (0, 0)>
#map1 = affine_map<(d0, d1) -> (0)>
#map2 = affine_map<(d0, d1) -> (0, 0, 0, 0)>
#map3 = affine_map<(d0, d1) -> (0, 0, 0)>
module attributes {stable_mosaic.version = 14 : i64} {
  func.func @body(%arg0: i32, %arg1: i32, %arg2: memref<10240x128xf32, #tpu.memory_space<hbm>>, %arg3: memref<320000xi32, #tpu.memory_space<hbm>>, %arg4: memref<32x10x25x40xi32, #tpu.memory_space<hbm>>, %arg5: memref<2x10240x128xf32, #tpu.memory_space<hbm>>, %arg6: memref<10000xi32, #tpu.memory_space<vmem>>, %arg7: memref<2x25x40xi32, #tpu.memory_space<vmem>>, %arg8: memref<40x128xf32, #tpu.memory_space<vmem>>, %arg9: memref<40x128xf32, #tpu.memory_space<vmem>>, %arg10: memref<40x128xf32, #tpu.memory_space<vmem>>, %arg11: memref<40x128xf32, #tpu.memory_space<vmem>>, %arg12: memref<40x128xf32, #tpu.memory_space<vmem>>, %arg13: memref<10240x128xf32, #tpu.memory_space<vmem_shared>>, %arg14: memref<!tpu.dma_semaphore, #tpu.memory_space<semaphore_mem>>, %arg15: memref<!tpu.dma_semaphore, #tpu.memory_space<semaphore_mem>>, %arg16: memref<!tpu.dma_semaphore, #tpu.memory_space<semaphore_mem>>, %arg17: memref<!tpu.dma_semaphore, #tpu.memory_space<semaphore_mem>>, %arg18: memref<!tpu.dma_semaphore, #tpu.memory_space<semaphore_mem>>, %arg19: memref<!tpu.dma_semaphore, #tpu.memory_space<semaphore_mem>>, %arg20: memref<!tpu.dma_semaphore, #tpu.memory_space<semaphore_mem>>, %arg21: memref<!tpu.dma_semaphore, #tpu.memory_space<semaphore_mem>>, %arg22: memref<!tpu.dma_semaphore, #tpu.memory_space<semaphore_mem>>, %arg23: memref<!tpu.dma_semaphore, #tpu.memory_space<semaphore_mem>>, %arg24: memref<!tpu.dma_semaphore, #tpu.memory_space<semaphore_mem>>) attributes {dimension_semantics = [#tpu.dimension_semantics<core_parallel>, #tpu.dimension_semantics<subcore_parallel>], iteration_bounds = array<i64: 2, 16>, scalar_prefetch = 0 : i64, scratch_operands = 19 : i64, tpu.core_type = #tpu.core_type<sc_vector_subcore>, window_params = [{transform_indices = #map}, {transform_indices = #map1}, {transform_indices = #map2}, {transform_indices = #map3}]} {
    %mul3A = arith.constant 2 : i32
    %mul3A_0 = arith.muli %arg1, %mul3A : i32
    %add3A = arith.addi %mul3A_0, %arg0 : i32
    %mul3A_1 = arith.constant 10000 : i32
    %mul3A_2 = arith.muli %add3A, %mul3A_1 : i32
    %dma_start3A = tpu.memref_slice %arg3[%mul3A_2] : memref<320000xi32, #tpu.memory_space<hbm>> -> memref<10000xi32, #tpu.memory_space<hbm>>
    %dma_start3A_3 = tpu.memref_slice %arg3[%mul3A_2] : memref<320000xi32, #tpu.memory_space<hbm>> -> memref<10000xi32, #tpu.memory_space<hbm>>
    tpu.enqueue_dma source(%dma_start3A_3 : memref<10000xi32, #tpu.memory_space<hbm>>) target(%arg6 : memref<10000xi32, #tpu.memory_space<vmem>>) target_semaphore(%arg14 : memref<!tpu.dma_semaphore, #tpu.memory_space<semaphore_mem>>)
    %run_scoped3A = arith.constant 0 : i32
    %run_scoped3A_4 = arith.constant 0 : i32
    "tpu.region"() ({
      %run_scoped3A_637 = tpu.sem_alloc : memref<!tpu.dma_semaphore, #tpu.memory_space<semaphore_mem>>
      %dma_start3A_638 = arith.constant 0 : i32
      %dma_start3A_639 = arith.constant 0 : i32
      %dma_start3A_640 = tpu.memref_slice %arg7[%run_scoped3A_4, %dma_start3A_638, %dma_start3A_639] : memref<2x25x40xi32, #tpu.memory_space<vmem>> -> memref<1x25x40xi32, #tpu.memory_space<vmem>>
      %dma_start3A_641 = tpu.memref_squeeze %dma_start3A_640 : memref<1x25x40xi32, #tpu.memory_space<vmem>> -> memref<25x40xi32, #tpu.memory_space<vmem>>
      %dma_start3A_642 = arith.constant 0 : i32
      %dma_start3A_643 = arith.constant 0 : i32
      %dma_start3A_644 = tpu.memref_slice %arg4[%add3A, %run_scoped3A, %dma_start3A_642, %dma_start3A_643] : memref<32x10x25x40xi32, #tpu.memory_space<hbm>> -> memref<1x1x25x40xi32, #tpu.memory_space<hbm>>
      %dma_start3A_645 = tpu.memref_squeeze %dma_start3A_644 : memref<1x1x25x40xi32, #tpu.memory_space<hbm>> -> memref<25x40xi32, #tpu.memory_space<hbm>>
      %dma_start3A_646 = arith.constant 0 : i32
      %dma_start3A_647 = arith.constant 0 : i32
      %dma_start3A_648 = tpu.memref_slice %arg7[%run_scoped3A_4, %dma_start3A_646, %dma_start3A_647] : memref<2x25x40xi32, #tpu.memory_space<vmem>> -> memref<1x25x40xi32, #tpu.memory_space<vmem>>
      %dma_start3A_649 = tpu.memref_squeeze %dma_start3A_648 : memref<1x25x40xi32, #tpu.memory_space<vmem>> -> memref<25x40xi32, #tpu.memory_space<vmem>>
      %dma_start3A_650 = arith.constant 0 : i32
      %dma_start3A_651 = arith.constant 0 : i32
      %dma_start3A_652 = tpu.memref_slice %arg4[%add3A, %run_scoped3A, %dma_start3A_650, %dma_start3A_651] : memref<32x10x25x40xi32, #tpu.memory_space<hbm>> -> memref<1x1x25x40xi32, #tpu.memory_space<hbm>>
      %dma_start3A_653 = tpu.memref_squeeze %dma_start3A_652 : memref<1x1x25x40xi32, #tpu.memory_space<hbm>> -> memref<25x40xi32, #tpu.memory_space<hbm>>
      tpu.enqueue_dma source(%dma_start3A_653 : memref<25x40xi32, #tpu.memory_space<hbm>>) target(%dma_start3A_649 : memref<25x40xi32, #tpu.memory_space<vmem>>) target_semaphore(%run_scoped3A_637 : memref<!tpu.dma_semaphore, #tpu.memory_space<semaphore_mem>>)
      %dma_wait3A_654 = arith.constant 0 : i32
      %dma_wait3A_655 = arith.constant 0 : i32
      %dma_wait3A_656 = tpu.memref_slice %arg7[%run_scoped3A_4, %dma_wait3A_654, %dma_wait3A_655] : memref<2x25x40xi32, #tpu.memory_space<vmem>> -> memref<1x25x40xi32, #tpu.memory_space<vmem>>
      %dma_wait3A_657 = tpu.memref_squeeze %dma_wait3A_656 : memref<1x25x40xi32, #tpu.memory_space<vmem>> -> memref<25x40xi32, #tpu.memory_space<vmem>>
      %dma_wait3A_658 = arith.constant 0 : i32
      %dma_wait3A_659 = arith.constant 0 : i32
      %dma_wait3A_660 = tpu.memref_slice %arg4[%add3A, %run_scoped3A, %dma_wait3A_658, %dma_wait3A_659] : memref<32x10x25x40xi32, #tpu.memory_space<hbm>> -> memref<1x1x25x40xi32, #tpu.memory_space<hbm>>
      %dma_wait3A_661 = tpu.memref_squeeze %dma_wait3A_660 : memref<1x1x25x40xi32, #tpu.memory_space<hbm>> -> memref<25x40xi32, #tpu.memory_space<hbm>>
      %dma_wait3A_662 = arith.constant 0 : i32
      %dma_wait3A_663 = arith.constant 0 : i32
      %dma_wait3A_664 = tpu.memref_slice %arg7[%run_scoped3A_4, %dma_wait3A_662, %dma_wait3A_663] : memref<2x25x40xi32, #tpu.memory_space<vmem>> -> memref<1x25x40xi32, #tpu.memory_space<vmem>>
      %dma_wait3A_665 = tpu.memref_squeeze %dma_wait3A_664 : memref<1x25x40xi32, #tpu.memory_space<vmem>> -> memref<25x40xi32, #tpu.memory_space<vmem>>
      %dma_wait3A_666 = arith.constant 0 : i32
      %dma_wait3A_667 = arith.constant 0 : i32
      %dma_wait3A_668 = tpu.memref_slice %arg4[%add3A, %run_scoped3A, %dma_wait3A_666, %dma_wait3A_667] : memref<32x10x25x40xi32, #tpu.memory_space<hbm>> -> memref<1x1x25x40xi32, #tpu.memory_space<hbm>>
      %dma_wait3A_669 = tpu.memref_squeeze %dma_wait3A_668 : memref<1x1x25x40xi32, #tpu.memory_space<hbm>> -> memref<25x40xi32, #tpu.memory_space<hbm>>
      tpu.wait_dma2 semaphore(%run_scoped3A_637 : memref<!tpu.dma_semaphore, #tpu.memory_space<semaphore_mem>>) src(%dma_wait3A_669 : memref<25x40xi32, #tpu.memory_space<hbm>>) dst(%dma_wait3A_665 : memref<25x40xi32, #tpu.memory_space<vmem>>)
      tpu.yield
    }) : () -> ()
    %dma_start3A_5 = arith.constant 1 : i32
    %dma_start3A_6 = arith.constant 1 : i32
    %dma_start3A_7 = arith.constant 0 : i32
    %dma_start3A_8 = arith.constant 0 : i32
    %dma_start3A_9 = tpu.memref_slice %arg7[%dma_start3A_6, %dma_start3A_7, %dma_start3A_8] : memref<2x25x40xi32, #tpu.memory_space<vmem>> -> memref<1x25x40xi32, #tpu.memory_space<vmem>>
    %dma_start3A_10 = tpu.memref_squeeze %dma_start3A_9 : memref<1x25x40xi32, #tpu.memory_space<vmem>> -> memref<25x40xi32, #tpu.memory_space<vmem>>
    %dma_start3A_11 = arith.constant 0 : i32
    %dma_start3A_12 = arith.constant 0 : i32
    %dma_start3A_13 = tpu.memref_slice %arg4[%add3A, %dma_start3A_5, %dma_start3A_11, %dma_start3A_12] : memref<32x10x25x40xi32, #tpu.memory_space<hbm>> -> memref<1x1x25x40xi32, #tpu.memory_space<hbm>>
    %dma_start3A_14 = tpu.memref_squeeze %dma_start3A_13 : memref<1x1x25x40xi32, #tpu.memory_space<hbm>> -> memref<25x40xi32, #tpu.memory_space<hbm>>
    %dma_start3A_15 = arith.constant 0 : i32
    %dma_start3A_16 = arith.constant 0 : i32
    %dma_start3A_17 = tpu.memref_slice %arg7[%dma_start3A_6, %dma_start3A_15, %dma_start3A_16] : memref<2x25x40xi32, #tpu.memory_space<vmem>> -> memref<1x25x40xi32, #tpu.memory_space<vmem>>
    %dma_start3A_18 = tpu.memref_squeeze %dma_start3A_17 : memref<1x25x40xi32, #tpu.memory_space<vmem>> -> memref<25x40xi32, #tpu.memory_space<vmem>>
    %dma_start3A_19 = arith.constant 0 : i32
    %dma_start3A_20 = arith.constant 0 : i32
    %dma_start3A_21 = tpu.memref_slice %arg4[%add3A, %dma_start3A_5, %dma_start3A_19, %dma_start3A_20] : memref<32x10x25x40xi32, #tpu.memory_space<hbm>> -> memref<1x1x25x40xi32, #tpu.memory_space<hbm>>
    %dma_start3A_22 = tpu.memref_squeeze %dma_start3A_21 : memref<1x1x25x40xi32, #tpu.memory_space<hbm>> -> memref<25x40xi32, #tpu.memory_space<hbm>>
    tpu.enqueue_dma source(%dma_start3A_22 : memref<25x40xi32, #tpu.memory_space<hbm>>) target(%dma_start3A_18 : memref<25x40xi32, #tpu.memory_space<vmem>>) target_semaphore(%arg24 : memref<!tpu.dma_semaphore, #tpu.memory_space<semaphore_mem>>)
    %scan3A = arith.constant 0 : i32
    %scan3A_23 = arith.constant 40 : i32
    %scan3A_24 = arith.addi %scan3A, %scan3A_23 : i32
    %scan3A_25 = arith.constant 1 : i32
    scf.for %scan3A_637 = %scan3A to %scan3A_24 step %scan3A_25  : i32 {
      %mul3A_638 = arith.constant 1 : i32
      %mul3A_639 = arith.muli %scan3A_637, %mul3A_638 : i32
      %add3A_640 = arith.constant 0 : i32
      %add3A_641 = arith.addi %add3A_640, %mul3A_639 : i32
      %broadcast_in_dim3A = arith.constant 0.000000e+00 : f32
      %broadcast_in_dim3A_642 = vector.broadcast %broadcast_in_dim3A : f32 to vector<16xf32>
      %swap3A = arith.index_cast %add3A_641 : i32 to index
      %swap3A_643 = arith.constant 0 : index
      %swap3A_644 = tpu.vector_load %arg8[%swap3A, %swap3A_643] {strides = array<i32>} : memref<40x128xf32, #tpu.memory_space<vmem>>, vector<1x16xf32>,
      %swap3A_645 = vector.shape_cast %swap3A_644 : vector<1x16xf32> to vector<16xf32>
      %swap3A_646 = vector.shape_cast %broadcast_in_dim3A_642 : vector<16xf32> to vector<1x16xf32>
      tpu.vector_store %arg8[%swap3A, %swap3A_643], %swap3A_646 {strides = array<i32>} : memref<40x128xf32, #tpu.memory_space<vmem>>, vector<1x16xf32>,
      %broadcast_in_dim3A_647 = arith.constant 0.000000e+00 : f32
      %broadcast_in_dim3A_648 = vector.broadcast %broadcast_in_dim3A_647 : f32 to vector<16xf32>
      %swap3A_649 = arith.index_cast %add3A_641 : i32 to index
      %swap3A_650 = arith.constant 16 : index
      %swap3A_651 = tpu.vector_load %arg8[%swap3A_649, %swap3A_650] {strides = array<i32>} : memref<40x128xf32, #tpu.memory_space<vmem>>, vector<1x16xf32>,
      %swap3A_652 = vector.shape_cast %swap3A_651 : vector<1x16xf32> to vector<16xf32>
      %swap3A_653 = vector.shape_cast %broadcast_in_dim3A_648 : vector<16xf32> to vector<1x16xf32>
      tpu.vector_store %arg8[%swap3A_649, %swap3A_650], %swap3A_653 {strides = array<i32>} : memref<40x128xf32, #tpu.memory_space<vmem>>, vector<1x16xf32>,
      %broadcast_in_dim3A_654 = arith.constant 0.000000e+00 : f32
      %broadcast_in_dim3A_655 = vector.broadcast %broadcast_in_dim3A_654 : f32 to vector<16xf32>
      %swap3A_656 = arith.index_cast %add3A_641 : i32 to index
      %swap3A_657 = arith.constant 32 : index
      %swap3A_658 = tpu.vector_load %arg8[%swap3A_656, %swap3A_657] {strides = array<i32>} : memref<40x128xf32, #tpu.memory_space<vmem>>, vector<1x16xf32>,
      %swap3A_659 = vector.shape_cast %swap3A_658 : vector<1x16xf32> to vector<16xf32>
      %swap3A_660 = vector.shape_cast %broadcast_in_dim3A_655 : vector<16xf32> to vector<1x16xf32>
      tpu.vector_store %arg8[%swap3A_656, %swap3A_657], %swap3A_660 {strides = array<i32>} : memref<40x128xf32, #tpu.memory_space<vmem>>, vector<1x16xf32>,
      %broadcast_in_dim3A_661 = arith.constant 0.000000e+00 : f32
      %broadcast_in_dim3A_662 = vector.broadcast %broadcast_in_dim3A_661 : f32 to vector<16xf32>
      %swap3A_663 = arith.index_cast %add3A_641 : i32 to index
      %swap3A_664 = arith.constant 48 : index
      %swap3A_665 = tpu.vector_load %arg8[%swap3A_663, %swap3A_664] {strides = array<i32>} : memref<40x128xf32, #tpu.memory_space<vmem>>, vector<1x16xf32>,
      %swap3A_666 = vector.shape_cast %swap3A_665 : vector<1x16xf32> to vector<16xf32>
      %swap3A_667 = vector.shape_cast %broadcast_in_dim3A_662 : vector<16xf32> to vector<1x16xf32>
      tpu.vector_store %arg8[%swap3A_663, %swap3A_664], %swap3A_667 {strides = array<i32>} : memref<40x128xf32, #tpu.memory_space<vmem>>, vector<1x16xf32>,
      %broadcast_in_dim3A_668 = arith.constant 0.000000e+00 : f32
      %broadcast_in_dim3A_669 = vector.broadcast %broadcast_in_dim3A_668 : f32 to vector<16xf32>
      %swap3A_670 = arith.index_cast %add3A_641 : i32 to index
      %swap3A_671 = arith.constant 64 : index
      %swap3A_672 = tpu.vector_load %arg8[%swap3A_670, %swap3A_671] {strides = array<i32>} : memref<40x128xf32, #tpu.memory_space<vmem>>, vector<1x16xf32>,
      %swap3A_673 = vector.shape_cast %swap3A_672 : vector<1x16xf32> to vector<16xf32>
      %swap3A_674 = vector.shape_cast %broadcast_in_dim3A_669 : vector<16xf32> to vector<1x16xf32>
      tpu.vector_store %arg8[%swap3A_670, %swap3A_671], %swap3A_674 {strides = array<i32>} : memref<40x128xf32, #tpu.memory_space<vmem>>, vector<1x16xf32>,
      %broadcast_in_dim3A_675 = arith.constant 0.000000e+00 : f32
      %broadcast_in_dim3A_676 = vector.broadcast %broadcast_in_dim3A_675 : f32 to vector<16xf32>
      %swap3A_677 = arith.index_cast %add3A_641 : i32 to index
      %swap3A_678 = arith.constant 80 : index
      %swap3A_679 = tpu.vector_load %arg8[%swap3A_677, %swap3A_678] {strides = array<i32>} : memref<40x128xf32, #tpu.memory_space<vmem>>, vector<1x16xf32>,
      %swap3A_680 = vector.shape_cast %swap3A_679 : vector<1x16xf32> to vector<16xf32>
      %swap3A_681 = vector.shape_cast %broadcast_in_dim3A_676 : vector<16xf32> to vector<1x16xf32>
      tpu.vector_store %arg8[%swap3A_677, %swap3A_678], %swap3A_681 {strides = array<i32>} : memref<40x128xf32, #tpu.memory_space<vmem>>, vector<1x16xf32>,
      %broadcast_in_dim3A_682 = arith.constant 0.000000e+00 : f32
      %broadcast_in_dim3A_683 = vector.broadcast %broadcast_in_dim3A_682 : f32 to vector<16xf32>
      %swap3A_684 = arith.index_cast %add3A_641 : i32 to index
      %swap3A_685 = arith.constant 96 : index
      %swap3A_686 = tpu.vector_load %arg8[%swap3A_684, %swap3A_685] {strides = array<i32>} : memref<40x128xf32, #tpu.memory_space<vmem>>, vector<1x16xf32>,
      %swap3A_687 = vector.shape_cast %swap3A_686 : vector<1x16xf32> to vector<16xf32>
      %swap3A_688 = vector.shape_cast %broadcast_in_dim3A_683 : vector<16xf32> to vector<1x16xf32>
      tpu.vector_store %arg8[%swap3A_684, %swap3A_685], %swap3A_688 {strides = array<i32>} : memref<40x128xf32, #tpu.memory_space<vmem>>, vector<1x16xf32>,
      %broadcast_in_dim3A_689 = arith.constant 0.000000e+00 : f32
      %broadcast_in_dim3A_690 = vector.broadcast %broadcast_in_dim3A_689 : f32 to vector<16xf32>
      %swap3A_691 = arith.index_cast %add3A_641 : i32 to index
      %swap3A_692 = arith.constant 112 : index
      %swap3A_693 = tpu.vector_load %arg8[%swap3A_691, %swap3A_692] {strides = array<i32>} : memref<40x128xf32, #tpu.memory_space<vmem>>, vector<1x16xf32>,
      %swap3A_694 = vector.shape_cast %swap3A_693 : vector<1x16xf32> to vector<16xf32>
      %swap3A_695 = vector.shape_cast %broadcast_in_dim3A_690 : vector<16xf32> to vector<1x16xf32>
      tpu.vector_store %arg8[%swap3A_691, %swap3A_692], %swap3A_695 {strides = array<i32>} : memref<40x128xf32, #tpu.memory_space<vmem>>, vector<1x16xf32>,
    }
    %scan3A_26 = arith.constant 40 : i32
    %mul3A_27 = arith.constant 640 : i32
    %mul3A_28 = arith.muli %arg1, %mul3A_27 : i32
    %add3A_29 = arith.constant 0 : i32
    %add3A_30 = arith.addi %mul3A_28, %add3A_29 : i32
    %dma_start3A_31 = arith.constant 0 : i32
    %dma_start3A_32 = arith.constant 0 : i32
    %dma_start3A_33 = tpu.memref_slice %arg8[%dma_start3A_31, %dma_start3A_32] : memref<40x128xf32, #tpu.memory_space<vmem>> -> memref<40x128xf32, #tpu.memory_space<vmem>>
    %dma_start3A_34 = arith.constant 0 : i32
    %dma_start3A_35 = tpu.memref_slice %arg13[%add3A_30, %dma_start3A_34] : memref<10240x128xf32, #tpu.memory_space<vmem_shared>> -> memref<40x128xf32, #tpu.memory_space<vmem_shared>>
    %dma_start3A_36 = arith.constant 0 : i32
    %dma_start3A_37 = tpu.memref_slice %arg13[%add3A_30, %dma_start3A_36] : memref<10240x128xf32, #tpu.memory_space<vmem_shared>> -> memref<40x128xf32, #tpu.memory_space<vmem_shared>>
    %dma_start3A_38 = arith.constant 0 : i32
    %dma_start3A_39 = arith.constant 0 : i32
    %dma_start3A_40 = tpu.memref_slice %arg8[%dma_start3A_38, %dma_start3A_39] : memref<40x128xf32, #tpu.memory_space<vmem>> -> memref<40x128xf32, #tpu.memory_space<vmem>>
    tpu.enqueue_dma source(%dma_start3A_40 : memref<40x128xf32, #tpu.memory_space<vmem>>) target(%dma_start3A_37 : memref<40x128xf32, #tpu.memory_space<vmem_shared>>) target_semaphore(%arg19 : memref<!tpu.dma_semaphore, #tpu.memory_space<semaphore_mem>>)
    %mul3A_41 = arith.constant 640 : i32
    %mul3A_42 = arith.muli %arg1, %mul3A_41 : i32
    %add3A_43 = arith.constant 40 : i32
    %add3A_44 = arith.addi %mul3A_42, %add3A_43 : i32
    %dma_start3A_45 = arith.constant 0 : i32
    %dma_start3A_46 = arith.constant 0 : i32
    %dma_start3A_47 = tpu.memref_slice %arg8[%dma_start3A_45, %dma_start3A_46] : memref<40x128xf32, #tpu.memory_space<vmem>> -> memref<40x128xf32, #tpu.memory_space<vmem>>
    %dma_start3A_48 = arith.constant 0 : i32
    %dma_start3A_49 = tpu.memref_slice %arg13[%add3A_44, %dma_start3A_48] : memref<10240x128xf32, #tpu.memory_space<vmem_shared>> -> memref<40x128xf32, #tpu.memory_space<vmem_shared>>
    %dma_start3A_50 = arith.constant 0 : i32
    %dma_start3A_51 = tpu.memref_slice %arg13[%add3A_44, %dma_start3A_50] : memref<10240x128xf32, #tpu.memory_space<vmem_shared>> -> memref<40x128xf32, #tpu.memory_space<vmem_shared>>
    %dma_start3A_52 = arith.constant 0 : i32
    %dma_start3A_53 = arith.constant 0 : i32
    %dma_start3A_54 = tpu.memref_slice %arg8[%dma_start3A_52, %dma_start3A_53] : memref<40x128xf32, #tpu.memory_space<vmem>> -> memref<40x128xf32, #tpu.memory_space<vmem>>
    tpu.enqueue_dma source(%dma_start3A_54 : memref<40x128xf32, #tpu.memory_space<vmem>>) target(%dma_start3A_51 : memref<40x128xf32, #tpu.memory_space<vmem_shared>>) target_semaphore(%arg19 : memref<!tpu.dma_semaphore, #tpu.memory_space<semaphore_mem>>)
    %mul3A_55 = arith.constant 640 : i32
    %mul3A_56 = arith.muli %arg1, %mul3A_55 : i32
    %add3A_57 = arith.constant 80 : i32
    %add3A_58 = arith.addi %mul3A_56, %add3A_57 : i32
    %dma_start3A_59 = arith.constant 0 : i32
    %dma_start3A_60 = arith.constant 0 : i32
    %dma_start3A_61 = tpu.memref_slice %arg8[%dma_start3A_59, %dma_start3A_60] : memref<40x128xf32, #tpu.memory_space<vmem>> -> memref<40x128xf32, #tpu.memory_space<vmem>>
    %dma_start3A_62 = arith.constant 0 : i32
    %dma_start3A_63 = tpu.memref_slice %arg13[%add3A_58, %dma_start3A_62] : memref<10240x128xf32, #tpu.memory_space<vmem_shared>> -> memref<40x128xf32, #tpu.memory_space<vmem_shared>>
    %dma_start3A_64 = arith.constant 0 : i32
    %dma_start3A_65 = tpu.memref_slice %arg13[%add3A_58, %dma_start3A_64] : memref<10240x128xf32, #tpu.memory_space<vmem_shared>> -> memref<40x128xf32, #tpu.memory_space<vmem_shared>>
    %dma_start3A_66 = arith.constant 0 : i32
    %dma_start3A_67 = arith.constant 0 : i32
    %dma_start3A_68 = tpu.memref_slice %arg8[%dma_start3A_66, %dma_start3A_67] : memref<40x128xf32, #tpu.memory_space<vmem>> -> memref<40x128xf32, #tpu.memory_space<vmem>>
    tpu.enqueue_dma source(%dma_start3A_68 : memref<40x128xf32, #tpu.memory_space<vmem>>) target(%dma_start3A_65 : memref<40x128xf32, #tpu.memory_space<vmem_shared>>) target_semaphore(%arg19 : memref<!tpu.dma_semaphore, #tpu.memory_space<semaphore_mem>>)
    %mul3A_69 = arith.constant 640 : i32
    %mul3A_70 = arith.muli %arg1, %mul3A_69 : i32
    %add3A_71 = arith.constant 120 : i32
    %add3A_72 = arith.addi %mul3A_70, %add3A_71 : i32
    %dma_start3A_73 = arith.constant 0 : i32
    %dma_start3A_74 = arith.constant 0 : i32
    %dma_start3A_75 = tpu.memref_slice %arg8[%dma_start3A_73, %dma_start3A_74] : memref<40x128xf32, #tpu.memory_space<vmem>> -> memref<40x128xf32, #tpu.memory_space<vmem>>
    %dma_start3A_76 = arith.constant 0 : i32
    %dma_start3A_77 = tpu.memref_slice %arg13[%add3A_72, %dma_start3A_76] : memref<10240x128xf32, #tpu.memory_space<vmem_shared>> -> memref<40x128xf32, #tpu.memory_space<vmem_shared>>
    %dma_start3A_78 = arith.constant 0 : i32
    %dma_start3A_79 = tpu.memref_slice %arg13[%add3A_72, %dma_start3A_78] : memref<10240x128xf32, #tpu.memory_space<vmem_shared>> -> memref<40x128xf32, #tpu.memory_space<vmem_shared>>
    %dma_start3A_80 = arith.constant 0 : i32
    %dma_start3A_81 = arith.constant 0 : i32
    %dma_start3A_82 = tpu.memref_slice %arg8[%dma_start3A_80, %dma_start3A_81] : memref<40x128xf32, #tpu.memory_space<vmem>> -> memref<40x128xf32, #tpu.memory_space<vmem>>
    tpu.enqueue_dma source(%dma_start3A_82 : memref<40x128xf32, #tpu.memory_space<vmem>>) target(%dma_start3A_79 : memref<40x128xf32, #tpu.memory_space<vmem_shared>>) target_semaphore(%arg19 : memref<!tpu.dma_semaphore, #tpu.memory_space<semaphore_mem>>)
    %mul3A_83 = arith.constant 640 : i32
    %mul3A_84 = arith.muli %arg1, %mul3A_83 : i32
    %add3A_85 = arith.constant 160 : i32
    %add3A_86 = arith.addi %mul3A_84, %add3A_85 : i32
    %dma_start3A_87 = arith.constant 0 : i32
    %dma_start3A_88 = arith.constant 0 : i32
    %dma_start3A_89 = tpu.memref_slice %arg8[%dma_start3A_87, %dma_start3A_88] : memref<40x128xf32, #tpu.memory_space<vmem>> -> memref<40x128xf32, #tpu.memory_space<vmem>>
    %dma_start3A_90 = arith.constant 0 : i32
    %dma_start3A_91 = tpu.memref_slice %arg13[%add3A_86, %dma_start3A_90] : memref<10240x128xf32, #tpu.memory_space<vmem_shared>> -> memref<40x128xf32, #tpu.memory_space<vmem_shared>>
    %dma_start3A_92 = arith.constant 0 : i32
    %dma_start3A_93 = tpu.memref_slice %arg13[%add3A_86, %dma_start3A_92] : memref<10240x128xf32, #tpu.memory_space<vmem_shared>> -> memref<40x128xf32, #tpu.memory_space<vmem_shared>>
    %dma_start3A_94 = arith.constant 0 : i32
    %dma_start3A_95 = arith.constant 0 : i32
    %dma_start3A_96 = tpu.memref_slice %arg8[%dma_start3A_94, %dma_start3A_95] : memref<40x128xf32, #tpu.memory_space<vmem>> -> memref<40x128xf32, #tpu.memory_space<vmem>>
    tpu.enqueue_dma source(%dma_start3A_96 : memref<40x128xf32, #tpu.memory_space<vmem>>) target(%dma_start3A_93 : memref<40x128xf32, #tpu.memory_space<vmem_shared>>) target_semaphore(%arg19 : memref<!tpu.dma_semaphore, #tpu.memory_space<semaphore_mem>>)
    %mul3A_97 = arith.constant 640 : i32
    %mul3A_98 = arith.muli %arg1, %mul3A_97 : i32
    %add3A_99 = arith.constant 200 : i32
    %add3A_100 = arith.addi %mul3A_98, %add3A_99 : i32
    %dma_start3A_101 = arith.constant 0 : i32
    %dma_start3A_102 = arith.constant 0 : i32
    %dma_start3A_103 = tpu.memref_slice %arg8[%dma_start3A_101, %dma_start3A_102] : memref<40x128xf32, #tpu.memory_space<vmem>> -> memref<40x128xf32, #tpu.memory_space<vmem>>
    %dma_start3A_104 = arith.constant 0 : i32
    %dma_start3A_105 = tpu.memref_slice %arg13[%add3A_100, %dma_start3A_104] : memref<10240x128xf32, #tpu.memory_space<vmem_shared>> -> memref<40x128xf32, #tpu.memory_space<vmem_shared>>
    %dma_start3A_106 = arith.constant 0 : i32
    %dma_start3A_107 = tpu.memref_slice %arg13[%add3A_100, %dma_start3A_106] : memref<10240x128xf32, #tpu.memory_space<vmem_shared>> -> memref<40x128xf32, #tpu.memory_space<vmem_shared>>
    %dma_start3A_108 = arith.constant 0 : i32
    %dma_start3A_109 = arith.constant 0 : i32
    %dma_start3A_110 = tpu.memref_slice %arg8[%dma_start3A_108, %dma_start3A_109] : memref<40x128xf32, #tpu.memory_space<vmem>> -> memref<40x128xf32, #tpu.memory_space<vmem>>
    tpu.enqueue_dma source(%dma_start3A_110 : memref<40x128xf32, #tpu.memory_space<vmem>>) target(%dma_start3A_107 : memref<40x128xf32, #tpu.memory_space<vmem_shared>>) target_semaphore(%arg19 : memref<!tpu.dma_semaphore, #tpu.memory_space<semaphore_mem>>)
    %mul3A_111 = arith.constant 640 : i32
    %mul3A_112 = arith.muli %arg1, %mul3A_111 : i32
    %add3A_113 = arith.constant 240 : i32
    %add3A_114 = arith.addi %mul3A_112, %add3A_113 : i32
    %dma_start3A_115 = arith.constant 0 : i32
    %dma_start3A_116 = arith.constant 0 : i32
    %dma_start3A_117 = tpu.memref_slice %arg8[%dma_start3A_115, %dma_start3A_116] : memref<40x128xf32, #tpu.memory_space<vmem>> -> memref<40x128xf32, #tpu.memory_space<vmem>>
    %dma_start3A_118 = arith.constant 0 : i32
    %dma_start3A_119 = tpu.memref_slice %arg13[%add3A_114, %dma_start3A_118] : memref<10240x128xf32, #tpu.memory_space<vmem_shared>> -> memref<40x128xf32, #tpu.memory_space<vmem_shared>>
    %dma_start3A_120 = arith.constant 0 : i32
    %dma_start3A_121 = tpu.memref_slice %arg13[%add3A_114, %dma_start3A_120] : memref<10240x128xf32, #tpu.memory_space<vmem_shared>> -> memref<40x128xf32, #tpu.memory_space<vmem_shared>>
    %dma_start3A_122 = arith.constant 0 : i32
    %dma_start3A_123 = arith.constant 0 : i32
    %dma_start3A_124 = tpu.memref_slice %arg8[%dma_start3A_122, %dma_start3A_123] : memref<40x128xf32, #tpu.memory_space<vmem>> -> memref<40x128xf32, #tpu.memory_space<vmem>>
    tpu.enqueue_dma source(%dma_start3A_124 : memref<40x128xf32, #tpu.memory_space<vmem>>) target(%dma_start3A_121 : memref<40x128xf32, #tpu.memory_space<vmem_shared>>) target_semaphore(%arg19 : memref<!tpu.dma_semaphore, #tpu.memory_space<semaphore_mem>>)
    %mul3A_125 = arith.constant 640 : i32
    %mul3A_126 = arith.muli %arg1, %mul3A_125 : i32
    %add3A_127 = arith.constant 280 : i32
    %add3A_128 = arith.addi %mul3A_126, %add3A_127 : i32
    %dma_start3A_129 = arith.constant 0 : i32
    %dma_start3A_130 = arith.constant 0 : i32
    %dma_start3A_131 = tpu.memref_slice %arg8[%dma_start3A_129, %dma_start3A_130] : memref<40x128xf32, #tpu.memory_space<vmem>> -> memref<40x128xf32, #tpu.memory_space<vmem>>
    %dma_start3A_132 = arith.constant 0 : i32
    %dma_start3A_133 = tpu.memref_slice %arg13[%add3A_128, %dma_start3A_132] : memref<10240x128xf32, #tpu.memory_space<vmem_shared>> -> memref<40x128xf32, #tpu.memory_space<vmem_shared>>
    %dma_start3A_134 = arith.constant 0 : i32
    %dma_start3A_135 = tpu.memref_slice %arg13[%add3A_128, %dma_start3A_134] : memref<10240x128xf32, #tpu.memory_space<vmem_shared>> -> memref<40x128xf32, #tpu.memory_space<vmem_shared>>
    %dma_start3A_136 = arith.constant 0 : i32
    %dma_start3A_137 = arith.constant 0 : i32
    %dma_start3A_138 = tpu.memref_slice %arg8[%dma_start3A_136, %dma_start3A_137] : memref<40x128xf32, #tpu.memory_space<vmem>> -> memref<40x128xf32, #tpu.memory_space<vmem>>
    tpu.enqueue_dma source(%dma_start3A_138 : memref<40x128xf32, #tpu.memory_space<vmem>>) target(%dma_start3A_135 : memref<40x128xf32, #tpu.memory_space<vmem_shared>>) target_semaphore(%arg19 : memref<!tpu.dma_semaphore, #tpu.memory_space<semaphore_mem>>)
    %mul3A_139 = arith.constant 640 : i32
    %mul3A_140 = arith.muli %arg1, %mul3A_139 : i32
    %add3A_141 = arith.constant 320 : i32
    %add3A_142 = arith.addi %mul3A_140, %add3A_141 : i32
    %dma_start3A_143 = arith.constant 0 : i32
    %dma_start3A_144 = arith.constant 0 : i32
    %dma_start3A_145 = tpu.memref_slice %arg8[%dma_start3A_143, %dma_start3A_144] : memref<40x128xf32, #tpu.memory_space<vmem>> -> memref<40x128xf32, #tpu.memory_space<vmem>>
    %dma_start3A_146 = arith.constant 0 : i32
    %dma_start3A_147 = tpu.memref_slice %arg13[%add3A_142, %dma_start3A_146] : memref<10240x128xf32, #tpu.memory_space<vmem_shared>> -> memref<40x128xf32, #tpu.memory_space<vmem_shared>>
    %dma_start3A_148 = arith.constant 0 : i32
    %dma_start3A_149 = tpu.memref_slice %arg13[%add3A_142, %dma_start3A_148] : memref<10240x128xf32, #tpu.memory_space<vmem_shared>> -> memref<40x128xf32, #tpu.memory_space<vmem_shared>>
    %dma_start3A_150 = arith.constant 0 : i32
    %dma_start3A_151 = arith.constant 0 : i32
    %dma_start3A_152 = tpu.memref_slice %arg8[%dma_start3A_150, %dma_start3A_151] : memref<40x128xf32, #tpu.memory_space<vmem>> -> memref<40x128xf32, #tpu.memory_space<vmem>>
    tpu.enqueue_dma source(%dma_start3A_152 : memref<40x128xf32, #tpu.memory_space<vmem>>) target(%dma_start3A_149 : memref<40x128xf32, #tpu.memory_space<vmem_shared>>) target_semaphore(%arg19 : memref<!tpu.dma_semaphore, #tpu.memory_space<semaphore_mem>>)
    %mul3A_153 = arith.constant 640 : i32
    %mul3A_154 = arith.muli %arg1, %mul3A_153 : i32
    %add3A_155 = arith.constant 360 : i32
    %add3A_156 = arith.addi %mul3A_154, %add3A_155 : i32
    %dma_start3A_157 = arith.constant 0 : i32
    %dma_start3A_158 = arith.constant 0 : i32
    %dma_start3A_159 = tpu.memref_slice %arg8[%dma_start3A_157, %dma_start3A_158] : memref<40x128xf32, #tpu.memory_space<vmem>> -> memref<40x128xf32, #tpu.memory_space<vmem>>
    %dma_start3A_160 = arith.constant 0 : i32
    %dma_start3A_161 = tpu.memref_slice %arg13[%add3A_156, %dma_start3A_160] : memref<10240x128xf32, #tpu.memory_space<vmem_shared>> -> memref<40x128xf32, #tpu.memory_space<vmem_shared>>
    %dma_start3A_162 = arith.constant 0 : i32
    %dma_start3A_163 = tpu.memref_slice %arg13[%add3A_156, %dma_start3A_162] : memref<10240x128xf32, #tpu.memory_space<vmem_shared>> -> memref<40x128xf32, #tpu.memory_space<vmem_shared>>
    %dma_start3A_164 = arith.constant 0 : i32
    %dma_start3A_165 = arith.constant 0 : i32
    %dma_start3A_166 = tpu.memref_slice %arg8[%dma_start3A_164, %dma_start3A_165] : memref<40x128xf32, #tpu.memory_space<vmem>> -> memref<40x128xf32, #tpu.memory_space<vmem>>
    tpu.enqueue_dma source(%dma_start3A_166 : memref<40x128xf32, #tpu.memory_space<vmem>>) target(%dma_start3A_163 : memref<40x128xf32, #tpu.memory_space<vmem_shared>>) target_semaphore(%arg19 : memref<!tpu.dma_semaphore, #tpu.memory_space<semaphore_mem>>)
    %mul3A_167 = arith.constant 640 : i32
    %mul3A_168 = arith.muli %arg1, %mul3A_167 : i32
    %add3A_169 = arith.constant 400 : i32
    %add3A_170 = arith.addi %mul3A_168, %add3A_169 : i32
    %dma_start3A_171 = arith.constant 0 : i32
    %dma_start3A_172 = arith.constant 0 : i32
    %dma_start3A_173 = tpu.memref_slice %arg8[%dma_start3A_171, %dma_start3A_172] : memref<40x128xf32, #tpu.memory_space<vmem>> -> memref<40x128xf32, #tpu.memory_space<vmem>>
    %dma_start3A_174 = arith.constant 0 : i32
    %dma_start3A_175 = tpu.memref_slice %arg13[%add3A_170, %dma_start3A_174] : memref<10240x128xf32, #tpu.memory_space<vmem_shared>> -> memref<40x128xf32, #tpu.memory_space<vmem_shared>>
    %dma_start3A_176 = arith.constant 0 : i32
    %dma_start3A_177 = tpu.memref_slice %arg13[%add3A_170, %dma_start3A_176] : memref<10240x128xf32, #tpu.memory_space<vmem_shared>> -> memref<40x128xf32, #tpu.memory_space<vmem_shared>>
    %dma_start3A_178 = arith.constant 0 : i32
    %dma_start3A_179 = arith.constant 0 : i32
    %dma_start3A_180 = tpu.memref_slice %arg8[%dma_start3A_178, %dma_start3A_179] : memref<40x128xf32, #tpu.memory_space<vmem>> -> memref<40x128xf32, #tpu.memory_space<vmem>>
    tpu.enqueue_dma source(%dma_start3A_180 : memref<40x128xf32, #tpu.memory_space<vmem>>) target(%dma_start3A_177 : memref<40x128xf32, #tpu.memory_space<vmem_shared>>) target_semaphore(%arg19 : memref<!tpu.dma_semaphore, #tpu.memory_space<semaphore_mem>>)
    %mul3A_181 = arith.constant 640 : i32
    %mul3A_182 = arith.muli %arg1, %mul3A_181 : i32
    %add3A_183 = arith.constant 440 : i32
    %add3A_184 = arith.addi %mul3A_182, %add3A_183 : i32
    %dma_start3A_185 = arith.constant 0 : i32
    %dma_start3A_186 = arith.constant 0 : i32
    %dma_start3A_187 = tpu.memref_slice %arg8[%dma_start3A_185, %dma_start3A_186] : memref<40x128xf32, #tpu.memory_space<vmem>> -> memref<40x128xf32, #tpu.memory_space<vmem>>
    %dma_start3A_188 = arith.constant 0 : i32
    %dma_start3A_189 = tpu.memref_slice %arg13[%add3A_184, %dma_start3A_188] : memref<10240x128xf32, #tpu.memory_space<vmem_shared>> -> memref<40x128xf32, #tpu.memory_space<vmem_shared>>
    %dma_start3A_190 = arith.constant 0 : i32
    %dma_start3A_191 = tpu.memref_slice %arg13[%add3A_184, %dma_start3A_190] : memref<10240x128xf32, #tpu.memory_space<vmem_shared>> -> memref<40x128xf32, #tpu.memory_space<vmem_shared>>
    %dma_start3A_192 = arith.constant 0 : i32
    %dma_start3A_193 = arith.constant 0 : i32
    %dma_start3A_194 = tpu.memref_slice %arg8[%dma_start3A_192, %dma_start3A_193] : memref<40x128xf32, #tpu.memory_space<vmem>> -> memref<40x128xf32, #tpu.memory_space<vmem>>
    tpu.enqueue_dma source(%dma_start3A_194 : memref<40x128xf32, #tpu.memory_space<vmem>>) target(%dma_start3A_191 : memref<40x128xf32, #tpu.memory_space<vmem_shared>>) target_semaphore(%arg19 : memref<!tpu.dma_semaphore, #tpu.memory_space<semaphore_mem>>)
    %mul3A_195 = arith.constant 640 : i32
    %mul3A_196 = arith.muli %arg1, %mul3A_195 : i32
    %add3A_197 = arith.constant 480 : i32
    %add3A_198 = arith.addi %mul3A_196, %add3A_197 : i32
    %dma_start3A_199 = arith.constant 0 : i32
    %dma_start3A_200 = arith.constant 0 : i32
    %dma_start3A_201 = tpu.memref_slice %arg8[%dma_start3A_199, %dma_start3A_200] : memref<40x128xf32, #tpu.memory_space<vmem>> -> memref<40x128xf32, #tpu.memory_space<vmem>>
    %dma_start3A_202 = arith.constant 0 : i32
    %dma_start3A_203 = tpu.memref_slice %arg13[%add3A_198, %dma_start3A_202] : memref<10240x128xf32, #tpu.memory_space<vmem_shared>> -> memref<40x128xf32, #tpu.memory_space<vmem_shared>>
    %dma_start3A_204 = arith.constant 0 : i32
    %dma_start3A_205 = tpu.memref_slice %arg13[%add3A_198, %dma_start3A_204] : memref<10240x128xf32, #tpu.memory_space<vmem_shared>> -> memref<40x128xf32, #tpu.memory_space<vmem_shared>>
    %dma_start3A_206 = arith.constant 0 : i32
    %dma_start3A_207 = arith.constant 0 : i32
    %dma_start3A_208 = tpu.memref_slice %arg8[%dma_start3A_206, %dma_start3A_207] : memref<40x128xf32, #tpu.memory_space<vmem>> -> memref<40x128xf32, #tpu.memory_space<vmem>>
    tpu.enqueue_dma source(%dma_start3A_208 : memref<40x128xf32, #tpu.memory_space<vmem>>) target(%dma_start3A_205 : memref<40x128xf32, #tpu.memory_space<vmem_shared>>) target_semaphore(%arg19 : memref<!tpu.dma_semaphore, #tpu.memory_space<semaphore_mem>>)
    %mul3A_209 = arith.constant 640 : i32
    %mul3A_210 = arith.muli %arg1, %mul3A_209 : i32
    %add3A_211 = arith.constant 520 : i32
    %add3A_212 = arith.addi %mul3A_210, %add3A_211 : i32
    %dma_start3A_213 = arith.constant 0 : i32
    %dma_start3A_214 = arith.constant 0 : i32
    %dma_start3A_215 = tpu.memref_slice %arg8[%dma_start3A_213, %dma_start3A_214] : memref<40x128xf32, #tpu.memory_space<vmem>> -> memref<40x128xf32, #tpu.memory_space<vmem>>
    %dma_start3A_216 = arith.constant 0 : i32
    %dma_start3A_217 = tpu.memref_slice %arg13[%add3A_212, %dma_start3A_216] : memref<10240x128xf32, #tpu.memory_space<vmem_shared>> -> memref<40x128xf32, #tpu.memory_space<vmem_shared>>
    %dma_start3A_218 = arith.constant 0 : i32
    %dma_start3A_219 = tpu.memref_slice %arg13[%add3A_212, %dma_start3A_218] : memref<10240x128xf32, #tpu.memory_space<vmem_shared>> -> memref<40x128xf32, #tpu.memory_space<vmem_shared>>
    %dma_start3A_220 = arith.constant 0 : i32
    %dma_start3A_221 = arith.constant 0 : i32
    %dma_start3A_222 = tpu.memref_slice %arg8[%dma_start3A_220, %dma_start3A_221] : memref<40x128xf32, #tpu.memory_space<vmem>> -> memref<40x128xf32, #tpu.memory_space<vmem>>
    tpu.enqueue_dma source(%dma_start3A_222 : memref<40x128xf32, #tpu.memory_space<vmem>>) target(%dma_start3A_219 : memref<40x128xf32, #tpu.memory_space<vmem_shared>>) target_semaphore(%arg19 : memref<!tpu.dma_semaphore, #tpu.memory_space<semaphore_mem>>)
    %mul3A_223 = arith.constant 640 : i32
    %mul3A_224 = arith.muli %arg1, %mul3A_223 : i32
    %add3A_225 = arith.constant 560 : i32
    %add3A_226 = arith.addi %mul3A_224, %add3A_225 : i32
    %dma_start3A_227 = arith.constant 0 : i32
    %dma_start3A_228 = arith.constant 0 : i32
    %dma_start3A_229 = tpu.memref_slice %arg8[%dma_start3A_227, %dma_start3A_228] : memref<40x128xf32, #tpu.memory_space<vmem>> -> memref<40x128xf32, #tpu.memory_space<vmem>>
    %dma_start3A_230 = arith.constant 0 : i32
    %dma_start3A_231 = tpu.memref_slice %arg13[%add3A_226, %dma_start3A_230] : memref<10240x128xf32, #tpu.memory_space<vmem_shared>> -> memref<40x128xf32, #tpu.memory_space<vmem_shared>>
    %dma_start3A_232 = arith.constant 0 : i32
    %dma_start3A_233 = tpu.memref_slice %arg13[%add3A_226, %dma_start3A_232] : memref<10240x128xf32, #tpu.memory_space<vmem_shared>> -> memref<40x128xf32, #tpu.memory_space<vmem_shared>>
    %dma_start3A_234 = arith.constant 0 : i32
    %dma_start3A_235 = arith.constant 0 : i32
    %dma_start3A_236 = tpu.memref_slice %arg8[%dma_start3A_234, %dma_start3A_235] : memref<40x128xf32, #tpu.memory_space<vmem>> -> memref<40x128xf32, #tpu.memory_space<vmem>>
    tpu.enqueue_dma source(%dma_start3A_236 : memref<40x128xf32, #tpu.memory_space<vmem>>) target(%dma_start3A_233 : memref<40x128xf32, #tpu.memory_space<vmem_shared>>) target_semaphore(%arg19 : memref<!tpu.dma_semaphore, #tpu.memory_space<semaphore_mem>>)
    %mul3A_237 = arith.constant 640 : i32
    %mul3A_238 = arith.muli %arg1, %mul3A_237 : i32
    %add3A_239 = arith.constant 600 : i32
    %add3A_240 = arith.addi %mul3A_238, %add3A_239 : i32
    %dma_start3A_241 = arith.constant 0 : i32
    %dma_start3A_242 = arith.constant 0 : i32
    %dma_start3A_243 = tpu.memref_slice %arg8[%dma_start3A_241, %dma_start3A_242] : memref<40x128xf32, #tpu.memory_space<vmem>> -> memref<40x128xf32, #tpu.memory_space<vmem>>
    %dma_start3A_244 = arith.constant 0 : i32
    %dma_start3A_245 = tpu.memref_slice %arg13[%add3A_240, %dma_start3A_244] : memref<10240x128xf32, #tpu.memory_space<vmem_shared>> -> memref<40x128xf32, #tpu.memory_space<vmem_shared>>
    %dma_start3A_246 = arith.constant 0 : i32
    %dma_start3A_247 = tpu.memref_slice %arg13[%add3A_240, %dma_start3A_246] : memref<10240x128xf32, #tpu.memory_space<vmem_shared>> -> memref<40x128xf32, #tpu.memory_space<vmem_shared>>
    %dma_start3A_248 = arith.constant 0 : i32
    %dma_start3A_249 = arith.constant 0 : i32
    %dma_start3A_250 = tpu.memref_slice %arg8[%dma_start3A_248, %dma_start3A_249] : memref<40x128xf32, #tpu.memory_space<vmem>> -> memref<40x128xf32, #tpu.memory_space<vmem>>
    tpu.enqueue_dma source(%dma_start3A_250 : memref<40x128xf32, #tpu.memory_space<vmem>>) target(%dma_start3A_247 : memref<40x128xf32, #tpu.memory_space<vmem_shared>>) target_semaphore(%arg19 : memref<!tpu.dma_semaphore, #tpu.memory_space<semaphore_mem>>)
    %mul3A_251 = arith.constant 640 : i32
    %mul3A_252 = arith.muli %arg1, %mul3A_251 : i32
    %add3A_253 = arith.constant 0 : i32
    %add3A_254 = arith.addi %mul3A_252, %add3A_253 : i32
    %dma_wait3A = arith.constant 0 : i32
    %dma_wait3A_255 = arith.constant 0 : i32
    %dma_wait3A_256 = tpu.memref_slice %arg8[%dma_wait3A, %dma_wait3A_255] : memref<40x128xf32, #tpu.memory_space<vmem>> -> memref<40x128xf32, #tpu.memory_space<vmem>>
    %dma_wait3A_257 = arith.constant 0 : i32
    %dma_wait3A_258 = tpu.memref_slice %arg13[%add3A_254, %dma_wait3A_257] : memref<10240x128xf32, #tpu.memory_space<vmem_shared>> -> memref<40x128xf32, #tpu.memory_space<vmem_shared>>
    %dma_wait3A_259 = arith.constant 0 : i32
    %dma_wait3A_260 = tpu.memref_slice %arg13[%add3A_254, %dma_wait3A_259] : memref<10240x128xf32, #tpu.memory_space<vmem_shared>> -> memref<40x128xf32, #tpu.memory_space<vmem_shared>>
    %dma_wait3A_261 = arith.constant 0 : i32
    %dma_wait3A_262 = arith.constant 0 : i32
    %dma_wait3A_263 = tpu.memref_slice %arg8[%dma_wait3A_261, %dma_wait3A_262] : memref<40x128xf32, #tpu.memory_space<vmem>> -> memref<40x128xf32, #tpu.memory_space<vmem>>
    tpu.wait_dma2 semaphore(%arg19 : memref<!tpu.dma_semaphore, #tpu.memory_space<semaphore_mem>>) src(%dma_wait3A_263 : memref<40x128xf32, #tpu.memory_space<vmem>>) dst(%dma_wait3A_260 : memref<40x128xf32, #tpu.memory_space<vmem_shared>>)
    %mul3A_264 = arith.constant 640 : i32
    %mul3A_265 = arith.muli %arg1, %mul3A_264 : i32
    %add3A_266 = arith.constant 40 : i32
    %add3A_267 = arith.addi %mul3A_265, %add3A_266 : i32
    %dma_wait3A_268 = arith.constant 0 : i32
    %dma_wait3A_269 = arith.constant 0 : i32
    %dma_wait3A_270 = tpu.memref_slice %arg8[%dma_wait3A_268, %dma_wait3A_269] : memref<40x128xf32, #tpu.memory_space<vmem>> -> memref<40x128xf32, #tpu.memory_space<vmem>>
    %dma_wait3A_271 = arith.constant 0 : i32
    %dma_wait3A_272 = tpu.memref_slice %arg13[%add3A_267, %dma_wait3A_271] : memref<10240x128xf32, #tpu.memory_space<vmem_shared>> -> memref<40x128xf32, #tpu.memory_space<vmem_shared>>
    %dma_wait3A_273 = arith.constant 0 : i32
    %dma_wait3A_274 = tpu.memref_slice %arg13[%add3A_267, %dma_wait3A_273] : memref<10240x128xf32, #tpu.memory_space<vmem_shared>> -> memref<40x128xf32, #tpu.memory_space<vmem_shared>>
    %dma_wait3A_275 = arith.constant 0 : i32
    %dma_wait3A_276 = arith.constant 0 : i32
    %dma_wait3A_277 = tpu.memref_slice %arg8[%dma_wait3A_275, %dma_wait3A_276] : memref<40x128xf32, #tpu.memory_space<vmem>> -> memref<40x128xf32, #tpu.memory_space<vmem>>
    tpu.wait_dma2 semaphore(%arg19 : memref<!tpu.dma_semaphore, #tpu.memory_space<semaphore_mem>>) src(%dma_wait3A_277 : memref<40x128xf32, #tpu.memory_space<vmem>>) dst(%dma_wait3A_274 : memref<40x128xf32, #tpu.memory_space<vmem_shared>>)
    %mul3A_278 = arith.constant 640 : i32
    %mul3A_279 = arith.muli %arg1, %mul3A_278 : i32
    %add3A_280 = arith.constant 80 : i32
    %add3A_281 = arith.addi %mul3A_279, %add3A_280 : i32
    %dma_wait3A_282 = arith.constant 0 : i32
    %dma_wait3A_283 = arith.constant 0 : i32
    %dma_wait3A_284 = tpu.memref_slice %arg8[%dma_wait3A_282, %dma_wait3A_283] : memref<40x128xf32, #tpu.memory_space<vmem>> -> memref<40x128xf32, #tpu.memory_space<vmem>>
    %dma_wait3A_285 = arith.constant 0 : i32
    %dma_wait3A_286 = tpu.memref_slice %arg13[%add3A_281, %dma_wait3A_285] : memref<10240x128xf32, #tpu.memory_space<vmem_shared>> -> memref<40x128xf32, #tpu.memory_space<vmem_shared>>
    %dma_wait3A_287 = arith.constant 0 : i32
    %dma_wait3A_288 = tpu.memref_slice %arg13[%add3A_281, %dma_wait3A_287] : memref<10240x128xf32, #tpu.memory_space<vmem_shared>> -> memref<40x128xf32, #tpu.memory_space<vmem_shared>>
    %dma_wait3A_289 = arith.constant 0 : i32
    %dma_wait3A_290 = arith.constant 0 : i32
    %dma_wait3A_291 = tpu.memref_slice %arg8[%dma_wait3A_289, %dma_wait3A_290] : memref<40x128xf32, #tpu.memory_space<vmem>> -> memref<40x128xf32, #tpu.memory_space<vmem>>
    tpu.wait_dma2 semaphore(%arg19 : memref<!tpu.dma_semaphore, #tpu.memory_space<semaphore_mem>>) src(%dma_wait3A_291 : memref<40x128xf32, #tpu.memory_space<vmem>>) dst(%dma_wait3A_288 : memref<40x128xf32, #tpu.memory_space<vmem_shared>>)
    %mul3A_292 = arith.constant 640 : i32
    %mul3A_293 = arith.muli %arg1, %mul3A_292 : i32
    %add3A_294 = arith.constant 120 : i32
    %add3A_295 = arith.addi %mul3A_293, %add3A_294 : i32
    %dma_wait3A_296 = arith.constant 0 : i32
    %dma_wait3A_297 = arith.constant 0 : i32
    %dma_wait3A_298 = tpu.memref_slice %arg8[%dma_wait3A_296, %dma_wait3A_297] : memref<40x128xf32, #tpu.memory_space<vmem>> -> memref<40x128xf32, #tpu.memory_space<vmem>>
    %dma_wait3A_299 = arith.constant 0 : i32
    %dma_wait3A_300 = tpu.memref_slice %arg13[%add3A_295, %dma_wait3A_299] : memref<10240x128xf32, #tpu.memory_space<vmem_shared>> -> memref<40x128xf32, #tpu.memory_space<vmem_shared>>
    %dma_wait3A_301 = arith.constant 0 : i32
    %dma_wait3A_302 = tpu.memref_slice %arg13[%add3A_295, %dma_wait3A_301] : memref<10240x128xf32, #tpu.memory_space<vmem_shared>> -> memref<40x128xf32, #tpu.memory_space<vmem_shared>>
    %dma_wait3A_303 = arith.constant 0 : i32
    %dma_wait3A_304 = arith.constant 0 : i32
    %dma_wait3A_305 = tpu.memref_slice %arg8[%dma_wait3A_303, %dma_wait3A_304] : memref<40x128xf32, #tpu.memory_space<vmem>> -> memref<40x128xf32, #tpu.memory_space<vmem>>
    tpu.wait_dma2 semaphore(%arg19 : memref<!tpu.dma_semaphore, #tpu.memory_space<semaphore_mem>>) src(%dma_wait3A_305 : memref<40x128xf32, #tpu.memory_space<vmem>>) dst(%dma_wait3A_302 : memref<40x128xf32, #tpu.memory_space<vmem_shared>>)
    %mul3A_306 = arith.constant 640 : i32
    %mul3A_307 = arith.muli %arg1, %mul3A_306 : i32
    %add3A_308 = arith.constant 160 : i32
    %add3A_309 = arith.addi %mul3A_307, %add3A_308 : i32
    %dma_wait3A_310 = arith.constant 0 : i32
    %dma_wait3A_311 = arith.constant 0 : i32
    %dma_wait3A_312 = tpu.memref_slice %arg8[%dma_wait3A_310, %dma_wait3A_311] : memref<40x128xf32, #tpu.memory_space<vmem>> -> memref<40x128xf32, #tpu.memory_space<vmem>>
    %dma_wait3A_313 = arith.constant 0 : i32
    %dma_wait3A_314 = tpu.memref_slice %arg13[%add3A_309, %dma_wait3A_313] : memref<10240x128xf32, #tpu.memory_space<vmem_shared>> -> memref<40x128xf32, #tpu.memory_space<vmem_shared>>
    %dma_wait3A_315 = arith.constant 0 : i32
    %dma_wait3A_316 = tpu.memref_slice %arg13[%add3A_309, %dma_wait3A_315] : memref<10240x128xf32, #tpu.memory_space<vmem_shared>> -> memref<40x128xf32, #tpu.memory_space<vmem_shared>>
    %dma_wait3A_317 = arith.constant 0 : i32
    %dma_wait3A_318 = arith.constant 0 : i32
    %dma_wait3A_319 = tpu.memref_slice %arg8[%dma_wait3A_317, %dma_wait3A_318] : memref<40x128xf32, #tpu.memory_space<vmem>> -> memref<40x128xf32, #tpu.memory_space<vmem>>
    tpu.wait_dma2 semaphore(%arg19 : memref<!tpu.dma_semaphore, #tpu.memory_space<semaphore_mem>>) src(%dma_wait3A_319 : memref<40x128xf32, #tpu.memory_space<vmem>>) dst(%dma_wait3A_316 : memref<40x128xf32, #tpu.memory_space<vmem_shared>>)
    %mul3A_320 = arith.constant 640 : i32
    %mul3A_321 = arith.muli %arg1, %mul3A_320 : i32
    %add3A_322 = arith.constant 200 : i32
    %add3A_323 = arith.addi %mul3A_321, %add3A_322 : i32
    %dma_wait3A_324 = arith.constant 0 : i32
    %dma_wait3A_325 = arith.constant 0 : i32
    %dma_wait3A_326 = tpu.memref_slice %arg8[%dma_wait3A_324, %dma_wait3A_325] : memref<40x128xf32, #tpu.memory_space<vmem>> -> memref<40x128xf32, #tpu.memory_space<vmem>>
    %dma_wait3A_327 = arith.constant 0 : i32
    %dma_wait3A_328 = tpu.memref_slice %arg13[%add3A_323, %dma_wait3A_327] : memref<10240x128xf32, #tpu.memory_space<vmem_shared>> -> memref<40x128xf32, #tpu.memory_space<vmem_shared>>
    %dma_wait3A_329 = arith.constant 0 : i32
    %dma_wait3A_330 = tpu.memref_slice %arg13[%add3A_323, %dma_wait3A_329] : memref<10240x128xf32, #tpu.memory_space<vmem_shared>> -> memref<40x128xf32, #tpu.memory_space<vmem_shared>>
    %dma_wait3A_331 = arith.constant 0 : i32
    %dma_wait3A_332 = arith.constant 0 : i32
    %dma_wait3A_333 = tpu.memref_slice %arg8[%dma_wait3A_331, %dma_wait3A_332] : memref<40x128xf32, #tpu.memory_space<vmem>> -> memref<40x128xf32, #tpu.memory_space<vmem>>
    tpu.wait_dma2 semaphore(%arg19 : memref<!tpu.dma_semaphore, #tpu.memory_space<semaphore_mem>>) src(%dma_wait3A_333 : memref<40x128xf32, #tpu.memory_space<vmem>>) dst(%dma_wait3A_330 : memref<40x128xf32, #tpu.memory_space<vmem_shared>>)
    %mul3A_334 = arith.constant 640 : i32
    %mul3A_335 = arith.muli %arg1, %mul3A_334 : i32
    %add3A_336 = arith.constant 240 : i32
    %add3A_337 = arith.addi %mul3A_335, %add3A_336 : i32
    %dma_wait3A_338 = arith.constant 0 : i32
    %dma_wait3A_339 = arith.constant 0 : i32
    %dma_wait3A_340 = tpu.memref_slice %arg8[%dma_wait3A_338, %dma_wait3A_339] : memref<40x128xf32, #tpu.memory_space<vmem>> -> memref<40x128xf32, #tpu.memory_space<vmem>>
    %dma_wait3A_341 = arith.constant 0 : i32
    %dma_wait3A_342 = tpu.memref_slice %arg13[%add3A_337, %dma_wait3A_341] : memref<10240x128xf32, #tpu.memory_space<vmem_shared>> -> memref<40x128xf32, #tpu.memory_space<vmem_shared>>
    %dma_wait3A_343 = arith.constant 0 : i32
    %dma_wait3A_344 = tpu.memref_slice %arg13[%add3A_337, %dma_wait3A_343] : memref<10240x128xf32, #tpu.memory_space<vmem_shared>> -> memref<40x128xf32, #tpu.memory_space<vmem_shared>>
    %dma_wait3A_345 = arith.constant 0 : i32
    %dma_wait3A_346 = arith.constant 0 : i32
    %dma_wait3A_347 = tpu.memref_slice %arg8[%dma_wait3A_345, %dma_wait3A_346] : memref<40x128xf32, #tpu.memory_space<vmem>> -> memref<40x128xf32, #tpu.memory_space<vmem>>
    tpu.wait_dma2 semaphore(%arg19 : memref<!tpu.dma_semaphore, #tpu.memory_space<semaphore_mem>>) src(%dma_wait3A_347 : memref<40x128xf32, #tpu.memory_space<vmem>>) dst(%dma_wait3A_344 : memref<40x128xf32, #tpu.memory_space<vmem_shared>>)
    %mul3A_348 = arith.constant 640 : i32
    %mul3A_349 = arith.muli %arg1, %mul3A_348 : i32
    %add3A_350 = arith.constant 280 : i32
    %add3A_351 = arith.addi %mul3A_349, %add3A_350 : i32
    %dma_wait3A_352 = arith.constant 0 : i32
    %dma_wait3A_353 = arith.constant 0 : i32
    %dma_wait3A_354 = tpu.memref_slice %arg8[%dma_wait3A_352, %dma_wait3A_353] : memref<40x128xf32, #tpu.memory_space<vmem>> -> memref<40x128xf32, #tpu.memory_space<vmem>>
    %dma_wait3A_355 = arith.constant 0 : i32
    %dma_wait3A_356 = tpu.memref_slice %arg13[%add3A_351, %dma_wait3A_355] : memref<10240x128xf32, #tpu.memory_space<vmem_shared>> -> memref<40x128xf32, #tpu.memory_space<vmem_shared>>
    %dma_wait3A_357 = arith.constant 0 : i32
    %dma_wait3A_358 = tpu.memref_slice %arg13[%add3A_351, %dma_wait3A_357] : memref<10240x128xf32, #tpu.memory_space<vmem_shared>> -> memref<40x128xf32, #tpu.memory_space<vmem_shared>>
    %dma_wait3A_359 = arith.constant 0 : i32
    %dma_wait3A_360 = arith.constant 0 : i32
    %dma_wait3A_361 = tpu.memref_slice %arg8[%dma_wait3A_359, %dma_wait3A_360] : memref<40x128xf32, #tpu.memory_space<vmem>> -> memref<40x128xf32, #tpu.memory_space<vmem>>
    tpu.wait_dma2 semaphore(%arg19 : memref<!tpu.dma_semaphore, #tpu.memory_space<semaphore_mem>>) src(%dma_wait3A_361 : memref<40x128xf32, #tpu.memory_space<vmem>>) dst(%dma_wait3A_358 : memref<40x128xf32, #tpu.memory_space<vmem_shared>>)
    %mul3A_362 = arith.constant 640 : i32
    %mul3A_363 = arith.muli %arg1, %mul3A_362 : i32
    %add3A_364 = arith.constant 320 : i32
    %add3A_365 = arith.addi %mul3A_363, %add3A_364 : i32
    %dma_wait3A_366 = arith.constant 0 : i32
    %dma_wait3A_367 = arith.constant 0 : i32
    %dma_wait3A_368 = tpu.memref_slice %arg8[%dma_wait3A_366, %dma_wait3A_367] : memref<40x128xf32, #tpu.memory_space<vmem>> -> memref<40x128xf32, #tpu.memory_space<vmem>>
    %dma_wait3A_369 = arith.constant 0 : i32
    %dma_wait3A_370 = tpu.memref_slice %arg13[%add3A_365, %dma_wait3A_369] : memref<10240x128xf32, #tpu.memory_space<vmem_shared>> -> memref<40x128xf32, #tpu.memory_space<vmem_shared>>
    %dma_wait3A_371 = arith.constant 0 : i32
    %dma_wait3A_372 = tpu.memref_slice %arg13[%add3A_365, %dma_wait3A_371] : memref<10240x128xf32, #tpu.memory_space<vmem_shared>> -> memref<40x128xf32, #tpu.memory_space<vmem_shared>>
    %dma_wait3A_373 = arith.constant 0 : i32
    %dma_wait3A_374 = arith.constant 0 : i32
    %dma_wait3A_375 = tpu.memref_slice %arg8[%dma_wait3A_373, %dma_wait3A_374] : memref<40x128xf32, #tpu.memory_space<vmem>> -> memref<40x128xf32, #tpu.memory_space<vmem>>
    tpu.wait_dma2 semaphore(%arg19 : memref<!tpu.dma_semaphore, #tpu.memory_space<semaphore_mem>>) src(%dma_wait3A_375 : memref<40x128xf32, #tpu.memory_space<vmem>>) dst(%dma_wait3A_372 : memref<40x128xf32, #tpu.memory_space<vmem_shared>>)
    %mul3A_376 = arith.constant 640 : i32
    %mul3A_377 = arith.muli %arg1, %mul3A_376 : i32
    %add3A_378 = arith.constant 360 : i32
    %add3A_379 = arith.addi %mul3A_377, %add3A_378 : i32
    %dma_wait3A_380 = arith.constant 0 : i32
    %dma_wait3A_381 = arith.constant 0 : i32
    %dma_wait3A_382 = tpu.memref_slice %arg8[%dma_wait3A_380, %dma_wait3A_381] : memref<40x128xf32, #tpu.memory_space<vmem>> -> memref<40x128xf32, #tpu.memory_space<vmem>>
    %dma_wait3A_383 = arith.constant 0 : i32
    %dma_wait3A_384 = tpu.memref_slice %arg13[%add3A_379, %dma_wait3A_383] : memref<10240x128xf32, #tpu.memory_space<vmem_shared>> -> memref<40x128xf32, #tpu.memory_space<vmem_shared>>
    %dma_wait3A_385 = arith.constant 0 : i32
    %dma_wait3A_386 = tpu.memref_slice %arg13[%add3A_379, %dma_wait3A_385] : memref<10240x128xf32, #tpu.memory_space<vmem_shared>> -> memref<40x128xf32, #tpu.memory_space<vmem_shared>>
    %dma_wait3A_387 = arith.constant 0 : i32
    %dma_wait3A_388 = arith.constant 0 : i32
    %dma_wait3A_389 = tpu.memref_slice %arg8[%dma_wait3A_387, %dma_wait3A_388] : memref<40x128xf32, #tpu.memory_space<vmem>> -> memref<40x128xf32, #tpu.memory_space<vmem>>
    tpu.wait_dma2 semaphore(%arg19 : memref<!tpu.dma_semaphore, #tpu.memory_space<semaphore_mem>>) src(%dma_wait3A_389 : memref<40x128xf32, #tpu.memory_space<vmem>>) dst(%dma_wait3A_386 : memref<40x128xf32, #tpu.memory_space<vmem_shared>>)
    %mul3A_390 = arith.constant 640 : i32
    %mul3A_391 = arith.muli %arg1, %mul3A_390 : i32
    %add3A_392 = arith.constant 400 : i32
    %add3A_393 = arith.addi %mul3A_391, %add3A_392 : i32
    %dma_wait3A_394 = arith.constant 0 : i32
    %dma_wait3A_395 = arith.constant 0 : i32
    %dma_wait3A_396 = tpu.memref_slice %arg8[%dma_wait3A_394, %dma_wait3A_395] : memref<40x128xf32, #tpu.memory_space<vmem>> -> memref<40x128xf32, #tpu.memory_space<vmem>>
    %dma_wait3A_397 = arith.constant 0 : i32
    %dma_wait3A_398 = tpu.memref_slice %arg13[%add3A_393, %dma_wait3A_397] : memref<10240x128xf32, #tpu.memory_space<vmem_shared>> -> memref<40x128xf32, #tpu.memory_space<vmem_shared>>
    %dma_wait3A_399 = arith.constant 0 : i32
    %dma_wait3A_400 = tpu.memref_slice %arg13[%add3A_393, %dma_wait3A_399] : memref<10240x128xf32, #tpu.memory_space<vmem_shared>> -> memref<40x128xf32, #tpu.memory_space<vmem_shared>>
    %dma_wait3A_401 = arith.constant 0 : i32
    %dma_wait3A_402 = arith.constant 0 : i32
    %dma_wait3A_403 = tpu.memref_slice %arg8[%dma_wait3A_401, %dma_wait3A_402] : memref<40x128xf32, #tpu.memory_space<vmem>> -> memref<40x128xf32, #tpu.memory_space<vmem>>
    tpu.wait_dma2 semaphore(%arg19 : memref<!tpu.dma_semaphore, #tpu.memory_space<semaphore_mem>>) src(%dma_wait3A_403 : memref<40x128xf32, #tpu.memory_space<vmem>>) dst(%dma_wait3A_400 : memref<40x128xf32, #tpu.memory_space<vmem_shared>>)
    %mul3A_404 = arith.constant 640 : i32
    %mul3A_405 = arith.muli %arg1, %mul3A_404 : i32
    %add3A_406 = arith.constant 440 : i32
    %add3A_407 = arith.addi %mul3A_405, %add3A_406 : i32
    %dma_wait3A_408 = arith.constant 0 : i32
    %dma_wait3A_409 = arith.constant 0 : i32
    %dma_wait3A_410 = tpu.memref_slice %arg8[%dma_wait3A_408, %dma_wait3A_409] : memref<40x128xf32, #tpu.memory_space<vmem>> -> memref<40x128xf32, #tpu.memory_space<vmem>>
    %dma_wait3A_411 = arith.constant 0 : i32
    %dma_wait3A_412 = tpu.memref_slice %arg13[%add3A_407, %dma_wait3A_411] : memref<10240x128xf32, #tpu.memory_space<vmem_shared>> -> memref<40x128xf32, #tpu.memory_space<vmem_shared>>
    %dma_wait3A_413 = arith.constant 0 : i32
    %dma_wait3A_414 = tpu.memref_slice %arg13[%add3A_407, %dma_wait3A_413] : memref<10240x128xf32, #tpu.memory_space<vmem_shared>> -> memref<40x128xf32, #tpu.memory_space<vmem_shared>>
    %dma_wait3A_415 = arith.constant 0 : i32
    %dma_wait3A_416 = arith.constant 0 : i32
    %dma_wait3A_417 = tpu.memref_slice %arg8[%dma_wait3A_415, %dma_wait3A_416] : memref<40x128xf32, #tpu.memory_space<vmem>> -> memref<40x128xf32, #tpu.memory_space<vmem>>
    tpu.wait_dma2 semaphore(%arg19 : memref<!tpu.dma_semaphore, #tpu.memory_space<semaphore_mem>>) src(%dma_wait3A_417 : memref<40x128xf32, #tpu.memory_space<vmem>>) dst(%dma_wait3A_414 : memref<40x128xf32, #tpu.memory_space<vmem_shared>>)
    %mul3A_418 = arith.constant 640 : i32
    %mul3A_419 = arith.muli %arg1, %mul3A_418 : i32
    %add3A_420 = arith.constant 480 : i32
    %add3A_421 = arith.addi %mul3A_419, %add3A_420 : i32
    %dma_wait3A_422 = arith.constant 0 : i32
    %dma_wait3A_423 = arith.constant 0 : i32
    %dma_wait3A_424 = tpu.memref_slice %arg8[%dma_wait3A_422, %dma_wait3A_423] : memref<40x128xf32, #tpu.memory_space<vmem>> -> memref<40x128xf32, #tpu.memory_space<vmem>>
    %dma_wait3A_425 = arith.constant 0 : i32
    %dma_wait3A_426 = tpu.memref_slice %arg13[%add3A_421, %dma_wait3A_425] : memref<10240x128xf32, #tpu.memory_space<vmem_shared>> -> memref<40x128xf32, #tpu.memory_space<vmem_shared>>
    %dma_wait3A_427 = arith.constant 0 : i32
    %dma_wait3A_428 = tpu.memref_slice %arg13[%add3A_421, %dma_wait3A_427] : memref<10240x128xf32, #tpu.memory_space<vmem_shared>> -> memref<40x128xf32, #tpu.memory_space<vmem_shared>>
    %dma_wait3A_429 = arith.constant 0 : i32
    %dma_wait3A_430 = arith.constant 0 : i32
    %dma_wait3A_431 = tpu.memref_slice %arg8[%dma_wait3A_429, %dma_wait3A_430] : memref<40x128xf32, #tpu.memory_space<vmem>> -> memref<40x128xf32, #tpu.memory_space<vmem>>
    tpu.wait_dma2 semaphore(%arg19 : memref<!tpu.dma_semaphore, #tpu.memory_space<semaphore_mem>>) src(%dma_wait3A_431 : memref<40x128xf32, #tpu.memory_space<vmem>>) dst(%dma_wait3A_428 : memref<40x128xf32, #tpu.memory_space<vmem_shared>>)
    %mul3A_432 = arith.constant 640 : i32
    %mul3A_433 = arith.muli %arg1, %mul3A_432 : i32
    %add3A_434 = arith.constant 520 : i32
    %add3A_435 = arith.addi %mul3A_433, %add3A_434 : i32
    %dma_wait3A_436 = arith.constant 0 : i32
    %dma_wait3A_437 = arith.constant 0 : i32
    %dma_wait3A_438 = tpu.memref_slice %arg8[%dma_wait3A_436, %dma_wait3A_437] : memref<40x128xf32, #tpu.memory_space<vmem>> -> memref<40x128xf32, #tpu.memory_space<vmem>>
    %dma_wait3A_439 = arith.constant 0 : i32
    %dma_wait3A_440 = tpu.memref_slice %arg13[%add3A_435, %dma_wait3A_439] : memref<10240x128xf32, #tpu.memory_space<vmem_shared>> -> memref<40x128xf32, #tpu.memory_space<vmem_shared>>
    %dma_wait3A_441 = arith.constant 0 : i32
    %dma_wait3A_442 = tpu.memref_slice %arg13[%add3A_435, %dma_wait3A_441] : memref<10240x128xf32, #tpu.memory_space<vmem_shared>> -> memref<40x128xf32, #tpu.memory_space<vmem_shared>>
    %dma_wait3A_443 = arith.constant 0 : i32
    %dma_wait3A_444 = arith.constant 0 : i32
    %dma_wait3A_445 = tpu.memref_slice %arg8[%dma_wait3A_443, %dma_wait3A_444] : memref<40x128xf32, #tpu.memory_space<vmem>> -> memref<40x128xf32, #tpu.memory_space<vmem>>
    tpu.wait_dma2 semaphore(%arg19 : memref<!tpu.dma_semaphore, #tpu.memory_space<semaphore_mem>>) src(%dma_wait3A_445 : memref<40x128xf32, #tpu.memory_space<vmem>>) dst(%dma_wait3A_442 : memref<40x128xf32, #tpu.memory_space<vmem_shared>>)
    %mul3A_446 = arith.constant 640 : i32
    %mul3A_447 = arith.muli %arg1, %mul3A_446 : i32
    %add3A_448 = arith.constant 560 : i32
    %add3A_449 = arith.addi %mul3A_447, %add3A_448 : i32
    %dma_wait3A_450 = arith.constant 0 : i32
    %dma_wait3A_451 = arith.constant 0 : i32
    %dma_wait3A_452 = tpu.memref_slice %arg8[%dma_wait3A_450, %dma_wait3A_451] : memref<40x128xf32, #tpu.memory_space<vmem>> -> memref<40x128xf32, #tpu.memory_space<vmem>>
    %dma_wait3A_453 = arith.constant 0 : i32
    %dma_wait3A_454 = tpu.memref_slice %arg13[%add3A_449, %dma_wait3A_453] : memref<10240x128xf32, #tpu.memory_space<vmem_shared>> -> memref<40x128xf32, #tpu.memory_space<vmem_shared>>
    %dma_wait3A_455 = arith.constant 0 : i32
    %dma_wait3A_456 = tpu.memref_slice %arg13[%add3A_449, %dma_wait3A_455] : memref<10240x128xf32, #tpu.memory_space<vmem_shared>> -> memref<40x128xf32, #tpu.memory_space<vmem_shared>>
    %dma_wait3A_457 = arith.constant 0 : i32
    %dma_wait3A_458 = arith.constant 0 : i32
    %dma_wait3A_459 = tpu.memref_slice %arg8[%dma_wait3A_457, %dma_wait3A_458] : memref<40x128xf32, #tpu.memory_space<vmem>> -> memref<40x128xf32, #tpu.memory_space<vmem>>
    tpu.wait_dma2 semaphore(%arg19 : memref<!tpu.dma_semaphore, #tpu.memory_space<semaphore_mem>>) src(%dma_wait3A_459 : memref<40x128xf32, #tpu.memory_space<vmem>>) dst(%dma_wait3A_456 : memref<40x128xf32, #tpu.memory_space<vmem_shared>>)
    %mul3A_460 = arith.constant 640 : i32
    %mul3A_461 = arith.muli %arg1, %mul3A_460 : i32
    %add3A_462 = arith.constant 600 : i32
    %add3A_463 = arith.addi %mul3A_461, %add3A_462 : i32
    %dma_wait3A_464 = arith.constant 0 : i32
    %dma_wait3A_465 = arith.constant 0 : i32
    %dma_wait3A_466 = tpu.memref_slice %arg8[%dma_wait3A_464, %dma_wait3A_465] : memref<40x128xf32, #tpu.memory_space<vmem>> -> memref<40x128xf32, #tpu.memory_space<vmem>>
    %dma_wait3A_467 = arith.constant 0 : i32
    %dma_wait3A_468 = tpu.memref_slice %arg13[%add3A_463, %dma_wait3A_467] : memref<10240x128xf32, #tpu.memory_space<vmem_shared>> -> memref<40x128xf32, #tpu.memory_space<vmem_shared>>
    %dma_wait3A_469 = arith.constant 0 : i32
    %dma_wait3A_470 = tpu.memref_slice %arg13[%add3A_463, %dma_wait3A_469] : memref<10240x128xf32, #tpu.memory_space<vmem_shared>> -> memref<40x128xf32, #tpu.memory_space<vmem_shared>>
    %dma_wait3A_471 = arith.constant 0 : i32
    %dma_wait3A_472 = arith.constant 0 : i32
    %dma_wait3A_473 = tpu.memref_slice %arg8[%dma_wait3A_471, %dma_wait3A_472] : memref<40x128xf32, #tpu.memory_space<vmem>> -> memref<40x128xf32, #tpu.memory_space<vmem>>
    tpu.wait_dma2 semaphore(%arg19 : memref<!tpu.dma_semaphore, #tpu.memory_space<semaphore_mem>>) src(%dma_wait3A_473 : memref<40x128xf32, #tpu.memory_space<vmem>>) dst(%dma_wait3A_470 : memref<40x128xf32, #tpu.memory_space<vmem_shared>>)
    %dma_wait3A_474 = tpu.memref_slice %arg3[%mul3A_2] : memref<320000xi32, #tpu.memory_space<hbm>> -> memref<10000xi32, #tpu.memory_space<hbm>>
    %dma_wait3A_475 = tpu.memref_slice %arg3[%mul3A_2] : memref<320000xi32, #tpu.memory_space<hbm>> -> memref<10000xi32, #tpu.memory_space<hbm>>
    tpu.wait_dma2 semaphore(%arg14 : memref<!tpu.dma_semaphore, #tpu.memory_space<semaphore_mem>>) src(%dma_wait3A_475 : memref<10000xi32, #tpu.memory_space<hbm>>) dst(%arg6 : memref<10000xi32, #tpu.memory_space<vmem>>)
    %dma_start3A_476 = arith.constant 0 : i32
    %dma_start3A_477 = tpu.memref_slice %arg6[%dma_start3A_476] : memref<10000xi32, #tpu.memory_space<vmem>> -> memref<40xi32, #tpu.memory_space<vmem>>
    %dma_start3A_478 = arith.constant 0 : i32
    %dma_start3A_479 = arith.constant 0 : i32
    %dma_start3A_480 = tpu.memref_slice %arg2[%dma_start3A_478, %dma_start3A_479] : memref<10240x128xf32, #tpu.memory_space<hbm>> -> memref<10240x128xf32, #tpu.memory_space<hbm>>
    tpu.enqueue_indirect_dma source(%dma_start3A_480 : memref<10240x128xf32, #tpu.memory_space<hbm>>) target(%arg8 : memref<40x128xf32, #tpu.memory_space<vmem>>) offsets(%dma_start3A_477 : memref<40xi32, #tpu.memory_space<vmem>>) semaphore(%arg14 : memref<!tpu.dma_semaphore, #tpu.memory_space<semaphore_mem>>)
    %dma_start3A_481 = arith.constant 40 : i32
    %dma_start3A_482 = tpu.memref_slice %arg6[%dma_start3A_481] : memref<10000xi32, #tpu.memory_space<vmem>> -> memref<40xi32, #tpu.memory_space<vmem>>
    %dma_start3A_483 = arith.constant 0 : i32
    %dma_start3A_484 = arith.constant 0 : i32
    %dma_start3A_485 = tpu.memref_slice %arg2[%dma_start3A_483, %dma_start3A_484] : memref<10240x128xf32, #tpu.memory_space<hbm>> -> memref<10240x128xf32, #tpu.memory_space<hbm>>
    tpu.enqueue_indirect_dma source(%dma_start3A_485 : memref<10240x128xf32, #tpu.memory_space<hbm>>) target(%arg9 : memref<40x128xf32, #tpu.memory_space<vmem>>) offsets(%dma_start3A_482 : memref<40xi32, #tpu.memory_space<vmem>>) semaphore(%arg15 : memref<!tpu.dma_semaphore, #tpu.memory_space<semaphore_mem>>)
    %dma_start3A_486 = arith.constant 80 : i32
    %dma_start3A_487 = tpu.memref_slice %arg6[%dma_start3A_486] : memref<10000xi32, #tpu.memory_space<vmem>> -> memref<40xi32, #tpu.memory_space<vmem>>
    %dma_start3A_488 = arith.constant 0 : i32
    %dma_start3A_489 = arith.constant 0 : i32
    %dma_start3A_490 = tpu.memref_slice %arg2[%dma_start3A_488, %dma_start3A_489] : memref<10240x128xf32, #tpu.memory_space<hbm>> -> memref<10240x128xf32, #tpu.memory_space<hbm>>
    tpu.enqueue_indirect_dma source(%dma_start3A_490 : memref<10240x128xf32, #tpu.memory_space<hbm>>) target(%arg10 : memref<40x128xf32, #tpu.memory_space<vmem>>) offsets(%dma_start3A_487 : memref<40xi32, #tpu.memory_space<vmem>>) semaphore(%arg16 : memref<!tpu.dma_semaphore, #tpu.memory_space<semaphore_mem>>)
    %dma_start3A_491 = arith.constant 120 : i32
    %dma_start3A_492 = tpu.memref_slice %arg6[%dma_start3A_491] : memref<10000xi32, #tpu.memory_space<vmem>> -> memref<40xi32, #tpu.memory_space<vmem>>
    %dma_start3A_493 = arith.constant 0 : i32
    %dma_start3A_494 = arith.constant 0 : i32
    %dma_start3A_495 = tpu.memref_slice %arg2[%dma_start3A_493, %dma_start3A_494] : memref<10240x128xf32, #tpu.memory_space<hbm>> -> memref<10240x128xf32, #tpu.memory_space<hbm>>
    tpu.enqueue_indirect_dma source(%dma_start3A_495 : memref<10240x128xf32, #tpu.memory_space<hbm>>) target(%arg11 : memref<40x128xf32, #tpu.memory_space<vmem>>) offsets(%dma_start3A_492 : memref<40xi32, #tpu.memory_space<vmem>>) semaphore(%arg17 : memref<!tpu.dma_semaphore, #tpu.memory_space<semaphore_mem>>)
    %dma_start3A_496 = arith.constant 160 : i32
    %dma_start3A_497 = tpu.memref_slice %arg6[%dma_start3A_496] : memref<10000xi32, #tpu.memory_space<vmem>> -> memref<40xi32, #tpu.memory_space<vmem>>
    %dma_start3A_498 = arith.constant 0 : i32
    %dma_start3A_499 = arith.constant 0 : i32
    %dma_start3A_500 = tpu.memref_slice %arg2[%dma_start3A_498, %dma_start3A_499] : memref<10240x128xf32, #tpu.memory_space<hbm>> -> memref<10240x128xf32, #tpu.memory_space<hbm>>
    tpu.enqueue_indirect_dma source(%dma_start3A_500 : memref<10240x128xf32, #tpu.memory_space<hbm>>) target(%arg12 : memref<40x128xf32, #tpu.memory_space<vmem>>) offsets(%dma_start3A_497 : memref<40xi32, #tpu.memory_space<vmem>>) semaphore(%arg18 : memref<!tpu.dma_semaphore, #tpu.memory_space<semaphore_mem>>)
    %barrier3A = arith.constant 0 : index
    tpu.barrier barrier_id(%barrier3A)
    %scan3A_501 = arith.constant 0 : i32
    %scan3A_502 = arith.constant 50 : i32
    %scan3A_503 = arith.addi %scan3A_501, %scan3A_502 : i32
    %scan3A_504 = arith.constant 1 : i32
    scf.for %scan3A_637 = %scan3A_501 to %scan3A_503 step %scan3A_504  : i32 {
      %mul3A_638 = arith.constant 1 : i32
      %mul3A_639 = arith.muli %scan3A_637, %mul3A_638 : i32
      %add3A_640 = arith.constant 0 : i32
      %add3A_641 = arith.addi %add3A_640, %mul3A_639 : i32
      %mul3A_642 = arith.constant 5 : i32
      %mul3A_643 = arith.muli %add3A_641, %mul3A_642 : i32
      %add3A_644 = arith.constant 0 : i32
      %add3A_645 = arith.addi %mul3A_643, %add3A_644 : i32
      %jit3A = arith.constant 25 : i32
      %div3A = arith.divsi %add3A_645, %jit3A : i32
      %sign3A = arith.constant 0 : i32
      %sign3A_646 = arith.cmpi sgt, %add3A_645, %sign3A : i32
      %sign3A_647 = arith.extui %sign3A_646 : i1 to i32
      %sign3A_648 = arith.constant 0 : i32
      %sign3A_649 = arith.cmpi slt, %add3A_645, %sign3A_648 : i32
      %sign3A_650 = arith.extui %sign3A_649 : i1 to i32
      %sign3A_651 = arith.subi %sign3A_647, %sign3A_650 : i32
      %sign3A_652 = arith.constant 0 : i32
      %sign3A_653 = arith.cmpi sgt, %jit3A, %sign3A_652 : i32
      %sign3A_654 = arith.extui %sign3A_653 : i1 to i32
      %sign3A_655 = arith.constant 0 : i32
      %sign3A_656 = arith.cmpi slt, %jit3A, %sign3A_655 : i32
      %sign3A_657 = arith.extui %sign3A_656 : i1 to i32
      %sign3A_658 = arith.subi %sign3A_654, %sign3A_657 : i32
      %ne3A = arith.cmpi ne, %sign3A_651, %sign3A_658 : i32
      %rem3A = arith.remsi %add3A_645, %jit3A : i32
      %ne3A_659 = arith.constant 0 : i32
      %ne3A_660 = arith.cmpi ne, %rem3A, %ne3A_659 : i32
      %and3A = arith.andi %ne3A, %ne3A_660 : i1
      %sub3A = arith.constant 1 : i32
      %sub3A_661 = arith.subi %div3A, %sub3A : i32
      %select_n3A = arith.select %and3A, %sub3A_661, %div3A : i32
      %mul3A_662 = arith.constant 25 : i32
      %mul3A_663 = arith.muli %select_n3A, %mul3A_662 : i32
      %sub3A_664 = arith.subi %add3A_645, %mul3A_663 : i32
      %rem3A_665 = arith.constant 2 : i32
      %rem3A_666 = arith.remsi %select_n3A, %rem3A_665 : i32
      %eq3A = arith.constant 0 : i32
      %eq3A_667 = arith.cmpi eq, %sub3A_664, %eq3A : i32
      %ge3A = arith.constant 1 : i32
      %ge3A_668 = arith.cmpi sge, %select_n3A, %ge3A : i32
      %and3A_669 = arith.andi %eq3A_667, %ge3A_668 : i1
      %convert_element_type3A = arith.extui %and3A_669 : i1 to i32
      %cond3A = arith.constant 0 : i32
      %cond3A_670 = arith.cmpi ne, %convert_element_type3A, %cond3A : i32
      scf.if %cond3A_670 {
        %dma_wait3A_924 = arith.constant 0 : i32
        %dma_wait3A_925 = arith.constant 0 : i32
        %dma_wait3A_926 = tpu.memref_slice %arg7[%rem3A_666, %dma_wait3A_924, %dma_wait3A_925] : memref<2x25x40xi32, #tpu.memory_space<vmem>> -> memref<1x25x40xi32, #tpu.memory_space<vmem>>
        %dma_wait3A_927 = tpu.memref_squeeze %dma_wait3A_926 : memref<1x25x40xi32, #tpu.memory_space<vmem>> -> memref<25x40xi32, #tpu.memory_space<vmem>>
        %dma_wait3A_928 = arith.constant 0 : i32
        %dma_wait3A_929 = arith.constant 0 : i32
        %dma_wait3A_930 = tpu.memref_slice %arg4[%add3A, %select_n3A, %dma_wait3A_928, %dma_wait3A_929] : memref<32x10x25x40xi32, #tpu.memory_space<hbm>> -> memref<1x1x25x40xi32, #tpu.memory_space<hbm>>
        %dma_wait3A_931 = tpu.memref_squeeze %dma_wait3A_930 : memref<1x1x25x40xi32, #tpu.memory_space<hbm>> -> memref<25x40xi32, #tpu.memory_space<hbm>>
        %dma_wait3A_932 = arith.constant 0 : i32
        %dma_wait3A_933 = arith.constant 0 : i32
        %dma_wait3A_934 = tpu.memref_slice %arg7[%rem3A_666, %dma_wait3A_932, %dma_wait3A_933] : memref<2x25x40xi32, #tpu.memory_space<vmem>> -> memref<1x25x40xi32, #tpu.memory_space<vmem>>
        %dma_wait3A_935 = tpu.memref_squeeze %dma_wait3A_934 : memref<1x25x40xi32, #tpu.memory_space<vmem>> -> memref<25x40xi32, #tpu.memory_space<vmem>>
        %dma_wait3A_936 = arith.constant 0 : i32
        %dma_wait3A_937 = arith.constant 0 : i32
        %dma_wait3A_938 = tpu.memref_slice %arg4[%add3A, %select_n3A, %dma_wait3A_936, %dma_wait3A_937] : memref<32x10x25x40xi32, #tpu.memory_space<hbm>> -> memref<1x1x25x40xi32, #tpu.memory_space<hbm>>
        %dma_wait3A_939 = tpu.memref_squeeze %dma_wait3A_938 : memref<1x1x25x40xi32, #tpu.memory_space<hbm>> -> memref<25x40xi32, #tpu.memory_space<hbm>>
        tpu.wait_dma2 semaphore(%arg24 : memref<!tpu.dma_semaphore, #tpu.memory_space<semaphore_mem>>) src(%dma_wait3A_939 : memref<25x40xi32, #tpu.memory_space<hbm>>) dst(%dma_wait3A_935 : memref<25x40xi32, #tpu.memory_space<vmem>>)
      } else {
      }
      %mul3A_671 = arith.constant 40 : i32
      %mul3A_672 = arith.muli %add3A_645, %mul3A_671 : i32
      %dma_wait3A_673 = tpu.memref_slice %arg6[%mul3A_672] : memref<10000xi32, #tpu.memory_space<vmem>> -> memref<40xi32, #tpu.memory_space<vmem>>
      %dma_wait3A_674 = arith.constant 0 : i32
      %dma_wait3A_675 = arith.constant 0 : i32
      %dma_wait3A_676 = tpu.memref_slice %arg2[%dma_wait3A_674, %dma_wait3A_675] : memref<10240x128xf32, #tpu.memory_space<hbm>> -> memref<10240x128xf32, #tpu.memory_space<hbm>>
      tpu.wait_indirect_dma semaphore(%arg14 : memref<!tpu.dma_semaphore, #tpu.memory_space<semaphore_mem>>) src(%dma_wait3A_676 : memref<10240x128xf32, #tpu.memory_space<hbm>>) dst(%arg8 : memref<40x128xf32, #tpu.memory_space<vmem>>)
      %dma_start3A_677 = arith.constant 0 : i32
      %dma_start3A_678 = tpu.memref_slice %arg7[%rem3A_666, %sub3A_664, %dma_start3A_677] : memref<2x25x40xi32, #tpu.memory_space<vmem>> -> memref<1x1x40xi32, #tpu.memory_space<vmem>>
      %dma_start3A_679 = tpu.memref_squeeze %dma_start3A_678 : memref<1x1x40xi32, #tpu.memory_space<vmem>> -> memref<40xi32, #tpu.memory_space<vmem>>
      %dma_start3A_680 = arith.constant 0 : i32
      %dma_start3A_681 = arith.constant 0 : i32
      %dma_start3A_682 = tpu.memref_slice %arg13[%dma_start3A_680, %dma_start3A_681] : memref<10240x128xf32, #tpu.memory_space<vmem_shared>> -> memref<10240x128xf32, #tpu.memory_space<vmem_shared>>
      tpu.enqueue_indirect_dma source(%arg8 : memref<40x128xf32, #tpu.memory_space<vmem>>) target(%dma_start3A_682 : memref<10240x128xf32, #tpu.memory_space<vmem_shared>>) offsets(%dma_start3A_679 : memref<40xi32, #tpu.memory_space<vmem>>) semaphore(%arg19 : memref<!tpu.dma_semaphore, #tpu.memory_space<semaphore_mem>>) {add = true}
      %ge3A_683 = arith.constant 1 : i32
      %ge3A_684 = arith.cmpi sge, %add3A_645, %ge3A_683 : i32
      %add3A_685 = arith.constant 5 : i32
      %add3A_686 = arith.addi %add3A_645, %add3A_685 : i32
      %sub3A_687 = arith.constant 1 : i32
      %sub3A_688 = arith.subi %add3A_686, %sub3A_687 : i32
      %lt3A = arith.constant 250 : i32
      %lt3A_689 = arith.cmpi slt, %sub3A_688, %lt3A : i32
      %and3A_690 = arith.andi %ge3A_684, %lt3A_689 : i1
      %convert_element_type3A_691 = arith.extui %and3A_690 : i1 to i32
      %cond3A_692 = arith.constant 0 : i32
      %cond3A_693 = arith.cmpi ne, %convert_element_type3A_691, %cond3A_692 : i32
      scf.if %cond3A_693 {
        %sub3A_924 = arith.constant 1 : i32
        %sub3A_925 = arith.subi %add3A_645, %sub3A_924 : i32
        %jit3A_926 = arith.constant 25 : i32
        %div3A_927 = arith.divsi %sub3A_925, %jit3A_926 : i32
        %sign3A_928 = arith.constant 0 : i32
        %sign3A_929 = arith.cmpi sgt, %sub3A_925, %sign3A_928 : i32
        %sign3A_930 = arith.extui %sign3A_929 : i1 to i32
        %sign3A_931 = arith.constant 0 : i32
        %sign3A_932 = arith.cmpi slt, %sub3A_925, %sign3A_931 : i32
        %sign3A_933 = arith.extui %sign3A_932 : i1 to i32
        %sign3A_934 = arith.subi %sign3A_930, %sign3A_933 : i32
        %sign3A_935 = arith.constant 0 : i32
        %sign3A_936 = arith.cmpi sgt, %jit3A_926, %sign3A_935 : i32
        %sign3A_937 = arith.extui %sign3A_936 : i1 to i32
        %sign3A_938 = arith.constant 0 : i32
        %sign3A_939 = arith.cmpi slt, %jit3A_926, %sign3A_938 : i32
        %sign3A_940 = arith.extui %sign3A_939 : i1 to i32
        %sign3A_941 = arith.subi %sign3A_937, %sign3A_940 : i32
        %ne3A_942 = arith.cmpi ne, %sign3A_934, %sign3A_941 : i32
        %rem3A_943 = arith.remsi %sub3A_925, %jit3A_926 : i32
        %ne3A_944 = arith.constant 0 : i32
        %ne3A_945 = arith.cmpi ne, %rem3A_943, %ne3A_944 : i32
        %and3A_946 = arith.andi %ne3A_942, %ne3A_945 : i1
        %sub3A_947 = arith.constant 1 : i32
        %sub3A_948 = arith.subi %div3A_927, %sub3A_947 : i32
        %select_n3A_949 = arith.select %and3A_946, %sub3A_948, %div3A_927 : i32
        %rem3A_950 = arith.constant 2 : i32
        %rem3A_951 = arith.remsi %select_n3A_949, %rem3A_950 : i32
        %mul3A_952 = arith.constant 25 : i32
        %mul3A_953 = arith.muli %select_n3A_949, %mul3A_952 : i32
        %sub3A_954 = arith.subi %sub3A_925, %mul3A_953 : i32
        %dma_wait3A_955 = arith.constant 0 : i32
        %dma_wait3A_956 = tpu.memref_slice %arg7[%rem3A_951, %sub3A_954, %dma_wait3A_955] : memref<2x25x40xi32, #tpu.memory_space<vmem>> -> memref<1x1x40xi32, #tpu.memory_space<vmem>>
        %dma_wait3A_957 = tpu.memref_squeeze %dma_wait3A_956 : memref<1x1x40xi32, #tpu.memory_space<vmem>> -> memref<40xi32, #tpu.memory_space<vmem>>
        %dma_wait3A_958 = arith.constant 0 : i32
        %dma_wait3A_959 = arith.constant 0 : i32
        %dma_wait3A_960 = tpu.memref_slice %arg13[%dma_wait3A_958, %dma_wait3A_959] : memref<10240x128xf32, #tpu.memory_space<vmem_shared>> -> memref<10240x128xf32, #tpu.memory_space<vmem_shared>>
        tpu.wait_indirect_dma semaphore(%arg23 : memref<!tpu.dma_semaphore, #tpu.memory_space<semaphore_mem>>) src(%arg12 : memref<40x128xf32, #tpu.memory_space<vmem>>) dst(%dma_wait3A_960 : memref<10240x128xf32, #tpu.memory_space<vmem_shared>>)
        %add3A_961 = arith.constant 5 : i32
        %add3A_962 = arith.addi %add3A_645, %add3A_961 : i32
        %sub3A_963 = arith.constant 1 : i32
        %sub3A_964 = arith.subi %add3A_962, %sub3A_963 : i32
        %mul3A_965 = arith.constant 40 : i32
        %mul3A_966 = arith.muli %sub3A_964, %mul3A_965 : i32
        %dma_start3A_967 = tpu.memref_slice %arg6[%mul3A_966] : memref<10000xi32, #tpu.memory_space<vmem>> -> memref<40xi32, #tpu.memory_space<vmem>>
        %dma_start3A_968 = arith.constant 0 : i32
        %dma_start3A_969 = arith.constant 0 : i32
        %dma_start3A_970 = tpu.memref_slice %arg2[%dma_start3A_968, %dma_start3A_969] : memref<10240x128xf32, #tpu.memory_space<hbm>> -> memref<10240x128xf32, #tpu.memory_space<hbm>>
        tpu.enqueue_indirect_dma source(%dma_start3A_970 : memref<10240x128xf32, #tpu.memory_space<hbm>>) target(%arg12 : memref<40x128xf32, #tpu.memory_space<vmem>>) offsets(%dma_start3A_967 : memref<40xi32, #tpu.memory_space<vmem>>) semaphore(%arg18 : memref<!tpu.dma_semaphore, #tpu.memory_space<semaphore_mem>>)
      } else {
      }
      %add3A_694 = arith.constant 1 : i32
      %add3A_695 = arith.addi %mul3A_643, %add3A_694 : i32
      %jit3A_696 = arith.constant 25 : i32
      %div3A_697 = arith.divsi %add3A_695, %jit3A_696 : i32
      %sign3A_698 = arith.constant 0 : i32
      %sign3A_699 = arith.cmpi sgt, %add3A_695, %sign3A_698 : i32
      %sign3A_700 = arith.extui %sign3A_699 : i1 to i32
      %sign3A_701 = arith.constant 0 : i32
      %sign3A_702 = arith.cmpi slt, %add3A_695, %sign3A_701 : i32
      %sign3A_703 = arith.extui %sign3A_702 : i1 to i32
      %sign3A_704 = arith.subi %sign3A_700, %sign3A_703 : i32
      %sign3A_705 = arith.constant 0 : i32
      %sign3A_706 = arith.cmpi sgt, %jit3A_696, %sign3A_705 : i32
      %sign3A_707 = arith.extui %sign3A_706 : i1 to i32
      %sign3A_708 = arith.constant 0 : i32
      %sign3A_709 = arith.cmpi slt, %jit3A_696, %sign3A_708 : i32
      %sign3A_710 = arith.extui %sign3A_709 : i1 to i32
      %sign3A_711 = arith.subi %sign3A_707, %sign3A_710 : i32
      %ne3A_712 = arith.cmpi ne, %sign3A_704, %sign3A_711 : i32
      %rem3A_713 = arith.remsi %add3A_695, %jit3A_696 : i32
      %ne3A_714 = arith.constant 0 : i32
      %ne3A_715 = arith.cmpi ne, %rem3A_713, %ne3A_714 : i32
      %and3A_716 = arith.andi %ne3A_712, %ne3A_715 : i1
      %sub3A_717 = arith.constant 1 : i32
      %sub3A_718 = arith.subi %div3A_697, %sub3A_717 : i32
      %select_n3A_719 = arith.select %and3A_716, %sub3A_718, %div3A_697 : i32
      %mul3A_720 = arith.constant 25 : i32
      %mul3A_721 = arith.muli %select_n3A_719, %mul3A_720 : i32
      %sub3A_722 = arith.subi %add3A_695, %mul3A_721 : i32
      %rem3A_723 = arith.constant 2 : i32
      %rem3A_724 = arith.remsi %select_n3A_719, %rem3A_723 : i32
      %mul3A_725 = arith.constant 40 : i32
      %mul3A_726 = arith.muli %add3A_695, %mul3A_725 : i32
      %dma_wait3A_727 = tpu.memref_slice %arg6[%mul3A_726] : memref<10000xi32, #tpu.memory_space<vmem>> -> memref<40xi32, #tpu.memory_space<vmem>>
      %dma_wait3A_728 = arith.constant 0 : i32
      %dma_wait3A_729 = arith.constant 0 : i32
      %dma_wait3A_730 = tpu.memref_slice %arg2[%dma_wait3A_728, %dma_wait3A_729] : memref<10240x128xf32, #tpu.memory_space<hbm>> -> memref<10240x128xf32, #tpu.memory_space<hbm>>
      tpu.wait_indirect_dma semaphore(%arg15 : memref<!tpu.dma_semaphore, #tpu.memory_space<semaphore_mem>>) src(%dma_wait3A_730 : memref<10240x128xf32, #tpu.memory_space<hbm>>) dst(%arg9 : memref<40x128xf32, #tpu.memory_space<vmem>>)
      %dma_start3A_731 = arith.constant 0 : i32
      %dma_start3A_732 = tpu.memref_slice %arg7[%rem3A_724, %sub3A_722, %dma_start3A_731] : memref<2x25x40xi32, #tpu.memory_space<vmem>> -> memref<1x1x40xi32, #tpu.memory_space<vmem>>
      %dma_start3A_733 = tpu.memref_squeeze %dma_start3A_732 : memref<1x1x40xi32, #tpu.memory_space<vmem>> -> memref<40xi32, #tpu.memory_space<vmem>>
      %dma_start3A_734 = arith.constant 0 : i32
      %dma_start3A_735 = arith.constant 0 : i32
      %dma_start3A_736 = tpu.memref_slice %arg13[%dma_start3A_734, %dma_start3A_735] : memref<10240x128xf32, #tpu.memory_space<vmem_shared>> -> memref<10240x128xf32, #tpu.memory_space<vmem_shared>>
      tpu.enqueue_indirect_dma source(%arg9 : memref<40x128xf32, #tpu.memory_space<vmem>>) target(%dma_start3A_736 : memref<10240x128xf32, #tpu.memory_space<vmem_shared>>) offsets(%dma_start3A_733 : memref<40xi32, #tpu.memory_space<vmem>>) semaphore(%arg20 : memref<!tpu.dma_semaphore, #tpu.memory_space<semaphore_mem>>) {add = true}
      %ge3A_737 = arith.constant 1 : i32
      %ge3A_738 = arith.cmpi sge, %add3A_695, %ge3A_737 : i32
      %add3A_739 = arith.constant 5 : i32
      %add3A_740 = arith.addi %add3A_695, %add3A_739 : i32
      %sub3A_741 = arith.constant 1 : i32
      %sub3A_742 = arith.subi %add3A_740, %sub3A_741 : i32
      %lt3A_743 = arith.constant 250 : i32
      %lt3A_744 = arith.cmpi slt, %sub3A_742, %lt3A_743 : i32
      %and3A_745 = arith.andi %ge3A_738, %lt3A_744 : i1
      %convert_element_type3A_746 = arith.extui %and3A_745 : i1 to i32
      %cond3A_747 = arith.constant 0 : i32
      %cond3A_748 = arith.cmpi ne, %convert_element_type3A_746, %cond3A_747 : i32
      scf.if %cond3A_748 {
        %sub3A_924 = arith.constant 1 : i32
        %sub3A_925 = arith.subi %add3A_695, %sub3A_924 : i32
        %jit3A_926 = arith.constant 25 : i32
        %div3A_927 = arith.divsi %sub3A_925, %jit3A_926 : i32
        %sign3A_928 = arith.constant 0 : i32
        %sign3A_929 = arith.cmpi sgt, %sub3A_925, %sign3A_928 : i32
        %sign3A_930 = arith.extui %sign3A_929 : i1 to i32
        %sign3A_931 = arith.constant 0 : i32
        %sign3A_932 = arith.cmpi slt, %sub3A_925, %sign3A_931 : i32
        %sign3A_933 = arith.extui %sign3A_932 : i1 to i32
        %sign3A_934 = arith.subi %sign3A_930, %sign3A_933 : i32
        %sign3A_935 = arith.constant 0 : i32
        %sign3A_936 = arith.cmpi sgt, %jit3A_926, %sign3A_935 : i32
        %sign3A_937 = arith.extui %sign3A_936 : i1 to i32
        %sign3A_938 = arith.constant 0 : i32
        %sign3A_939 = arith.cmpi slt, %jit3A_926, %sign3A_938 : i32
        %sign3A_940 = arith.extui %sign3A_939 : i1 to i32
        %sign3A_941 = arith.subi %sign3A_937, %sign3A_940 : i32
        %ne3A_942 = arith.cmpi ne, %sign3A_934, %sign3A_941 : i32
        %rem3A_943 = arith.remsi %sub3A_925, %jit3A_926 : i32
        %ne3A_944 = arith.constant 0 : i32
        %ne3A_945 = arith.cmpi ne, %rem3A_943, %ne3A_944 : i32
        %and3A_946 = arith.andi %ne3A_942, %ne3A_945 : i1
        %sub3A_947 = arith.constant 1 : i32
        %sub3A_948 = arith.subi %div3A_927, %sub3A_947 : i32
        %select_n3A_949 = arith.select %and3A_946, %sub3A_948, %div3A_927 : i32
        %rem3A_950 = arith.constant 2 : i32
        %rem3A_951 = arith.remsi %select_n3A_949, %rem3A_950 : i32
        %mul3A_952 = arith.constant 25 : i32
        %mul3A_953 = arith.muli %select_n3A_949, %mul3A_952 : i32
        %sub3A_954 = arith.subi %sub3A_925, %mul3A_953 : i32
        %dma_wait3A_955 = arith.constant 0 : i32
        %dma_wait3A_956 = tpu.memref_slice %arg7[%rem3A_951, %sub3A_954, %dma_wait3A_955] : memref<2x25x40xi32, #tpu.memory_space<vmem>> -> memref<1x1x40xi32, #tpu.memory_space<vmem>>
        %dma_wait3A_957 = tpu.memref_squeeze %dma_wait3A_956 : memref<1x1x40xi32, #tpu.memory_space<vmem>> -> memref<40xi32, #tpu.memory_space<vmem>>
        %dma_wait3A_958 = arith.constant 0 : i32
        %dma_wait3A_959 = arith.constant 0 : i32
        %dma_wait3A_960 = tpu.memref_slice %arg13[%dma_wait3A_958, %dma_wait3A_959] : memref<10240x128xf32, #tpu.memory_space<vmem_shared>> -> memref<10240x128xf32, #tpu.memory_space<vmem_shared>>
        tpu.wait_indirect_dma semaphore(%arg19 : memref<!tpu.dma_semaphore, #tpu.memory_space<semaphore_mem>>) src(%arg8 : memref<40x128xf32, #tpu.memory_space<vmem>>) dst(%dma_wait3A_960 : memref<10240x128xf32, #tpu.memory_space<vmem_shared>>)
        %add3A_961 = arith.constant 5 : i32
        %add3A_962 = arith.addi %add3A_695, %add3A_961 : i32
        %sub3A_963 = arith.constant 1 : i32
        %sub3A_964 = arith.subi %add3A_962, %sub3A_963 : i32
        %mul3A_965 = arith.constant 40 : i32
        %mul3A_966 = arith.muli %sub3A_964, %mul3A_965 : i32
        %dma_start3A_967 = tpu.memref_slice %arg6[%mul3A_966] : memref<10000xi32, #tpu.memory_space<vmem>> -> memref<40xi32, #tpu.memory_space<vmem>>
        %dma_start3A_968 = arith.constant 0 : i32
        %dma_start3A_969 = arith.constant 0 : i32
        %dma_start3A_970 = tpu.memref_slice %arg2[%dma_start3A_968, %dma_start3A_969] : memref<10240x128xf32, #tpu.memory_space<hbm>> -> memref<10240x128xf32, #tpu.memory_space<hbm>>
        tpu.enqueue_indirect_dma source(%dma_start3A_970 : memref<10240x128xf32, #tpu.memory_space<hbm>>) target(%arg8 : memref<40x128xf32, #tpu.memory_space<vmem>>) offsets(%dma_start3A_967 : memref<40xi32, #tpu.memory_space<vmem>>) semaphore(%arg14 : memref<!tpu.dma_semaphore, #tpu.memory_space<semaphore_mem>>)
      } else {
      }
      %add3A_749 = arith.constant 2 : i32
      %add3A_750 = arith.addi %mul3A_643, %add3A_749 : i32
      %jit3A_751 = arith.constant 25 : i32
      %div3A_752 = arith.divsi %add3A_750, %jit3A_751 : i32
      %sign3A_753 = arith.constant 0 : i32
      %sign3A_754 = arith.cmpi sgt, %add3A_750, %sign3A_753 : i32
      %sign3A_755 = arith.extui %sign3A_754 : i1 to i32
      %sign3A_756 = arith.constant 0 : i32
      %sign3A_757 = arith.cmpi slt, %add3A_750, %sign3A_756 : i32
      %sign3A_758 = arith.extui %sign3A_757 : i1 to i32
      %sign3A_759 = arith.subi %sign3A_755, %sign3A_758 : i32
      %sign3A_760 = arith.constant 0 : i32
      %sign3A_761 = arith.cmpi sgt, %jit3A_751, %sign3A_760 : i32
      %sign3A_762 = arith.extui %sign3A_761 : i1 to i32
      %sign3A_763 = arith.constant 0 : i32
      %sign3A_764 = arith.cmpi slt, %jit3A_751, %sign3A_763 : i32
      %sign3A_765 = arith.extui %sign3A_764 : i1 to i32
      %sign3A_766 = arith.subi %sign3A_762, %sign3A_765 : i32
      %ne3A_767 = arith.cmpi ne, %sign3A_759, %sign3A_766 : i32
      %rem3A_768 = arith.remsi %add3A_750, %jit3A_751 : i32
      %ne3A_769 = arith.constant 0 : i32
      %ne3A_770 = arith.cmpi ne, %rem3A_768, %ne3A_769 : i32
      %and3A_771 = arith.andi %ne3A_767, %ne3A_770 : i1
      %sub3A_772 = arith.constant 1 : i32
      %sub3A_773 = arith.subi %div3A_752, %sub3A_772 : i32
      %select_n3A_774 = arith.select %and3A_771, %sub3A_773, %div3A_752 : i32
      %mul3A_775 = arith.constant 25 : i32
      %mul3A_776 = arith.muli %select_n3A_774, %mul3A_775 : i32
      %sub3A_777 = arith.subi %add3A_750, %mul3A_776 : i32
      %rem3A_778 = arith.constant 2 : i32
      %rem3A_779 = arith.remsi %select_n3A_774, %rem3A_778 : i32
      %mul3A_780 = arith.constant 40 : i32
      %mul3A_781 = arith.muli %add3A_750, %mul3A_780 : i32
      %dma_wait3A_782 = tpu.memref_slice %arg6[%mul3A_781] : memref<10000xi32, #tpu.memory_space<vmem>> -> memref<40xi32, #tpu.memory_space<vmem>>
      %dma_wait3A_783 = arith.constant 0 : i32
      %dma_wait3A_784 = arith.constant 0 : i32
      %dma_wait3A_785 = tpu.memref_slice %arg2[%dma_wait3A_783, %dma_wait3A_784] : memref<10240x128xf32, #tpu.memory_space<hbm>> -> memref<10240x128xf32, #tpu.memory_space<hbm>>
      tpu.wait_indirect_dma semaphore(%arg16 : memref<!tpu.dma_semaphore, #tpu.memory_space<semaphore_mem>>) src(%dma_wait3A_785 : memref<10240x128xf32, #tpu.memory_space<hbm>>) dst(%arg10 : memref<40x128xf32, #tpu.memory_space<vmem>>)
      %dma_start3A_786 = arith.constant 0 : i32
      %dma_start3A_787 = tpu.memref_slice %arg7[%rem3A_779, %sub3A_777, %dma_start3A_786] : memref<2x25x40xi32, #tpu.memory_space<vmem>> -> memref<1x1x40xi32, #tpu.memory_space<vmem>>
      %dma_start3A_788 = tpu.memref_squeeze %dma_start3A_787 : memref<1x1x40xi32, #tpu.memory_space<vmem>> -> memref<40xi32, #tpu.memory_space<vmem>>
      %dma_start3A_789 = arith.constant 0 : i32
      %dma_start3A_790 = arith.constant 0 : i32
      %dma_start3A_791 = tpu.memref_slice %arg13[%dma_start3A_789, %dma_start3A_790] : memref<10240x128xf32, #tpu.memory_space<vmem_shared>> -> memref<10240x128xf32, #tpu.memory_space<vmem_shared>>
      tpu.enqueue_indirect_dma source(%arg10 : memref<40x128xf32, #tpu.memory_space<vmem>>) target(%dma_start3A_791 : memref<10240x128xf32, #tpu.memory_space<vmem_shared>>) offsets(%dma_start3A_788 : memref<40xi32, #tpu.memory_space<vmem>>) semaphore(%arg21 : memref<!tpu.dma_semaphore, #tpu.memory_space<semaphore_mem>>) {add = true}
      %ge3A_792 = arith.constant 1 : i32
      %ge3A_793 = arith.cmpi sge, %add3A_750, %ge3A_792 : i32
      %add3A_794 = arith.constant 5 : i32
      %add3A_795 = arith.addi %add3A_750, %add3A_794 : i32
      %sub3A_796 = arith.constant 1 : i32
      %sub3A_797 = arith.subi %add3A_795, %sub3A_796 : i32
      %lt3A_798 = arith.constant 250 : i32
      %lt3A_799 = arith.cmpi slt, %sub3A_797, %lt3A_798 : i32
      %and3A_800 = arith.andi %ge3A_793, %lt3A_799 : i1
      %convert_element_type3A_801 = arith.extui %and3A_800 : i1 to i32
      %cond3A_802 = arith.constant 0 : i32
      %cond3A_803 = arith.cmpi ne, %convert_element_type3A_801, %cond3A_802 : i32
      scf.if %cond3A_803 {
        %sub3A_924 = arith.constant 1 : i32
        %sub3A_925 = arith.subi %add3A_750, %sub3A_924 : i32
        %jit3A_926 = arith.constant 25 : i32
        %div3A_927 = arith.divsi %sub3A_925, %jit3A_926 : i32
        %sign3A_928 = arith.constant 0 : i32
        %sign3A_929 = arith.cmpi sgt, %sub3A_925, %sign3A_928 : i32
        %sign3A_930 = arith.extui %sign3A_929 : i1 to i32
        %sign3A_931 = arith.constant 0 : i32
        %sign3A_932 = arith.cmpi slt, %sub3A_925, %sign3A_931 : i32
        %sign3A_933 = arith.extui %sign3A_932 : i1 to i32
        %sign3A_934 = arith.subi %sign3A_930, %sign3A_933 : i32
        %sign3A_935 = arith.constant 0 : i32
        %sign3A_936 = arith.cmpi sgt, %jit3A_926, %sign3A_935 : i32
        %sign3A_937 = arith.extui %sign3A_936 : i1 to i32
        %sign3A_938 = arith.constant 0 : i32
        %sign3A_939 = arith.cmpi slt, %jit3A_926, %sign3A_938 : i32
        %sign3A_940 = arith.extui %sign3A_939 : i1 to i32
        %sign3A_941 = arith.subi %sign3A_937, %sign3A_940 : i32
        %ne3A_942 = arith.cmpi ne, %sign3A_934, %sign3A_941 : i32
        %rem3A_943 = arith.remsi %sub3A_925, %jit3A_926 : i32
        %ne3A_944 = arith.constant 0 : i32
        %ne3A_945 = arith.cmpi ne, %rem3A_943, %ne3A_944 : i32
        %and3A_946 = arith.andi %ne3A_942, %ne3A_945 : i1
        %sub3A_947 = arith.constant 1 : i32
        %sub3A_948 = arith.subi %div3A_927, %sub3A_947 : i32
        %select_n3A_949 = arith.select %and3A_946, %sub3A_948, %div3A_927 : i32
        %rem3A_950 = arith.constant 2 : i32
        %rem3A_951 = arith.remsi %select_n3A_949, %rem3A_950 : i32
        %mul3A_952 = arith.constant 25 : i32
        %mul3A_953 = arith.muli %select_n3A_949, %mul3A_952 : i32
        %sub3A_954 = arith.subi %sub3A_925, %mul3A_953 : i32
        %dma_wait3A_955 = arith.constant 0 : i32
        %dma_wait3A_956 = tpu.memref_slice %arg7[%rem3A_951, %sub3A_954, %dma_wait3A_955] : memref<2x25x40xi32, #tpu.memory_space<vmem>> -> memref<1x1x40xi32, #tpu.memory_space<vmem>>
        %dma_wait3A_957 = tpu.memref_squeeze %dma_wait3A_956 : memref<1x1x40xi32, #tpu.memory_space<vmem>> -> memref<40xi32, #tpu.memory_space<vmem>>
        %dma_wait3A_958 = arith.constant 0 : i32
        %dma_wait3A_959 = arith.constant 0 : i32
        %dma_wait3A_960 = tpu.memref_slice %arg13[%dma_wait3A_958, %dma_wait3A_959] : memref<10240x128xf32, #tpu.memory_space<vmem_shared>> -> memref<10240x128xf32, #tpu.memory_space<vmem_shared>>
        tpu.wait_indirect_dma semaphore(%arg20 : memref<!tpu.dma_semaphore, #tpu.memory_space<semaphore_mem>>) src(%arg9 : memref<40x128xf32, #tpu.memory_space<vmem>>) dst(%dma_wait3A_960 : memref<10240x128xf32, #tpu.memory_space<vmem_shared>>)
        %add3A_961 = arith.constant 5 : i32
        %add3A_962 = arith.addi %add3A_750, %add3A_961 : i32
        %sub3A_963 = arith.constant 1 : i32
        %sub3A_964 = arith.subi %add3A_962, %sub3A_963 : i32
        %mul3A_965 = arith.constant 40 : i32
        %mul3A_966 = arith.muli %sub3A_964, %mul3A_965 : i32
        %dma_start3A_967 = tpu.memref_slice %arg6[%mul3A_966] : memref<10000xi32, #tpu.memory_space<vmem>> -> memref<40xi32, #tpu.memory_space<vmem>>
        %dma_start3A_968 = arith.constant 0 : i32
        %dma_start3A_969 = arith.constant 0 : i32
        %dma_start3A_970 = tpu.memref_slice %arg2[%dma_start3A_968, %dma_start3A_969] : memref<10240x128xf32, #tpu.memory_space<hbm>> -> memref<10240x128xf32, #tpu.memory_space<hbm>>
        tpu.enqueue_indirect_dma source(%dma_start3A_970 : memref<10240x128xf32, #tpu.memory_space<hbm>>) target(%arg9 : memref<40x128xf32, #tpu.memory_space<vmem>>) offsets(%dma_start3A_967 : memref<40xi32, #tpu.memory_space<vmem>>) semaphore(%arg15 : memref<!tpu.dma_semaphore, #tpu.memory_space<semaphore_mem>>)
      } else {
      }
      %add3A_804 = arith.constant 3 : i32
      %add3A_805 = arith.addi %mul3A_643, %add3A_804 : i32
      %jit3A_806 = arith.constant 25 : i32
      %div3A_807 = arith.divsi %add3A_805, %jit3A_806 : i32
      %sign3A_808 = arith.constant 0 : i32
      %sign3A_809 = arith.cmpi sgt, %add3A_805, %sign3A_808 : i32
      %sign3A_810 = arith.extui %sign3A_809 : i1 to i32
      %sign3A_811 = arith.constant 0 : i32
      %sign3A_812 = arith.cmpi slt, %add3A_805, %sign3A_811 : i32
      %sign3A_813 = arith.extui %sign3A_812 : i1 to i32
      %sign3A_814 = arith.subi %sign3A_810, %sign3A_813 : i32
      %sign3A_815 = arith.constant 0 : i32
      %sign3A_816 = arith.cmpi sgt, %jit3A_806, %sign3A_815 : i32
      %sign3A_817 = arith.extui %sign3A_816 : i1 to i32
      %sign3A_818 = arith.constant 0 : i32
      %sign3A_819 = arith.cmpi slt, %jit3A_806, %sign3A_818 : i32
      %sign3A_820 = arith.extui %sign3A_819 : i1 to i32
      %sign3A_821 = arith.subi %sign3A_817, %sign3A_820 : i32
      %ne3A_822 = arith.cmpi ne, %sign3A_814, %sign3A_821 : i32
      %rem3A_823 = arith.remsi %add3A_805, %jit3A_806 : i32
      %ne3A_824 = arith.constant 0 : i32
      %ne3A_825 = arith.cmpi ne, %rem3A_823, %ne3A_824 : i32
      %and3A_826 = arith.andi %ne3A_822, %ne3A_825 : i1
      %sub3A_827 = arith.constant 1 : i32
      %sub3A_828 = arith.subi %div3A_807, %sub3A_827 : i32
      %select_n3A_829 = arith.select %and3A_826, %sub3A_828, %div3A_807 : i32
      %mul3A_830 = arith.constant 25 : i32
      %mul3A_831 = arith.muli %select_n3A_829, %mul3A_830 : i32
      %sub3A_832 = arith.subi %add3A_805, %mul3A_831 : i32
      %rem3A_833 = arith.constant 2 : i32
      %rem3A_834 = arith.remsi %select_n3A_829, %rem3A_833 : i32
      %mul3A_835 = arith.constant 40 : i32
      %mul3A_836 = arith.muli %add3A_805, %mul3A_835 : i32
      %dma_wait3A_837 = tpu.memref_slice %arg6[%mul3A_836] : memref<10000xi32, #tpu.memory_space<vmem>> -> memref<40xi32, #tpu.memory_space<vmem>>
      %dma_wait3A_838 = arith.constant 0 : i32
      %dma_wait3A_839 = arith.constant 0 : i32
      %dma_wait3A_840 = tpu.memref_slice %arg2[%dma_wait3A_838, %dma_wait3A_839] : memref<10240x128xf32, #tpu.memory_space<hbm>> -> memref<10240x128xf32, #tpu.memory_space<hbm>>
      tpu.wait_indirect_dma semaphore(%arg17 : memref<!tpu.dma_semaphore, #tpu.memory_space<semaphore_mem>>) src(%dma_wait3A_840 : memref<10240x128xf32, #tpu.memory_space<hbm>>) dst(%arg11 : memref<40x128xf32, #tpu.memory_space<vmem>>)
      %dma_start3A_841 = arith.constant 0 : i32
      %dma_start3A_842 = tpu.memref_slice %arg7[%rem3A_834, %sub3A_832, %dma_start3A_841] : memref<2x25x40xi32, #tpu.memory_space<vmem>> -> memref<1x1x40xi32, #tpu.memory_space<vmem>>
      %dma_start3A_843 = tpu.memref_squeeze %dma_start3A_842 : memref<1x1x40xi32, #tpu.memory_space<vmem>> -> memref<40xi32, #tpu.memory_space<vmem>>
      %dma_start3A_844 = arith.constant 0 : i32
      %dma_start3A_845 = arith.constant 0 : i32
      %dma_start3A_846 = tpu.memref_slice %arg13[%dma_start3A_844, %dma_start3A_845] : memref<10240x128xf32, #tpu.memory_space<vmem_shared>> -> memref<10240x128xf32, #tpu.memory_space<vmem_shared>>
      tpu.enqueue_indirect_dma source(%arg11 : memref<40x128xf32, #tpu.memory_space<vmem>>) target(%dma_start3A_846 : memref<10240x128xf32, #tpu.memory_space<vmem_shared>>) offsets(%dma_start3A_843 : memref<40xi32, #tpu.memory_space<vmem>>) semaphore(%arg22 : memref<!tpu.dma_semaphore, #tpu.memory_space<semaphore_mem>>) {add = true}
      %ge3A_847 = arith.constant 1 : i32
      %ge3A_848 = arith.cmpi sge, %add3A_805, %ge3A_847 : i32
      %add3A_849 = arith.constant 5 : i32
      %add3A_850 = arith.addi %add3A_805, %add3A_849 : i32
      %sub3A_851 = arith.constant 1 : i32
      %sub3A_852 = arith.subi %add3A_850, %sub3A_851 : i32
      %lt3A_853 = arith.constant 250 : i32
      %lt3A_854 = arith.cmpi slt, %sub3A_852, %lt3A_853 : i32
      %and3A_855 = arith.andi %ge3A_848, %lt3A_854 : i1
      %convert_element_type3A_856 = arith.extui %and3A_855 : i1 to i32
      %cond3A_857 = arith.constant 0 : i32
      %cond3A_858 = arith.cmpi ne, %convert_element_type3A_856, %cond3A_857 : i32
      scf.if %cond3A_858 {
        %sub3A_924 = arith.constant 1 : i32
        %sub3A_925 = arith.subi %add3A_805, %sub3A_924 : i32
        %jit3A_926 = arith.constant 25 : i32
        %div3A_927 = arith.divsi %sub3A_925, %jit3A_926 : i32
        %sign3A_928 = arith.constant 0 : i32
        %sign3A_929 = arith.cmpi sgt, %sub3A_925, %sign3A_928 : i32
        %sign3A_930 = arith.extui %sign3A_929 : i1 to i32
        %sign3A_931 = arith.constant 0 : i32
        %sign3A_932 = arith.cmpi slt, %sub3A_925, %sign3A_931 : i32
        %sign3A_933 = arith.extui %sign3A_932 : i1 to i32
        %sign3A_934 = arith.subi %sign3A_930, %sign3A_933 : i32
        %sign3A_935 = arith.constant 0 : i32
        %sign3A_936 = arith.cmpi sgt, %jit3A_926, %sign3A_935 : i32
        %sign3A_937 = arith.extui %sign3A_936 : i1 to i32
        %sign3A_938 = arith.constant 0 : i32
        %sign3A_939 = arith.cmpi slt, %jit3A_926, %sign3A_938 : i32
        %sign3A_940 = arith.extui %sign3A_939 : i1 to i32
        %sign3A_941 = arith.subi %sign3A_937, %sign3A_940 : i32
        %ne3A_942 = arith.cmpi ne, %sign3A_934, %sign3A_941 : i32
        %rem3A_943 = arith.remsi %sub3A_925, %jit3A_926 : i32
        %ne3A_944 = arith.constant 0 : i32
        %ne3A_945 = arith.cmpi ne, %rem3A_943, %ne3A_944 : i32
        %and3A_946 = arith.andi %ne3A_942, %ne3A_945 : i1
        %sub3A_947 = arith.constant 1 : i32
        %sub3A_948 = arith.subi %div3A_927, %sub3A_947 : i32
        %select_n3A_949 = arith.select %and3A_946, %sub3A_948, %div3A_927 : i32
        %rem3A_950 = arith.constant 2 : i32
        %rem3A_951 = arith.remsi %select_n3A_949, %rem3A_950 : i32
        %mul3A_952 = arith.constant 25 : i32
        %mul3A_953 = arith.muli %select_n3A_949, %mul3A_952 : i32
        %sub3A_954 = arith.subi %sub3A_925, %mul3A_953 : i32
        %dma_wait3A_955 = arith.constant 0 : i32
        %dma_wait3A_956 = tpu.memref_slice %arg7[%rem3A_951, %sub3A_954, %dma_wait3A_955] : memref<2x25x40xi32, #tpu.memory_space<vmem>> -> memref<1x1x40xi32, #tpu.memory_space<vmem>>
        %dma_wait3A_957 = tpu.memref_squeeze %dma_wait3A_956 : memref<1x1x40xi32, #tpu.memory_space<vmem>> -> memref<40xi32, #tpu.memory_space<vmem>>
        %dma_wait3A_958 = arith.constant 0 : i32
        %dma_wait3A_959 = arith.constant 0 : i32
        %dma_wait3A_960 = tpu.memref_slice %arg13[%dma_wait3A_958, %dma_wait3A_959] : memref<10240x128xf32, #tpu.memory_space<vmem_shared>> -> memref<10240x128xf32, #tpu.memory_space<vmem_shared>>
        tpu.wait_indirect_dma semaphore(%arg21 : memref<!tpu.dma_semaphore, #tpu.memory_space<semaphore_mem>>) src(%arg10 : memref<40x128xf32, #tpu.memory_space<vmem>>) dst(%dma_wait3A_960 : memref<10240x128xf32, #tpu.memory_space<vmem_shared>>)
        %add3A_961 = arith.constant 5 : i32
        %add3A_962 = arith.addi %add3A_805, %add3A_961 : i32
        %sub3A_963 = arith.constant 1 : i32
        %sub3A_964 = arith.subi %add3A_962, %sub3A_963 : i32
        %mul3A_965 = arith.constant 40 : i32
        %mul3A_966 = arith.muli %sub3A_964, %mul3A_965 : i32
        %dma_start3A_967 = tpu.memref_slice %arg6[%mul3A_966] : memref<10000xi32, #tpu.memory_space<vmem>> -> memref<40xi32, #tpu.memory_space<vmem>>
        %dma_start3A_968 = arith.constant 0 : i32
        %dma_start3A_969 = arith.constant 0 : i32
        %dma_start3A_970 = tpu.memref_slice %arg2[%dma_start3A_968, %dma_start3A_969] : memref<10240x128xf32, #tpu.memory_space<hbm>> -> memref<10240x128xf32, #tpu.memory_space<hbm>>
        tpu.enqueue_indirect_dma source(%dma_start3A_970 : memref<10240x128xf32, #tpu.memory_space<hbm>>) target(%arg10 : memref<40x128xf32, #tpu.memory_space<vmem>>) offsets(%dma_start3A_967 : memref<40xi32, #tpu.memory_space<vmem>>) semaphore(%arg16 : memref<!tpu.dma_semaphore, #tpu.memory_space<semaphore_mem>>)
      } else {
      }
      %add3A_859 = arith.constant 4 : i32
      %add3A_860 = arith.addi %mul3A_643, %add3A_859 : i32
      %jit3A_861 = arith.constant 25 : i32
      %div3A_862 = arith.divsi %add3A_860, %jit3A_861 : i32
      %sign3A_863 = arith.constant 0 : i32
      %sign3A_864 = arith.cmpi sgt, %add3A_860, %sign3A_863 : i32
      %sign3A_865 = arith.extui %sign3A_864 : i1 to i32
      %sign3A_866 = arith.constant 0 : i32
      %sign3A_867 = arith.cmpi slt, %add3A_860, %sign3A_866 : i32
      %sign3A_868 = arith.extui %sign3A_867 : i1 to i32
      %sign3A_869 = arith.subi %sign3A_865, %sign3A_868 : i32
      %sign3A_870 = arith.constant 0 : i32
      %sign3A_871 = arith.cmpi sgt, %jit3A_861, %sign3A_870 : i32
      %sign3A_872 = arith.extui %sign3A_871 : i1 to i32
      %sign3A_873 = arith.constant 0 : i32
      %sign3A_874 = arith.cmpi slt, %jit3A_861, %sign3A_873 : i32
      %sign3A_875 = arith.extui %sign3A_874 : i1 to i32
      %sign3A_876 = arith.subi %sign3A_872, %sign3A_875 : i32
      %ne3A_877 = arith.cmpi ne, %sign3A_869, %sign3A_876 : i32
      %rem3A_878 = arith.remsi %add3A_860, %jit3A_861 : i32
      %ne3A_879 = arith.constant 0 : i32
      %ne3A_880 = arith.cmpi ne, %rem3A_878, %ne3A_879 : i32
      %and3A_881 = arith.andi %ne3A_877, %ne3A_880 : i1
      %sub3A_882 = arith.constant 1 : i32
      %sub3A_883 = arith.subi %div3A_862, %sub3A_882 : i32
      %select_n3A_884 = arith.select %and3A_881, %sub3A_883, %div3A_862 : i32
      %mul3A_885 = arith.constant 25 : i32
      %mul3A_886 = arith.muli %select_n3A_884, %mul3A_885 : i32
      %sub3A_887 = arith.subi %add3A_860, %mul3A_886 : i32
      %rem3A_888 = arith.constant 2 : i32
      %rem3A_889 = arith.remsi %select_n3A_884, %rem3A_888 : i32
      %eq3A_890 = arith.constant 4 : i32
      %eq3A_891 = arith.cmpi eq, %sub3A_887, %eq3A_890 : i32
      %add3A_892 = arith.constant 1 : i32
      %add3A_893 = arith.addi %select_n3A_884, %add3A_892 : i32
      %lt3A_894 = arith.constant 10 : i32
      %lt3A_895 = arith.cmpi slt, %add3A_893, %lt3A_894 : i32
      %and3A_896 = arith.andi %eq3A_891, %lt3A_895 : i1
      %convert_element_type3A_897 = arith.extui %and3A_896 : i1 to i32
      %cond3A_898 = arith.constant 0 : i32
      %cond3A_899 = arith.cmpi ne, %convert_element_type3A_897, %cond3A_898 : i32
      scf.if %cond3A_899 {
        %add3A_924 = arith.constant 1 : i32
        %add3A_925 = arith.addi %select_n3A_884, %add3A_924 : i32
        %sub3A_926 = arith.constant 1 : i32
        %sub3A_927 = arith.subi %sub3A_926, %rem3A_889 : i32
        %dma_start3A_928 = arith.constant 0 : i32
        %dma_start3A_929 = arith.constant 0 : i32
        %dma_start3A_930 = tpu.memref_slice %arg7[%sub3A_927, %dma_start3A_928, %dma_start3A_929] : memref<2x25x40xi32, #tpu.memory_space<vmem>> -> memref<1x25x40xi32, #tpu.memory_space<vmem>>
        %dma_start3A_931 = tpu.memref_squeeze %dma_start3A_930 : memref<1x25x40xi32, #tpu.memory_space<vmem>> -> memref<25x40xi32, #tpu.memory_space<vmem>>
        %dma_start3A_932 = arith.constant 0 : i32
        %dma_start3A_933 = arith.constant 0 : i32
        %dma_start3A_934 = tpu.memref_slice %arg4[%add3A, %add3A_925, %dma_start3A_932, %dma_start3A_933] : memref<32x10x25x40xi32, #tpu.memory_space<hbm>> -> memref<1x1x25x40xi32, #tpu.memory_space<hbm>>
        %dma_start3A_935 = tpu.memref_squeeze %dma_start3A_934 : memref<1x1x25x40xi32, #tpu.memory_space<hbm>> -> memref<25x40xi32, #tpu.memory_space<hbm>>
        %dma_start3A_936 = arith.constant 0 : i32
        %dma_start3A_937 = arith.constant 0 : i32
        %dma_start3A_938 = tpu.memref_slice %arg7[%sub3A_927, %dma_start3A_936, %dma_start3A_937] : memref<2x25x40xi32, #tpu.memory_space<vmem>> -> memref<1x25x40xi32, #tpu.memory_space<vmem>>
        %dma_start3A_939 = tpu.memref_squeeze %dma_start3A_938 : memref<1x25x40xi32, #tpu.memory_space<vmem>> -> memref<25x40xi32, #tpu.memory_space<vmem>>
        %dma_start3A_940 = arith.constant 0 : i32
        %dma_start3A_941 = arith.constant 0 : i32
        %dma_start3A_942 = tpu.memref_slice %arg4[%add3A, %add3A_925, %dma_start3A_940, %dma_start3A_941] : memref<32x10x25x40xi32, #tpu.memory_space<hbm>> -> memref<1x1x25x40xi32, #tpu.memory_space<hbm>>
        %dma_start3A_943 = tpu.memref_squeeze %dma_start3A_942 : memref<1x1x25x40xi32, #tpu.memory_space<hbm>> -> memref<25x40xi32, #tpu.memory_space<hbm>>
        tpu.enqueue_dma source(%dma_start3A_943 : memref<25x40xi32, #tpu.memory_space<hbm>>) target(%dma_start3A_939 : memref<25x40xi32, #tpu.memory_space<vmem>>) target_semaphore(%arg24 : memref<!tpu.dma_semaphore, #tpu.memory_space<semaphore_mem>>)
      } else {
      }
      %mul3A_900 = arith.constant 40 : i32
      %mul3A_901 = arith.muli %add3A_860, %mul3A_900 : i32
      %dma_wait3A_902 = tpu.memref_slice %arg6[%mul3A_901] : memref<10000xi32, #tpu.memory_space<vmem>> -> memref<40xi32, #tpu.memory_space<vmem>>
      %dma_wait3A_903 = arith.constant 0 : i32
      %dma_wait3A_904 = arith.constant 0 : i32
      %dma_wait3A_905 = tpu.memref_slice %arg2[%dma_wait3A_903, %dma_wait3A_904] : memref<10240x128xf32, #tpu.memory_space<hbm>> -> memref<10240x128xf32, #tpu.memory_space<hbm>>
      tpu.wait_indirect_dma semaphore(%arg18 : memref<!tpu.dma_semaphore, #tpu.memory_space<semaphore_mem>>) src(%dma_wait3A_905 : memref<10240x128xf32, #tpu.memory_space<hbm>>) dst(%arg12 : memref<40x128xf32, #tpu.memory_space<vmem>>)
      %dma_start3A_906 = arith.constant 0 : i32
      %dma_start3A_907 = tpu.memref_slice %arg7[%rem3A_889, %sub3A_887, %dma_start3A_906] : memref<2x25x40xi32, #tpu.memory_space<vmem>> -> memref<1x1x40xi32, #tpu.memory_space<vmem>>
      %dma_start3A_908 = tpu.memref_squeeze %dma_start3A_907 : memref<1x1x40xi32, #tpu.memory_space<vmem>> -> memref<40xi32, #tpu.memory_space<vmem>>
      %dma_start3A_909 = arith.constant 0 : i32
      %dma_start3A_910 = arith.constant 0 : i32
      %dma_start3A_911 = tpu.memref_slice %arg13[%dma_start3A_909, %dma_start3A_910] : memref<10240x128xf32, #tpu.memory_space<vmem_shared>> -> memref<10240x128xf32, #tpu.memory_space<vmem_shared>>
      tpu.enqueue_indirect_dma source(%arg12 : memref<40x128xf32, #tpu.memory_space<vmem>>) target(%dma_start3A_911 : memref<10240x128xf32, #tpu.memory_space<vmem_shared>>) offsets(%dma_start3A_908 : memref<40xi32, #tpu.memory_space<vmem>>) semaphore(%arg23 : memref<!tpu.dma_semaphore, #tpu.memory_space<semaphore_mem>>) {add = true}
      %ge3A_912 = arith.constant 1 : i32
      %ge3A_913 = arith.cmpi sge, %add3A_860, %ge3A_912 : i32
      %add3A_914 = arith.constant 5 : i32
      %add3A_915 = arith.addi %add3A_860, %add3A_914 : i32
      %sub3A_916 = arith.constant 1 : i32
      %sub3A_917 = arith.subi %add3A_915, %sub3A_916 : i32
      %lt3A_918 = arith.constant 250 : i32
      %lt3A_919 = arith.cmpi slt, %sub3A_917, %lt3A_918 : i32
      %and3A_920 = arith.andi %ge3A_913, %lt3A_919 : i1
      %convert_element_type3A_921 = arith.extui %and3A_920 : i1 to i32
      %cond3A_922 = arith.constant 0 : i32
      %cond3A_923 = arith.cmpi ne, %convert_element_type3A_921, %cond3A_922 : i32
      scf.if %cond3A_923 {
        %sub3A_924 = arith.constant 1 : i32
        %sub3A_925 = arith.subi %add3A_860, %sub3A_924 : i32
        %jit3A_926 = arith.constant 25 : i32
        %div3A_927 = arith.divsi %sub3A_925, %jit3A_926 : i32
        %sign3A_928 = arith.constant 0 : i32
        %sign3A_929 = arith.cmpi sgt, %sub3A_925, %sign3A_928 : i32
        %sign3A_930 = arith.extui %sign3A_929 : i1 to i32
        %sign3A_931 = arith.constant 0 : i32
        %sign3A_932 = arith.cmpi slt, %sub3A_925, %sign3A_931 : i32
        %sign3A_933 = arith.extui %sign3A_932 : i1 to i32
        %sign3A_934 = arith.subi %sign3A_930, %sign3A_933 : i32
        %sign3A_935 = arith.constant 0 : i32
        %sign3A_936 = arith.cmpi sgt, %jit3A_926, %sign3A_935 : i32
        %sign3A_937 = arith.extui %sign3A_936 : i1 to i32
        %sign3A_938 = arith.constant 0 : i32
        %sign3A_939 = arith.cmpi slt, %jit3A_926, %sign3A_938 : i32
        %sign3A_940 = arith.extui %sign3A_939 : i1 to i32
        %sign3A_941 = arith.subi %sign3A_937, %sign3A_940 : i32
        %ne3A_942 = arith.cmpi ne, %sign3A_934, %sign3A_941 : i32
        %rem3A_943 = arith.remsi %sub3A_925, %jit3A_926 : i32
        %ne3A_944 = arith.constant 0 : i32
        %ne3A_945 = arith.cmpi ne, %rem3A_943, %ne3A_944 : i32
        %and3A_946 = arith.andi %ne3A_942, %ne3A_945 : i1
        %sub3A_947 = arith.constant 1 : i32
        %sub3A_948 = arith.subi %div3A_927, %sub3A_947 : i32
        %select_n3A_949 = arith.select %and3A_946, %sub3A_948, %div3A_927 : i32
        %rem3A_950 = arith.constant 2 : i32
        %rem3A_951 = arith.remsi %select_n3A_949, %rem3A_950 : i32
        %mul3A_952 = arith.constant 25 : i32
        %mul3A_953 = arith.muli %select_n3A_949, %mul3A_952 : i32
        %sub3A_954 = arith.subi %sub3A_925, %mul3A_953 : i32
        %dma_wait3A_955 = arith.constant 0 : i32
        %dma_wait3A_956 = tpu.memref_slice %arg7[%rem3A_951, %sub3A_954, %dma_wait3A_955] : memref<2x25x40xi32, #tpu.memory_space<vmem>> -> memref<1x1x40xi32, #tpu.memory_space<vmem>>
        %dma_wait3A_957 = tpu.memref_squeeze %dma_wait3A_956 : memref<1x1x40xi32, #tpu.memory_space<vmem>> -> memref<40xi32, #tpu.memory_space<vmem>>
        %dma_wait3A_958 = arith.constant 0 : i32
        %dma_wait3A_959 = arith.constant 0 : i32
        %dma_wait3A_960 = tpu.memref_slice %arg13[%dma_wait3A_958, %dma_wait3A_959] : memref<10240x128xf32, #tpu.memory_space<vmem_shared>> -> memref<10240x128xf32, #tpu.memory_space<vmem_shared>>
        tpu.wait_indirect_dma semaphore(%arg22 : memref<!tpu.dma_semaphore, #tpu.memory_space<semaphore_mem>>) src(%arg11 : memref<40x128xf32, #tpu.memory_space<vmem>>) dst(%dma_wait3A_960 : memref<10240x128xf32, #tpu.memory_space<vmem_shared>>)
        %add3A_961 = arith.constant 5 : i32
        %add3A_962 = arith.addi %add3A_860, %add3A_961 : i32
        %sub3A_963 = arith.constant 1 : i32
        %sub3A_964 = arith.subi %add3A_962, %sub3A_963 : i32
        %mul3A_965 = arith.constant 40 : i32
        %mul3A_966 = arith.muli %sub3A_964, %mul3A_965 : i32
        %dma_start3A_967 = tpu.memref_slice %arg6[%mul3A_966] : memref<10000xi32, #tpu.memory_space<vmem>> -> memref<40xi32, #tpu.memory_space<vmem>>
        %dma_start3A_968 = arith.constant 0 : i32
        %dma_start3A_969 = arith.constant 0 : i32
        %dma_start3A_970 = tpu.memref_slice %arg2[%dma_start3A_968, %dma_start3A_969] : memref<10240x128xf32, #tpu.memory_space<hbm>> -> memref<10240x128xf32, #tpu.memory_space<hbm>>
        tpu.enqueue_indirect_dma source(%dma_start3A_970 : memref<10240x128xf32, #tpu.memory_space<hbm>>) target(%arg11 : memref<40x128xf32, #tpu.memory_space<vmem>>) offsets(%dma_start3A_967 : memref<40xi32, #tpu.memory_space<vmem>>) semaphore(%arg17 : memref<!tpu.dma_semaphore, #tpu.memory_space<semaphore_mem>>)
      } else {
      }
    }
    %scan3A_505 = arith.constant 50 : i32
    %dma_wait3A_506 = arith.constant 1 : i32
    %dma_wait3A_507 = arith.constant 20 : i32
    %dma_wait3A_508 = arith.constant 0 : i32
    %dma_wait3A_509 = tpu.memref_slice %arg7[%dma_wait3A_506, %dma_wait3A_507, %dma_wait3A_508] : memref<2x25x40xi32, #tpu.memory_space<vmem>> -> memref<1x1x40xi32, #tpu.memory_space<vmem>>
    %dma_wait3A_510 = tpu.memref_squeeze %dma_wait3A_509 : memref<1x1x40xi32, #tpu.memory_space<vmem>> -> memref<40xi32, #tpu.memory_space<vmem>>
    %dma_wait3A_511 = arith.constant 0 : i32
    %dma_wait3A_512 = arith.constant 0 : i32
    %dma_wait3A_513 = tpu.memref_slice %arg13[%dma_wait3A_511, %dma_wait3A_512] : memref<10240x128xf32, #tpu.memory_space<vmem_shared>> -> memref<10240x128xf32, #tpu.memory_space<vmem_shared>>
    tpu.wait_indirect_dma semaphore(%arg19 : memref<!tpu.dma_semaphore, #tpu.memory_space<semaphore_mem>>) src(%arg8 : memref<40x128xf32, #tpu.memory_space<vmem>>) dst(%dma_wait3A_513 : memref<10240x128xf32, #tpu.memory_space<vmem_shared>>)
    %dma_wait3A_514 = arith.constant 1 : i32
    %dma_wait3A_515 = arith.constant 21 : i32
    %dma_wait3A_516 = arith.constant 0 : i32
    %dma_wait3A_517 = tpu.memref_slice %arg7[%dma_wait3A_514, %dma_wait3A_515, %dma_wait3A_516] : memref<2x25x40xi32, #tpu.memory_space<vmem>> -> memref<1x1x40xi32, #tpu.memory_space<vmem>>
    %dma_wait3A_518 = tpu.memref_squeeze %dma_wait3A_517 : memref<1x1x40xi32, #tpu.memory_space<vmem>> -> memref<40xi32, #tpu.memory_space<vmem>>
    %dma_wait3A_519 = arith.constant 0 : i32
    %dma_wait3A_520 = arith.constant 0 : i32
    %dma_wait3A_521 = tpu.memref_slice %arg13[%dma_wait3A_519, %dma_wait3A_520] : memref<10240x128xf32, #tpu.memory_space<vmem_shared>> -> memref<10240x128xf32, #tpu.memory_space<vmem_shared>>
    tpu.wait_indirect_dma semaphore(%arg20 : memref<!tpu.dma_semaphore, #tpu.memory_space<semaphore_mem>>) src(%arg9 : memref<40x128xf32, #tpu.memory_space<vmem>>) dst(%dma_wait3A_521 : memref<10240x128xf32, #tpu.memory_space<vmem_shared>>)
    %dma_wait3A_522 = arith.constant 1 : i32
    %dma_wait3A_523 = arith.constant 22 : i32
    %dma_wait3A_524 = arith.constant 0 : i32
    %dma_wait3A_525 = tpu.memref_slice %arg7[%dma_wait3A_522, %dma_wait3A_523, %dma_wait3A_524] : memref<2x25x40xi32, #tpu.memory_space<vmem>> -> memref<1x1x40xi32, #tpu.memory_space<vmem>>
    %dma_wait3A_526 = tpu.memref_squeeze %dma_wait3A_525 : memref<1x1x40xi32, #tpu.memory_space<vmem>> -> memref<40xi32, #tpu.memory_space<vmem>>
    %dma_wait3A_527 = arith.constant 0 : i32
    %dma_wait3A_528 = arith.constant 0 : i32
    %dma_wait3A_529 = tpu.memref_slice %arg13[%dma_wait3A_527, %dma_wait3A_528] : memref<10240x128xf32, #tpu.memory_space<vmem_shared>> -> memref<10240x128xf32, #tpu.memory_space<vmem_shared>>
    tpu.wait_indirect_dma semaphore(%arg21 : memref<!tpu.dma_semaphore, #tpu.memory_space<semaphore_mem>>) src(%arg10 : memref<40x128xf32, #tpu.memory_space<vmem>>) dst(%dma_wait3A_529 : memref<10240x128xf32, #tpu.memory_space<vmem_shared>>)
    %dma_wait3A_530 = arith.constant 1 : i32
    %dma_wait3A_531 = arith.constant 23 : i32
    %dma_wait3A_532 = arith.constant 0 : i32
    %dma_wait3A_533 = tpu.memref_slice %arg7[%dma_wait3A_530, %dma_wait3A_531, %dma_wait3A_532] : memref<2x25x40xi32, #tpu.memory_space<vmem>> -> memref<1x1x40xi32, #tpu.memory_space<vmem>>
    %dma_wait3A_534 = tpu.memref_squeeze %dma_wait3A_533 : memref<1x1x40xi32, #tpu.memory_space<vmem>> -> memref<40xi32, #tpu.memory_space<vmem>>
    %dma_wait3A_535 = arith.constant 0 : i32
    %dma_wait3A_536 = arith.constant 0 : i32
    %dma_wait3A_537 = tpu.memref_slice %arg13[%dma_wait3A_535, %dma_wait3A_536] : memref<10240x128xf32, #tpu.memory_space<vmem_shared>> -> memref<10240x128xf32, #tpu.memory_space<vmem_shared>>
    tpu.wait_indirect_dma semaphore(%arg22 : memref<!tpu.dma_semaphore, #tpu.memory_space<semaphore_mem>>) src(%arg11 : memref<40x128xf32, #tpu.memory_space<vmem>>) dst(%dma_wait3A_537 : memref<10240x128xf32, #tpu.memory_space<vmem_shared>>)
    %dma_wait3A_538 = arith.constant 1 : i32
    %dma_wait3A_539 = arith.constant 24 : i32
    %dma_wait3A_540 = arith.constant 0 : i32
    %dma_wait3A_541 = tpu.memref_slice %arg7[%dma_wait3A_538, %dma_wait3A_539, %dma_wait3A_540] : memref<2x25x40xi32, #tpu.memory_space<vmem>> -> memref<1x1x40xi32, #tpu.memory_space<vmem>>
    %dma_wait3A_542 = tpu.memref_squeeze %dma_wait3A_541 : memref<1x1x40xi32, #tpu.memory_space<vmem>> -> memref<40xi32, #tpu.memory_space<vmem>>
    %dma_wait3A_543 = arith.constant 0 : i32
    %dma_wait3A_544 = arith.constant 0 : i32
    %dma_wait3A_545 = tpu.memref_slice %arg13[%dma_wait3A_543, %dma_wait3A_544] : memref<10240x128xf32, #tpu.memory_space<vmem_shared>> -> memref<10240x128xf32, #tpu.memory_space<vmem_shared>>
    tpu.wait_indirect_dma semaphore(%arg23 : memref<!tpu.dma_semaphore, #tpu.memory_space<semaphore_mem>>) src(%arg12 : memref<40x128xf32, #tpu.memory_space<vmem>>) dst(%dma_wait3A_545 : memref<10240x128xf32, #tpu.memory_space<vmem_shared>>)
    %barrier3A_546 = arith.constant 0 : index
    tpu.barrier barrier_id(%barrier3A_546)
    %mul3A_547 = arith.constant 640 : i32
    %mul3A_548 = arith.muli %arg1, %mul3A_547 : i32
    %add3A_549 = arith.constant 0 : i32
    %add3A_550 = arith.addi %mul3A_548, %add3A_549 : i32
    %dma_start3A_551 = arith.constant 0 : i32
    %dma_start3A_552 = tpu.memref_slice %arg5[%arg0, %add3A_550, %dma_start3A_551] : memref<2x10240x128xf32, #tpu.memory_space<hbm>> -> memref<1x128x128xf32, #tpu.memory_space<hbm>>
    %dma_start3A_553 = tpu.memref_squeeze %dma_start3A_552 : memref<1x128x128xf32, #tpu.memory_space<hbm>> -> memref<128x128xf32, #tpu.memory_space<hbm>>
    %dma_start3A_554 = arith.constant 0 : i32
    %dma_start3A_555 = tpu.memref_slice %arg13[%add3A_550, %dma_start3A_554] : memref<10240x128xf32, #tpu.memory_space<vmem_shared>> -> memref<128x128xf32, #tpu.memory_space<vmem_shared>>
    tpu.enqueue_dma source(%dma_start3A_555 : memref<128x128xf32, #tpu.memory_space<vmem_shared>>) target(%dma_start3A_553 : memref<128x128xf32, #tpu.memory_space<hbm>>) target_semaphore(%arg19 : memref<!tpu.dma_semaphore, #tpu.memory_space<semaphore_mem>>)
    %mul3A_556 = arith.constant 640 : i32
    %mul3A_557 = arith.muli %arg1, %mul3A_556 : i32
    %add3A_558 = arith.constant 128 : i32
    %add3A_559 = arith.addi %mul3A_557, %add3A_558 : i32
    %dma_start3A_560 = arith.constant 0 : i32
    %dma_start3A_561 = tpu.memref_slice %arg5[%arg0, %add3A_559, %dma_start3A_560] : memref<2x10240x128xf32, #tpu.memory_space<hbm>> -> memref<1x128x128xf32, #tpu.memory_space<hbm>>
    %dma_start3A_562 = tpu.memref_squeeze %dma_start3A_561 : memref<1x128x128xf32, #tpu.memory_space<hbm>> -> memref<128x128xf32, #tpu.memory_space<hbm>>
    %dma_start3A_563 = arith.constant 0 : i32
    %dma_start3A_564 = tpu.memref_slice %arg13[%add3A_559, %dma_start3A_563] : memref<10240x128xf32, #tpu.memory_space<vmem_shared>> -> memref<128x128xf32, #tpu.memory_space<vmem_shared>>
    tpu.enqueue_dma source(%dma_start3A_564 : memref<128x128xf32, #tpu.memory_space<vmem_shared>>) target(%dma_start3A_562 : memref<128x128xf32, #tpu.memory_space<hbm>>) target_semaphore(%arg19 : memref<!tpu.dma_semaphore, #tpu.memory_space<semaphore_mem>>)
    %mul3A_565 = arith.constant 640 : i32
    %mul3A_566 = arith.muli %arg1, %mul3A_565 : i32
    %add3A_567 = arith.constant 256 : i32
    %add3A_568 = arith.addi %mul3A_566, %add3A_567 : i32
    %dma_start3A_569 = arith.constant 0 : i32
    %dma_start3A_570 = tpu.memref_slice %arg5[%arg0, %add3A_568, %dma_start3A_569] : memref<2x10240x128xf32, #tpu.memory_space<hbm>> -> memref<1x128x128xf32, #tpu.memory_space<hbm>>
    %dma_start3A_571 = tpu.memref_squeeze %dma_start3A_570 : memref<1x128x128xf32, #tpu.memory_space<hbm>> -> memref<128x128xf32, #tpu.memory_space<hbm>>
    %dma_start3A_572 = arith.constant 0 : i32
    %dma_start3A_573 = tpu.memref_slice %arg13[%add3A_568, %dma_start3A_572] : memref<10240x128xf32, #tpu.memory_space<vmem_shared>> -> memref<128x128xf32, #tpu.memory_space<vmem_shared>>
    tpu.enqueue_dma source(%dma_start3A_573 : memref<128x128xf32, #tpu.memory_space<vmem_shared>>) target(%dma_start3A_571 : memref<128x128xf32, #tpu.memory_space<hbm>>) target_semaphore(%arg19 : memref<!tpu.dma_semaphore, #tpu.memory_space<semaphore_mem>>)
    %mul3A_574 = arith.constant 640 : i32
    %mul3A_575 = arith.muli %arg1, %mul3A_574 : i32
    %add3A_576 = arith.constant 384 : i32
    %add3A_577 = arith.addi %mul3A_575, %add3A_576 : i32
    %dma_start3A_578 = arith.constant 0 : i32
    %dma_start3A_579 = tpu.memref_slice %arg5[%arg0, %add3A_577, %dma_start3A_578] : memref<2x10240x128xf32, #tpu.memory_space<hbm>> -> memref<1x128x128xf32, #tpu.memory_space<hbm>>
    %dma_start3A_580 = tpu.memref_squeeze %dma_start3A_579 : memref<1x128x128xf32, #tpu.memory_space<hbm>> -> memref<128x128xf32, #tpu.memory_space<hbm>>
    %dma_start3A_581 = arith.constant 0 : i32
    %dma_start3A_582 = tpu.memref_slice %arg13[%add3A_577, %dma_start3A_581] : memref<10240x128xf32, #tpu.memory_space<vmem_shared>> -> memref<128x128xf32, #tpu.memory_space<vmem_shared>>
    tpu.enqueue_dma source(%dma_start3A_582 : memref<128x128xf32, #tpu.memory_space<vmem_shared>>) target(%dma_start3A_580 : memref<128x128xf32, #tpu.memory_space<hbm>>) target_semaphore(%arg19 : memref<!tpu.dma_semaphore, #tpu.memory_space<semaphore_mem>>)
    %mul3A_583 = arith.constant 640 : i32
    %mul3A_584 = arith.muli %arg1, %mul3A_583 : i32
    %add3A_585 = arith.constant 512 : i32
    %add3A_586 = arith.addi %mul3A_584, %add3A_585 : i32
    %dma_start3A_587 = arith.constant 0 : i32
    %dma_start3A_588 = tpu.memref_slice %arg5[%arg0, %add3A_586, %dma_start3A_587] : memref<2x10240x128xf32, #tpu.memory_space<hbm>> -> memref<1x128x128xf32, #tpu.memory_space<hbm>>
    %dma_start3A_589 = tpu.memref_squeeze %dma_start3A_588 : memref<1x128x128xf32, #tpu.memory_space<hbm>> -> memref<128x128xf32, #tpu.memory_space<hbm>>
    %dma_start3A_590 = arith.constant 0 : i32
    %dma_start3A_591 = tpu.memref_slice %arg13[%add3A_586, %dma_start3A_590] : memref<10240x128xf32, #tpu.memory_space<vmem_shared>> -> memref<128x128xf32, #tpu.memory_space<vmem_shared>>
    tpu.enqueue_dma source(%dma_start3A_591 : memref<128x128xf32, #tpu.memory_space<vmem_shared>>) target(%dma_start3A_589 : memref<128x128xf32, #tpu.memory_space<hbm>>) target_semaphore(%arg19 : memref<!tpu.dma_semaphore, #tpu.memory_space<semaphore_mem>>)
    %mul3A_592 = arith.constant 640 : i32
    %mul3A_593 = arith.muli %arg1, %mul3A_592 : i32
    %add3A_594 = arith.constant 0 : i32
    %add3A_595 = arith.addi %mul3A_593, %add3A_594 : i32
    %dma_wait3A_596 = arith.constant 0 : i32
    %dma_wait3A_597 = tpu.memref_slice %arg5[%arg0, %add3A_595, %dma_wait3A_596] : memref<2x10240x128xf32, #tpu.memory_space<hbm>> -> memref<1x128x128xf32, #tpu.memory_space<hbm>>
    %dma_wait3A_598 = tpu.memref_squeeze %dma_wait3A_597 : memref<1x128x128xf32, #tpu.memory_space<hbm>> -> memref<128x128xf32, #tpu.memory_space<hbm>>
    %dma_wait3A_599 = arith.constant 0 : i32
    %dma_wait3A_600 = tpu.memref_slice %arg13[%add3A_595, %dma_wait3A_599] : memref<10240x128xf32, #tpu.memory_space<vmem_shared>> -> memref<128x128xf32, #tpu.memory_space<vmem_shared>>
    tpu.wait_dma2 semaphore(%arg19 : memref<!tpu.dma_semaphore, #tpu.memory_space<semaphore_mem>>) src(%dma_wait3A_600 : memref<128x128xf32, #tpu.memory_space<vmem_shared>>) dst(%dma_wait3A_598 : memref<128x128xf32, #tpu.memory_space<hbm>>)
    %mul3A_601 = arith.constant 640 : i32
    %mul3A_602 = arith.muli %arg1, %mul3A_601 : i32
    %add3A_603 = arith.constant 128 : i32
    %add3A_604 = arith.addi %mul3A_602, %add3A_603 : i32
    %dma_wait3A_605 = arith.constant 0 : i32
    %dma_wait3A_606 = tpu.memref_slice %arg5[%arg0, %add3A_604, %dma_wait3A_605] : memref<2x10240x128xf32, #tpu.memory_space<hbm>> -> memref<1x128x128xf32, #tpu.memory_space<hbm>>
    %dma_wait3A_607 = tpu.memref_squeeze %dma_wait3A_606 : memref<1x128x128xf32, #tpu.memory_space<hbm>> -> memref<128x128xf32, #tpu.memory_space<hbm>>
    %dma_wait3A_608 = arith.constant 0 : i32
    %dma_wait3A_609 = tpu.memref_slice %arg13[%add3A_604, %dma_wait3A_608] : memref<10240x128xf32, #tpu.memory_space<vmem_shared>> -> memref<128x128xf32, #tpu.memory_space<vmem_shared>>
    tpu.wait_dma2 semaphore(%arg19 : memref<!tpu.dma_semaphore, #tpu.memory_space<semaphore_mem>>) src(%dma_wait3A_609 : memref<128x128xf32, #tpu.memory_space<vmem_shared>>) dst(%dma_wait3A_607 : memref<128x128xf32, #tpu.memory_space<hbm>>)
    %mul3A_610 = arith.constant 640 : i32
    %mul3A_611 = arith.muli %arg1, %mul3A_610 : i32
    %add3A_612 = arith.constant 256 : i32
    %add3A_613 = arith.addi %mul3A_611, %add3A_612 : i32
    %dma_wait3A_614 = arith.constant 0 : i32
    %dma_wait3A_615 = tpu.memref_slice %arg5[%arg0, %add3A_613, %dma_wait3A_614] : memref<2x10240x128xf32, #tpu.memory_space<hbm>> -> memref<1x128x128xf32, #tpu.memory_space<hbm>>
    %dma_wait3A_616 = tpu.memref_squeeze %dma_wait3A_615 : memref<1x128x128xf32, #tpu.memory_space<hbm>> -> memref<128x128xf32, #tpu.memory_space<hbm>>
    %dma_wait3A_617 = arith.constant 0 : i32
    %dma_wait3A_618 = tpu.memref_slice %arg13[%add3A_613, %dma_wait3A_617] : memref<10240x128xf32, #tpu.memory_space<vmem_shared>> -> memref<128x128xf32, #tpu.memory_space<vmem_shared>>
    tpu.wait_dma2 semaphore(%arg19 : memref<!tpu.dma_semaphore, #tpu.memory_space<semaphore_mem>>) src(%dma_wait3A_618 : memref<128x128xf32, #tpu.memory_space<vmem_shared>>) dst(%dma_wait3A_616 : memref<128x128xf32, #tpu.memory_space<hbm>>)
    %mul3A_619 = arith.constant 640 : i32
    %mul3A_620 = arith.muli %arg1, %mul3A_619 : i32
    %add3A_621 = arith.constant 384 : i32
    %add3A_622 = arith.addi %mul3A_620, %add3A_621 : i32
    %dma_wait3A_623 = arith.constant 0 : i32
    %dma_wait3A_624 = tpu.memref_slice %arg5[%arg0, %add3A_622, %dma_wait3A_623] : memref<2x10240x128xf32, #tpu.memory_space<hbm>> -> memref<1x128x128xf32, #tpu.memory_space<hbm>>
    %dma_wait3A_625 = tpu.memref_squeeze %dma_wait3A_624 : memref<1x128x128xf32, #tpu.memory_space<hbm>> -> memref<128x128xf32, #tpu.memory_space<hbm>>
    %dma_wait3A_626 = arith.constant 0 : i32
    %dma_wait3A_627 = tpu.memref_slice %arg13[%add3A_622, %dma_wait3A_626] : memref<10240x128xf32, #tpu.memory_space<vmem_shared>> -> memref<128x128xf32, #tpu.memory_space<vmem_shared>>
    tpu.wait_dma2 semaphore(%arg19 : memref<!tpu.dma_semaphore, #tpu.memory_space<semaphore_mem>>) src(%dma_wait3A_627 : memref<128x128xf32, #tpu.memory_space<vmem_shared>>) dst(%dma_wait3A_625 : memref<128x128xf32, #tpu.memory_space<hbm>>)
    %mul3A_628 = arith.constant 640 : i32
    %mul3A_629 = arith.muli %arg1, %mul3A_628 : i32
    %add3A_630 = arith.constant 512 : i32
    %add3A_631 = arith.addi %mul3A_629, %add3A_630 : i32
    %dma_wait3A_632 = arith.constant 0 : i32
    %dma_wait3A_633 = tpu.memref_slice %arg5[%arg0, %add3A_631, %dma_wait3A_632] : memref<2x10240x128xf32, #tpu.memory_space<hbm>> -> memref<1x128x128xf32, #tpu.memory_space<hbm>>
    %dma_wait3A_634 = tpu.memref_squeeze %dma_wait3A_633 : memref<1x128x128xf32, #tpu.memory_space<hbm>> -> memref<128x128xf32, #tpu.memory_space<hbm>>
    %dma_wait3A_635 = arith.constant 0 : i32
    %dma_wait3A_636 = tpu.memref_slice %arg13[%add3A_631, %dma_wait3A_635] : memref<10240x128xf32, #tpu.memory_space<vmem_shared>> -> memref<128x128xf32, #tpu.memory_space<vmem_shared>>
    tpu.wait_dma2 semaphore(%arg19 : memref<!tpu.dma_semaphore, #tpu.memory_space<semaphore_mem>>) src(%dma_wait3A_636 : memref<128x128xf32, #tpu.memory_space<vmem_shared>>) dst(%dma_wait3A_634 : memref<128x128xf32, #tpu.memory_space<hbm>>)
    return
  }
}

module attributes {stable_mosaic.version = 14 : i64} {
  func.func @_deg_hist_body(%arg0: i32, %arg1: memref<1x1x32000xi32, #tpu.memory_space<vmem>>, %arg2: memref<80x128xf32, #tpu.memory_space<vmem>>) attributes {dimension_semantics = [#tpu.dimension_semantics<arbitrary>], iteration_bounds = array<i64: 10>, scalar_prefetch = 0 : i64, scratch_operands = 0 : i64, tpu.core_type = #tpu.core_type<tc>, window_params = [{transform_indices = @transform_0, window_bounds = array<i64: 1, 1, 32000>}, {pipeline_mode = #tpu.pipeline_mode<synchronous>, transform_indices = @transform_1, window_bounds = array<i64: 80, 128>}]} {
    %eq3A = arith.constant 0 : i32
    %eq3A_0 = arith.cmpi eq, %arg0, %eq3A : i32
    %convert_element_type3A = arith.extui %eq3A_0 : i1 to i32
    %cond3A = arith.constant 0 : i32
    %cond3A_1 = arith.cmpi ne, %convert_element_type3A, %cond3A : i32
    scf.if %cond3A_1 {
      %broadcast_in_dim3A_35 = arith.constant 0.000000e+00 : f32
      %broadcast_in_dim3A_36 = vector.broadcast %broadcast_in_dim3A_35 : f32 to vector<80x128xf32>
      %swap3A_37 = arith.constant 0 : index
      %swap3A_38 = arith.constant 0 : index
      %swap3A_39 = vector.load %arg2[%swap3A_37, %swap3A_38] : memref<80x128xf32, #tpu.memory_space<vmem>>, vector<80x128xf32>
      tpu.vector_store %arg2[%swap3A_37, %swap3A_38], %broadcast_in_dim3A_36 {strides = array<i32>} : memref<80x128xf32, #tpu.memory_space<vmem>>, vector<80x128xf32>,
    } else {
    }
    %get3A = arith.constant 0 : index
    %get3A_2 = arith.constant 0 : index
    %get3A_3 = arith.constant 0 : index
    %get3A_4 = vector.load %arg1[%get3A, %get3A_2, %get3A_3] : memref<1x1x32000xi32, #tpu.memory_space<vmem>>, vector<1x1x32000xi32>
    %get3A_5 = vector.shape_cast %get3A_4 : vector<1x1x32000xi32> to vector<1x32000xi32>
    %iota3A = tpu.iota {dimensions = array<i32: 0>} : vector<128x32000xi32>
    %iota3A_6 = tpu.iota {dimensions = array<i32: 0>} : vector<80x32000xi32>
    %and3A = arith.constant 127 : i32
    %and3A_7 = vector.broadcast %and3A : i32 to vector<1x32000xi32>
    %and3A_8 = arith.andi %get3A_5, %and3A_7 : vector<1x32000xi32>
    %eq3A_9 = vector.broadcast %and3A_8 : vector<1x32000xi32> to vector<128x32000xi32>
    %eq3A_10 = arith.cmpi eq, %eq3A_9, %iota3A : vector<128x32000xi32>
    %jit3A = arith.constant 1.000000e+00 : f32
    %jit3A_11 = arith.constant 0.000000e+00 : f32
    %broadcast_in_dim3A = vector.broadcast %jit3A : f32 to vector<128x32000xf32>
    %broadcast_in_dim3A_12 = vector.broadcast %jit3A_11 : f32 to vector<128x32000xf32>
    %select_n3A = arith.select %eq3A_10, %broadcast_in_dim3A, %broadcast_in_dim3A_12 : vector<128x32000xi1>, vector<128x32000xf32>
    %convert_element_type3A_13 = arith.truncf %select_n3A : vector<128x32000xf32> to vector<128x32000xbf16>
    %shift_right_logical3A = arith.constant 7 : i32
    %shift_right_logical3A_14 = vector.broadcast %shift_right_logical3A : i32 to vector<1x32000xi32>
    %shift_right_logical3A_15 = arith.shrui %get3A_5, %shift_right_logical3A_14 : vector<1x32000xi32>
    %eq3A_16 = vector.broadcast %shift_right_logical3A_15 : vector<1x32000xi32> to vector<80x32000xi32>
    %eq3A_17 = arith.cmpi eq, %eq3A_16, %iota3A_6 : vector<80x32000xi32>
    %jit3A_18 = arith.constant 1.000000e+00 : f32
    %jit3A_19 = arith.constant 0.000000e+00 : f32
    %broadcast_in_dim3A_20 = vector.broadcast %jit3A_18 : f32 to vector<80x32000xf32>
    %broadcast_in_dim3A_21 = vector.broadcast %jit3A_19 : f32 to vector<80x32000xf32>
    %select_n3A_22 = arith.select %eq3A_17, %broadcast_in_dim3A_20, %broadcast_in_dim3A_21 : vector<80x32000xi1>, vector<80x32000xf32>
    %convert_element_type3A_23 = arith.truncf %select_n3A_22 : vector<80x32000xf32> to vector<80x32000xbf16>
    %get3A_24 = arith.constant 0 : index
    %get3A_25 = arith.constant 0 : index
    %get3A_26 = vector.load %arg2[%get3A_24, %get3A_25] : memref<80x128xf32, #tpu.memory_space<vmem>>, vector<80x128xf32>
    %dot_general3A = arith.constant dense<0.000000e+00> : vector<80x128xf32>
    %dot_general3A_27 = tpu.matmul %convert_element_type3A_23, %convert_element_type3A_13, %dot_general3A {dimension_numbers = #tpu.dot_dimension_numbers<[1], [1], [0], [0], [0, 0, 1, 0], [], []>, transpose_lhs_hint = false} : vector<80x32000xbf16>, vector<128x32000xbf16>, vector<80x128xf32> -> vector<80x128xf32>
    %add3A = arith.addf %get3A_26, %dot_general3A_27 : vector<80x128xf32>
    %swap3A = arith.constant 0 : index
    %swap3A_28 = arith.constant 0 : index
    %swap3A_29 = vector.load %arg2[%swap3A, %swap3A_28] : memref<80x128xf32, #tpu.memory_space<vmem>>, vector<80x128xf32>
    tpu.vector_store %arg2[%swap3A, %swap3A_28], %add3A {strides = array<i32>} : memref<80x128xf32, #tpu.memory_space<vmem>>, vector<80x128xf32>,
    %eq3A_30 = arith.constant 9 : i32
    %eq3A_31 = arith.cmpi eq, %arg0, %eq3A_30 : i32
    %convert_element_type3A_32 = arith.extui %eq3A_31 : i1 to i32
    %cond3A_33 = arith.constant 0 : i32
    %cond3A_34 = arith.cmpi ne, %convert_element_type3A_32, %cond3A_33 : i32
    scf.if %cond3A_34 {
      %get3A_35 = arith.constant 0 : index
      %get3A_36 = arith.constant 0 : index
      %get3A_37 = vector.load %arg2[%get3A_35, %get3A_36] : memref<80x128xf32, #tpu.memory_space<vmem>>, vector<80x128xf32>
      %add3A_38 = arith.constant 1.000000e+00 : f32
      %add3A_39 = vector.broadcast %add3A_38 : f32 to vector<80x128xf32>
      %add3A_40 = arith.addf %get3A_37, %add3A_39 : vector<80x128xf32>
      %rsqrt3A = math.rsqrt %add3A_40 : vector<80x128xf32>
      %swap3A_41 = arith.constant 0 : index
      %swap3A_42 = arith.constant 0 : index
      %swap3A_43 = vector.load %arg2[%swap3A_41, %swap3A_42] : memref<80x128xf32, #tpu.memory_space<vmem>>, vector<80x128xf32>
      tpu.vector_store %arg2[%swap3A_41, %swap3A_42], %rsqrt3A {strides = array<i32>} : memref<80x128xf32, #tpu.memory_space<vmem>>, vector<80x128xf32>,
    } else {
    }
    return
  }
  func.func @transform_0(%arg0: i32) -> (i32, i32, i32) {
    %c0_i32 = arith.constant 0 : i32
    %c0_i32_0 = arith.constant 0 : i32
    %c0_i32_1 = arith.constant 0 : i32
    return %arg0, %c0_i32, %c0_i32_0 : i32, i32, i32
  }
  func.func @transform_1(%arg0: i32) -> (i32, i32) {
    %c0_i32 = arith.constant 0 : i32
    %c0_i32_0 = arith.constant 0 : i32
    %c0_i32_1 = arith.constant 0 : i32
    return %c0_i32, %c0_i32_0 : i32, i32
  }
}

module attributes {stable_mosaic.version = 14 : i64} {
  func.func @_mm_scale_body(%arg0: i32, %arg1: memref<80x128xf32, #tpu.memory_space<vmem>>, %arg2: memref<2048x128xf32, #tpu.memory_space<vmem>>, %arg3: memref<128x128xf32, #tpu.memory_space<vmem>>, %arg4: memref<2048x128xf32, #tpu.memory_space<vmem>>) attributes {dimension_semantics = [#tpu.dimension_semantics<arbitrary>], iteration_bounds = array<i64: 5>, scalar_prefetch = 0 : i64, scratch_operands = 0 : i64, tpu.core_type = #tpu.core_type<tc>, window_params = [{pipeline_mode = #tpu.pipeline_mode<synchronous>, transform_indices = @transform_0, window_bounds = array<i64: 80, 128>}, {transform_indices = @transform_1, window_bounds = array<i64: 2048, 128>}, {pipeline_mode = #tpu.pipeline_mode<synchronous>, transform_indices = @transform_2, window_bounds = array<i64: 128, 128>}, {transform_indices = @transform_3, window_bounds = array<i64: 2048, 128>}]} {
    %get3A = arith.constant 0 : index
    %get3A_0 = arith.constant 0 : index
    %get3A_1 = vector.load %arg2[%get3A, %get3A_0] : memref<2048x128xf32, #tpu.memory_space<vmem>>, vector<2048x128xf32>
    %get3A_2 = arith.constant 0 : index
    %get3A_3 = arith.constant 0 : index
    %get3A_4 = vector.load %arg3[%get3A_2, %get3A_3] : memref<128x128xf32, #tpu.memory_space<vmem>>, vector<128x128xf32>
    %dot_general3A = arith.constant dense<0.000000e+00> : vector<2048x128xf32>
    %dot_general3A_5 = tpu.matmul %get3A_1, %get3A_4, %dot_general3A {dimension_numbers = #tpu.dot_dimension_numbers<[1], [0], [0], [1], [0, 0, 1, 1], [], []>, transpose_lhs_hint = false} : vector<2048x128xf32>, vector<128x128xf32>, vector<2048x128xf32> -> vector<2048x128xf32>
    %mul3A = arith.constant 16 : i32
    %mul3A_6 = arith.muli %arg0, %mul3A : i32
    %get3A_7 = arith.index_cast %mul3A_6 : i32 to index
    %get3A_8 = arith.constant 0 : index
    %get3A_9 = vector.load %arg1[%get3A_7, %get3A_8] : memref<80x128xf32, #tpu.memory_space<vmem>>, vector<16x128xf32>
    %iota3A = tpu.iota {dimensions = array<i32: 0>} : vector<2048x16xi32>
    %iota3A_10 = tpu.iota {dimensions = array<i32: 1>} : vector<2048x16xi32>
    %shift_right_logical3A = arith.constant 7 : i32
    %shift_right_logical3A_11 = vector.broadcast %shift_right_logical3A : i32 to vector<2048x16xi32>
    %shift_right_logical3A_12 = arith.shrui %iota3A, %shift_right_logical3A_11 : vector<2048x16xi32>
    %eq3A = arith.cmpi eq, %shift_right_logical3A_12, %iota3A_10 : vector<2048x16xi32>
    %jit3A = arith.constant 1.000000e+00 : f32
    %jit3A_13 = arith.constant 0.000000e+00 : f32
    %broadcast_in_dim3A = vector.broadcast %jit3A : f32 to vector<2048x16xf32>
    %broadcast_in_dim3A_14 = vector.broadcast %jit3A_13 : f32 to vector<2048x16xf32>
    %select_n3A = arith.select %eq3A, %broadcast_in_dim3A, %broadcast_in_dim3A_14 : vector<2048x16xi1>, vector<2048x16xf32>
    %dot_general3A_15 = arith.constant dense<0.000000e+00> : vector<2048x128xf32>
    %dot_general3A_16 = tpu.matmul %select_n3A, %get3A_9, %dot_general3A_15 {dimension_numbers = #tpu.dot_dimension_numbers<[1], [0], [0], [1], [0, 0, 1, 1], [], []>, transpose_lhs_hint = false} : vector<2048x16xf32>, vector<16x128xf32>, vector<2048x128xf32> -> vector<2048x128xf32>
    %iota3A_17 = tpu.iota {dimensions = array<i32: 0>} : vector<2048x128xi32>
    %iota3A_18 = tpu.iota {dimensions = array<i32: 1>} : vector<2048x128xi32>
    %and3A = arith.constant 127 : i32
    %and3A_19 = vector.broadcast %and3A : i32 to vector<2048x128xi32>
    %and3A_20 = arith.andi %iota3A_17, %and3A_19 : vector<2048x128xi32>
    %eq3A_21 = arith.cmpi eq, %and3A_20, %iota3A_18 : vector<2048x128xi32>
    %jit3A_22 = arith.constant 1.000000e+00 : f32
    %jit3A_23 = arith.constant 0.000000e+00 : f32
    %broadcast_in_dim3A_24 = vector.broadcast %jit3A_22 : f32 to vector<2048x128xf32>
    %broadcast_in_dim3A_25 = vector.broadcast %jit3A_23 : f32 to vector<2048x128xf32>
    %select_n3A_26 = arith.select %eq3A_21, %broadcast_in_dim3A_24, %broadcast_in_dim3A_25 : vector<2048x128xi1>, vector<2048x128xf32>
    %mul3A_27 = arith.mulf %dot_general3A_16, %select_n3A_26 : vector<2048x128xf32>
    %reduce_sum3A = arith.constant dense<0.000000e+00> : vector<2048xf32>
    %reduce_sum3A_28 = vector.multi_reduction <add>, %mul3A_27, %reduce_sum3A [1] : vector<2048x128xf32> to vector<2048xf32>
    %broadcast_in_dim3A_29 = vector.shape_cast %reduce_sum3A_28 : vector<2048xf32> to vector<2048x1xf32>
    %mul3A_30 = vector.broadcast %broadcast_in_dim3A_29 : vector<2048x1xf32> to vector<2048x128xf32>
    %mul3A_31 = arith.mulf %dot_general3A_5, %mul3A_30 : vector<2048x128xf32>
    %swap3A = arith.constant 0 : index
    %swap3A_32 = arith.constant 0 : index
    %swap3A_33 = vector.load %arg4[%swap3A, %swap3A_32] : memref<2048x128xf32, #tpu.memory_space<vmem>>, vector<2048x128xf32>
    tpu.vector_store %arg4[%swap3A, %swap3A_32], %mul3A_31 {strides = array<i32>} : memref<2048x128xf32, #tpu.memory_space<vmem>>, vector<2048x128xf32>,
    return
  }
  func.func @transform_0(%arg0: i32) -> (i32, i32) {
    %c0_i32 = arith.constant 0 : i32
    %c0_i32_0 = arith.constant 0 : i32
    %c0_i32_1 = arith.constant 0 : i32
    return %c0_i32, %c0_i32_0 : i32, i32
  }
  func.func @transform_1(%arg0: i32) -> (i32, i32) {
    %c0_i32 = arith.constant 0 : i32
    %c0_i32_0 = arith.constant 0 : i32
    return %arg0, %c0_i32 : i32, i32
  }
  func.func @transform_2(%arg0: i32) -> (i32, i32) {
    %c0_i32 = arith.constant 0 : i32
    %c0_i32_0 = arith.constant 0 : i32
    %c0_i32_1 = arith.constant 0 : i32
    return %c0_i32, %c0_i32_0 : i32, i32
  }
  func.func @transform_3(%arg0: i32) -> (i32, i32) {
    %c0_i32 = arith.constant 0 : i32
    %c0_i32_0 = arith.constant 0 : i32
    return %arg0, %c0_i32 : i32, i32
  }
}

module attributes {stable_mosaic.version = 14 : i64} {
  func.func @_layer_mid_body(%arg0: i32, %arg1: memref<2x2048x128xf32, #tpu.memory_space<vmem>>, %arg2: memref<2048x128xf32, #tpu.memory_space<vmem>>, %arg3: memref<80x128xf32, #tpu.memory_space<vmem>>, %arg4: memref<1x128xf32, #tpu.memory_space<vmem>>, %arg5: memref<128x128xf32, #tpu.memory_space<vmem>>, %arg6: memref<2048x128xf32, #tpu.memory_space<vmem>>, %arg7: memref<2048x128xf32, #tpu.memory_space<vmem>>) attributes {dimension_semantics = [#tpu.dimension_semantics<arbitrary>], iteration_bounds = array<i64: 5>, scalar_prefetch = 0 : i64, scratch_operands = 0 : i64, tpu.core_type = #tpu.core_type<tc>, window_params = [{transform_indices = @transform_0, window_bounds = array<i64: 2, 2048, 128>}, {transform_indices = @transform_1, window_bounds = array<i64: 2048, 128>}, {pipeline_mode = #tpu.pipeline_mode<synchronous>, transform_indices = @transform_2, window_bounds = array<i64: 80, 128>}, {pipeline_mode = #tpu.pipeline_mode<synchronous>, transform_indices = @transform_3, window_bounds = array<i64: 1, 128>}, {pipeline_mode = #tpu.pipeline_mode<synchronous>, transform_indices = @transform_4, window_bounds = array<i64: 128, 128>}, {transform_indices = @transform_5, window_bounds = array<i64: 2048, 128>}, {transform_indices = @transform_6, window_bounds = array<i64: 2048, 128>}]} {
    %mul3A = arith.constant 16 : i32
    %mul3A_0 = arith.muli %arg0, %mul3A : i32
    %get3A = arith.index_cast %mul3A_0 : i32 to index
    %get3A_1 = arith.constant 0 : index
    %get3A_2 = vector.load %arg3[%get3A, %get3A_1] : memref<80x128xf32, #tpu.memory_space<vmem>>, vector<16x128xf32>
    %iota3A = tpu.iota {dimensions = array<i32: 0>} : vector<2048x16xi32>
    %iota3A_3 = tpu.iota {dimensions = array<i32: 1>} : vector<2048x16xi32>
    %shift_right_logical3A = arith.constant 7 : i32
    %shift_right_logical3A_4 = vector.broadcast %shift_right_logical3A : i32 to vector<2048x16xi32>
    %shift_right_logical3A_5 = arith.shrui %iota3A, %shift_right_logical3A_4 : vector<2048x16xi32>
    %eq3A = arith.cmpi eq, %shift_right_logical3A_5, %iota3A_3 : vector<2048x16xi32>
    %jit3A = arith.constant 1.000000e+00 : f32
    %jit3A_6 = arith.constant 0.000000e+00 : f32
    %broadcast_in_dim3A = vector.broadcast %jit3A : f32 to vector<2048x16xf32>
    %broadcast_in_dim3A_7 = vector.broadcast %jit3A_6 : f32 to vector<2048x16xf32>
    %select_n3A = arith.select %eq3A, %broadcast_in_dim3A, %broadcast_in_dim3A_7 : vector<2048x16xi1>, vector<2048x16xf32>
    %dot_general3A = arith.constant dense<0.000000e+00> : vector<2048x128xf32>
    %dot_general3A_8 = tpu.matmul %select_n3A, %get3A_2, %dot_general3A {dimension_numbers = #tpu.dot_dimension_numbers<[1], [0], [0], [1], [0, 0, 1, 1], [], []>, transpose_lhs_hint = false} : vector<2048x16xf32>, vector<16x128xf32>, vector<2048x128xf32> -> vector<2048x128xf32>
    %iota3A_9 = tpu.iota {dimensions = array<i32: 0>} : vector<2048x128xi32>
    %iota3A_10 = tpu.iota {dimensions = array<i32: 1>} : vector<2048x128xi32>
    %and3A = arith.constant 127 : i32
    %and3A_11 = vector.broadcast %and3A : i32 to vector<2048x128xi32>
    %and3A_12 = arith.andi %iota3A_9, %and3A_11 : vector<2048x128xi32>
    %eq3A_13 = arith.cmpi eq, %and3A_12, %iota3A_10 : vector<2048x128xi32>
    %jit3A_14 = arith.constant 1.000000e+00 : f32
    %jit3A_15 = arith.constant 0.000000e+00 : f32
    %broadcast_in_dim3A_16 = vector.broadcast %jit3A_14 : f32 to vector<2048x128xf32>
    %broadcast_in_dim3A_17 = vector.broadcast %jit3A_15 : f32 to vector<2048x128xf32>
    %select_n3A_18 = arith.select %eq3A_13, %broadcast_in_dim3A_16, %broadcast_in_dim3A_17 : vector<2048x128xi1>, vector<2048x128xf32>
    %mul3A_19 = arith.mulf %dot_general3A_8, %select_n3A_18 : vector<2048x128xf32>
    %reduce_sum3A = arith.constant dense<0.000000e+00> : vector<2048xf32>
    %reduce_sum3A_20 = vector.multi_reduction <add>, %mul3A_19, %reduce_sum3A [1] : vector<2048x128xf32> to vector<2048xf32>
    %broadcast_in_dim3A_21 = vector.shape_cast %reduce_sum3A_20 : vector<2048xf32> to vector<2048x1xf32>
    %get3A_22 = arith.constant 0 : index
    %get3A_23 = arith.constant 0 : index
    %get3A_24 = arith.constant 0 : index
    %get3A_25 = vector.load %arg1[%get3A_22, %get3A_23, %get3A_24] : memref<2x2048x128xf32, #tpu.memory_space<vmem>>, vector<1x2048x128xf32>
    %get3A_26 = vector.shape_cast %get3A_25 : vector<1x2048x128xf32> to vector<2048x128xf32>
    %get3A_27 = arith.constant 1 : index
    %get3A_28 = arith.constant 0 : index
    %get3A_29 = arith.constant 0 : index
    %get3A_30 = vector.load %arg1[%get3A_27, %get3A_28, %get3A_29] : memref<2x2048x128xf32, #tpu.memory_space<vmem>>, vector<1x2048x128xf32>
    %get3A_31 = vector.shape_cast %get3A_30 : vector<1x2048x128xf32> to vector<2048x128xf32>
    %add3A = arith.addf %get3A_26, %get3A_31 : vector<2048x128xf32>
    %get3A_32 = arith.constant 0 : index
    %get3A_33 = arith.constant 0 : index
    %get3A_34 = vector.load %arg2[%get3A_32, %get3A_33] : memref<2048x128xf32, #tpu.memory_space<vmem>>, vector<2048x128xf32>
    %add3A_35 = arith.addf %add3A, %get3A_34 : vector<2048x128xf32>
    %mul3A_36 = vector.broadcast %broadcast_in_dim3A_21 : vector<2048x1xf32> to vector<2048x128xf32>
    %mul3A_37 = arith.mulf %add3A_35, %mul3A_36 : vector<2048x128xf32>
    %get3A_38 = arith.constant 0 : index
    %get3A_39 = arith.constant 0 : index
    %get3A_40 = vector.load %arg4[%get3A_38, %get3A_39] : memref<1x128xf32, #tpu.memory_space<vmem>>, vector<1x128xf32>
    %add3A_41 = vector.broadcast %get3A_40 : vector<1x128xf32> to vector<2048x128xf32>
    %add3A_42 = arith.addf %mul3A_37, %add3A_41 : vector<2048x128xf32>
    %max3A = arith.constant 0.000000e+00 : f32
    %max3A_43 = vector.broadcast %max3A : f32 to vector<2048x128xf32>
    %max3A_44 = arith.maximumf %add3A_42, %max3A_43 : vector<2048x128xf32>
    %swap3A = arith.constant 0 : index
    %swap3A_45 = arith.constant 0 : index
    %swap3A_46 = vector.load %arg6[%swap3A, %swap3A_45] : memref<2048x128xf32, #tpu.memory_space<vmem>>, vector<2048x128xf32>
    tpu.vector_store %arg6[%swap3A, %swap3A_45], %max3A_44 {strides = array<i32>} : memref<2048x128xf32, #tpu.memory_space<vmem>>, vector<2048x128xf32>,
    %get3A_47 = arith.constant 0 : index
    %get3A_48 = arith.constant 0 : index
    %get3A_49 = vector.load %arg5[%get3A_47, %get3A_48] : memref<128x128xf32, #tpu.memory_space<vmem>>, vector<128x128xf32>
    %dot_general3A_50 = arith.constant dense<0.000000e+00> : vector<2048x128xf32>
    %dot_general3A_51 = tpu.matmul %max3A_44, %get3A_49, %dot_general3A_50 {dimension_numbers = #tpu.dot_dimension_numbers<[1], [0], [0], [1], [0, 0, 1, 1], [], []>, transpose_lhs_hint = false} : vector<2048x128xf32>, vector<128x128xf32>, vector<2048x128xf32> -> vector<2048x128xf32>
    %mul3A_52 = vector.broadcast %broadcast_in_dim3A_21 : vector<2048x1xf32> to vector<2048x128xf32>
    %mul3A_53 = arith.mulf %dot_general3A_51, %mul3A_52 : vector<2048x128xf32>
    %swap3A_54 = arith.constant 0 : index
    %swap3A_55 = arith.constant 0 : index
    %swap3A_56 = vector.load %arg7[%swap3A_54, %swap3A_55] : memref<2048x128xf32, #tpu.memory_space<vmem>>, vector<2048x128xf32>
    tpu.vector_store %arg7[%swap3A_54, %swap3A_55], %mul3A_53 {strides = array<i32>} : memref<2048x128xf32, #tpu.memory_space<vmem>>, vector<2048x128xf32>,
    return
  }
  func.func @transform_0(%arg0: i32) -> (i32, i32, i32) {
    %c0_i32 = arith.constant 0 : i32
    %c0_i32_0 = arith.constant 0 : i32
    %c0_i32_1 = arith.constant 0 : i32
    return %c0_i32, %arg0, %c0_i32_0 : i32, i32, i32
  }
  func.func @transform_1(%arg0: i32) -> (i32, i32) {
    %c0_i32 = arith.constant 0 : i32
    %c0_i32_0 = arith.constant 0 : i32
    return %arg0, %c0_i32 : i32, i32
  }
  func.func @transform_2(%arg0: i32) -> (i32, i32) {
    %c0_i32 = arith.constant 0 : i32
    %c0_i32_0 = arith.constant 0 : i32
    %c0_i32_1 = arith.constant 0 : i32
    return %c0_i32, %c0_i32_0 : i32, i32
  }
  func.func @transform_3(%arg0: i32) -> (i32, i32) {
    %c0_i32 = arith.constant 0 : i32
    %c0_i32_0 = arith.constant 0 : i32
    %c0_i32_1 = arith.constant 0 : i32
    return %c0_i32, %c0_i32_0 : i32, i32
  }
  func.func @transform_4(%arg0: i32) -> (i32, i32) {
    %c0_i32 = arith.constant 0 : i32
    %c0_i32_0 = arith.constant 0 : i32
    %c0_i32_1 = arith.constant 0 : i32
    return %c0_i32, %c0_i32_0 : i32, i32
  }
  func.func @transform_5(%arg0: i32) -> (i32, i32) {
    %c0_i32 = arith.constant 0 : i32
    %c0_i32_0 = arith.constant 0 : i32
    return %arg0, %c0_i32 : i32, i32
  }
  func.func @transform_6(%arg0: i32) -> (i32, i32) {
    %c0_i32 = arith.constant 0 : i32
    %c0_i32_0 = arith.constant 0 : i32
    return %arg0, %c0_i32 : i32, i32
  }
}

module attributes {stable_mosaic.version = 14 : i64} {
  func.func @_layer_out_body(%arg0: i32, %arg1: memref<2x2048x128xf32, #tpu.memory_space<vmem>>, %arg2: memref<2048x128xf32, #tpu.memory_space<vmem>>, %arg3: memref<80x128xf32, #tpu.memory_space<vmem>>, %arg4: memref<1x128xf32, #tpu.memory_space<vmem>>, %arg5: memref<2048x128xf32, #tpu.memory_space<vmem>>, %arg6: memref<128x64xf32, #tpu.memory_space<vmem>>, %arg7: memref<1x64xf32, #tpu.memory_space<vmem>>, %arg8: memref<2048x64xf32, #tpu.memory_space<vmem>>) attributes {dimension_semantics = [#tpu.dimension_semantics<arbitrary>], iteration_bounds = array<i64: 5>, scalar_prefetch = 0 : i64, scratch_operands = 0 : i64, tpu.core_type = #tpu.core_type<tc>, window_params = [{transform_indices = @transform_0, window_bounds = array<i64: 2, 2048, 128>}, {transform_indices = @transform_1, window_bounds = array<i64: 2048, 128>}, {pipeline_mode = #tpu.pipeline_mode<synchronous>, transform_indices = @transform_2, window_bounds = array<i64: 80, 128>}, {pipeline_mode = #tpu.pipeline_mode<synchronous>, transform_indices = @transform_3, window_bounds = array<i64: 1, 128>}, {transform_indices = @transform_4, window_bounds = array<i64: 2048, 128>}, {pipeline_mode = #tpu.pipeline_mode<synchronous>, transform_indices = @transform_5, window_bounds = array<i64: 128, 64>}, {pipeline_mode = #tpu.pipeline_mode<synchronous>, transform_indices = @transform_6, window_bounds = array<i64: 1, 64>}, {transform_indices = @transform_7, window_bounds = array<i64: 2048, 64>}]} {
    %mul3A = arith.constant 16 : i32
    %mul3A_0 = arith.muli %arg0, %mul3A : i32
    %get3A = arith.index_cast %mul3A_0 : i32 to index
    %get3A_1 = arith.constant 0 : index
    %get3A_2 = vector.load %arg3[%get3A, %get3A_1] : memref<80x128xf32, #tpu.memory_space<vmem>>, vector<16x128xf32>
    %iota3A = tpu.iota {dimensions = array<i32: 0>} : vector<2048x16xi32>
    %iota3A_3 = tpu.iota {dimensions = array<i32: 1>} : vector<2048x16xi32>
    %shift_right_logical3A = arith.constant 7 : i32
    %shift_right_logical3A_4 = vector.broadcast %shift_right_logical3A : i32 to vector<2048x16xi32>
    %shift_right_logical3A_5 = arith.shrui %iota3A, %shift_right_logical3A_4 : vector<2048x16xi32>
    %eq3A = arith.cmpi eq, %shift_right_logical3A_5, %iota3A_3 : vector<2048x16xi32>
    %jit3A = arith.constant 1.000000e+00 : f32
    %jit3A_6 = arith.constant 0.000000e+00 : f32
    %broadcast_in_dim3A = vector.broadcast %jit3A : f32 to vector<2048x16xf32>
    %broadcast_in_dim3A_7 = vector.broadcast %jit3A_6 : f32 to vector<2048x16xf32>
    %select_n3A = arith.select %eq3A, %broadcast_in_dim3A, %broadcast_in_dim3A_7 : vector<2048x16xi1>, vector<2048x16xf32>
    %dot_general3A = arith.constant dense<0.000000e+00> : vector<2048x128xf32>
    %dot_general3A_8 = tpu.matmul %select_n3A, %get3A_2, %dot_general3A {dimension_numbers = #tpu.dot_dimension_numbers<[1], [0], [0], [1], [0, 0, 1, 1], [], []>, transpose_lhs_hint = false} : vector<2048x16xf32>, vector<16x128xf32>, vector<2048x128xf32> -> vector<2048x128xf32>
    %iota3A_9 = tpu.iota {dimensions = array<i32: 0>} : vector<2048x128xi32>
    %iota3A_10 = tpu.iota {dimensions = array<i32: 1>} : vector<2048x128xi32>
    %and3A = arith.constant 127 : i32
    %and3A_11 = vector.broadcast %and3A : i32 to vector<2048x128xi32>
    %and3A_12 = arith.andi %iota3A_9, %and3A_11 : vector<2048x128xi32>
    %eq3A_13 = arith.cmpi eq, %and3A_12, %iota3A_10 : vector<2048x128xi32>
    %jit3A_14 = arith.constant 1.000000e+00 : f32
    %jit3A_15 = arith.constant 0.000000e+00 : f32
    %broadcast_in_dim3A_16 = vector.broadcast %jit3A_14 : f32 to vector<2048x128xf32>
    %broadcast_in_dim3A_17 = vector.broadcast %jit3A_15 : f32 to vector<2048x128xf32>
    %select_n3A_18 = arith.select %eq3A_13, %broadcast_in_dim3A_16, %broadcast_in_dim3A_17 : vector<2048x128xi1>, vector<2048x128xf32>
    %mul3A_19 = arith.mulf %dot_general3A_8, %select_n3A_18 : vector<2048x128xf32>
    %reduce_sum3A = arith.constant dense<0.000000e+00> : vector<2048xf32>
    %reduce_sum3A_20 = vector.multi_reduction <add>, %mul3A_19, %reduce_sum3A [1] : vector<2048x128xf32> to vector<2048xf32>
    %broadcast_in_dim3A_21 = vector.shape_cast %reduce_sum3A_20 : vector<2048xf32> to vector<2048x1xf32>
    %get3A_22 = arith.constant 0 : index
    %get3A_23 = arith.constant 0 : index
    %get3A_24 = arith.constant 0 : index
    %get3A_25 = vector.load %arg1[%get3A_22, %get3A_23, %get3A_24] : memref<2x2048x128xf32, #tpu.memory_space<vmem>>, vector<1x2048x128xf32>
    %get3A_26 = vector.shape_cast %get3A_25 : vector<1x2048x128xf32> to vector<2048x128xf32>
    %get3A_27 = arith.constant 1 : index
    %get3A_28 = arith.constant 0 : index
    %get3A_29 = arith.constant 0 : index
    %get3A_30 = vector.load %arg1[%get3A_27, %get3A_28, %get3A_29] : memref<2x2048x128xf32, #tpu.memory_space<vmem>>, vector<1x2048x128xf32>
    %get3A_31 = vector.shape_cast %get3A_30 : vector<1x2048x128xf32> to vector<2048x128xf32>
    %add3A = arith.addf %get3A_26, %get3A_31 : vector<2048x128xf32>
    %get3A_32 = arith.constant 0 : index
    %get3A_33 = arith.constant 0 : index
    %get3A_34 = vector.load %arg2[%get3A_32, %get3A_33] : memref<2048x128xf32, #tpu.memory_space<vmem>>, vector<2048x128xf32>
    %add3A_35 = arith.addf %add3A, %get3A_34 : vector<2048x128xf32>
    %mul3A_36 = vector.broadcast %broadcast_in_dim3A_21 : vector<2048x1xf32> to vector<2048x128xf32>
    %mul3A_37 = arith.mulf %add3A_35, %mul3A_36 : vector<2048x128xf32>
    %get3A_38 = arith.constant 0 : index
    %get3A_39 = arith.constant 0 : index
    %get3A_40 = vector.load %arg4[%get3A_38, %get3A_39] : memref<1x128xf32, #tpu.memory_space<vmem>>, vector<1x128xf32>
    %add3A_41 = vector.broadcast %get3A_40 : vector<1x128xf32> to vector<2048x128xf32>
    %add3A_42 = arith.addf %mul3A_37, %add3A_41 : vector<2048x128xf32>
    %max3A = arith.constant 0.000000e+00 : f32
    %max3A_43 = vector.broadcast %max3A : f32 to vector<2048x128xf32>
    %max3A_44 = arith.maximumf %add3A_42, %max3A_43 : vector<2048x128xf32>
    %get3A_45 = arith.constant 0 : index
    %get3A_46 = arith.constant 0 : index
    %get3A_47 = vector.load %arg5[%get3A_45, %get3A_46] : memref<2048x128xf32, #tpu.memory_space<vmem>>, vector<2048x128xf32>
    %add3A_48 = arith.addf %max3A_44, %get3A_47 : vector<2048x128xf32>
    %get3A_49 = arith.constant 0 : index
    %get3A_50 = arith.constant 0 : index
    %get3A_51 = vector.load %arg6[%get3A_49, %get3A_50] : memref<128x64xf32, #tpu.memory_space<vmem>>, vector<128x64xf32>
    %dot_general3A_52 = arith.constant dense<0.000000e+00> : vector<2048x64xf32>
    %dot_general3A_53 = tpu.matmul %add3A_48, %get3A_51, %dot_general3A_52 {dimension_numbers = #tpu.dot_dimension_numbers<[1], [0], [0], [1], [0, 0, 1, 1], [], []>, transpose_lhs_hint = false} : vector<2048x128xf32>, vector<128x64xf32>, vector<2048x64xf32> -> vector<2048x64xf32>
    %get3A_54 = arith.constant 0 : index
    %get3A_55 = arith.constant 0 : index
    %get3A_56 = vector.load %arg7[%get3A_54, %get3A_55] : memref<1x64xf32, #tpu.memory_space<vmem>>, vector<1x64xf32>
    %add3A_57 = vector.broadcast %get3A_56 : vector<1x64xf32> to vector<2048x64xf32>
    %add3A_58 = arith.addf %dot_general3A_53, %add3A_57 : vector<2048x64xf32>
    %reduce_max3A = arith.constant dense<0xFF800000> : vector<2048xf32>
    %reduce_max3A_59 = vector.multi_reduction <maximumf>, %add3A_58, %reduce_max3A [1] : vector<2048x64xf32> to vector<2048xf32>
    %broadcast_in_dim3A_60 = vector.shape_cast %reduce_max3A_59 : vector<2048xf32> to vector<2048x1xf32>
    %sub3A = vector.broadcast %broadcast_in_dim3A_60 : vector<2048x1xf32> to vector<2048x64xf32>
    %sub3A_61 = arith.subf %add3A_58, %sub3A : vector<2048x64xf32>
    %exp3A = math.exp %sub3A_61 : vector<2048x64xf32>
    %reduce_sum3A_62 = arith.constant dense<0.000000e+00> : vector<2048xf32>
    %reduce_sum3A_63 = vector.multi_reduction <add>, %exp3A, %reduce_sum3A_62 [1] : vector<2048x64xf32> to vector<2048xf32>
    %broadcast_in_dim3A_64 = vector.shape_cast %reduce_sum3A_63 : vector<2048xf32> to vector<2048x1xf32>
    %log3A = math.log %broadcast_in_dim3A_64 : vector<2048x1xf32>
    %sub3A_65 = vector.broadcast %log3A : vector<2048x1xf32> to vector<2048x64xf32>
    %sub3A_66 = arith.subf %sub3A_61, %sub3A_65 : vector<2048x64xf32>
    %swap3A = arith.constant 0 : index
    %swap3A_67 = arith.constant 0 : index
    %swap3A_68 = vector.load %arg8[%swap3A, %swap3A_67] : memref<2048x64xf32, #tpu.memory_space<vmem>>, vector<2048x64xf32>
    tpu.vector_store %arg8[%swap3A, %swap3A_67], %sub3A_66 {strides = array<i32>} : memref<2048x64xf32, #tpu.memory_space<vmem>>, vector<2048x64xf32>,
    return
  }
  func.func @transform_0(%arg0: i32) -> (i32, i32, i32) {
    %c0_i32 = arith.constant 0 : i32
    %c0_i32_0 = arith.constant 0 : i32
    %c0_i32_1 = arith.constant 0 : i32
    return %c0_i32, %arg0, %c0_i32_0 : i32, i32, i32
  }
  func.func @transform_1(%arg0: i32) -> (i32, i32) {
    %c0_i32 = arith.constant 0 : i32
    %c0_i32_0 = arith.constant 0 : i32
    return %arg0, %c0_i32 : i32, i32
  }
  func.func @transform_2(%arg0: i32) -> (i32, i32) {
    %c0_i32 = arith.constant 0 : i32
    %c0_i32_0 = arith.constant 0 : i32
    %c0_i32_1 = arith.constant 0 : i32
    return %c0_i32, %c0_i32_0 : i32, i32
  }
  func.func @transform_3(%arg0: i32) -> (i32, i32) {
    %c0_i32 = arith.constant 0 : i32
    %c0_i32_0 = arith.constant 0 : i32
    %c0_i32_1 = arith.constant 0 : i32
    return %c0_i32, %c0_i32_0 : i32, i32
  }
  func.func @transform_4(%arg0: i32) -> (i32, i32) {
    %c0_i32 = arith.constant 0 : i32
    %c0_i32_0 = arith.constant 0 : i32
    return %arg0, %c0_i32 : i32, i32
  }
  func.func @transform_5(%arg0: i32) -> (i32, i32) {
    %c0_i32 = arith.constant 0 : i32
    %c0_i32_0 = arith.constant 0 : i32
    %c0_i32_1 = arith.constant 0 : i32
    return %c0_i32, %c0_i32_0 : i32, i32
  }
  func.func @transform_6(%arg0: i32) -> (i32, i32) {
    %c0_i32 = arith.constant 0 : i32
    %c0_i32_0 = arith.constant 0 : i32
    %c0_i32_1 = arith.constant 0 : i32
    return %c0_i32, %c0_i32_0 : i32, i32
  }
  func.func @transform_7(%arg0: i32) -> (i32, i32) {
    %c0_i32 = arith.constant 0 : i32
    %c0_i32_0 = arith.constant 0 : i32
    return %arg0, %c0_i32 : i32, i32
  }
}

</mosaic_0001>

<sc_bundles>
// kernel: kernel.11.cloned.1.call-start
scs
__scs_entry_jumppad:
0x0: {  	(pc) =	sbr.rel $0x88, $3  }
0x1: {  	(tag) =	ssettag $0x0;
	lr =	simm.s32 $0x1  }
0x2: {  	[smem:$0x3F99] =	sst lr;
	_ =	strace $0xD0000000  }
0x3: {  	_ = 	snop  }
0x4: {  	_ = 	snop  }
0x5: {  	_ = 	snop  }
0x6: {  	_ = 	snop  }
0x7: {  	_ = 	snop  }
__scs_overlays_trampoline_lowered:
0x8: {  	[smem:$0x3FA8] =	sst s0  }
0x9: {  	[smem:$0x3FA9] =	sst s1  }
0xa: {  	[smem:$0x3FAA] =	sst s2  }
0xb: {  	[smem:$0x3FAB] =	sst s3  }
0xc: {  	[smem:$0x3FAC] =	sst s4  }
0xd: {  	[smem:$0x3FAD] =	sst s5  }
0xe: {  	[smem:$0x3FAE] =	sst s6  }
0xf: {  	[smem:$0x3FAF] =	sst s7  }
0x10: {  	[smem:$0x3FB0] =	sst s8  }
0x11: {  	[smem:$0x3FB1] =	sst s9;
	s0 =	simm.s32 @!p0 $0x0  }
0x12: {  	s1 =	sld [smem:$0x3F97];
	s0 =	simm.s32 @p0 $0x1  }
0x13: {  	[smem:$0x3FB2] =	sst s0;
	s0 =	simm.s32 @!p1 $0x0  }
0x14: {  	s2 =	sld [smem:$0x3F96];
	s0 =	simm.s32 @p1 $0x1  }
0x15: {  	[smem:$0x3FB3] =	sst s0;
	s0 =	simm.s32 @!p2 $0x0  }
0x16: {  	s3 =	sld [smem:$0x3FDB];
	s0 =	simm.s32 @p2 $0x1  }
0x17: {  	s4 =	simm.s32 $0x1BF5;
	[smem:$0x3FB5] =	sst s0  }
0x18: {  	s0 =	sld [smem:$0x3F98];
	_ =	swait.ge [sflag:s4], $0x0  }
0x19: {  	s7 =	sld [smem:$0x3F99]  }
0x1a: {  	s8 =	sadd.s32 $0xFFFFE003, lr  }
0x1b: {  	s9 =	sadd.s32 $0xFFFFFEF7, lr;
	s5 =	simm.s32 $0xFFFFFFFF;
	p2 =	slt.u32 s8, $0xFFFFF086  }
0x1c: {  	p1 =	slt.u32 s9, $0xF7A;
	s5 =	simm.s32 @!p2 $0x0  }
0x1d: {  	s5 =	simm.s32 @p1 $0x1;
	p0 =	seq.s32 s7, s2  }
0x1e: {  	s7 =	smul.u32 @!p0 $0xF7A, s2;
	p2 =	seq.s32 @!p0 s5, $0x0  }
0x1f: {  	s9 =	smul.u32 $0xF7A, s1;
	s8 =	simm.s32 @!p0 $0x1BF5;
	p2 =	por !p2, p0  }
0x20: {  	[sflag:s8] =	ssyncset.s32 @!p0 $0xFFFFF086;
	s6 =	sadd.s32 @!p0 s3, s7;
	s7 =	simm.s32 @!p0 $0x108  }
0x21: {  	s3 =	sadd.s32 s3, s9;
	s6 =	sadd.s32 @!p0 $0x88, s6;
	s7 =	simm.s32 @p2 $0x1082  }
0x22: {  	[simem:s7], [sflag:s8] =	dma.local @!p0 [hbm:s6], $0xF7A  }
0x23: {  	s9 =	sor.u32 $0xD0000000, s2;
	s6 =	simm.s32 $0x108;
	_ =	swait.ge @!p0 [sflag:s8], $0x0  }
0x24: {  	s3 =	sadd.s32 $0x88, s3;
	s6 =	simm.s32 @!p1 $0x1082;
	[sflag:s4] =	ssyncset.s32 $0xFFFFF086  }
0x25: {  	[simem:s6], [sflag:s4] =	dma.local [hbm:s3], $0xF7A  }
0x26: {  	[smem:$0x3F99] =	sst s1;
	(tag) =	ssettag s2;
	_ =	strace s9  }
0x27: {  	s1 =	sld [smem:$0x3FA9]  }
0x28: {  	s2 =	sld [smem:$0x3FAA]  }
0x29: {  	s4 =	sld [smem:$0x3FAC]  }
0x2a: {  	p0 =	seq.s32 s5, $0x0;
	s5 =	sld [smem:$0x3FAD]  }
0x2b: {  	s6 =	sld [smem:$0x3FAE]  }
0x2c: {  	s7 =	sld [smem:$0x3FAF]  }
0x2d: {  	s3 =	simm.s32 $0x108;
	s8 =	sld [smem:$0x3FB0]  }
0x2e: {  	s3 =	simm.s32 @!p0 $0x1082;
	s9 =	sld [smem:$0x3FB1]  }
0x2f: {  	lr =	sadd.s32 s0, s3;
	s0 =	sld [smem:$0x3FA8]  }
0x30: {  	s3 =	sld [smem:$0x3FAB]  }
0x31: {  	[smem:$0x3FB4] =	sst s10  }
0x32: {  	s10 =	sld [smem:$0x3FB2];
	_ =	sdelay $0x3  }
0x33: {  	p0 =	seq.s32 s10, $0x1;
	s10 =	sld [smem:$0x3FB4];
	_ =	sdelay $0x3  }
0x34: {  	[smem:$0x3FB4] =	sst s10  }
0x35: {  	s10 =	sld [smem:$0x3FB3];
	_ =	sdelay $0x3  }
0x36: {  	p1 =	seq.s32 s10, $0x1;
	s10 =	sld [smem:$0x3FB4];
	_ =	sdelay $0x3  }
0x37: {  	[smem:$0x3FB4] =	sst s10  }
0x38: {  	s10 =	sld [smem:$0x3FB5]  }
0x39: {  	_ = 	snop;
	(pc) =	sbr.ind lr, $3  }
0x3a: {  	_ = 	snop  }
0x3b: {  	_ = 	snop  }
0x3c: {  	p2 =	seq.s32 s10, $0x1;
	s10 =	sld [smem:$0x3FB4]  }
0x3d: {  	_ =	shalt  }
0x3e: {  	_ =	shalt  }
0x3f: {  	_ =	shalt  }
0x40: {  	_ =	shalt  }
0x41: {  	_ =	shalt  }
0x42: {  	_ =	shalt  }
0x43: {  	_ =	shalt  }
0x44: {  	_ =	shalt  }
0x45: {  	_ =	shalt  }
0x46: {  	_ =	shalt  }
0x47: {  	_ =	shalt  }
0x48: {  	_ =	shalt  }
0x49: {  	_ =	shalt  }
0x4a: {  	_ =	shalt  }
0x4b: {  	_ =	shalt  }
0x4c: {  	_ =	shalt  }
0x4d: {  	_ =	shalt  }
0x4e: {  	_ =	shalt  }
0x4f: {  	_ =	shalt  }
0x50: {  	_ =	shalt  }
0x51: {  	_ =	shalt  }
0x52: {  	_ =	shalt  }
0x53: {  	_ =	shalt  }
0x54: {  	_ =	shalt  }
0x55: {  	_ =	shalt  }
0x56: {  	_ =	shalt  }
0x57: {  	_ =	shalt  }
0x58: {  	_ =	shalt  }
0x59: {  	_ =	shalt  }
0x5a: {  	_ =	shalt  }
0x5b: {  	_ =	shalt  }
0x5c: {  	_ =	shalt  }
0x5d: {  	_ =	shalt  }
0x5e: {  	_ =	shalt  }
0x5f: {  	_ =	shalt  }
0x60: {  	_ =	shalt  }
0x61: {  	_ =	shalt  }
0x62: {  	_ =	shalt  }
0x63: {  	_ =	shalt  }
0x64: {  	_ =	shalt  }
0x65: {  	_ =	shalt  }
0x66: {  	_ =	shalt  }
0x67: {  	_ =	shalt  }
0x68: {  	_ =	shalt  }
0x69: {  	_ =	shalt  }
0x6a: {  	_ =	shalt  }
0x6b: {  	_ =	shalt  }
0x6c: {  	_ =	shalt  }
0x6d: {  	_ =	shalt  }
0x6e: {  	_ =	shalt  }
0x6f: {  	_ =	shalt  }
0x70: {  	_ =	shalt  }
0x71: {  	_ =	shalt  }
0x72: {  	_ =	shalt  }
0x73: {  	_ =	shalt  }
0x74: {  	_ =	shalt  }
0x75: {  	_ =	shalt  }
0x76: {  	_ =	shalt  }
0x77: {  	_ =	shalt  }
0x78: {  	_ =	shalt  }
0x79: {  	_ =	shalt  }
0x7a: {  	_ =	shalt  }
0x7b: {  	_ =	shalt  }
0x7c: {  	_ =	shalt  }
0x7d: {  	_ =	shalt  }
0x7e: {  	_ =	shalt  }
0x7f: {  	_ =	shalt  }
0x80: {  	_ =	shalt  }
0x81: {  	_ =	shalt  }
0x82: {  	_ =	shalt  }
0x83: {  	_ =	shalt  }
0x84: {  	_ =	shalt  }
0x85: {  	_ =	shalt  }
0x86: {  	_ =	shalt  }
0x87: {  	_ =	shalt  }
.Lfunc_end0:
.L_simem_size_0:
called_computation.1_lowered:
.L_overlay_start_0:
0x88: {  	s2 =	sld [smem:$0x3FD9]  }
0x89: {  	s3 =	sld [smem:$0x3FFE];
	_ =	sdelay $0x1  }
0x8a: {  	s1 =	srdreg.scid  }
0x8b: {  	s0 =	sand.u32 $0x1, s1  }
0x8c: {  	s17 =	sshll.u32 s0, $0xA;
	s2 =	sadd.s32 s3, s2  }
0x8d: {  	s2 =	sadd.s32 s2, s17  }
0x8e: {  	[smem:$0x3FC0] =	sst s2  }
0x8f: {  	_ = 	snop  }
0x90: {  	s2 =	sld [smem:$0x3FD0];
	(tm) =	ssettm $0x1  }
0x91: {  	s18 =	sld [smem:$0x3FFB];
	_ =	sdelay $0x3  }
0x92: {  	_ =	strace s18  }
0x93: {  	s3 =	sld [smem:$0x3FFC];
	_ =	sdelay $0x3  }
0x94: {  	_ =	strace s3  }
0x95: {  	s3 =	sld [smem:$0x3FFD];
	_ =	sdelay $0x3  }
0x96: {  	_ =	strace s3  }
0x97: {  	_ =	strace $0x8FFFFFFF  }
0x98: {  	s19 =	sld [smem:$0x3FDB];
	_ =	sdelay $0x1  }
0x99: {  	s4 =	simm.s32 $_scs_section_size  }
0x9a: {  	s5 =	simm.s32 $_size__tile_overlayer_lowered;
	s6 =	simm.s32 $_tile_overlayer_lowered  }
0x9b: {  	s22 =	simm.s32 $0x1BFF;
	s21 =	sshll.u32 s6, $0x1;
	s3 =	sadd.s32 s4, s19  }
0x9c: {  	s7 =	simm.s32 $0x0;
	s20 =	sshll.u32 s5, $0x1;
	s5 =	sadd.s32 s21, s3  }
0x9d: {  	[timem:s7], [sflag:s22] =	dma.local [hbm:s5], s20  }
0x9e: {  	_ =	swait.ge [sflag:s22], s20  }
0x9f: {  	s4 =	ssub.s32 $0x0, s20;
	[sflag:s22] =	ssyncset.done $0x0  }
0xa0: {  	[sflag:s22] =	ssyncadd.s32 s4;
	_ =	sdelay $0x1  }
0xa1: {  	s23 =	simm.s32 $0x1B8B  }
0xa2: {  	_ =	swait.ge [sflag:s23], $0x1  }
0xa3: {  	[sflag:s23] =	ssyncset.done $0x0  }
0xa4: {  	s25 =	simm.s32 $0x1B8E;
	s24 =	sld [smem:$0x3FFE];
	[sflag:s23] =	ssyncadd.s32 $0xFFFFFFFF  }
0xa5: {  	s26 =	simm.s32 $execute0_lowered;
	[smem:$0x3FD2] =	sst s25  }
0xa6: {  	s5 =	sshll.u32 s26, $0x1;
	_ =	strace $0x80000049;
	[dreg:$0x1] =	wrdreg $0xFFFFFFFF  }
0xa7: {  	s28 =	simm.s32 $_size_execute0_lowered;
	s3 =	sadd.s32 s3, s5;
	[dreg:$0x0] =	wrdreg $0x0  }
0xa8: {  	s5 =	sshll.u32 s28, $0x1;
	[dreg:$0x2] =	wrdreg s3  }
0xa9: {  	[dreg:$0x3] =	wrdreg s5  }
0xaa: {  	[dreg:$0x4] =	wrdreg $0xC0  }
0xab: {  	_ =	task [dreg:s7], $0x5FFFF  }
0xac: {  	[dreg:$0x1] =	wrdreg $0xFFFFFFFF  }
0xad: {  	[dreg:$0x0] =	wrdreg $0x60  }
0xae: {  	[dreg:$0x2] =	wrdreg s24  }
0xaf: {  	[dreg:$0x3] =	wrdreg s2  }
0xb0: {  	[dreg:$0x4] =	wrdreg $0xAB800  }
0xb1: {  	[dreg:$0x5] =	wrdreg $0x9  }
0xb2: {  	_ =	task.clear_ibuf [dreg:s7], $0x6FFFF;
	_ =	strace $0x90000049  }
0xb3: {  	s29 =	simm.s32 $0x9;
	_ =	strace $0x8000004B  }
0xb4: {  	_ =	swait.ge [sflag:s29], $0x1  }
0xb5: {  	[sflag:s29] =	ssyncadd.s32 $0xFFFFFFFF  }
0xb6: {  	_ =	strace $0x9000004B  }
0xb7: {  	_ =	sfence  }
0xb8: {  	s30 =	sld [smem:$0x0];
	_ =	sdelay $0x2  }
0xb9: {  	s31 =	sshll.u32 s1, $0xD;
	s1 =	sshrl.u32 s1, $0x2  }
0xba: {  	s3 =	sand.u32 $0x4000, s31;
	s1 =	sadd.s32 s1, s30  }
0xbb: {  	s0 =	sor.u32 s3, s0;
	s1 =	sshll.u32 s1, $0x11  }
0xbc: {  	s0 =	sor.u32 s1, s0  }
0xbd: {  	s0 =	sadd.s32 $0x8F2B, s0  }
0xbe: {  	[sflag:s0] =	ssyncadd.remote.s32 $0x1  }
0xbf: {  	_ =	sfence.sel $0xFFFF  }
0xc0: {  	[dreg:$0x0] =	wrdreg $0xFFFFFFFF;
	(pc) =	sbr.abs _section_cstart, $3  }
0xc1: {  	[dreg:$0x1] =	wrdreg $0xFFFFFFFF  }
0xc2: {  	_ =	task.clear_ibuf [dreg:s7], $0x2FFFF;
	_ =	strace $0x9FFFFFFF  }
0xc3: {  	(tm) =	ssettm $0x7FFFFFFF  }
tec
execute0_lowered:
.L_overlay_start_1:
0x0: {  	(tag) =	ssettag $0x1  }
0x1: {  	s0 =	rddreg [dreg:$0x0]  }
0x2: {  	s1 =	rddreg [dreg:$0x1]  }
0x3: {  	s2 =	rddreg [dreg:$0x2];
	s5 =	simm.s32 $0x0;
	s4 =	srdreg.scid  }
0x4: {  	s3 =	stileid.u32;
	s28 =	simm.s32 $0xA;
	s29 =	simm.s32 $0x0  }
0x5: {  	[smem:$0x7FF] =	sst s5;
	s6 =	sand.u32 $0x1, s4;
	s11 =	smul.u32 $0x50000, s3  }
0x6: {  	s25 =	sshll.u32 s3, $0x1;
	s4 =	sadd.s32 $0x2AA00, s0;
	s31 =	smul.u32 $0x14000, s3  }
0x7: {  	s7 =	sor.u32 s6, s25;
	s8 =	ssub.s32 $0x2, s6;
	s6 =	smul.u32 $0x140000, s6  }
0x8: {  	s5 =	sadd.s32 $0x2A00, s0;
	s0 =	sadd.s32 $0x52A00, s0;
	s9 =	smul.u32 $0xA000, s7  }
0x9: {  	_ =	strace $0x8000004A;
	s10 =	sshrl.u32 s8, $0x1;
	s26 =	smul.u32 $0x4E2, s7  }
0xa: {  	s11 =	sshrl.u32 s11, $0x2;
	s19 =	sadd.s32 $0x4000, s31;
	s25 =	sadd.s32 $0x8000, s31  }
0xb: {  	s8 =	ssub.s32 s8, s10;
	s7 =	sadd.s32 s11, s2;
	s18 =	sadd.s32 s31, s6  }
0xc: {  	s22 =	sadd.s32 s6, s19;
	s13 =	sadd.s32 s6, s25;
	s1 =	sadd.s32 s1, s26  }
0xd: {  	s11 =	sadd.s32 $0x10000, s31;
	s16 =	sadd.s32 $0x1400, s7;
	[dreg:$0x5] =	wrdreg s1  }
0xe: {  	s10 =	sadd.s32 s19, s2;
	s17 =	sadd.s32 $0x2800, s7;
	[dreg:$0x7] =	wrdreg s16  }
0xf: {  	s30 =	sshrl.u32 s9, $0x3;
	s21 =	sadd.s32 $0x3C00, s7;
	[dreg:$0x8] =	wrdreg s17  }
0x10: {  	s23 =	sadd.s32 $0x5000, s7;
	s24 =	sshrl.u32 s22, $0x3;
	[dreg:$0x9] =	wrdreg s21  }
0x11: {  	s26 =	sadd.s32 $0xC000, s31;
	s19 =	sadd.s32 $0x8C00, s7;
	[dreg:$0xa] =	wrdreg s23  }
0x12: {  	s13 =	sshrl.u32 s13, $0x3;
	s22 =	sadd.s32 $0xB400, s7;
	[dreg:$0x17] =	wrdreg s19  }
0x13: {  	s20 =	sor.u32 $0x1000, s9;
	s12 =	sadd.s32 s5, s30;
	[dreg:$0x19] =	wrdreg s22  }
0x14: {  	s1 =	sshrl.u32 s18, $0x3;
	s30 =	sadd.s32 s0, s13;
	[dreg:$0x4] =	wrdreg s12  }
0x15: {  	s14 =	sadd.s32 s6, s26;
	s18 =	sadd.s32 $0x7800, s7;
	[dreg:$0xd] =	wrdreg s30  }
0x16: {  	s6 =	sadd.s32 s6, s11;
	s21 =	sadd.s32 $0xA000, s7;
	[dreg:$0x16] =	wrdreg s18  }
0x17: {  	s13 =	sadd.s32 s11, s2;
	s23 =	sadd.s32 $0xC800, s7;
	[dreg:$0x18] =	wrdreg s21  }
0x18: {  	s19 =	simm.s32 $0x2;
	s15 =	sadd.s32 $0x200, s12;
	[dreg:$0x1a] =	wrdreg s23  }
0x19: {  	s22 =	simm.s32 $0x4;
	s1 =	sadd.s32 s0, s1;
	[dreg:$0x6] =	wrdreg s15  }
0x1a: {  	s14 =	sshrl.u32 s14, $0x3;
	s17 =	sshrl.u32 s13, $0x3;
	[dreg:$0xb] =	wrdreg s1  }
0x1b: {  	s12 =	sadd.s32 s26, s2;
	s26 =	sadd.s32 $0x10400, s7;
	[dreg:$0x15] =	wrdreg s17  }
0x1c: {  	s6 =	sshrl.u32 s6, $0x3;
	s30 =	sadd.s32 $0x11800, s7;
	[dreg:$0x1d] =	wrdreg s26  }
0x1d: {  	s13 =	simm.s32 $0x1;
	s1 =	sadd.s32 s0, s24;
	[dreg:$0x1e] =	wrdreg s30  }
0x1e: {  	s18 =	simm.s32 $0x9780;
	s31 =	sadd.s32 s0, s14;
	[dreg:$0xc] =	wrdreg s1  }
0x1f: {  	s21 =	simm.s32 $0x3;
	s0 =	sadd.s32 s0, s6;
	[dreg:$0xe] =	wrdreg s31  }
0x20: {  	s23 =	simm.s32 $0x5;
	s6 =	sadd.s32 $0x6400, s7;
	[dreg:$0xf] =	wrdreg s0  }
0x21: {  	s14 =	smax.u32 s8, $0x1;
	s16 =	sshrl.u32 s12, $0x3;
	[dreg:$0x10] =	wrdreg s6  }
0x22: {  	s24 =	sadd.s32 $0xDC00, s7;
	s12 =	simm.s32 $0x4780;
	[dreg:$0x11] =	wrdreg s14  }
0x23: {  	s17 =	simm.s32 $0x8380;
	s26 =	simm.s32 $0x9;
	[dreg:$0x14] =	wrdreg s16  }
.Ltmp0:
0x24: {  	s0 =	sshrl.u32 s10, $0x3;
	[dreg:$0x1b] =	wrdreg s24;
	(pc) =	sbr.rel .LBB2_1-.Ltmp0, $4  }
0x25: {  	s1 =	sadd.s32 s25, s2;
	s25 =	sadd.s32 $0xF000, s7;
	[dreg:$0x12] =	wrdreg s0  }
0x26: {  	s31 =	sadd.s32 $0x12C00, s7;
	s6 =	simm.s32 $0x6;
	[dreg:$0x1c] =	wrdreg s25  }
0x27: {  	s14 =	simm.s32 $0x28;
	s15 =	sshrl.u32 s1, $0x3;
	[dreg:$0x1f] =	wrdreg s31  }
0x28: {  	v0 =	vimm.f32 $0.0e+00;
	s16 =	simm.s32 $0x6F80;
	[dreg:$0x13] =	wrdreg s15;
	s15 =	simm.s32 $0x5B80  }
.LBB2_6:
0x29: {  	_ =	swait.ge [sflag:s6], $0x1400  }
0x2a: {  	[sflag:s6] =	ssyncset.done $0x0  }
0x2b: {  	s0 =	simm.s32 $0x7;
	[sflag:s6] =	ssyncadd.s32 $0xFFFFEC00  }
0x2c: {  	_ =	swait.ge [sflag:s0], $0x1400  }
0x2d: {  	[sflag:s0] =	ssyncset.done $0x0  }
0x2e: {  	s25 =	simm.s32 $0x8;
	[sflag:s0] =	ssyncadd.s32 $0xFFFFEC00  }
0x2f: {  	_ =	swait.ge [sflag:s25], $0x1400  }
0x30: {  	[sflag:s25] =	ssyncset.done $0x0  }
0x31: {  	[sflag:s25] =	ssyncadd.s32 $0xFFFFEC00  }
0x32: {  	_ =	swait.ge [sflag:s26], $0x1400  }
0x33: {  	[sflag:s26] =	ssyncset.done $0x0  }
0x34: {  	[sflag:s26] =	ssyncadd.s32 $0xFFFFEC00  }
0x35: {  	_ =	swait.ge [sflag:s28], $0x1400  }
0x36: {  	[sflag:s28] =	ssyncset.done $0x0  }
0x37: {  	s30 =	stileid.u32;
	[sflag:s28] =	ssyncadd.s32 $0xFFFFEC00  }
0x38: {  	s0 =	sshll.u32 s30, $0x6;
	[bflag:$0x0] =	sbarrier.arrive $0xFFFF  }
0x39: {  	s1 =	sshrl.u32 s7, $0x3;
	s0 =	sor.u32 $0x1C06, s0;
	s3 =	rddreg [dreg:$0xb]  }
0x3a: {  	[hbm:s3], [sflag:s0] =	dma.local [spmem:s1], $0x800  }
0x3b: {  	s1 =	rddreg [dreg:$0xc]  }
0x3c: {  	s3 =	rddreg [dreg:$0x12]  }
0x3d: {  	[hbm:s1], [sflag:s0] =	dma.local [spmem:s3], $0x800  }
0x3e: {  	s1 =	rddreg [dreg:$0xd]  }
0x3f: {  	s3 =	rddreg [dreg:$0x13]  }
0x40: {  	[hbm:s1], [sflag:s0] =	dma.local [spmem:s3], $0x800  }
0x41: {  	s1 =	rddreg [dreg:$0xe]  }
0x42: {  	s3 =	rddreg [dreg:$0x14]  }
0x43: {  	[hbm:s1], [sflag:s0] =	dma.local [spmem:s3], $0x800  }
0x44: {  	s1 =	rddreg [dreg:$0xf]  }
0x45: {  	s3 =	rddreg [dreg:$0x15]  }
0x46: {  	[hbm:s1], [sflag:s0] =	dma.local [spmem:s3], $0x800  }
0x47: {  	_ =	swait.ge [sflag:s6], $0x800  }
0x48: {  	[sflag:s6] =	ssyncset.done $0x0  }
0x49: {  	[sflag:s6] =	ssyncadd.s32 $0xFFFFF800  }
0x4a: {  	_ =	swait.ge [sflag:s6], $0x800  }
0x4b: {  	[sflag:s6] =	ssyncset.done $0x0  }
0x4c: {  	[sflag:s6] =	ssyncadd.s32 $0xFFFFF800  }
0x4d: {  	_ =	swait.ge [sflag:s6], $0x800  }
0x4e: {  	[sflag:s6] =	ssyncset.done $0x0  }
0x4f: {  	[sflag:s6] =	ssyncadd.s32 $0xFFFFF800  }
0x50: {  	_ =	swait.ge [sflag:s6], $0x800  }
0x51: {  	[sflag:s6] =	ssyncset.done $0x0  }
0x52: {  	[sflag:s6] =	ssyncadd.s32 $0xFFFFF800  }
0x53: {  	_ =	swait.ge [sflag:s6], $0x800  }
0x54: {  	s29 =	sadd.s32 $0x1, s29;
	s31 =	rddreg [dreg:$0x11]  }
0x55: {  	p0 =	sne.s32 s29, s31  }
.Ltmp1:
0x56: {  	_ = 	snop;
	(pc) =	sbr.rel @!p0 .LBB2_7-.Ltmp1, $3  }
0x57: {  	_ =	sdelay $0x1  }
0x58: {  	[sflag:s6] =	ssyncset.done $0x0  }
0x59: {  	[sflag:s6] =	ssyncadd.s32 $0xFFFFF800  }
.LBB2_1:
0x5a: {  	s0 =	simm.s32 $0x0;
	s1 =	rddreg [dreg:$0x5]  }
0x5b: {  	[tilespmem:s0], [sflag:$0x1] =	stream.linear.gather [hbm4b:s1+s0], $0x2710, $0x38;
	[tilespmem:$0x1EB80] =	vst v63  }
0x5c: {  	s24 =	rddreg [dreg:$0x4];
	s3 =	simm.s32 $0x2780;
	s25 =	simm.s32 $0xC  }
0x5d: {  	[tilespmem:s3], [sflag:$0xC] =	stream.linear.gather [hbm4b:s24+s0], $0xC80, $0x38;
	[tilespmem:$0x1EB80] =	vst v63  }
0x5e: {  	_ =	swait.ge [sflag:s25], $0xC80  }
0x5f: {  	[sflag:s25] =	ssyncset.done $0x0  }
0x60: {  	s31 =	simm.s32 $0x3780;
	s30 =	rddreg [dreg:$0x6];
	[sflag:s25] =	ssyncadd.s32 $0xFFFFF380  }
0x61: {  	[tilespmem:s31], [sflag:$0xB] =	stream.linear.gather [hbm4b:s30+s0], $0xC80, $0x38;
	[tilespmem:$0x1EB80] =	vst v63  }
0x62: {  	s1 =	simm.s32 $0x200;
	s0 =	simm.s32 $0x0  }
.LBB2_2:
0x63: {  	p0 =	sne.s32 s1, $0x4E00;
	[tilespmem:s0+$0x47F0] =	vst v0  }
0x64: {  	[tilespmem:s0+$0x4780] =	vst v0  }
0x65: {  	[tilespmem:s0+$0x4790] =	vst v0  }
.Ltmp2:
0x66: {  	[tilespmem:s0+$0x47A0] =	vst v0;
	(pc) =	sbr.rel @p0 .LBB2_2-.Ltmp2, $4  }
0x67: {  	[tilespmem:s0+$0x47B0] =	vst v0  }
0x68: {  	[tilespmem:s0+$0x47C0] =	vst v0  }
0x69: {  	[tilespmem:s0+$0x47D0] =	vst v0  }
0x6a: {  	[tilespmem:s0+$0x47E0] =	vst v0;
	s0 =	sshra.s32 s1, $0x2;
	s1 =	sadd.s32 $0x200, s1  }
0x6b: {  	[tilespmem:s0+$0x47F0] =	vst v0  }
0x6c: {  	[tilespmem:s0+$0x4780] =	vst v0  }
0x6d: {  	[tilespmem:s0+$0x4790] =	vst v0  }
0x6e: {  	[tilespmem:s0+$0x47A0] =	vst v0  }
0x6f: {  	[tilespmem:s0+$0x47B0] =	vst v0  }
0x70: {  	[tilespmem:s0+$0x47C0] =	vst v0  }
0x71: {  	[tilespmem:s0+$0x47D0] =	vst v0  }
0x72: {  	[tilespmem:s0+$0x47E0] =	vst v0  }
0x73: {  	[spmem:s7] =	stream.linear.scatter [tilespmem:s12], [sflag:$0x6], $0x1400, $0x38;
	[tilespmem:$0x1EB80] =	vst v63  }
0x74: {  	s24 =	rddreg [dreg:$0x7]  }
0x75: {  	[spmem:s24] =	stream.linear.scatter [tilespmem:s12], [sflag:$0x6], $0x1400, $0x38;
	[tilespmem:$0x1EB80] =	vst v63  }
0x76: {  	s25 =	rddreg [dreg:$0x8]  }
0x77: {  	[spmem:s25] =	stream.linear.scatter [tilespmem:s12], [sflag:$0x6], $0x1400, $0x38;
	[tilespmem:$0x1EB80] =	vst v63  }
0x78: {  	s1 =	rddreg [dreg:$0x9]  }
0x79: {  	[spmem:s1] =	stream.linear.scatter [tilespmem:s12], [sflag:$0x6], $0x1400, $0x38;
	[tilespmem:$0x1EB80] =	vst v63  }
0x7a: {  	s3 =	rddreg [dreg:$0xa]  }
0x7b: {  	[spmem:s3] =	stream.linear.scatter [tilespmem:s12], [sflag:$0x6], $0x1400, $0x38;
	[tilespmem:$0x1EB80] =	vst v63  }
0x7c: {  	s8 =	rddreg [dreg:$0x10]  }
0x7d: {  	[spmem:s8] =	stream.linear.scatter [tilespmem:s12], [sflag:$0x6], $0x1400, $0x38;
	[tilespmem:$0x1EB80] =	vst v63  }
0x7e: {  	s9 =	rddreg [dreg:$0x16]  }
0x7f: {  	[spmem:s9] =	stream.linear.scatter [tilespmem:s12], [sflag:$0x6], $0x1400, $0x38;
	[tilespmem:$0x1EB80] =	vst v63  }
0x80: {  	s10 =	rddreg [dreg:$0x17]  }
0x81: {  	[spmem:s10] =	stream.linear.scatter [tilespmem:s12], [sflag:$0x6], $0x1400, $0x38;
	[tilespmem:$0x1EB80] =	vst v63  }
0x82: {  	s11 =	rddreg [dreg:$0x18]  }
0x83: {  	[spmem:s11] =	stream.linear.scatter [tilespmem:s12], [sflag:$0x6], $0x1400, $0x38;
	[tilespmem:$0x1EB80] =	vst v63  }
0x84: {  	s24 =	rddreg [dreg:$0x19]  }
0x85: {  	[spmem:s24] =	stream.linear.scatter [tilespmem:s12], [sflag:$0x6], $0x1400, $0x38;
	[tilespmem:$0x1EB80] =	vst v63  }
0x86: {  	s25 =	rddreg [dreg:$0x1a]  }
0x87: {  	[spmem:s25] =	stream.linear.scatter [tilespmem:s12], [sflag:$0x6], $0x1400, $0x38;
	[tilespmem:$0x1EB80] =	vst v63  }
0x88: {  	s1 =	rddreg [dreg:$0x1b]  }
0x89: {  	[spmem:s1] =	stream.linear.scatter [tilespmem:s12], [sflag:$0x6], $0x1400, $0x38;
	[tilespmem:$0x1EB80] =	vst v63  }
0x8a: {  	s3 =	rddreg [dreg:$0x1c]  }
0x8b: {  	[spmem:s3] =	stream.linear.scatter [tilespmem:s12], [sflag:$0x6], $0x1400, $0x38;
	[tilespmem:$0x1EB80] =	vst v63  }
0x8c: {  	s8 =	rddreg [dreg:$0x1d]  }
0x8d: {  	[spmem:s8] =	stream.linear.scatter [tilespmem:s12], [sflag:$0x6], $0x1400, $0x38;
	[tilespmem:$0x1EB80] =	vst v63  }
0x8e: {  	s9 =	rddreg [dreg:$0x1e]  }
0x8f: {  	[spmem:s9] =	stream.linear.scatter [tilespmem:s12], [sflag:$0x6], $0x1400, $0x38;
	[tilespmem:$0x1EB80] =	vst v63  }
0x90: {  	s10 =	rddreg [dreg:$0x1f]  }
0x91: {  	[spmem:s10] =	stream.linear.scatter [tilespmem:s12], [sflag:$0x6], $0x1400, $0x38;
	[tilespmem:$0x1EB80] =	vst v63  }
0x92: {  	_ =	swait.ge [sflag:s6], $0x1400  }
0x93: {  	[sflag:s6] =	ssyncset.done $0x0  }
0x94: {  	[sflag:s6] =	ssyncadd.s32 $0xFFFFEC00  }
0x95: {  	_ =	swait.ge [sflag:s6], $0x1400  }
0x96: {  	[sflag:s6] =	ssyncset.done $0x0  }
0x97: {  	[sflag:s6] =	ssyncadd.s32 $0xFFFFEC00  }
0x98: {  	_ =	swait.ge [sflag:s6], $0x1400  }
0x99: {  	[sflag:s6] =	ssyncset.done $0x0  }
0x9a: {  	[sflag:s6] =	ssyncadd.s32 $0xFFFFEC00  }
0x9b: {  	_ =	swait.ge [sflag:s6], $0x1400  }
0x9c: {  	[sflag:s6] =	ssyncset.done $0x0  }
0x9d: {  	[sflag:s6] =	ssyncadd.s32 $0xFFFFEC00  }
0x9e: {  	_ =	swait.ge [sflag:s6], $0x1400  }
0x9f: {  	[sflag:s6] =	ssyncset.done $0x0  }
0xa0: {  	[sflag:s6] =	ssyncadd.s32 $0xFFFFEC00  }
0xa1: {  	_ =	swait.ge [sflag:s6], $0x1400  }
0xa2: {  	[sflag:s6] =	ssyncset.done $0x0  }
0xa3: {  	[sflag:s6] =	ssyncadd.s32 $0xFFFFEC00  }
0xa4: {  	_ =	swait.ge [sflag:s6], $0x1400  }
0xa5: {  	[sflag:s6] =	ssyncset.done $0x0  }
0xa6: {  	[sflag:s6] =	ssyncadd.s32 $0xFFFFEC00  }
0xa7: {  	_ =	swait.ge [sflag:s6], $0x1400  }
0xa8: {  	[sflag:s6] =	ssyncset.done $0x0  }
0xa9: {  	[sflag:s6] =	ssyncadd.s32 $0xFFFFEC00  }
0xaa: {  	_ =	swait.ge [sflag:s6], $0x1400  }
0xab: {  	[sflag:s6] =	ssyncset.done $0x0  }
0xac: {  	[sflag:s6] =	ssyncadd.s32 $0xFFFFEC00  }
0xad: {  	_ =	swait.ge [sflag:s6], $0x1400  }
0xae: {  	[sflag:s6] =	ssyncset.done $0x0  }
0xaf: {  	[sflag:s6] =	ssyncadd.s32 $0xFFFFEC00  }
0xb0: {  	_ =	swait.ge [sflag:s6], $0x1400  }
0xb1: {  	[sflag:s6] =	ssyncset.done $0x0  }
0xb2: {  	[sflag:s6] =	ssyncadd.s32 $0xFFFFEC00  }
0xb3: {  	_ =	swait.ge [sflag:s6], $0x1400  }
0xb4: {  	[sflag:s6] =	ssyncset.done $0x0  }
0xb5: {  	[sflag:s6] =	ssyncadd.s32 $0xFFFFEC00  }
0xb6: {  	_ =	swait.ge [sflag:s6], $0x1400  }
0xb7: {  	[sflag:s6] =	ssyncset.done $0x0  }
0xb8: {  	[sflag:s6] =	ssyncadd.s32 $0xFFFFEC00  }
0xb9: {  	_ =	swait.ge [sflag:s6], $0x1400  }
0xba: {  	[sflag:s6] =	ssyncset.done $0x0  }
0xbb: {  	[sflag:s6] =	ssyncadd.s32 $0xFFFFEC00  }
0xbc: {  	_ =	swait.ge [sflag:s6], $0x1400  }
0xbd: {  	[sflag:s6] =	ssyncset.done $0x0  }
0xbe: {  	[sflag:s6] =	ssyncadd.s32 $0xFFFFEC00  }
0xbf: {  	_ =	swait.ge [sflag:s6], $0x1400  }
0xc0: {  	[sflag:s6] =	ssyncset.done $0x0  }
0xc1: {  	[sflag:s6] =	ssyncadd.s32 $0xFFFFEC00  }
0xc2: {  	_ =	swait.ge [sflag:s13], $0x2710  }
0xc3: {  	[sflag:s13] =	ssyncset.done $0x0  }
0xc4: {  	s30 =	simm.s32 $0x0;
	[sflag:s13] =	ssyncadd.s32 $0xFFFFD8F0  }
0xc5: {  	[tilespmem:s12], [sflag:$0x1] =	stream.indirect.gather [hbm4b:s4+s14], $0x80, s30, s14, $0xb8;
	[tilespmem:$0x1EB80] =	vst v63  }
0xc6: {  	_ = 	snop  }
0xc7: {  	[tilespmem:s15], [sflag:$0x2] =	stream.indirect.gather [hbm4b:s4+s14], $0x80, s14, s14, $0xb8;
	[tilespmem:$0x1EB80] =	vst v63  }
0xc8: {  	s11 =	simm.s32 $0x50  }
0xc9: {  	[tilespmem:s16], [sflag:$0x3] =	stream.indirect.gather [hbm4b:s4+s14], $0x80, s11, s14, $0xb8;
	[tilespmem:$0x1EB80] =	vst v63  }
0xca: {  	s24 =	simm.s32 $0x78  }
0xcb: {  	[tilespmem:s17], [sflag:$0x4] =	stream.indirect.gather [hbm4b:s4+s14], $0x80, s24, s14, $0xb8;
	[tilespmem:$0x1EB80] =	vst v63  }
0xcc: {  	s31 =	simm.s32 $0x4;
	s0 =	simm.s32 $0x0;
	s25 =	simm.s32 $0xA0  }
0xcd: {  	[tilespmem:s18], [sflag:$0x5] =	stream.indirect.gather [hbm4b:s4+s14], $0x80, s25, s14, $0xb8;
	[tilespmem:$0x1EB80] =	vst v63  }
0xce: {  	s1 =	simm.s32 $0x0;
	s8 =	simm.s32 $0x0;
	[bflag:$0x0] =	sbarrier.arrive $0xFFFF  }
.LBB2_4:
0xcf: {  	s9 =	smulhi.u32 $0xCCCCCCCD, s8;
	_ =	sdelay $0x1  }
0xd0: {  	s10 =	sshrl.u32 s9, $0x2  }
0xd1: {  	s3 =	smul.u32 $0xFA0, s10  }
0xd2: {  	p0 =	slt.u32 s8, $0x5  }
0xd3: {  	p1 =	sne.s32 @!p0 s3, s1  }
0xd4: {  	p0 =	por p1, p0  }
0xd5: {  	s3 =	simm.s32 @!p0 $0xB  }
0xd6: {  	s9 =	sshll.u32 s9, $0xC;
	s10 =	smul.u32 $0x3200, s10;
	_ =	swait.ge @!p0 [sflag:s3], $0xC80  }
0xd7: {  	s9 =	sand.u32 $0x4000, s9;
	[sflag:s3] =	ssyncset.done @!p0 $0x0  }
0xd8: {  	s9 =	ssub.s32 s9, s10;
	[sflag:s3] =	ssyncadd.s32 @!p0 $0xFFFFF380  }
0xd9: {  	s24 =	smulhi.u32 $0x51EB851F, s30;
	s11 =	sshra.s32 s9, $0x2;
	_ =	swait.ge [sflag:s13], $0x1400  }
0xda: {  	s9 =	sshra.s32 s0, $0x2;
	s3 =	sadd.s32 $0x2780, s11;
	[sflag:s13] =	ssyncset.done $0x0  }
0xdb: {  	p0 =	seq.s32 s1, $0x0;
	s3 =	sadd.s32 s9, s3;
	[sflag:s13] =	ssyncadd.s32 $0xFFFFEC00  }
0xdc: {  	[spmem:s2] =	stream.indirect.scatter.add.f32 [tilespmem:s12], [sflag:$0x6], $0x80, s3, s14, $0xb8;
	[tilespmem:$0x1EB80] =	vst v63  }
0xdd: {  	s10 =	sshll.u32 s24, $0xB;
	s3 =	sshrl.u32 s24, $0x3;
	s24 =	simm.s32 @!p0 $0xA  }
0xde: {  	s11 =	smul.u32 $0x3200, s3;
	_ =	swait.ge @!p0 [sflag:s24], $0x1400  }
0xdf: {  	s10 =	sand.u32 $0x4000, s10;
	s25 =	simm.s32 @!p0 $0x9780;
	[sflag:s24] =	ssyncset.done @!p0 $0x0  }
0xe0: {  	s10 =	ssub.s32 s10, s11;
	[sflag:s24] =	ssyncadd.s32 @!p0 $0xFFFFEC00;
	s11 =	sshra.s32 @!p0 s1, $0x2  }
0xe1: {  	s24 =	simm.s32 @!p0 $0x28;
	s10 =	sshra.s32 s10, $0x2;
	s11 =	sadd.s32 @!p0 $0xA0, s11  }
0xe2: {  	[tilespmem:s25], [sflag:$0x5] =	stream.indirect.gather @!p0 [hbm4b:s4+s24], $0x80, s11, s24, $0xb8;
	[tilespmem:$0x1EB80] =	vst v63  }
0xe3: {  	s10 =	sadd.s32 $0x2780, s10;
	_ =	swait.ge [sflag:s19], $0x1400  }
0xe4: {  	s9 =	sadd.s32 s9, s10;
	[sflag:s19] =	ssyncset.done $0x0  }
0xe5: {  	p0 =	seq.s32 s1, $0x9920;
	s10 =	sadd.s32 $0x80, s9;
	[sflag:s19] =	ssyncadd.s32 $0xFFFFEC00  }
0xe6: {  	[spmem:s2] =	stream.indirect.scatter.add.f32 [tilespmem:s15], [sflag:$0x7], $0x80, s10, s14, $0xb8;
	[tilespmem:$0x1EB80] =	vst v63  }
0xe7: {  	s10 =	simm.s32 @!p0 $0x6  }
0xe8: {  	_ =	swait.ge @!p0 [sflag:s10], $0x1400  }
0xe9: {  	[sflag:s10] =	ssyncset.done @!p0 $0x0  }
0xea: {  	[sflag:s10] =	ssyncadd.s32 @!p0 $0xFFFFEC00;
	s10 =	sshra.s32 @!p0 s1, $0x2  }
0xeb: {  	s24 =	simm.s32 @!p0 $0x28;
	s25 =	simm.s32 @!p0 $0x4780;
	s11 =	sadd.s32 @!p0 $0xC8, s10  }
0xec: {  	[tilespmem:s25], [sflag:$0x1] =	stream.indirect.gather @!p0 [hbm4b:s4+s24], $0x80, s11, s24, $0xb8;
	[tilespmem:$0x1EB80] =	vst v63  }
0xed: {  	_ =	swait.ge [sflag:s21], $0x1400  }
0xee: {  	[sflag:s21] =	ssyncset.done $0x0  }
0xef: {  	s25 =	sadd.s32 $0x100, s9;
	s11 =	simm.s32 @!p0 $0x7;
	[sflag:s21] =	ssyncadd.s32 $0xFFFFEC00  }
0xf0: {  	[spmem:s2] =	stream.indirect.scatter.add.f32 [tilespmem:s16], [sflag:$0x8], $0x80, s25, s14, $0xb8;
	[tilespmem:$0x1EB80] =	vst v63  }
0xf1: {  	_ =	swait.ge @!p0 [sflag:s11], $0x1400  }
0xf2: {  	[sflag:s11] =	ssyncset.done @!p0 $0x0  }
0xf3: {  	s25 =	simm.s32 @!p0 $0x5B80;
	[sflag:s11] =	ssyncadd.s32 @!p0 $0xFFFFEC00;
	s11 =	sadd.s32 @!p0 $0xF0, s10  }
0xf4: {  	[tilespmem:s25], [sflag:$0x2] =	stream.indirect.gather @!p0 [hbm4b:s4+s24], $0x80, s11, s24, $0xb8;
	[tilespmem:$0x1EB80] =	vst v63  }
0xf5: {  	_ =	swait.ge [sflag:s22], $0x1400  }
0xf6: {  	[sflag:s22] =	ssyncset.done $0x0  }
0xf7: {  	s25 =	sadd.s32 $0x180, s9;
	s11 =	simm.s32 @!p0 $0x8;
	[sflag:s22] =	ssyncadd.s32 $0xFFFFEC00  }
0xf8: {  	[spmem:s2] =	stream.indirect.scatter.add.f32 [tilespmem:s17], [sflag:$0x9], $0x80, s25, s14, $0xb8;
	[tilespmem:$0x1EB80] =	vst v63  }
0xf9: {  	_ =	swait.ge @!p0 [sflag:s11], $0x1400  }
0xfa: {  	[sflag:s11] =	ssyncset.done @!p0 $0x0  }
0xfb: {  	s10 =	sadd.s32 @!p0 $0x118, s10;
	[sflag:s11] =	ssyncadd.s32 @!p0 $0xFFFFEC00;
	s11 =	simm.s32 @!p0 $0x6F80  }
0xfc: {  	[tilespmem:s11], [sflag:$0x3] =	stream.indirect.gather @!p0 [hbm4b:s4+s24], $0x80, s10, s24, $0xb8;
	[tilespmem:$0x1EB80] =	vst v63  }
0xfd: {  	s3 =	smul.u32 $0xFA0, s3;
	s24 =	sand.u32 $0xFF, s31  }
0xfe: {  	p1 =	sgt.u32 s8, $0x2C;
	s10 =	smul.u32 $0x29, s24  }
0xff: {  	p2 =	sne.s32 @!p1 s3, s1  }
0x100: {  	p1 =	por p2, p1;
	s3 =	sshrl.u32 s10, $0xA  }
0x101: {  	s10 =	sshll.u32 @!p1 s3, $0xC  }
0x102: {  	s3 =	sand.u32 $0x1, s3;
	s10 =	sadd.s32 @!p1 s10, s20  }
0x103: {  	s3 =	sshll.u32 @!p1 s3, $0xC;
	s10 =	sshrl.u32 @!p1 s10, $0x3  }
0x104: {  	s11 =	simm.s32 @!p1 $0x0;
	s3 =	sxor.u32 @!p1 $0x3780, s3;
	s10 =	sadd.s32 @!p1 s5, s10  }
0x105: {  	[tilespmem:s3], [sflag:$0xB] =	stream.linear.gather @!p1 [hbm4b:s10+s11], $0xC80, $0x38;
	[tilespmem:$0x1EB80] =	vst v63  }
.Ltmp3:
0x106: {  	_ = 	snop;
	(pc) =	sbr.rel @p0 .LBB2_6-.Ltmp3, $4  }
0x107: {  	_ =	swait.ge [sflag:s23], $0x1400  }
0x108: {  	[sflag:s23] =	ssyncset.done $0x0  }
0x109: {  	s25 =	sadd.s32 $0x200, s9;
	[sflag:s23] =	ssyncadd.s32 $0xFFFFEC00  }
0x10a: {  	[spmem:s2] =	stream.indirect.scatter.add.f32 [tilespmem:s18], [sflag:$0xA], $0x80, s25, s14, $0xb8;
	[tilespmem:$0x1EB80] =	vst v63  }
.Ltmp4:
0x10b: {  	_ =	swait.ge [sflag:s26], $0x1400;
	(pc) =	sbr.rel .LBB2_4-.Ltmp4, $4  }
0x10c: {  	s3 =	sshra.s32 s1, $0x2;
	s8 =	sadd.s32 $0x1, s8;
	s1 =	sadd.s32 $0x320, s1  }
0x10d: {  	s0 =	sadd.s32 $0xA00, s0;
	s31 =	sadd.s32 $0x5, s31;
	[sflag:s26] =	ssyncset.done $0x0  }
0x10e: {  	s30 =	sadd.s32 $0x5, s30;
	s3 =	sadd.s32 $0x140, s3;
	[sflag:s26] =	ssyncadd.s32 $0xFFFFEC00  }
0x10f: {  	[tilespmem:s17], [sflag:$0x4] =	stream.indirect.gather [hbm4b:s4+s14], $0x80, s3, s14, $0xb8;
	[tilespmem:$0x1EB80] =	vst v63  }
.LBB2_7:
0x110: {  	_ =	sfence.sel $0x180000  }
0x111: {  	[bflag:$0x0] =	sbarrier.arrive $0xFFFF  }
0x112: {  	_ =	strace $0x9000004A  }
0x113: {  	s0 =	stileid.u32;
	[bflag:$0x2] =	sbarrier.arrive $0xFFFF  }
0x114: {  	p0 =	sne.s32 s0, $0x0;
	s0 =	rddreg [dreg:$0x3]  }
0x115: {  	s0 =	sadd.s32 @!p0 $0x100000, s0  }
0x116: {  	[sflag:s0] =	ssyncadd.tile.s32 @!p0 $0x1;
	_ =	shalt  }
.Lfunc_end2:
_tile_overlayer_lowered:
.L_overlay_start_2:
0x117: {  	(tag) =	ssettag $0x2  }
0x118: {  	s0 =	rddreg [dreg:$0x0];
	s2 =	stileid.u32  }
0x119: {  	s1 =	rddreg [dreg:$0x1];
	p0 =	sne.s32 s2, $0x0  }
0x11a: {  	s3 =	rddreg [dreg:$0x2];
	[bflag:$0x3] =	sbarrier.arrive $0xFFFF;
	s2 =	simm.s32 @!p0 $0x1C0C  }
0x11b: {  	[timem:s3], [sflag:s2] =	dma.local @!p0 [hbm:s0], s1  }
0x11c: {  	s0 =	simm.s32 @!p0 $0xC  }
0x11d: {  	_ =	swait.ge @!p0 [sflag:s0], s1  }
0x11e: {  	s1 =	ssub.s32 @!p0 $0x0, s1;
	[sflag:s0] =	ssyncset.done @!p0 $0x0  }
0x11f: {  	[sflag:s0] =	ssyncadd.s32 @!p0 s1  }
0x120: {  	[bflag:$0x3] =	sbarrier.arrive $0xFFFF  }
0x121: {  	_ =	shalt  }

// kernel: kernel.8.cloned.1.call-start
scs
__scs_entry_jumppad:
0x0: {  	(pc) =	sbr.rel $0x88, $3  }
0x1: {  	(tag) =	ssettag $0x0;
	lr =	simm.s32 $0x1  }
0x2: {  	[smem:$0x3F99] =	sst lr;
	_ =	strace $0xD0000000  }
0x3: {  	_ = 	snop  }
0x4: {  	_ = 	snop  }
0x5: {  	_ = 	snop  }
0x6: {  	_ = 	snop  }
0x7: {  	_ = 	snop  }
__scs_overlays_trampoline_lowered:
0x8: {  	[smem:$0x3FA8] =	sst s0  }
0x9: {  	[smem:$0x3FA9] =	sst s1  }
0xa: {  	[smem:$0x3FAA] =	sst s2  }
0xb: {  	[smem:$0x3FAB] =	sst s3  }
0xc: {  	[smem:$0x3FAC] =	sst s4  }
0xd: {  	[smem:$0x3FAD] =	sst s5  }
0xe: {  	[smem:$0x3FAE] =	sst s6  }
0xf: {  	[smem:$0x3FAF] =	sst s7  }
0x10: {  	[smem:$0x3FB0] =	sst s8  }
0x11: {  	[smem:$0x3FB1] =	sst s9;
	s0 =	simm.s32 @!p0 $0x0  }
0x12: {  	s1 =	sld [smem:$0x3F97];
	s0 =	simm.s32 @p0 $0x1  }
0x13: {  	[smem:$0x3FB2] =	sst s0;
	s0 =	simm.s32 @!p1 $0x0  }
0x14: {  	s2 =	sld [smem:$0x3F96];
	s0 =	simm.s32 @p1 $0x1  }
0x15: {  	[smem:$0x3FB3] =	sst s0;
	s0 =	simm.s32 @!p2 $0x0  }
0x16: {  	s3 =	sld [smem:$0x3FDB];
	s0 =	simm.s32 @p2 $0x1  }
0x17: {  	s4 =	simm.s32 $0x1BF5;
	[smem:$0x3FB5] =	sst s0  }
0x18: {  	s0 =	sld [smem:$0x3F98];
	_ =	swait.ge [sflag:s4], $0x0  }
0x19: {  	s7 =	sld [smem:$0x3F99]  }
0x1a: {  	s8 =	sadd.s32 $0xFFFFE003, lr  }
0x1b: {  	s9 =	sadd.s32 $0xFFFFFEF7, lr;
	s5 =	simm.s32 $0xFFFFFFFF;
	p2 =	slt.u32 s8, $0xFFFFF086  }
0x1c: {  	p1 =	slt.u32 s9, $0xF7A;
	s5 =	simm.s32 @!p2 $0x0  }
0x1d: {  	s5 =	simm.s32 @p1 $0x1;
	p0 =	seq.s32 s7, s2  }
0x1e: {  	s7 =	smul.u32 @!p0 $0xF7A, s2;
	p2 =	seq.s32 @!p0 s5, $0x0  }
0x1f: {  	s9 =	smul.u32 $0xF7A, s1;
	s8 =	simm.s32 @!p0 $0x1BF5;
	p2 =	por !p2, p0  }
0x20: {  	[sflag:s8] =	ssyncset.s32 @!p0 $0xFFFFF086;
	s6 =	sadd.s32 @!p0 s3, s7;
	s7 =	simm.s32 @!p0 $0x108  }
0x21: {  	s3 =	sadd.s32 s3, s9;
	s6 =	sadd.s32 @!p0 $0x88, s6;
	s7 =	simm.s32 @p2 $0x1082  }
0x22: {  	[simem:s7], [sflag:s8] =	dma.local @!p0 [hbm:s6], $0xF7A  }
0x23: {  	s9 =	sor.u32 $0xD0000000, s2;
	s6 =	simm.s32 $0x108;
	_ =	swait.ge @!p0 [sflag:s8], $0x0  }
0x24: {  	s3 =	sadd.s32 $0x88, s3;
	s6 =	simm.s32 @!p1 $0x1082;
	[sflag:s4] =	ssyncset.s32 $0xFFFFF086  }
0x25: {  	[simem:s6], [sflag:s4] =	dma.local [hbm:s3], $0xF7A  }
0x26: {  	[smem:$0x3F99] =	sst s1;
	(tag) =	ssettag s2;
	_ =	strace s9  }
0x27: {  	s1 =	sld [smem:$0x3FA9]  }
0x28: {  	s2 =	sld [smem:$0x3FAA]  }
0x29: {  	s4 =	sld [smem:$0x3FAC]  }
0x2a: {  	p0 =	seq.s32 s5, $0x0;
	s5 =	sld [smem:$0x3FAD]  }
0x2b: {  	s6 =	sld [smem:$0x3FAE]  }
0x2c: {  	s7 =	sld [smem:$0x3FAF]  }
0x2d: {  	s3 =	simm.s32 $0x108;
	s8 =	sld [smem:$0x3FB0]  }
0x2e: {  	s3 =	simm.s32 @!p0 $0x1082;
	s9 =	sld [smem:$0x3FB1]  }
0x2f: {  	lr =	sadd.s32 s0, s3;
	s0 =	sld [smem:$0x3FA8]  }
0x30: {  	s3 =	sld [smem:$0x3FAB]  }
0x31: {  	[smem:$0x3FB4] =	sst s10  }
0x32: {  	s10 =	sld [smem:$0x3FB2];
	_ =	sdelay $0x3  }
0x33: {  	p0 =	seq.s32 s10, $0x1;
	s10 =	sld [smem:$0x3FB4];
	_ =	sdelay $0x3  }
0x34: {  	[smem:$0x3FB4] =	sst s10  }
0x35: {  	s10 =	sld [smem:$0x3FB3];
	_ =	sdelay $0x3  }
0x36: {  	p1 =	seq.s32 s10, $0x1;
	s10 =	sld [smem:$0x3FB4];
	_ =	sdelay $0x3  }
0x37: {  	[smem:$0x3FB4] =	sst s10  }
0x38: {  	s10 =	sld [smem:$0x3FB5]  }
0x39: {  	_ = 	snop;
	(pc) =	sbr.ind lr, $3  }
0x3a: {  	_ = 	snop  }
0x3b: {  	_ = 	snop  }
0x3c: {  	p2 =	seq.s32 s10, $0x1;
	s10 =	sld [smem:$0x3FB4]  }
0x3d: {  	_ =	shalt  }
0x3e: {  	_ =	shalt  }
0x3f: {  	_ =	shalt  }
0x40: {  	_ =	shalt  }
0x41: {  	_ =	shalt  }
0x42: {  	_ =	shalt  }
0x43: {  	_ =	shalt  }
0x44: {  	_ =	shalt  }
0x45: {  	_ =	shalt  }
0x46: {  	_ =	shalt  }
0x47: {  	_ =	shalt  }
0x48: {  	_ =	shalt  }
0x49: {  	_ =	shalt  }
0x4a: {  	_ =	shalt  }
0x4b: {  	_ =	shalt  }
0x4c: {  	_ =	shalt  }
0x4d: {  	_ =	shalt  }
0x4e: {  	_ =	shalt  }
0x4f: {  	_ =	shalt  }
0x50: {  	_ =	shalt  }
0x51: {  	_ =	shalt  }
0x52: {  	_ =	shalt  }
0x53: {  	_ =	shalt  }
0x54: {  	_ =	shalt  }
0x55: {  	_ =	shalt  }
0x56: {  	_ =	shalt  }
0x57: {  	_ =	shalt  }
0x58: {  	_ =	shalt  }
0x59: {  	_ =	shalt  }
0x5a: {  	_ =	shalt  }
0x5b: {  	_ =	shalt  }
0x5c: {  	_ =	shalt  }
0x5d: {  	_ =	shalt  }
0x5e: {  	_ =	shalt  }
0x5f: {  	_ =	shalt  }
0x60: {  	_ =	shalt  }
0x61: {  	_ =	shalt  }
0x62: {  	_ =	shalt  }
0x63: {  	_ =	shalt  }
0x64: {  	_ =	shalt  }
0x65: {  	_ =	shalt  }
0x66: {  	_ =	shalt  }
0x67: {  	_ =	shalt  }
0x68: {  	_ =	shalt  }
0x69: {  	_ =	shalt  }
0x6a: {  	_ =	shalt  }
0x6b: {  	_ =	shalt  }
0x6c: {  	_ =	shalt  }
0x6d: {  	_ =	shalt  }
0x6e: {  	_ =	shalt  }
0x6f: {  	_ =	shalt  }
0x70: {  	_ =	shalt  }
0x71: {  	_ =	shalt  }
0x72: {  	_ =	shalt  }
0x73: {  	_ =	shalt  }
0x74: {  	_ =	shalt  }
0x75: {  	_ =	shalt  }
0x76: {  	_ =	shalt  }
0x77: {  	_ =	shalt  }
0x78: {  	_ =	shalt  }
0x79: {  	_ =	shalt  }
0x7a: {  	_ =	shalt  }
0x7b: {  	_ =	shalt  }
0x7c: {  	_ =	shalt  }
0x7d: {  	_ =	shalt  }
0x7e: {  	_ =	shalt  }
0x7f: {  	_ =	shalt  }
0x80: {  	_ =	shalt  }
0x81: {  	_ =	shalt  }
0x82: {  	_ =	shalt  }
0x83: {  	_ =	shalt  }
0x84: {  	_ =	shalt  }
0x85: {  	_ =	shalt  }
0x86: {  	_ =	shalt  }
0x87: {  	_ =	shalt  }
.Lfunc_end0:
.L_simem_size_0:
called_computation_lowered:
.L_overlay_start_0:
0x88: {  	s2 =	sld [smem:$0x3FD9]  }
0x89: {  	s3 =	sld [smem:$0x3FFE];
	_ =	sdelay $0x1  }
0x8a: {  	s1 =	srdreg.scid  }
0x8b: {  	s0 =	sand.u32 $0x1, s1  }
0x8c: {  	s17 =	sshll.u32 s0, $0xA;
	s2 =	sadd.s32 s3, s2  }
0x8d: {  	s2 =	sadd.s32 s2, s17  }
0x8e: {  	[smem:$0x3FC0] =	sst s2  }
0x8f: {  	_ = 	snop  }
0x90: {  	s2 =	sld [smem:$0x3FD0];
	(tm) =	ssettm $0x1  }
0x91: {  	s18 =	sld [smem:$0x3FFB];
	_ =	sdelay $0x3  }
0x92: {  	_ =	strace s18  }
0x93: {  	s3 =	sld [smem:$0x3FFC];
	_ =	sdelay $0x3  }
0x94: {  	_ =	strace s3  }
0x95: {  	s3 =	sld [smem:$0x3FFD];
	_ =	sdelay $0x3  }
0x96: {  	_ =	strace s3  }
0x97: {  	_ =	strace $0x8FFFFFFF  }
0x98: {  	s19 =	sld [smem:$0x3FDB];
	_ =	sdelay $0x1  }
0x99: {  	s4 =	simm.s32 $_scs_section_size  }
0x9a: {  	s5 =	simm.s32 $_size__tile_overlayer_lowered;
	s6 =	simm.s32 $_tile_overlayer_lowered  }
0x9b: {  	s22 =	simm.s32 $0x1BFF;
	s21 =	sshll.u32 s6, $0x1;
	s3 =	sadd.s32 s4, s19  }
0x9c: {  	s7 =	simm.s32 $0x0;
	s20 =	sshll.u32 s5, $0x1;
	s5 =	sadd.s32 s21, s3  }
0x9d: {  	[timem:s7], [sflag:s22] =	dma.local [hbm:s5], s20  }
0x9e: {  	_ =	swait.ge [sflag:s22], s20  }
0x9f: {  	s4 =	ssub.s32 $0x0, s20;
	[sflag:s22] =	ssyncset.done $0x0  }
0xa0: {  	[sflag:s22] =	ssyncadd.s32 s4;
	_ =	sdelay $0x1  }
0xa1: {  	s23 =	simm.s32 $0x1B8B  }
0xa2: {  	_ =	swait.ge [sflag:s23], $0x1  }
0xa3: {  	[sflag:s23] =	ssyncset.done $0x0  }
0xa4: {  	s25 =	simm.s32 $0x1B8E;
	s24 =	sld [smem:$0x3FFE];
	[sflag:s23] =	ssyncadd.s32 $0xFFFFFFFF  }
0xa5: {  	s26 =	simm.s32 $execute0_lowered;
	[smem:$0x3FD2] =	sst s25  }
0xa6: {  	s5 =	sshll.u32 s26, $0x1;
	_ =	strace $0x80000046;
	[dreg:$0x1] =	wrdreg $0xFFFFFFFF  }
0xa7: {  	s28 =	simm.s32 $_size_execute0_lowered;
	s3 =	sadd.s32 s3, s5;
	[dreg:$0x0] =	wrdreg $0x0  }
0xa8: {  	s5 =	sshll.u32 s28, $0x1;
	[dreg:$0x2] =	wrdreg s3  }
0xa9: {  	[dreg:$0x3] =	wrdreg s5  }
0xaa: {  	[dreg:$0x4] =	wrdreg $0xC0  }
0xab: {  	_ =	task [dreg:s7], $0x5FFFF  }
0xac: {  	[dreg:$0x1] =	wrdreg $0xFFFFFFFF  }
0xad: {  	[dreg:$0x0] =	wrdreg $0x60  }
0xae: {  	[dreg:$0x2] =	wrdreg s24  }
0xaf: {  	[dreg:$0x3] =	wrdreg s2  }
0xb0: {  	[dreg:$0x4] =	wrdreg $0xAB800  }
0xb1: {  	[dreg:$0x5] =	wrdreg $0x9  }
0xb2: {  	_ =	task.clear_ibuf [dreg:s7], $0x6FFFF;
	_ =	strace $0x90000046  }
0xb3: {  	s29 =	simm.s32 $0x9;
	_ =	strace $0x80000048  }
0xb4: {  	_ =	swait.ge [sflag:s29], $0x1  }
0xb5: {  	[sflag:s29] =	ssyncadd.s32 $0xFFFFFFFF  }
0xb6: {  	_ =	strace $0x90000048  }
0xb7: {  	_ =	sfence  }
0xb8: {  	s30 =	sld [smem:$0x0];
	_ =	sdelay $0x2  }
0xb9: {  	s31 =	sshll.u32 s1, $0xD;
	s1 =	sshrl.u32 s1, $0x2  }
0xba: {  	s3 =	sand.u32 $0x4000, s31;
	s1 =	sadd.s32 s1, s30  }
0xbb: {  	s0 =	sor.u32 s3, s0;
	s1 =	sshll.u32 s1, $0x11  }
0xbc: {  	s0 =	sor.u32 s1, s0  }
0xbd: {  	s0 =	sadd.s32 $0x8F2B, s0  }
0xbe: {  	[sflag:s0] =	ssyncadd.remote.s32 $0x1  }
0xbf: {  	_ =	sfence.sel $0xFFFF  }
0xc0: {  	[dreg:$0x0] =	wrdreg $0xFFFFFFFF;
	(pc) =	sbr.abs _section_cstart, $3  }
0xc1: {  	[dreg:$0x1] =	wrdreg $0xFFFFFFFF  }
0xc2: {  	_ =	task.clear_ibuf [dreg:s7], $0x2FFFF;
	_ =	strace $0x9FFFFFFF  }
0xc3: {  	(tm) =	ssettm $0x7FFFFFFF  }
tec
execute0_lowered:
.L_overlay_start_1:
0x0: {  	(tag) =	ssettag $0x1  }
0x1: {  	s0 =	rddreg [dreg:$0x0]  }
0x2: {  	s1 =	rddreg [dreg:$0x1]  }
0x3: {  	s2 =	rddreg [dreg:$0x2];
	s5 =	simm.s32 $0x0;
	s4 =	srdreg.scid  }
0x4: {  	s3 =	stileid.u32;
	s28 =	simm.s32 $0xA;
	s29 =	simm.s32 $0x0  }
0x5: {  	[smem:$0x7FF] =	sst s5;
	s6 =	sand.u32 $0x1, s4;
	s11 =	smul.u32 $0x50000, s3  }
0x6: {  	s25 =	sshll.u32 s3, $0x1;
	s4 =	sadd.s32 $0x2AA00, s0;
	s31 =	smul.u32 $0x14000, s3  }
0x7: {  	s7 =	sor.u32 s6, s25;
	s8 =	ssub.s32 $0x2, s6;
	s6 =	smul.u32 $0x140000, s6  }
0x8: {  	s5 =	sadd.s32 $0x2A00, s0;
	s0 =	sadd.s32 $0x52A00, s0;
	s9 =	smul.u32 $0xA000, s7  }
0x9: {  	_ =	strace $0x80000047;
	s10 =	sshrl.u32 s8, $0x1;
	s26 =	smul.u32 $0x4E2, s7  }
0xa: {  	s11 =	sshrl.u32 s11, $0x2;
	s19 =	sadd.s32 $0x4000, s31;
	s25 =	sadd.s32 $0x8000, s31  }
0xb: {  	s8 =	ssub.s32 s8, s10;
	s7 =	sadd.s32 s11, s2;
	s18 =	sadd.s32 s31, s6  }
0xc: {  	s22 =	sadd.s32 s6, s19;
	s13 =	sadd.s32 s6, s25;
	s1 =	sadd.s32 s1, s26  }
0xd: {  	s11 =	sadd.s32 $0x10000, s31;
	s16 =	sadd.s32 $0x1400, s7;
	[dreg:$0x5] =	wrdreg s1  }
0xe: {  	s10 =	sadd.s32 s19, s2;
	s17 =	sadd.s32 $0x2800, s7;
	[dreg:$0x7] =	wrdreg s16  }
0xf: {  	s30 =	sshrl.u32 s9, $0x3;
	s21 =	sadd.s32 $0x3C00, s7;
	[dreg:$0x8] =	wrdreg s17  }
0x10: {  	s23 =	sadd.s32 $0x5000, s7;
	s24 =	sshrl.u32 s22, $0x3;
	[dreg:$0x9] =	wrdreg s21  }
0x11: {  	s26 =	sadd.s32 $0xC000, s31;
	s19 =	sadd.s32 $0x8C00, s7;
	[dreg:$0xa] =	wrdreg s23  }
0x12: {  	s13 =	sshrl.u32 s13, $0x3;
	s22 =	sadd.s32 $0xB400, s7;
	[dreg:$0x17] =	wrdreg s19  }
0x13: {  	s20 =	sor.u32 $0x1000, s9;
	s12 =	sadd.s32 s5, s30;
	[dreg:$0x19] =	wrdreg s22  }
0x14: {  	s1 =	sshrl.u32 s18, $0x3;
	s30 =	sadd.s32 s0, s13;
	[dreg:$0x4] =	wrdreg s12  }
0x15: {  	s14 =	sadd.s32 s6, s26;
	s18 =	sadd.s32 $0x7800, s7;
	[dreg:$0xd] =	wrdreg s30  }
0x16: {  	s6 =	sadd.s32 s6, s11;
	s21 =	sadd.s32 $0xA000, s7;
	[dreg:$0x16] =	wrdreg s18  }
0x17: {  	s13 =	sadd.s32 s11, s2;
	s23 =	sadd.s32 $0xC800, s7;
	[dreg:$0x18] =	wrdreg s21  }
0x18: {  	s19 =	simm.s32 $0x2;
	s15 =	sadd.s32 $0x200, s12;
	[dreg:$0x1a] =	wrdreg s23  }
0x19: {  	s22 =	simm.s32 $0x4;
	s1 =	sadd.s32 s0, s1;
	[dreg:$0x6] =	wrdreg s15  }
0x1a: {  	s14 =	sshrl.u32 s14, $0x3;
	s17 =	sshrl.u32 s13, $0x3;
	[dreg:$0xb] =	wrdreg s1  }
0x1b: {  	s12 =	sadd.s32 s26, s2;
	s26 =	sadd.s32 $0x10400, s7;
	[dreg:$0x15] =	wrdreg s17  }
0x1c: {  	s6 =	sshrl.u32 s6, $0x3;
	s30 =	sadd.s32 $0x11800, s7;
	[dreg:$0x1d] =	wrdreg s26  }
0x1d: {  	s13 =	simm.s32 $0x1;
	s1 =	sadd.s32 s0, s24;
	[dreg:$0x1e] =	wrdreg s30  }
0x1e: {  	s18 =	simm.s32 $0x9780;
	s31 =	sadd.s32 s0, s14;
	[dreg:$0xc] =	wrdreg s1  }
0x1f: {  	s21 =	simm.s32 $0x3;
	s0 =	sadd.s32 s0, s6;
	[dreg:$0xe] =	wrdreg s31  }
0x20: {  	s23 =	simm.s32 $0x5;
	s6 =	sadd.s32 $0x6400, s7;
	[dreg:$0xf] =	wrdreg s0  }
0x21: {  	s14 =	smax.u32 s8, $0x1;
	s16 =	sshrl.u32 s12, $0x3;
	[dreg:$0x10] =	wrdreg s6  }
0x22: {  	s24 =	sadd.s32 $0xDC00, s7;
	s12 =	simm.s32 $0x4780;
	[dreg:$0x11] =	wrdreg s14  }
0x23: {  	s17 =	simm.s32 $0x8380;
	s26 =	simm.s32 $0x9;
	[dreg:$0x14] =	wrdreg s16  }
.Ltmp0:
0x24: {  	s0 =	sshrl.u32 s10, $0x3;
	[dreg:$0x1b] =	wrdreg s24;
	(pc) =	sbr.rel .LBB2_1-.Ltmp0, $4  }
0x25: {  	s1 =	sadd.s32 s25, s2;
	s25 =	sadd.s32 $0xF000, s7;
	[dreg:$0x12] =	wrdreg s0  }
0x26: {  	s31 =	sadd.s32 $0x12C00, s7;
	s6 =	simm.s32 $0x6;
	[dreg:$0x1c] =	wrdreg s25  }
0x27: {  	s14 =	simm.s32 $0x28;
	s15 =	sshrl.u32 s1, $0x3;
	[dreg:$0x1f] =	wrdreg s31  }
0x28: {  	v0 =	vimm.f32 $0.0e+00;
	s16 =	simm.s32 $0x6F80;
	[dreg:$0x13] =	wrdreg s15;
	s15 =	simm.s32 $0x5B80  }
.LBB2_6:
0x29: {  	_ =	swait.ge [sflag:s6], $0x1400  }
0x2a: {  	[sflag:s6] =	ssyncset.done $0x0  }
0x2b: {  	s0 =	simm.s32 $0x7;
	[sflag:s6] =	ssyncadd.s32 $0xFFFFEC00  }
0x2c: {  	_ =	swait.ge [sflag:s0], $0x1400  }
0x2d: {  	[sflag:s0] =	ssyncset.done $0x0  }
0x2e: {  	s25 =	simm.s32 $0x8;
	[sflag:s0] =	ssyncadd.s32 $0xFFFFEC00  }
0x2f: {  	_ =	swait.ge [sflag:s25], $0x1400  }
0x30: {  	[sflag:s25] =	ssyncset.done $0x0  }
0x31: {  	[sflag:s25] =	ssyncadd.s32 $0xFFFFEC00  }
0x32: {  	_ =	swait.ge [sflag:s26], $0x1400  }
0x33: {  	[sflag:s26] =	ssyncset.done $0x0  }
0x34: {  	[sflag:s26] =	ssyncadd.s32 $0xFFFFEC00  }
0x35: {  	_ =	swait.ge [sflag:s28], $0x1400  }
0x36: {  	[sflag:s28] =	ssyncset.done $0x0  }
0x37: {  	s30 =	stileid.u32;
	[sflag:s28] =	ssyncadd.s32 $0xFFFFEC00  }
0x38: {  	s0 =	sshll.u32 s30, $0x6;
	[bflag:$0x0] =	sbarrier.arrive $0xFFFF  }
0x39: {  	s1 =	sshrl.u32 s7, $0x3;
	s0 =	sor.u32 $0x1C06, s0;
	s3 =	rddreg [dreg:$0xb]  }
0x3a: {  	[hbm:s3], [sflag:s0] =	dma.local [spmem:s1], $0x800  }
0x3b: {  	s1 =	rddreg [dreg:$0xc]  }
0x3c: {  	s3 =	rddreg [dreg:$0x12]  }
0x3d: {  	[hbm:s1], [sflag:s0] =	dma.local [spmem:s3], $0x800  }
0x3e: {  	s1 =	rddreg [dreg:$0xd]  }
0x3f: {  	s3 =	rddreg [dreg:$0x13]  }
0x40: {  	[hbm:s1], [sflag:s0] =	dma.local [spmem:s3], $0x800  }
0x41: {  	s1 =	rddreg [dreg:$0xe]  }
0x42: {  	s3 =	rddreg [dreg:$0x14]  }
0x43: {  	[hbm:s1], [sflag:s0] =	dma.local [spmem:s3], $0x800  }
0x44: {  	s1 =	rddreg [dreg:$0xf]  }
0x45: {  	s3 =	rddreg [dreg:$0x15]  }
0x46: {  	[hbm:s1], [sflag:s0] =	dma.local [spmem:s3], $0x800  }
0x47: {  	_ =	swait.ge [sflag:s6], $0x800  }
0x48: {  	[sflag:s6] =	ssyncset.done $0x0  }
0x49: {  	[sflag:s6] =	ssyncadd.s32 $0xFFFFF800  }
0x4a: {  	_ =	swait.ge [sflag:s6], $0x800  }
0x4b: {  	[sflag:s6] =	ssyncset.done $0x0  }
0x4c: {  	[sflag:s6] =	ssyncadd.s32 $0xFFFFF800  }
0x4d: {  	_ =	swait.ge [sflag:s6], $0x800  }
0x4e: {  	[sflag:s6] =	ssyncset.done $0x0  }
0x4f: {  	[sflag:s6] =	ssyncadd.s32 $0xFFFFF800  }
0x50: {  	_ =	swait.ge [sflag:s6], $0x800  }
0x51: {  	[sflag:s6] =	ssyncset.done $0x0  }
0x52: {  	[sflag:s6] =	ssyncadd.s32 $0xFFFFF800  }
0x53: {  	_ =	swait.ge [sflag:s6], $0x800  }
0x54: {  	s29 =	sadd.s32 $0x1, s29;
	s31 =	rddreg [dreg:$0x11]  }
0x55: {  	p0 =	sne.s32 s29, s31  }
.Ltmp1:
0x56: {  	_ = 	snop;
	(pc) =	sbr.rel @!p0 .LBB2_7-.Ltmp1, $3  }
0x57: {  	_ =	sdelay $0x1  }
0x58: {  	[sflag:s6] =	ssyncset.done $0x0  }
0x59: {  	[sflag:s6] =	ssyncadd.s32 $0xFFFFF800  }
.LBB2_1:
0x5a: {  	s0 =	simm.s32 $0x0;
	s1 =	rddreg [dreg:$0x5]  }
0x5b: {  	[tilespmem:s0], [sflag:$0x1] =	stream.linear.gather [hbm4b:s1+s0], $0x2710, $0x38;
	[tilespmem:$0x1EB80] =	vst v63  }
0x5c: {  	s24 =	rddreg [dreg:$0x4];
	s3 =	simm.s32 $0x2780;
	s25 =	simm.s32 $0xC  }
0x5d: {  	[tilespmem:s3], [sflag:$0xC] =	stream.linear.gather [hbm4b:s24+s0], $0xC80, $0x38;
	[tilespmem:$0x1EB80] =	vst v63  }
0x5e: {  	_ =	swait.ge [sflag:s25], $0xC80  }
0x5f: {  	[sflag:s25] =	ssyncset.done $0x0  }
0x60: {  	s31 =	simm.s32 $0x3780;
	s30 =	rddreg [dreg:$0x6];
	[sflag:s25] =	ssyncadd.s32 $0xFFFFF380  }
0x61: {  	[tilespmem:s31], [sflag:$0xB] =	stream.linear.gather [hbm4b:s30+s0], $0xC80, $0x38;
	[tilespmem:$0x1EB80] =	vst v63  }
0x62: {  	s1 =	simm.s32 $0x200;
	s0 =	simm.s32 $0x0  }
.LBB2_2:
0x63: {  	p0 =	sne.s32 s1, $0x4E00;
	[tilespmem:s0+$0x47F0] =	vst v0  }
0x64: {  	[tilespmem:s0+$0x4780] =	vst v0  }
0x65: {  	[tilespmem:s0+$0x4790] =	vst v0  }
.Ltmp2:
0x66: {  	[tilespmem:s0+$0x47A0] =	vst v0;
	(pc) =	sbr.rel @p0 .LBB2_2-.Ltmp2, $4  }
0x67: {  	[tilespmem:s0+$0x47B0] =	vst v0  }
0x68: {  	[tilespmem:s0+$0x47C0] =	vst v0  }
0x69: {  	[tilespmem:s0+$0x47D0] =	vst v0  }
0x6a: {  	[tilespmem:s0+$0x47E0] =	vst v0;
	s0 =	sshra.s32 s1, $0x2;
	s1 =	sadd.s32 $0x200, s1  }
0x6b: {  	[tilespmem:s0+$0x47F0] =	vst v0  }
0x6c: {  	[tilespmem:s0+$0x4780] =	vst v0  }
0x6d: {  	[tilespmem:s0+$0x4790] =	vst v0  }
0x6e: {  	[tilespmem:s0+$0x47A0] =	vst v0  }
0x6f: {  	[tilespmem:s0+$0x47B0] =	vst v0  }
0x70: {  	[tilespmem:s0+$0x47C0] =	vst v0  }
0x71: {  	[tilespmem:s0+$0x47D0] =	vst v0  }
0x72: {  	[tilespmem:s0+$0x47E0] =	vst v0  }
0x73: {  	[spmem:s7] =	stream.linear.scatter [tilespmem:s12], [sflag:$0x6], $0x1400, $0x38;
	[tilespmem:$0x1EB80] =	vst v63  }
0x74: {  	s24 =	rddreg [dreg:$0x7]  }
0x75: {  	[spmem:s24] =	stream.linear.scatter [tilespmem:s12], [sflag:$0x6], $0x1400, $0x38;
	[tilespmem:$0x1EB80] =	vst v63  }
0x76: {  	s25 =	rddreg [dreg:$0x8]  }
0x77: {  	[spmem:s25] =	stream.linear.scatter [tilespmem:s12], [sflag:$0x6], $0x1400, $0x38;
	[tilespmem:$0x1EB80] =	vst v63  }
0x78: {  	s1 =	rddreg [dreg:$0x9]  }
0x79: {  	[spmem:s1] =	stream.linear.scatter [tilespmem:s12], [sflag:$0x6], $0x1400, $0x38;
	[tilespmem:$0x1EB80] =	vst v63  }
0x7a: {  	s3 =	rddreg [dreg:$0xa]  }
0x7b: {  	[spmem:s3] =	stream.linear.scatter [tilespmem:s12], [sflag:$0x6], $0x1400, $0x38;
	[tilespmem:$0x1EB80] =	vst v63  }
0x7c: {  	s8 =	rddreg [dreg:$0x10]  }
0x7d: {  	[spmem:s8] =	stream.linear.scatter [tilespmem:s12], [sflag:$0x6], $0x1400, $0x38;
	[tilespmem:$0x1EB80] =	vst v63  }
0x7e: {  	s9 =	rddreg [dreg:$0x16]  }
0x7f: {  	[spmem:s9] =	stream.linear.scatter [tilespmem:s12], [sflag:$0x6], $0x1400, $0x38;
	[tilespmem:$0x1EB80] =	vst v63  }
0x80: {  	s10 =	rddreg [dreg:$0x17]  }
0x81: {  	[spmem:s10] =	stream.linear.scatter [tilespmem:s12], [sflag:$0x6], $0x1400, $0x38;
	[tilespmem:$0x1EB80] =	vst v63  }
0x82: {  	s11 =	rddreg [dreg:$0x18]  }
0x83: {  	[spmem:s11] =	stream.linear.scatter [tilespmem:s12], [sflag:$0x6], $0x1400, $0x38;
	[tilespmem:$0x1EB80] =	vst v63  }
0x84: {  	s24 =	rddreg [dreg:$0x19]  }
0x85: {  	[spmem:s24] =	stream.linear.scatter [tilespmem:s12], [sflag:$0x6], $0x1400, $0x38;
	[tilespmem:$0x1EB80] =	vst v63  }
0x86: {  	s25 =	rddreg [dreg:$0x1a]  }
0x87: {  	[spmem:s25] =	stream.linear.scatter [tilespmem:s12], [sflag:$0x6], $0x1400, $0x38;
	[tilespmem:$0x1EB80] =	vst v63  }
0x88: {  	s1 =	rddreg [dreg:$0x1b]  }
0x89: {  	[spmem:s1] =	stream.linear.scatter [tilespmem:s12], [sflag:$0x6], $0x1400, $0x38;
	[tilespmem:$0x1EB80] =	vst v63  }
0x8a: {  	s3 =	rddreg [dreg:$0x1c]  }
0x8b: {  	[spmem:s3] =	stream.linear.scatter [tilespmem:s12], [sflag:$0x6], $0x1400, $0x38;
	[tilespmem:$0x1EB80] =	vst v63  }
0x8c: {  	s8 =	rddreg [dreg:$0x1d]  }
0x8d: {  	[spmem:s8] =	stream.linear.scatter [tilespmem:s12], [sflag:$0x6], $0x1400, $0x38;
	[tilespmem:$0x1EB80] =	vst v63  }
0x8e: {  	s9 =	rddreg [dreg:$0x1e]  }
0x8f: {  	[spmem:s9] =	stream.linear.scatter [tilespmem:s12], [sflag:$0x6], $0x1400, $0x38;
	[tilespmem:$0x1EB80] =	vst v63  }
0x90: {  	s10 =	rddreg [dreg:$0x1f]  }
0x91: {  	[spmem:s10] =	stream.linear.scatter [tilespmem:s12], [sflag:$0x6], $0x1400, $0x38;
	[tilespmem:$0x1EB80] =	vst v63  }
0x92: {  	_ =	swait.ge [sflag:s6], $0x1400  }
0x93: {  	[sflag:s6] =	ssyncset.done $0x0  }
0x94: {  	[sflag:s6] =	ssyncadd.s32 $0xFFFFEC00  }
0x95: {  	_ =	swait.ge [sflag:s6], $0x1400  }
0x96: {  	[sflag:s6] =	ssyncset.done $0x0  }
0x97: {  	[sflag:s6] =	ssyncadd.s32 $0xFFFFEC00  }
0x98: {  	_ =	swait.ge [sflag:s6], $0x1400  }
0x99: {  	[sflag:s6] =	ssyncset.done $0x0  }
0x9a: {  	[sflag:s6] =	ssyncadd.s32 $0xFFFFEC00  }
0x9b: {  	_ =	swait.ge [sflag:s6], $0x1400  }
0x9c: {  	[sflag:s6] =	ssyncset.done $0x0  }
0x9d: {  	[sflag:s6] =	ssyncadd.s32 $0xFFFFEC00  }
0x9e: {  	_ =	swait.ge [sflag:s6], $0x1400  }
0x9f: {  	[sflag:s6] =	ssyncset.done $0x0  }
0xa0: {  	[sflag:s6] =	ssyncadd.s32 $0xFFFFEC00  }
0xa1: {  	_ =	swait.ge [sflag:s6], $0x1400  }
0xa2: {  	[sflag:s6] =	ssyncset.done $0x0  }
0xa3: {  	[sflag:s6] =	ssyncadd.s32 $0xFFFFEC00  }
0xa4: {  	_ =	swait.ge [sflag:s6], $0x1400  }
0xa5: {  	[sflag:s6] =	ssyncset.done $0x0  }
0xa6: {  	[sflag:s6] =	ssyncadd.s32 $0xFFFFEC00  }
0xa7: {  	_ =	swait.ge [sflag:s6], $0x1400  }
0xa8: {  	[sflag:s6] =	ssyncset.done $0x0  }
0xa9: {  	[sflag:s6] =	ssyncadd.s32 $0xFFFFEC00  }
0xaa: {  	_ =	swait.ge [sflag:s6], $0x1400  }
0xab: {  	[sflag:s6] =	ssyncset.done $0x0  }
0xac: {  	[sflag:s6] =	ssyncadd.s32 $0xFFFFEC00  }
0xad: {  	_ =	swait.ge [sflag:s6], $0x1400  }
0xae: {  	[sflag:s6] =	ssyncset.done $0x0  }
0xaf: {  	[sflag:s6] =	ssyncadd.s32 $0xFFFFEC00  }
0xb0: {  	_ =	swait.ge [sflag:s6], $0x1400  }
0xb1: {  	[sflag:s6] =	ssyncset.done $0x0  }
0xb2: {  	[sflag:s6] =	ssyncadd.s32 $0xFFFFEC00  }
0xb3: {  	_ =	swait.ge [sflag:s6], $0x1400  }
0xb4: {  	[sflag:s6] =	ssyncset.done $0x0  }
0xb5: {  	[sflag:s6] =	ssyncadd.s32 $0xFFFFEC00  }
0xb6: {  	_ =	swait.ge [sflag:s6], $0x1400  }
0xb7: {  	[sflag:s6] =	ssyncset.done $0x0  }
0xb8: {  	[sflag:s6] =	ssyncadd.s32 $0xFFFFEC00  }
0xb9: {  	_ =	swait.ge [sflag:s6], $0x1400  }
0xba: {  	[sflag:s6] =	ssyncset.done $0x0  }
0xbb: {  	[sflag:s6] =	ssyncadd.s32 $0xFFFFEC00  }
0xbc: {  	_ =	swait.ge [sflag:s6], $0x1400  }
0xbd: {  	[sflag:s6] =	ssyncset.done $0x0  }
0xbe: {  	[sflag:s6] =	ssyncadd.s32 $0xFFFFEC00  }
0xbf: {  	_ =	swait.ge [sflag:s6], $0x1400  }
0xc0: {  	[sflag:s6] =	ssyncset.done $0x0  }
0xc1: {  	[sflag:s6] =	ssyncadd.s32 $0xFFFFEC00  }
0xc2: {  	_ =	swait.ge [sflag:s13], $0x2710  }
0xc3: {  	[sflag:s13] =	ssyncset.done $0x0  }
0xc4: {  	s30 =	simm.s32 $0x0;
	[sflag:s13] =	ssyncadd.s32 $0xFFFFD8F0  }
0xc5: {  	[tilespmem:s12], [sflag:$0x1] =	stream.indirect.gather [hbm4b:s4+s14], $0x80, s30, s14, $0xb8;
	[tilespmem:$0x1EB80] =	vst v63  }
0xc6: {  	_ = 	snop  }
0xc7: {  	[tilespmem:s15], [sflag:$0x2] =	stream.indirect.gather [hbm4b:s4+s14], $0x80, s14, s14, $0xb8;
	[tilespmem:$0x1EB80] =	vst v63  }
0xc8: {  	s11 =	simm.s32 $0x50  }
0xc9: {  	[tilespmem:s16], [sflag:$0x3] =	stream.indirect.gather [hbm4b:s4+s14], $0x80, s11, s14, $0xb8;
	[tilespmem:$0x1EB80] =	vst v63  }
0xca: {  	s24 =	simm.s32 $0x78  }
0xcb: {  	[tilespmem:s17], [sflag:$0x4] =	stream.indirect.gather [hbm4b:s4+s14], $0x80, s24, s14, $0xb8;
	[tilespmem:$0x1EB80] =	vst v63  }
0xcc: {  	s31 =	simm.s32 $0x4;
	s0 =	simm.s32 $0x0;
	s25 =	simm.s32 $0xA0  }
0xcd: {  	[tilespmem:s18], [sflag:$0x5] =	stream.indirect.gather [hbm4b:s4+s14], $0x80, s25, s14, $0xb8;
	[tilespmem:$0x1EB80] =	vst v63  }
0xce: {  	s1 =	simm.s32 $0x0;
	s8 =	simm.s32 $0x0;
	[bflag:$0x0] =	sbarrier.arrive $0xFFFF  }
.LBB2_4:
0xcf: {  	s9 =	smulhi.u32 $0xCCCCCCCD, s8;
	_ =	sdelay $0x1  }
0xd0: {  	s10 =	sshrl.u32 s9, $0x2  }
0xd1: {  	s3 =	smul.u32 $0xFA0, s10  }
0xd2: {  	p0 =	slt.u32 s8, $0x5  }
0xd3: {  	p1 =	sne.s32 @!p0 s3, s1  }
0xd4: {  	p0 =	por p1, p0  }
0xd5: {  	s3 =	simm.s32 @!p0 $0xB  }
0xd6: {  	s9 =	sshll.u32 s9, $0xC;
	s10 =	smul.u32 $0x3200, s10;
	_ =	swait.ge @!p0 [sflag:s3], $0xC80  }
0xd7: {  	s9 =	sand.u32 $0x4000, s9;
	[sflag:s3] =	ssyncset.done @!p0 $0x0  }
0xd8: {  	s9 =	ssub.s32 s9, s10;
	[sflag:s3] =	ssyncadd.s32 @!p0 $0xFFFFF380  }
0xd9: {  	s24 =	smulhi.u32 $0x51EB851F, s30;
	s11 =	sshra.s32 s9, $0x2;
	_ =	swait.ge [sflag:s13], $0x1400  }
0xda: {  	s9 =	sshra.s32 s0, $0x2;
	s3 =	sadd.s32 $0x2780, s11;
	[sflag:s13] =	ssyncset.done $0x0  }
0xdb: {  	p0 =	seq.s32 s1, $0x0;
	s3 =	sadd.s32 s9, s3;
	[sflag:s13] =	ssyncadd.s32 $0xFFFFEC00  }
0xdc: {  	[spmem:s2] =	stream.indirect.scatter.add.f32 [tilespmem:s12], [sflag:$0x6], $0x80, s3, s14, $0xb8;
	[tilespmem:$0x1EB80] =	vst v63  }
0xdd: {  	s10 =	sshll.u32 s24, $0xB;
	s3 =	sshrl.u32 s24, $0x3;
	s24 =	simm.s32 @!p0 $0xA  }
0xde: {  	s11 =	smul.u32 $0x3200, s3;
	_ =	swait.ge @!p0 [sflag:s24], $0x1400  }
0xdf: {  	s10 =	sand.u32 $0x4000, s10;
	s25 =	simm.s32 @!p0 $0x9780;
	[sflag:s24] =	ssyncset.done @!p0 $0x0  }
0xe0: {  	s10 =	ssub.s32 s10, s11;
	[sflag:s24] =	ssyncadd.s32 @!p0 $0xFFFFEC00;
	s11 =	sshra.s32 @!p0 s1, $0x2  }
0xe1: {  	s24 =	simm.s32 @!p0 $0x28;
	s10 =	sshra.s32 s10, $0x2;
	s11 =	sadd.s32 @!p0 $0xA0, s11  }
0xe2: {  	[tilespmem:s25], [sflag:$0x5] =	stream.indirect.gather @!p0 [hbm4b:s4+s24], $0x80, s11, s24, $0xb8;
	[tilespmem:$0x1EB80] =	vst v63  }
0xe3: {  	s10 =	sadd.s32 $0x2780, s10;
	_ =	swait.ge [sflag:s19], $0x1400  }
0xe4: {  	s9 =	sadd.s32 s9, s10;
	[sflag:s19] =	ssyncset.done $0x0  }
0xe5: {  	p0 =	seq.s32 s1, $0x9920;
	s10 =	sadd.s32 $0x80, s9;
	[sflag:s19] =	ssyncadd.s32 $0xFFFFEC00  }
0xe6: {  	[spmem:s2] =	stream.indirect.scatter.add.f32 [tilespmem:s15], [sflag:$0x7], $0x80, s10, s14, $0xb8;
	[tilespmem:$0x1EB80] =	vst v63  }
0xe7: {  	s10 =	simm.s32 @!p0 $0x6  }
0xe8: {  	_ =	swait.ge @!p0 [sflag:s10], $0x1400  }
0xe9: {  	[sflag:s10] =	ssyncset.done @!p0 $0x0  }
0xea: {  	[sflag:s10] =	ssyncadd.s32 @!p0 $0xFFFFEC00;
	s10 =	sshra.s32 @!p0 s1, $0x2  }
0xeb: {  	s24 =	simm.s32 @!p0 $0x28;
	s25 =	simm.s32 @!p0 $0x4780;
	s11 =	sadd.s32 @!p0 $0xC8, s10  }
0xec: {  	[tilespmem:s25], [sflag:$0x1] =	stream.indirect.gather @!p0 [hbm4b:s4+s24], $0x80, s11, s24, $0xb8;
	[tilespmem:$0x1EB80] =	vst v63  }
0xed: {  	_ =	swait.ge [sflag:s21], $0x1400  }
0xee: {  	[sflag:s21] =	ssyncset.done $0x0  }
0xef: {  	s25 =	sadd.s32 $0x100, s9;
	s11 =	simm.s32 @!p0 $0x7;
	[sflag:s21] =	ssyncadd.s32 $0xFFFFEC00  }
0xf0: {  	[spmem:s2] =	stream.indirect.scatter.add.f32 [tilespmem:s16], [sflag:$0x8], $0x80, s25, s14, $0xb8;
	[tilespmem:$0x1EB80] =	vst v63  }
0xf1: {  	_ =	swait.ge @!p0 [sflag:s11], $0x1400  }
0xf2: {  	[sflag:s11] =	ssyncset.done @!p0 $0x0  }
0xf3: {  	s25 =	simm.s32 @!p0 $0x5B80;
	[sflag:s11] =	ssyncadd.s32 @!p0 $0xFFFFEC00;
	s11 =	sadd.s32 @!p0 $0xF0, s10  }
0xf4: {  	[tilespmem:s25], [sflag:$0x2] =	stream.indirect.gather @!p0 [hbm4b:s4+s24], $0x80, s11, s24, $0xb8;
	[tilespmem:$0x1EB80] =	vst v63  }
0xf5: {  	_ =	swait.ge [sflag:s22], $0x1400  }
0xf6: {  	[sflag:s22] =	ssyncset.done $0x0  }
0xf7: {  	s25 =	sadd.s32 $0x180, s9;
	s11 =	simm.s32 @!p0 $0x8;
	[sflag:s22] =	ssyncadd.s32 $0xFFFFEC00  }
0xf8: {  	[spmem:s2] =	stream.indirect.scatter.add.f32 [tilespmem:s17], [sflag:$0x9], $0x80, s25, s14, $0xb8;
	[tilespmem:$0x1EB80] =	vst v63  }
0xf9: {  	_ =	swait.ge @!p0 [sflag:s11], $0x1400  }
0xfa: {  	[sflag:s11] =	ssyncset.done @!p0 $0x0  }
0xfb: {  	s10 =	sadd.s32 @!p0 $0x118, s10;
	[sflag:s11] =	ssyncadd.s32 @!p0 $0xFFFFEC00;
	s11 =	simm.s32 @!p0 $0x6F80  }
0xfc: {  	[tilespmem:s11], [sflag:$0x3] =	stream.indirect.gather @!p0 [hbm4b:s4+s24], $0x80, s10, s24, $0xb8;
	[tilespmem:$0x1EB80] =	vst v63  }
0xfd: {  	s3 =	smul.u32 $0xFA0, s3;
	s24 =	sand.u32 $0xFF, s31  }
0xfe: {  	p1 =	sgt.u32 s8, $0x2C;
	s10 =	smul.u32 $0x29, s24  }
0xff: {  	p2 =	sne.s32 @!p1 s3, s1  }
0x100: {  	p1 =	por p2, p1;
	s3 =	sshrl.u32 s10, $0xA  }
0x101: {  	s10 =	sshll.u32 @!p1 s3, $0xC  }
0x102: {  	s3 =	sand.u32 $0x1, s3;
	s10 =	sadd.s32 @!p1 s10, s20  }
0x103: {  	s3 =	sshll.u32 @!p1 s3, $0xC;
	s10 =	sshrl.u32 @!p1 s10, $0x3  }
0x104: {  	s11 =	simm.s32 @!p1 $0x0;
	s3 =	sxor.u32 @!p1 $0x3780, s3;
	s10 =	sadd.s32 @!p1 s5, s10  }
0x105: {  	[tilespmem:s3], [sflag:$0xB] =	stream.linear.gather @!p1 [hbm4b:s10+s11], $0xC80, $0x38;
	[tilespmem:$0x1EB80] =	vst v63  }
.Ltmp3:
0x106: {  	_ = 	snop;
	(pc) =	sbr.rel @p0 .LBB2_6-.Ltmp3, $4  }
0x107: {  	_ =	swait.ge [sflag:s23], $0x1400  }
0x108: {  	[sflag:s23] =	ssyncset.done $0x0  }
0x109: {  	s25 =	sadd.s32 $0x200, s9;
	[sflag:s23] =	ssyncadd.s32 $0xFFFFEC00  }
0x10a: {  	[spmem:s2] =	stream.indirect.scatter.add.f32 [tilespmem:s18], [sflag:$0xA], $0x80, s25, s14, $0xb8;
	[tilespmem:$0x1EB80] =	vst v63  }
.Ltmp4:
0x10b: {  	_ =	swait.ge [sflag:s26], $0x1400;
	(pc) =	sbr.rel .LBB2_4-.Ltmp4, $4  }
0x10c: {  	s3 =	sshra.s32 s1, $0x2;
	s8 =	sadd.s32 $0x1, s8;
	s1 =	sadd.s32 $0x320, s1  }
0x10d: {  	s0 =	sadd.s32 $0xA00, s0;
	s31 =	sadd.s32 $0x5, s31;
	[sflag:s26] =	ssyncset.done $0x0  }
0x10e: {  	s30 =	sadd.s32 $0x5, s30;
	s3 =	sadd.s32 $0x140, s3;
	[sflag:s26] =	ssyncadd.s32 $0xFFFFEC00  }
0x10f: {  	[tilespmem:s17], [sflag:$0x4] =	stream.indirect.gather [hbm4b:s4+s14], $0x80, s3, s14, $0xb8;
	[tilespmem:$0x1EB80] =	vst v63  }
.LBB2_7:
0x110: {  	_ =	sfence.sel $0x180000  }
0x111: {  	[bflag:$0x0] =	sbarrier.arrive $0xFFFF  }
0x112: {  	_ =	strace $0x90000047  }
0x113: {  	s0 =	stileid.u32;
	[bflag:$0x2] =	sbarrier.arrive $0xFFFF  }
0x114: {  	p0 =	sne.s32 s0, $0x0;
	s0 =	rddreg [dreg:$0x3]  }
0x115: {  	s0 =	sadd.s32 @!p0 $0x100000, s0  }
0x116: {  	[sflag:s0] =	ssyncadd.tile.s32 @!p0 $0x1;
	_ =	shalt  }
.Lfunc_end2:
_tile_overlayer_lowered:
.L_overlay_start_2:
0x117: {  	(tag) =	ssettag $0x2  }
0x118: {  	s0 =	rddreg [dreg:$0x0];
	s2 =	stileid.u32  }
0x119: {  	s1 =	rddreg [dreg:$0x1];
	p0 =	sne.s32 s2, $0x0  }
0x11a: {  	s3 =	rddreg [dreg:$0x2];
	[bflag:$0x3] =	sbarrier.arrive $0xFFFF;
	s2 =	simm.s32 @!p0 $0x1C0C  }
0x11b: {  	[timem:s3], [sflag:s2] =	dma.local @!p0 [hbm:s0], s1  }
0x11c: {  	s0 =	simm.s32 @!p0 $0xC  }
0x11d: {  	_ =	swait.ge @!p0 [sflag:s0], s1  }
0x11e: {  	s1 =	ssub.s32 @!p0 $0x0, s1;
	[sflag:s0] =	ssyncset.done @!p0 $0x0  }
0x11f: {  	[sflag:s0] =	ssyncadd.s32 @!p0 s1  }
0x120: {  	[bflag:$0x3] =	sbarrier.arrive $0xFFFF  }
0x121: {  	_ =	shalt  }

</sc_bundles>
